<compile_context>
chip_gen: v7x
topology: tpu7x:2x2x1
jax: 0.10.2.dev20260603
libtpu: 0.0.44.dev20260713+nightly
codegen_flags: <defaults>
</compile_context>

<pallas_src>
import functools

import jax
import jax.numpy as jnp
from jax import lax
from jax.experimental import pallas as pl
from jax.experimental.pallas import tpu as pltpu
from jax.experimental.pallas import tpu_sc as plsc

N = 31744
E = 507904
D = 128
NT = 16
NSC = 2
FC = 64
NCH = 2
ER = E // 128
BATCHN = 512
NPT = N // NT

@functools.lru_cache(maxsize=None)
def _build_deg():
  mesh = plsc.VectorSubcoreMesh(core_axis_name="c", subcore_axis_name="s")
  RW = ER // (NT * NSC)

  @functools.partial(
      pl.kernel,
      mesh=mesh,
      out_type=jax.ShapeDtypeStruct((NSC, N), jnp.float32),
      scratch_types=[
          pltpu.VMEM((RW, 128), jnp.int32),
          pltpu.VMEM((128,), jnp.float32),
          pltpu.VMEM_SHARED((N,), jnp.float32),
          pltpu.SemaphoreType.DMA,
      ],
      compiler_params=pltpu.CompilerParams(
          use_tc_tiling_on_sc=False, disable_bounds_checks=True),
  )
  def _deg_kernel(row_hbm, zeros_hbm, ones_hbm, deg_hbm,
                  row_v, ones_v, deg_sh, sem):
    c = lax.axis_index("c")
    s = lax.axis_index("s")
    w = s * NSC + c
    @pl.when(s == 0)
    def _():
      pltpu.sync_copy(zeros_hbm, deg_sh)
    pltpu.sync_copy(ones_hbm, ones_v)
    pltpu.sync_copy(row_hbm.at[pl.ds(w * RW, RW)], row_v)
    plsc.subcore_barrier()

    def body(i, _):
      for j in range(4):
        pltpu.async_copy(ones_v, deg_sh.at[row_v.at[i * 4 + j]], sem,
                         add=True)
      return 0

    lax.fori_loop(0, RW // 4, body, 0)

    def drain(i, _):
      pltpu.make_async_copy(ones_hbm, ones_v, sem).wait()
      return 0

    lax.fori_loop(0, RW, drain, 0)
    plsc.subcore_barrier()

    @pl.when(s == 0)
    def _():
      pltpu.sync_copy(deg_sh, deg_hbm.at[c])

  return _deg_kernel


@functools.lru_cache(maxsize=None)
def _build_prop():
  mesh = plsc.VectorSubcoreMesh(core_axis_name="c", subcore_axis_name="s")

  RPT = ER // NT
  BR = 4
  HB = RPT // 2
  NBLK = HB // BR

  @functools.partial(
      pl.kernel,
      mesh=mesh,
      out_type=jax.ShapeDtypeStruct((NSC, N, FC), jnp.bfloat16),
      scratch_types=[
          pltpu.VMEM((HB, 128), jnp.int32),
          pltpu.VMEM((HB, 128), jnp.int32),
          pltpu.VMEM((BR, 128, FC), jnp.bfloat16),
          pltpu.VMEM((BR, 128, FC), jnp.bfloat16),
          pltpu.VMEM_SHARED((N, FC), jnp.bfloat16),
          pltpu.SemaphoreType.DMA,
          pltpu.SemaphoreType.DMA,
      ],
      compiler_params=pltpu.CompilerParams(
          use_tc_tiling_on_sc=False, disable_bounds_checks=True),
  )
  def _prop_kernel(row_hbm, col_hbm, z_hbm, zeros_hbm, s_hbm,
                   row_v, col_v, gat_a, gat_b, acc_sh, sem_a, sem_b):
    c = lax.axis_index("c")
    s = lax.axis_index("s")
    base = s * RPT

    pltpu.sync_copy(zeros_hbm, acc_sh.at[pl.ds(s * NPT, NPT)])
    plsc.subcore_barrier()
    zc = z_hbm.at[c]

    def fire(rb, buf, sem):
      return [pltpu.async_copy(zc.at[row_v.at[rb + j]], buf.at[j], sem)
              for j in range(BR)]

    def scat(rb, buf):
      for j in range(BR):
        pltpu.sync_copy(buf.at[j], acc_sh.at[col_v.at[rb + j]], add=True)

    for half in range(2):
      hbase = base + half * HB
      pltpu.sync_copy(row_hbm.at[pl.ds(hbase, HB)], row_v)
      pltpu.sync_copy(col_hbm.at[pl.ds(hbase, HB)], col_v)

      ha = fire(0, gat_a, sem_a)
      hb = fire(BR, gat_b, sem_b)

      def body(i, _):
        rb = 2 * i * BR
        for h in ha:
          h.wait()
        scat(rb, gat_a)
        fire(rb + 2 * BR, gat_a, sem_a)
        for h in hb:
          h.wait()
        scat(rb + BR, gat_b)
        fire(rb + 3 * BR, gat_b, sem_b)
        return 0

      lax.fori_loop(0, NBLK // 2 - 1, body, 0)
      tb = (NBLK - 3) * BR
      for h in ha:
        h.wait()
      scat(tb, gat_a)
      fire(tb + 2 * BR, gat_a, sem_a)
      for h in hb:
        h.wait()
      scat(tb + BR, gat_b)
      for h in ha:
        h.wait()
      scat(tb + 2 * BR, gat_a)

    plsc.subcore_barrier()
    pltpu.sync_copy(acc_sh.at[pl.ds(s * NPT, NPT)],
                    s_hbm.at[c].at[pl.ds(s * NPT, NPT)])

  return _prop_kernel


def _z_body(x_ref, dega_ref, degb_ref, w1_ref, z_ref):
    deg = dega_ref[...] + degb_ref[...]
    dis = jnp.where(deg > 0, lax.rsqrt(jnp.maximum(deg, 1e-12)), 0.0)
    xs = x_ref[...] * dis
    z = lax.dot_general(xs, w1_ref[...], (((1,), (1,)), ((), ())),
                        preferred_element_type=jnp.float32)
    zb = z.astype(jnp.bfloat16)
    for k in range(NCH):
        z_ref[k] = zb[:, k * FC:(k + 1) * FC]


def _z_call(x, dega, degb, w1):
    nb = 16
    bs = N // nb
    return pl.pallas_call(
        _z_body,
        grid=(nb,),
        in_specs=[
            pl.BlockSpec((bs, D), lambda i: (i, 0)),
            pl.BlockSpec((bs, 1), lambda i: (i, 0)),
            pl.BlockSpec((bs, 1), lambda i: (i, 0)),
            pl.BlockSpec((D, D), lambda i: (0, 0)),
        ],
        out_specs=pl.BlockSpec((NCH, bs, FC), lambda i: (0, i, 0)),
        out_shape=jax.ShapeDtypeStruct((NCH, N, FC), jnp.bfloat16),
    )(x, dega, degb, w1)


def _hc_body(x_ref, dega_ref, degb_ref, s_ref, w0_ref, b0_ref, wt_ref, bc_ref,
             o_ref):
    deg = dega_ref[...] + degb_ref[...]
    dis = jnp.where(deg > 0, lax.rsqrt(jnp.maximum(deg, 1e-12)), 0.0)
    sfull = jnp.concatenate(
        [s_ref[k] for k in range(NCH)], axis=1).astype(jnp.float32)
    y = lax.dot_general(x_ref[...], w0_ref[...], (((1,), (1,)), ((), ())),
                        preferred_element_type=jnp.float32)
    h = jnp.maximum(y - dis * sfull + b0_ref[...], 0.0)
    cols = [jnp.sum(h * wt_ref[k], axis=1, keepdims=True) for k in range(3)]
    t = jnp.concatenate(cols, axis=1)
    rows = t.shape[0]
    nb = rows // 62
    r_idx = lax.broadcasted_iota(jnp.int32, (nb, rows), 1)
    b_idx = lax.broadcasted_iota(jnp.int32, (nb, rows), 0)
    g = jnp.where(r_idx // 62 == b_idx, 1.0, 0.0)
    logits = lax.dot_general(g, t, (((1,), (0,)), ((), ())),
                             preferred_element_type=jnp.float32)
    logits = logits + bc_ref[...]
    m = jnp.max(logits, axis=1, keepdims=True)
    e = jnp.exp(logits - m)
    o_ref[...] = e / jnp.sum(e, axis=1, keepdims=True)


def _hc_call(x, dega, degb, s, w0, b0, wt, bc):
    nb = 16
    bs = N // nb
    return pl.pallas_call(
        _hc_body,
        grid=(nb,),
        in_specs=[
            pl.BlockSpec((bs, D), lambda i: (i, 0)),
            pl.BlockSpec((bs, 1), lambda i: (i, 0)),
            pl.BlockSpec((bs, 1), lambda i: (i, 0)),
            pl.BlockSpec((NCH, bs, FC), lambda i: (0, i, 0)),
            pl.BlockSpec((D, D), lambda i: (0, 0)),
            pl.BlockSpec((1, D), lambda i: (0, 0)),
            pl.BlockSpec((3, bs, D), lambda i: (0, 0, 0)),
            pl.BlockSpec((1, 3), lambda i: (0, 0)),
        ],
        out_specs=pl.BlockSpec((bs // 62, 3), lambda i: (i, 0)),
        out_shape=jax.ShapeDtypeStruct((BATCHN, 3), jnp.float32),
    )(x, dega, degb, s, w0, b0, wt, bc)


def kernel(x, edge_index, W0, W1, b0, Wc, bc):
    row = edge_index[0].astype(jnp.int32).reshape(ER, 128)
    col = edge_index[1].astype(jnp.int32).reshape(ER, 128)

    zeros_n = jnp.zeros((N,), jnp.float32)
    ones128 = jnp.ones((128,), jnp.float32)
    deg2 = _build_deg()(row, zeros_n, ones128)
    dega = deg2[0].reshape(N, 1)
    degb = deg2[1].reshape(N, 1)

    z = _z_call(x, dega, degb, W1)

    zeros_nf = jnp.zeros((NPT, FC), jnp.bfloat16)
    s = _build_prop()(row, col, z, zeros_nf)

    wt = jnp.tile(Wc.reshape(3, 62, D), (1, (N // 16) // 62, 1))
    return _hc_call(x, dega, degb, s, W0, b0.reshape(1, D), wt,
                    bc.reshape(1, 3))

# --- scband reference (transcript-rebuilt; emitter-appended) ---
"""Pipeline reference for scband-self-supervised-test-2259152797910 (READ-ONLY COPY).

The authoritative reference and input builder live on the scoring server;
editing this copy changes nothing except your own understanding.
"""

import jax, jax.numpy as jnp
import numpy as np

N_NODES = 31744
N_EDGES = 507904
D_IN = 128
D_OUT = 128
BATCH = 512
CLASSES = 3


def setup_inputs(seed: int = 0) -> dict:
    key = jax.random.key(seed)
    k1, k2, k3, k4, k5, k6, k7 = jax.random.split(key, 7)
    x = jax.random.normal(k1, (N_NODES, D_IN), dtype=jnp.float32)
    edge_index = jax.random.randint(k2, (2, N_EDGES), 0, N_NODES, dtype=jnp.int64)
    s0 = 1.0 / np.sqrt(D_IN)
    W0 = jax.random.uniform(k3, (D_OUT, D_IN), minval=-s0, maxval=s0, dtype=jnp.float32)
    W1 = jax.random.uniform(k4, (D_OUT, D_IN), minval=-s0, maxval=s0, dtype=jnp.float32)
    b0 = jax.random.uniform(k5, (D_OUT,), minval=-s0, maxval=s0, dtype=jnp.float32)
    s1 = 1.0 / np.sqrt(D_OUT * 62)
    Wc = jax.random.uniform(k6, (CLASSES, D_OUT * 62), minval=-s1, maxval=s1, dtype=jnp.float32)
    bc = jax.random.uniform(k7, (CLASSES,), minval=-s1, maxval=s1, dtype=jnp.float32)
    return {"x": x, "edge_index": edge_index, "W0": W0, "W1": W1, "b0": b0, "Wc": Wc, "bc": bc}


def reference(x, edge_index, W0, W1, b0, Wc, bc):
    # ChebConv K=2, sym normalization, lambda_max=2.0 (PyG defaults):
    # L_hat = (2/lambda_max) * (I - D^-1/2 A D^-1/2) - I = -D^-1/2 A D^-1/2
    # Tx_0 = x ; Tx_1 = L_hat @ x
    N = x.shape[0]
    row = edge_index[0]
    col = edge_index[1]
    ew = jnp.ones((edge_index.shape[1],), dtype=x.dtype)
    deg = jax.ops.segment_sum(ew, row, num_segments=N)
    deg_inv_sqrt = jnp.where(deg > 0, jax.lax.rsqrt(jnp.maximum(deg, 1e-12)), 0.0)
    norm = -deg_inv_sqrt[row] * ew * deg_inv_sqrt[col]
    Tx0 = x
    msgs = norm[:, None] * jnp.take(x, row, axis=0)
    Tx1 = jax.ops.segment_sum(msgs, col, num_segments=N)
    out = Tx0 @ W0.T + Tx1 @ W1.T + b0
    out = jax.nn.relu(out)
    out = out.reshape(BATCH, -1)
    out = out @ Wc.T + bc
    out = jax.nn.softmax(out, axis=1)
    return out

if __name__ == "__main__":
    import jax
    _d = setup_inputs()
    print(jax.jit(kernel)(*tuple(_d.values())))

</pallas_src>

<mosaic_0001>
#map = affine_map<(d0, d1) -> (0, 0)>
#map1 = affine_map<(d0, d1) -> (0)>
module attributes {stable_mosaic.version = 14 : i64} {
  func.func @_deg_kernel(%arg0: i32, %arg1: i32, %arg2: memref<3968x128xi32, #tpu.memory_space<hbm>>, %arg3: memref<31744xf32, #tpu.memory_space<hbm>>, %arg4: memref<128xf32, #tpu.memory_space<hbm>>, %arg5: memref<2x31744xf32, #tpu.memory_space<hbm>>, %arg6: memref<124x128xi32, #tpu.memory_space<vmem>>, %arg7: memref<128xf32, #tpu.memory_space<vmem>>, %arg8: memref<31744xf32, #tpu.memory_space<vmem_shared>>, %arg9: memref<!tpu.dma_semaphore, #tpu.memory_space<semaphore_mem>>) attributes {dimension_semantics = [#tpu.dimension_semantics<core_parallel>, #tpu.dimension_semantics<subcore_parallel>], iteration_bounds = array<i64: 2, 16>, scalar_prefetch = 0 : i64, scratch_operands = 4 : i64, tpu.core_type = #tpu.core_type<sc_vector_subcore>, window_params = [{transform_indices = #map}, {transform_indices = #map1}, {transform_indices = #map1}, {transform_indices = #map}]} {
    %mul3A = arith.constant 2 : i32
    %mul3A_0 = arith.muli %arg1, %mul3A : i32
    %add3A = arith.addi %mul3A_0, %arg0 : i32
    %eq3A = arith.constant 0 : i32
    %eq3A_1 = arith.cmpi eq, %arg1, %eq3A : i32
    %convert_element_type3A = arith.extui %eq3A_1 : i1 to i32
    %cond3A = arith.constant 0 : i32
    %cond3A_2 = arith.cmpi ne, %convert_element_type3A, %cond3A : i32
    scf.if %cond3A_2 {
      "tpu.region"() ({
        %run_scoped3A = tpu.sem_alloc : memref<!tpu.dma_semaphore, #tpu.memory_space<semaphore_mem>>
        tpu.enqueue_dma source(%arg3 : memref<31744xf32, #tpu.memory_space<hbm>>) target(%arg8 : memref<31744xf32, #tpu.memory_space<vmem_shared>>) target_semaphore(%run_scoped3A : memref<!tpu.dma_semaphore, #tpu.memory_space<semaphore_mem>>)
        tpu.wait_dma2 semaphore(%run_scoped3A : memref<!tpu.dma_semaphore, #tpu.memory_space<semaphore_mem>>) src(%arg3 : memref<31744xf32, #tpu.memory_space<hbm>>) dst(%arg8 : memref<31744xf32, #tpu.memory_space<vmem_shared>>)
        tpu.yield
      }) : () -> ()
    } else {
    }
    "tpu.region"() ({
      %run_scoped3A = tpu.sem_alloc : memref<!tpu.dma_semaphore, #tpu.memory_space<semaphore_mem>>
      tpu.enqueue_dma source(%arg4 : memref<128xf32, #tpu.memory_space<hbm>>) target(%arg7 : memref<128xf32, #tpu.memory_space<vmem>>) target_semaphore(%run_scoped3A : memref<!tpu.dma_semaphore, #tpu.memory_space<semaphore_mem>>)
      tpu.wait_dma2 semaphore(%run_scoped3A : memref<!tpu.dma_semaphore, #tpu.memory_space<semaphore_mem>>) src(%arg4 : memref<128xf32, #tpu.memory_space<hbm>>) dst(%arg7 : memref<128xf32, #tpu.memory_space<vmem>>)
      tpu.yield
    }) : () -> ()
    %mul3A_3 = arith.constant 124 : i32
    %mul3A_4 = arith.muli %add3A, %mul3A_3 : i32
    "tpu.region"() ({
      %run_scoped3A = tpu.sem_alloc : memref<!tpu.dma_semaphore, #tpu.memory_space<semaphore_mem>>
      %dma_start3A = arith.constant 0 : i32
      %dma_start3A_24 = tpu.memref_slice %arg2[%mul3A_4, %dma_start3A] : memref<3968x128xi32, #tpu.memory_space<hbm>> -> memref<124x128xi32, #tpu.memory_space<hbm>>
      %dma_start3A_25 = arith.constant 0 : i32
      %dma_start3A_26 = tpu.memref_slice %arg2[%mul3A_4, %dma_start3A_25] : memref<3968x128xi32, #tpu.memory_space<hbm>> -> memref<124x128xi32, #tpu.memory_space<hbm>>
      tpu.enqueue_dma source(%dma_start3A_26 : memref<124x128xi32, #tpu.memory_space<hbm>>) target(%arg6 : memref<124x128xi32, #tpu.memory_space<vmem>>) target_semaphore(%run_scoped3A : memref<!tpu.dma_semaphore, #tpu.memory_space<semaphore_mem>>)
      %dma_wait3A = arith.constant 0 : i32
      %dma_wait3A_27 = tpu.memref_slice %arg2[%mul3A_4, %dma_wait3A] : memref<3968x128xi32, #tpu.memory_space<hbm>> -> memref<124x128xi32, #tpu.memory_space<hbm>>
      %dma_wait3A_28 = arith.constant 0 : i32
      %dma_wait3A_29 = tpu.memref_slice %arg2[%mul3A_4, %dma_wait3A_28] : memref<3968x128xi32, #tpu.memory_space<hbm>> -> memref<124x128xi32, #tpu.memory_space<hbm>>
      tpu.wait_dma2 semaphore(%run_scoped3A : memref<!tpu.dma_semaphore, #tpu.memory_space<semaphore_mem>>) src(%dma_wait3A_29 : memref<124x128xi32, #tpu.memory_space<hbm>>) dst(%arg6 : memref<124x128xi32, #tpu.memory_space<vmem>>)
      tpu.yield
    }) : () -> ()
    %barrier3A = arith.constant 0 : index
    tpu.barrier barrier_id(%barrier3A)
    %scan3A = arith.constant 0 : i32
    %scan3A_5 = arith.constant 0 : i32
    %scan3A_6 = arith.constant 31 : i32
    %scan3A_7 = arith.addi %scan3A_5, %scan3A_6 : i32
    %scan3A_8 = arith.constant 1 : i32
    %scan3A_9 = scf.for %scan3A_24 = %scan3A_5 to %scan3A_7 step %scan3A_8 iter_args(%scan3A_25 = %scan3A) -> (i32)  : i32 {
      %mul3A_26 = arith.constant 4 : i32
      %mul3A_27 = arith.muli %scan3A_24, %mul3A_26 : i32
      %add3A_28 = arith.constant 0 : i32
      %add3A_29 = arith.addi %mul3A_27, %add3A_28 : i32
      %dma_start3A = arith.constant 0 : i32
      %dma_start3A_30 = tpu.memref_slice %arg6[%add3A_29, %dma_start3A] : memref<124x128xi32, #tpu.memory_space<vmem>> -> memref<1x128xi32, #tpu.memory_space<vmem>>
      %dma_start3A_31 = tpu.memref_squeeze %dma_start3A_30 : memref<1x128xi32, #tpu.memory_space<vmem>> -> memref<128xi32, #tpu.memory_space<vmem>>
      %dma_start3A_32 = arith.constant 0 : i32
      %dma_start3A_33 = tpu.memref_slice %arg8[%dma_start3A_32] : memref<31744xf32, #tpu.memory_space<vmem_shared>> -> memref<31744xf32, #tpu.memory_space<vmem_shared>>
      tpu.enqueue_indirect_dma source(%arg7 : memref<128xf32, #tpu.memory_space<vmem>>) target(%dma_start3A_33 : memref<31744xf32, #tpu.memory_space<vmem_shared>>) offsets(%dma_start3A_31 : memref<128xi32, #tpu.memory_space<vmem>>) semaphore(%arg9 : memref<!tpu.dma_semaphore, #tpu.memory_space<semaphore_mem>>) {add = true}
      %mul3A_34 = arith.constant 4 : i32
      %mul3A_35 = arith.muli %scan3A_24, %mul3A_34 : i32
      %add3A_36 = arith.constant 1 : i32
      %add3A_37 = arith.addi %mul3A_35, %add3A_36 : i32
      %dma_start3A_38 = arith.constant 0 : i32
      %dma_start3A_39 = tpu.memref_slice %arg6[%add3A_37, %dma_start3A_38] : memref<124x128xi32, #tpu.memory_space<vmem>> -> memref<1x128xi32, #tpu.memory_space<vmem>>
      %dma_start3A_40 = tpu.memref_squeeze %dma_start3A_39 : memref<1x128xi32, #tpu.memory_space<vmem>> -> memref<128xi32, #tpu.memory_space<vmem>>
      %dma_start3A_41 = arith.constant 0 : i32
      %dma_start3A_42 = tpu.memref_slice %arg8[%dma_start3A_41] : memref<31744xf32, #tpu.memory_space<vmem_shared>> -> memref<31744xf32, #tpu.memory_space<vmem_shared>>
      tpu.enqueue_indirect_dma source(%arg7 : memref<128xf32, #tpu.memory_space<vmem>>) target(%dma_start3A_42 : memref<31744xf32, #tpu.memory_space<vmem_shared>>) offsets(%dma_start3A_40 : memref<128xi32, #tpu.memory_space<vmem>>) semaphore(%arg9 : memref<!tpu.dma_semaphore, #tpu.memory_space<semaphore_mem>>) {add = true}
      %mul3A_43 = arith.constant 4 : i32
      %mul3A_44 = arith.muli %scan3A_24, %mul3A_43 : i32
      %add3A_45 = arith.constant 2 : i32
      %add3A_46 = arith.addi %mul3A_44, %add3A_45 : i32
      %dma_start3A_47 = arith.constant 0 : i32
      %dma_start3A_48 = tpu.memref_slice %arg6[%add3A_46, %dma_start3A_47] : memref<124x128xi32, #tpu.memory_space<vmem>> -> memref<1x128xi32, #tpu.memory_space<vmem>>
      %dma_start3A_49 = tpu.memref_squeeze %dma_start3A_48 : memref<1x128xi32, #tpu.memory_space<vmem>> -> memref<128xi32, #tpu.memory_space<vmem>>
      %dma_start3A_50 = arith.constant 0 : i32
      %dma_start3A_51 = tpu.memref_slice %arg8[%dma_start3A_50] : memref<31744xf32, #tpu.memory_space<vmem_shared>> -> memref<31744xf32, #tpu.memory_space<vmem_shared>>
      tpu.enqueue_indirect_dma source(%arg7 : memref<128xf32, #tpu.memory_space<vmem>>) target(%dma_start3A_51 : memref<31744xf32, #tpu.memory_space<vmem_shared>>) offsets(%dma_start3A_49 : memref<128xi32, #tpu.memory_space<vmem>>) semaphore(%arg9 : memref<!tpu.dma_semaphore, #tpu.memory_space<semaphore_mem>>) {add = true}
      %mul3A_52 = arith.constant 4 : i32
      %mul3A_53 = arith.muli %scan3A_24, %mul3A_52 : i32
      %add3A_54 = arith.constant 3 : i32
      %add3A_55 = arith.addi %mul3A_53, %add3A_54 : i32
      %dma_start3A_56 = arith.constant 0 : i32
      %dma_start3A_57 = tpu.memref_slice %arg6[%add3A_55, %dma_start3A_56] : memref<124x128xi32, #tpu.memory_space<vmem>> -> memref<1x128xi32, #tpu.memory_space<vmem>>
      %dma_start3A_58 = tpu.memref_squeeze %dma_start3A_57 : memref<1x128xi32, #tpu.memory_space<vmem>> -> memref<128xi32, #tpu.memory_space<vmem>>
      %dma_start3A_59 = arith.constant 0 : i32
      %dma_start3A_60 = tpu.memref_slice %arg8[%dma_start3A_59] : memref<31744xf32, #tpu.memory_space<vmem_shared>> -> memref<31744xf32, #tpu.memory_space<vmem_shared>>
      tpu.enqueue_indirect_dma source(%arg7 : memref<128xf32, #tpu.memory_space<vmem>>) target(%dma_start3A_60 : memref<31744xf32, #tpu.memory_space<vmem_shared>>) offsets(%dma_start3A_58 : memref<128xi32, #tpu.memory_space<vmem>>) semaphore(%arg9 : memref<!tpu.dma_semaphore, #tpu.memory_space<semaphore_mem>>) {add = true}
      %scan3A_61 = arith.constant 0 : i32
      scf.yield %scan3A_61 : i32
    }
    %scan3A_10 = arith.constant 31 : i32
    %scan3A_11 = arith.constant 0 : i32
    %scan3A_12 = arith.constant 0 : i32
    %scan3A_13 = arith.constant 124 : i32
    %scan3A_14 = arith.addi %scan3A_12, %scan3A_13 : i32
    %scan3A_15 = arith.constant 1 : i32
    %scan3A_16 = scf.for %scan3A_24 = %scan3A_12 to %scan3A_14 step %scan3A_15 iter_args(%scan3A_25 = %scan3A_11) -> (i32)  : i32 {
      tpu.wait_dma2 semaphore(%arg9 : memref<!tpu.dma_semaphore, #tpu.memory_space<semaphore_mem>>) src(%arg4 : memref<128xf32, #tpu.memory_space<hbm>>) dst(%arg7 : memref<128xf32, #tpu.memory_space<vmem>>)
      %scan3A_26 = arith.constant 0 : i32
      scf.yield %scan3A_26 : i32
    }
    %scan3A_17 = arith.constant 124 : i32
    %barrier3A_18 = arith.constant 0 : index
    tpu.barrier barrier_id(%barrier3A_18)
    %eq3A_19 = arith.constant 0 : i32
    %eq3A_20 = arith.cmpi eq, %arg1, %eq3A_19 : i32
    %convert_element_type3A_21 = arith.extui %eq3A_20 : i1 to i32
    %cond3A_22 = arith.constant 0 : i32
    %cond3A_23 = arith.cmpi ne, %convert_element_type3A_21, %cond3A_22 : i32
    scf.if %cond3A_23 {
      "tpu.region"() ({
        %run_scoped3A = tpu.sem_alloc : memref<!tpu.dma_semaphore, #tpu.memory_space<semaphore_mem>>
        %dma_start3A = arith.constant 0 : i32
        %dma_start3A_24 = tpu.memref_slice %arg5[%arg0, %dma_start3A] : memref<2x31744xf32, #tpu.memory_space<hbm>> -> memref<1x31744xf32, #tpu.memory_space<hbm>>
        %dma_start3A_25 = tpu.memref_squeeze %dma_start3A_24 : memref<1x31744xf32, #tpu.memory_space<hbm>> -> memref<31744xf32, #tpu.memory_space<hbm>>
        tpu.enqueue_dma source(%arg8 : memref<31744xf32, #tpu.memory_space<vmem_shared>>) target(%dma_start3A_25 : memref<31744xf32, #tpu.memory_space<hbm>>) target_semaphore(%run_scoped3A : memref<!tpu.dma_semaphore, #tpu.memory_space<semaphore_mem>>)
        %dma_wait3A = arith.constant 0 : i32
        %dma_wait3A_26 = tpu.memref_slice %arg5[%arg0, %dma_wait3A] : memref<2x31744xf32, #tpu.memory_space<hbm>> -> memref<1x31744xf32, #tpu.memory_space<hbm>>
        %dma_wait3A_27 = tpu.memref_squeeze %dma_wait3A_26 : memref<1x31744xf32, #tpu.memory_space<hbm>> -> memref<31744xf32, #tpu.memory_space<hbm>>
        tpu.wait_dma2 semaphore(%run_scoped3A : memref<!tpu.dma_semaphore, #tpu.memory_space<semaphore_mem>>) src(%arg8 : memref<31744xf32, #tpu.memory_space<vmem_shared>>) dst(%dma_wait3A_27 : memref<31744xf32, #tpu.memory_space<hbm>>)
        tpu.yield
      }) : () -> ()
    } else {
    }
    return
  }
}

#map = affine_map<(d0, d1) -> (0, 0)>
#map1 = affine_map<(d0, d1) -> (0, 0, 0)>
module attributes {stable_mosaic.version = 14 : i64} {
  func.func @_prop_kernel(%arg0: i32, %arg1: i32, %arg2: memref<3968x128xi32, #tpu.memory_space<hbm>>, %arg3: memref<3968x128xi32, #tpu.memory_space<hbm>>, %arg4: memref<2x31744x64xbf16, #tpu.memory_space<hbm>>, %arg5: memref<1984x64xbf16, #tpu.memory_space<hbm>>, %arg6: memref<2x31744x64xbf16, #tpu.memory_space<hbm>>, %arg7: memref<124x128xi32, #tpu.memory_space<vmem>>, %arg8: memref<124x128xi32, #tpu.memory_space<vmem>>, %arg9: memref<4x128x64xbf16, #tpu.memory_space<vmem>>, %arg10: memref<4x128x64xbf16, #tpu.memory_space<vmem>>, %arg11: memref<31744x64xbf16, #tpu.memory_space<vmem_shared>>, %arg12: memref<!tpu.dma_semaphore, #tpu.memory_space<semaphore_mem>>, %arg13: memref<!tpu.dma_semaphore, #tpu.memory_space<semaphore_mem>>) attributes {dimension_semantics = [#tpu.dimension_semantics<core_parallel>, #tpu.dimension_semantics<subcore_parallel>], iteration_bounds = array<i64: 2, 16>, scalar_prefetch = 0 : i64, scratch_operands = 7 : i64, tpu.core_type = #tpu.core_type<sc_vector_subcore>, window_params = [{transform_indices = #map}, {transform_indices = #map}, {transform_indices = #map1}, {transform_indices = #map}, {transform_indices = #map1}]} {
    %mul3A = arith.constant 248 : i32
    %mul3A_0 = arith.muli %arg1, %mul3A : i32
    %mul3A_1 = arith.constant 1984 : i32
    %mul3A_2 = arith.muli %arg1, %mul3A_1 : i32
    "tpu.region"() ({
      %run_scoped3A_869 = tpu.sem_alloc : memref<!tpu.dma_semaphore, #tpu.memory_space<semaphore_mem>>
      %dma_start3A_870 = arith.constant 0 : i32
      %dma_start3A_871 = tpu.memref_slice %arg11[%mul3A_2, %dma_start3A_870] : memref<31744x64xbf16, #tpu.memory_space<vmem_shared>> -> memref<1984x64xbf16, #tpu.memory_space<vmem_shared>>
      tpu.enqueue_dma source(%arg5 : memref<1984x64xbf16, #tpu.memory_space<hbm>>) target(%dma_start3A_871 : memref<1984x64xbf16, #tpu.memory_space<vmem_shared>>) target_semaphore(%run_scoped3A_869 : memref<!tpu.dma_semaphore, #tpu.memory_space<semaphore_mem>>)
      %dma_wait3A_872 = arith.constant 0 : i32
      %dma_wait3A_873 = tpu.memref_slice %arg11[%mul3A_2, %dma_wait3A_872] : memref<31744x64xbf16, #tpu.memory_space<vmem_shared>> -> memref<1984x64xbf16, #tpu.memory_space<vmem_shared>>
      tpu.wait_dma2 semaphore(%run_scoped3A_869 : memref<!tpu.dma_semaphore, #tpu.memory_space<semaphore_mem>>) src(%arg5 : memref<1984x64xbf16, #tpu.memory_space<hbm>>) dst(%dma_wait3A_873 : memref<1984x64xbf16, #tpu.memory_space<vmem_shared>>)
      tpu.yield
    }) : () -> ()
    %barrier3A = arith.constant 0 : index
    tpu.barrier barrier_id(%barrier3A)
    %add3A = arith.constant 0 : i32
    %add3A_3 = arith.addi %mul3A_0, %add3A : i32
    "tpu.region"() ({
      %run_scoped3A_869 = tpu.sem_alloc : memref<!tpu.dma_semaphore, #tpu.memory_space<semaphore_mem>>
      %dma_start3A_870 = arith.constant 0 : i32
      %dma_start3A_871 = tpu.memref_slice %arg2[%add3A_3, %dma_start3A_870] : memref<3968x128xi32, #tpu.memory_space<hbm>> -> memref<124x128xi32, #tpu.memory_space<hbm>>
      %dma_start3A_872 = arith.constant 0 : i32
      %dma_start3A_873 = tpu.memref_slice %arg2[%add3A_3, %dma_start3A_872] : memref<3968x128xi32, #tpu.memory_space<hbm>> -> memref<124x128xi32, #tpu.memory_space<hbm>>
      tpu.enqueue_dma source(%dma_start3A_873 : memref<124x128xi32, #tpu.memory_space<hbm>>) target(%arg7 : memref<124x128xi32, #tpu.memory_space<vmem>>) target_semaphore(%run_scoped3A_869 : memref<!tpu.dma_semaphore, #tpu.memory_space<semaphore_mem>>)
      %dma_wait3A_874 = arith.constant 0 : i32
      %dma_wait3A_875 = tpu.memref_slice %arg2[%add3A_3, %dma_wait3A_874] : memref<3968x128xi32, #tpu.memory_space<hbm>> -> memref<124x128xi32, #tpu.memory_space<hbm>>
      %dma_wait3A_876 = arith.constant 0 : i32
      %dma_wait3A_877 = tpu.memref_slice %arg2[%add3A_3, %dma_wait3A_876] : memref<3968x128xi32, #tpu.memory_space<hbm>> -> memref<124x128xi32, #tpu.memory_space<hbm>>
      tpu.wait_dma2 semaphore(%run_scoped3A_869 : memref<!tpu.dma_semaphore, #tpu.memory_space<semaphore_mem>>) src(%dma_wait3A_877 : memref<124x128xi32, #tpu.memory_space<hbm>>) dst(%arg7 : memref<124x128xi32, #tpu.memory_space<vmem>>)
      tpu.yield
    }) : () -> ()
    "tpu.region"() ({
      %run_scoped3A_869 = tpu.sem_alloc : memref<!tpu.dma_semaphore, #tpu.memory_space<semaphore_mem>>
      %dma_start3A_870 = arith.constant 0 : i32
      %dma_start3A_871 = tpu.memref_slice %arg3[%add3A_3, %dma_start3A_870] : memref<3968x128xi32, #tpu.memory_space<hbm>> -> memref<124x128xi32, #tpu.memory_space<hbm>>
      %dma_start3A_872 = arith.constant 0 : i32
      %dma_start3A_873 = tpu.memref_slice %arg3[%add3A_3, %dma_start3A_872] : memref<3968x128xi32, #tpu.memory_space<hbm>> -> memref<124x128xi32, #tpu.memory_space<hbm>>
      tpu.enqueue_dma source(%dma_start3A_873 : memref<124x128xi32, #tpu.memory_space<hbm>>) target(%arg8 : memref<124x128xi32, #tpu.memory_space<vmem>>) target_semaphore(%run_scoped3A_869 : memref<!tpu.dma_semaphore, #tpu.memory_space<semaphore_mem>>)
      %dma_wait3A_874 = arith.constant 0 : i32
      %dma_wait3A_875 = tpu.memref_slice %arg3[%add3A_3, %dma_wait3A_874] : memref<3968x128xi32, #tpu.memory_space<hbm>> -> memref<124x128xi32, #tpu.memory_space<hbm>>
      %dma_wait3A_876 = arith.constant 0 : i32
      %dma_wait3A_877 = tpu.memref_slice %arg3[%add3A_3, %dma_wait3A_876] : memref<3968x128xi32, #tpu.memory_space<hbm>> -> memref<124x128xi32, #tpu.memory_space<hbm>>
      tpu.wait_dma2 semaphore(%run_scoped3A_869 : memref<!tpu.dma_semaphore, #tpu.memory_space<semaphore_mem>>) src(%dma_wait3A_877 : memref<124x128xi32, #tpu.memory_space<hbm>>) dst(%arg8 : memref<124x128xi32, #tpu.memory_space<vmem>>)
      tpu.yield
    }) : () -> ()
    %dma_start3A = arith.constant 0 : i32
    %dma_start3A_4 = arith.constant 0 : i32
    %dma_start3A_5 = arith.constant 0 : i32
    %dma_start3A_6 = arith.constant 0 : i32
    %dma_start3A_7 = tpu.memref_slice %arg9[%dma_start3A_4, %dma_start3A_5, %dma_start3A_6] : memref<4x128x64xbf16, #tpu.memory_space<vmem>> -> memref<1x128x64xbf16, #tpu.memory_space<vmem>>
    %dma_start3A_8 = tpu.memref_squeeze %dma_start3A_7 : memref<1x128x64xbf16, #tpu.memory_space<vmem>> -> memref<128x64xbf16, #tpu.memory_space<vmem>>
    %dma_start3A_9 = arith.constant 0 : i32
    %dma_start3A_10 = tpu.memref_slice %arg7[%dma_start3A, %dma_start3A_9] : memref<124x128xi32, #tpu.memory_space<vmem>> -> memref<1x128xi32, #tpu.memory_space<vmem>>
    %dma_start3A_11 = tpu.memref_squeeze %dma_start3A_10 : memref<1x128xi32, #tpu.memory_space<vmem>> -> memref<128xi32, #tpu.memory_space<vmem>>
    %dma_start3A_12 = arith.constant 0 : i32
    %dma_start3A_13 = arith.constant 0 : i32
    %dma_start3A_14 = tpu.memref_slice %arg4[%arg0, %dma_start3A_12, %dma_start3A_13] : memref<2x31744x64xbf16, #tpu.memory_space<hbm>> -> memref<1x31744x64xbf16, #tpu.memory_space<hbm>>
    %dma_start3A_15 = tpu.memref_squeeze %dma_start3A_14 : memref<1x31744x64xbf16, #tpu.memory_space<hbm>> -> memref<31744x64xbf16, #tpu.memory_space<hbm>>
    %dma_start3A_16 = arith.constant 0 : i32
    %dma_start3A_17 = arith.constant 0 : i32
    %dma_start3A_18 = tpu.memref_slice %dma_start3A_15[%dma_start3A_16, %dma_start3A_17] : memref<31744x64xbf16, #tpu.memory_space<hbm>> -> memref<31744x64xbf16, #tpu.memory_space<hbm>>
    tpu.enqueue_indirect_dma source(%dma_start3A_18 : memref<31744x64xbf16, #tpu.memory_space<hbm>>) target(%dma_start3A_8 : memref<128x64xbf16, #tpu.memory_space<vmem>>) offsets(%dma_start3A_11 : memref<128xi32, #tpu.memory_space<vmem>>) semaphore(%arg12 : memref<!tpu.dma_semaphore, #tpu.memory_space<semaphore_mem>>)
    %dma_start3A_19 = arith.constant 1 : i32
    %dma_start3A_20 = arith.constant 1 : i32
    %dma_start3A_21 = arith.constant 0 : i32
    %dma_start3A_22 = arith.constant 0 : i32
    %dma_start3A_23 = tpu.memref_slice %arg9[%dma_start3A_20, %dma_start3A_21, %dma_start3A_22] : memref<4x128x64xbf16, #tpu.memory_space<vmem>> -> memref<1x128x64xbf16, #tpu.memory_space<vmem>>
    %dma_start3A_24 = tpu.memref_squeeze %dma_start3A_23 : memref<1x128x64xbf16, #tpu.memory_space<vmem>> -> memref<128x64xbf16, #tpu.memory_space<vmem>>
    %dma_start3A_25 = arith.constant 0 : i32
    %dma_start3A_26 = tpu.memref_slice %arg7[%dma_start3A_19, %dma_start3A_25] : memref<124x128xi32, #tpu.memory_space<vmem>> -> memref<1x128xi32, #tpu.memory_space<vmem>>
    %dma_start3A_27 = tpu.memref_squeeze %dma_start3A_26 : memref<1x128xi32, #tpu.memory_space<vmem>> -> memref<128xi32, #tpu.memory_space<vmem>>
    %dma_start3A_28 = arith.constant 0 : i32
    %dma_start3A_29 = arith.constant 0 : i32
    %dma_start3A_30 = tpu.memref_slice %arg4[%arg0, %dma_start3A_28, %dma_start3A_29] : memref<2x31744x64xbf16, #tpu.memory_space<hbm>> -> memref<1x31744x64xbf16, #tpu.memory_space<hbm>>
    %dma_start3A_31 = tpu.memref_squeeze %dma_start3A_30 : memref<1x31744x64xbf16, #tpu.memory_space<hbm>> -> memref<31744x64xbf16, #tpu.memory_space<hbm>>
    %dma_start3A_32 = arith.constant 0 : i32
    %dma_start3A_33 = arith.constant 0 : i32
    %dma_start3A_34 = tpu.memref_slice %dma_start3A_31[%dma_start3A_32, %dma_start3A_33] : memref<31744x64xbf16, #tpu.memory_space<hbm>> -> memref<31744x64xbf16, #tpu.memory_space<hbm>>
    tpu.enqueue_indirect_dma source(%dma_start3A_34 : memref<31744x64xbf16, #tpu.memory_space<hbm>>) target(%dma_start3A_24 : memref<128x64xbf16, #tpu.memory_space<vmem>>) offsets(%dma_start3A_27 : memref<128xi32, #tpu.memory_space<vmem>>) semaphore(%arg12 : memref<!tpu.dma_semaphore, #tpu.memory_space<semaphore_mem>>)
    %dma_start3A_35 = arith.constant 2 : i32
    %dma_start3A_36 = arith.constant 2 : i32
    %dma_start3A_37 = arith.constant 0 : i32
    %dma_start3A_38 = arith.constant 0 : i32
    %dma_start3A_39 = tpu.memref_slice %arg9[%dma_start3A_36, %dma_start3A_37, %dma_start3A_38] : memref<4x128x64xbf16, #tpu.memory_space<vmem>> -> memref<1x128x64xbf16, #tpu.memory_space<vmem>>
    %dma_start3A_40 = tpu.memref_squeeze %dma_start3A_39 : memref<1x128x64xbf16, #tpu.memory_space<vmem>> -> memref<128x64xbf16, #tpu.memory_space<vmem>>
    %dma_start3A_41 = arith.constant 0 : i32
    %dma_start3A_42 = tpu.memref_slice %arg7[%dma_start3A_35, %dma_start3A_41] : memref<124x128xi32, #tpu.memory_space<vmem>> -> memref<1x128xi32, #tpu.memory_space<vmem>>
    %dma_start3A_43 = tpu.memref_squeeze %dma_start3A_42 : memref<1x128xi32, #tpu.memory_space<vmem>> -> memref<128xi32, #tpu.memory_space<vmem>>
    %dma_start3A_44 = arith.constant 0 : i32
    %dma_start3A_45 = arith.constant 0 : i32
    %dma_start3A_46 = tpu.memref_slice %arg4[%arg0, %dma_start3A_44, %dma_start3A_45] : memref<2x31744x64xbf16, #tpu.memory_space<hbm>> -> memref<1x31744x64xbf16, #tpu.memory_space<hbm>>
    %dma_start3A_47 = tpu.memref_squeeze %dma_start3A_46 : memref<1x31744x64xbf16, #tpu.memory_space<hbm>> -> memref<31744x64xbf16, #tpu.memory_space<hbm>>
    %dma_start3A_48 = arith.constant 0 : i32
    %dma_start3A_49 = arith.constant 0 : i32
    %dma_start3A_50 = tpu.memref_slice %dma_start3A_47[%dma_start3A_48, %dma_start3A_49] : memref<31744x64xbf16, #tpu.memory_space<hbm>> -> memref<31744x64xbf16, #tpu.memory_space<hbm>>
    tpu.enqueue_indirect_dma source(%dma_start3A_50 : memref<31744x64xbf16, #tpu.memory_space<hbm>>) target(%dma_start3A_40 : memref<128x64xbf16, #tpu.memory_space<vmem>>) offsets(%dma_start3A_43 : memref<128xi32, #tpu.memory_space<vmem>>) semaphore(%arg12 : memref<!tpu.dma_semaphore, #tpu.memory_space<semaphore_mem>>)
    %dma_start3A_51 = arith.constant 3 : i32
    %dma_start3A_52 = arith.constant 3 : i32
    %dma_start3A_53 = arith.constant 0 : i32
    %dma_start3A_54 = arith.constant 0 : i32
    %dma_start3A_55 = tpu.memref_slice %arg9[%dma_start3A_52, %dma_start3A_53, %dma_start3A_54] : memref<4x128x64xbf16, #tpu.memory_space<vmem>> -> memref<1x128x64xbf16, #tpu.memory_space<vmem>>
    %dma_start3A_56 = tpu.memref_squeeze %dma_start3A_55 : memref<1x128x64xbf16, #tpu.memory_space<vmem>> -> memref<128x64xbf16, #tpu.memory_space<vmem>>
    %dma_start3A_57 = arith.constant 0 : i32
    %dma_start3A_58 = tpu.memref_slice %arg7[%dma_start3A_51, %dma_start3A_57] : memref<124x128xi32, #tpu.memory_space<vmem>> -> memref<1x128xi32, #tpu.memory_space<vmem>>
    %dma_start3A_59 = tpu.memref_squeeze %dma_start3A_58 : memref<1x128xi32, #tpu.memory_space<vmem>> -> memref<128xi32, #tpu.memory_space<vmem>>
    %dma_start3A_60 = arith.constant 0 : i32
    %dma_start3A_61 = arith.constant 0 : i32
    %dma_start3A_62 = tpu.memref_slice %arg4[%arg0, %dma_start3A_60, %dma_start3A_61] : memref<2x31744x64xbf16, #tpu.memory_space<hbm>> -> memref<1x31744x64xbf16, #tpu.memory_space<hbm>>
    %dma_start3A_63 = tpu.memref_squeeze %dma_start3A_62 : memref<1x31744x64xbf16, #tpu.memory_space<hbm>> -> memref<31744x64xbf16, #tpu.memory_space<hbm>>
    %dma_start3A_64 = arith.constant 0 : i32
    %dma_start3A_65 = arith.constant 0 : i32
    %dma_start3A_66 = tpu.memref_slice %dma_start3A_63[%dma_start3A_64, %dma_start3A_65] : memref<31744x64xbf16, #tpu.memory_space<hbm>> -> memref<31744x64xbf16, #tpu.memory_space<hbm>>
    tpu.enqueue_indirect_dma source(%dma_start3A_66 : memref<31744x64xbf16, #tpu.memory_space<hbm>>) target(%dma_start3A_56 : memref<128x64xbf16, #tpu.memory_space<vmem>>) offsets(%dma_start3A_59 : memref<128xi32, #tpu.memory_space<vmem>>) semaphore(%arg12 : memref<!tpu.dma_semaphore, #tpu.memory_space<semaphore_mem>>)
    %dma_start3A_67 = arith.constant 4 : i32
    %dma_start3A_68 = arith.constant 0 : i32
    %dma_start3A_69 = arith.constant 0 : i32
    %dma_start3A_70 = arith.constant 0 : i32
    %dma_start3A_71 = tpu.memref_slice %arg10[%dma_start3A_68, %dma_start3A_69, %dma_start3A_70] : memref<4x128x64xbf16, #tpu.memory_space<vmem>> -> memref<1x128x64xbf16, #tpu.memory_space<vmem>>
    %dma_start3A_72 = tpu.memref_squeeze %dma_start3A_71 : memref<1x128x64xbf16, #tpu.memory_space<vmem>> -> memref<128x64xbf16, #tpu.memory_space<vmem>>
    %dma_start3A_73 = arith.constant 0 : i32
    %dma_start3A_74 = tpu.memref_slice %arg7[%dma_start3A_67, %dma_start3A_73] : memref<124x128xi32, #tpu.memory_space<vmem>> -> memref<1x128xi32, #tpu.memory_space<vmem>>
    %dma_start3A_75 = tpu.memref_squeeze %dma_start3A_74 : memref<1x128xi32, #tpu.memory_space<vmem>> -> memref<128xi32, #tpu.memory_space<vmem>>
    %dma_start3A_76 = arith.constant 0 : i32
    %dma_start3A_77 = arith.constant 0 : i32
    %dma_start3A_78 = tpu.memref_slice %arg4[%arg0, %dma_start3A_76, %dma_start3A_77] : memref<2x31744x64xbf16, #tpu.memory_space<hbm>> -> memref<1x31744x64xbf16, #tpu.memory_space<hbm>>
    %dma_start3A_79 = tpu.memref_squeeze %dma_start3A_78 : memref<1x31744x64xbf16, #tpu.memory_space<hbm>> -> memref<31744x64xbf16, #tpu.memory_space<hbm>>
    %dma_start3A_80 = arith.constant 0 : i32
    %dma_start3A_81 = arith.constant 0 : i32
    %dma_start3A_82 = tpu.memref_slice %dma_start3A_79[%dma_start3A_80, %dma_start3A_81] : memref<31744x64xbf16, #tpu.memory_space<hbm>> -> memref<31744x64xbf16, #tpu.memory_space<hbm>>
    tpu.enqueue_indirect_dma source(%dma_start3A_82 : memref<31744x64xbf16, #tpu.memory_space<hbm>>) target(%dma_start3A_72 : memref<128x64xbf16, #tpu.memory_space<vmem>>) offsets(%dma_start3A_75 : memref<128xi32, #tpu.memory_space<vmem>>) semaphore(%arg13 : memref<!tpu.dma_semaphore, #tpu.memory_space<semaphore_mem>>)
    %dma_start3A_83 = arith.constant 5 : i32
    %dma_start3A_84 = arith.constant 1 : i32
    %dma_start3A_85 = arith.constant 0 : i32
    %dma_start3A_86 = arith.constant 0 : i32
    %dma_start3A_87 = tpu.memref_slice %arg10[%dma_start3A_84, %dma_start3A_85, %dma_start3A_86] : memref<4x128x64xbf16, #tpu.memory_space<vmem>> -> memref<1x128x64xbf16, #tpu.memory_space<vmem>>
    %dma_start3A_88 = tpu.memref_squeeze %dma_start3A_87 : memref<1x128x64xbf16, #tpu.memory_space<vmem>> -> memref<128x64xbf16, #tpu.memory_space<vmem>>
    %dma_start3A_89 = arith.constant 0 : i32
    %dma_start3A_90 = tpu.memref_slice %arg7[%dma_start3A_83, %dma_start3A_89] : memref<124x128xi32, #tpu.memory_space<vmem>> -> memref<1x128xi32, #tpu.memory_space<vmem>>
    %dma_start3A_91 = tpu.memref_squeeze %dma_start3A_90 : memref<1x128xi32, #tpu.memory_space<vmem>> -> memref<128xi32, #tpu.memory_space<vmem>>
    %dma_start3A_92 = arith.constant 0 : i32
    %dma_start3A_93 = arith.constant 0 : i32
    %dma_start3A_94 = tpu.memref_slice %arg4[%arg0, %dma_start3A_92, %dma_start3A_93] : memref<2x31744x64xbf16, #tpu.memory_space<hbm>> -> memref<1x31744x64xbf16, #tpu.memory_space<hbm>>
    %dma_start3A_95 = tpu.memref_squeeze %dma_start3A_94 : memref<1x31744x64xbf16, #tpu.memory_space<hbm>> -> memref<31744x64xbf16, #tpu.memory_space<hbm>>
    %dma_start3A_96 = arith.constant 0 : i32
    %dma_start3A_97 = arith.constant 0 : i32
    %dma_start3A_98 = tpu.memref_slice %dma_start3A_95[%dma_start3A_96, %dma_start3A_97] : memref<31744x64xbf16, #tpu.memory_space<hbm>> -> memref<31744x64xbf16, #tpu.memory_space<hbm>>
    tpu.enqueue_indirect_dma source(%dma_start3A_98 : memref<31744x64xbf16, #tpu.memory_space<hbm>>) target(%dma_start3A_88 : memref<128x64xbf16, #tpu.memory_space<vmem>>) offsets(%dma_start3A_91 : memref<128xi32, #tpu.memory_space<vmem>>) semaphore(%arg13 : memref<!tpu.dma_semaphore, #tpu.memory_space<semaphore_mem>>)
    %dma_start3A_99 = arith.constant 6 : i32
    %dma_start3A_100 = arith.constant 2 : i32
    %dma_start3A_101 = arith.constant 0 : i32
    %dma_start3A_102 = arith.constant 0 : i32
    %dma_start3A_103 = tpu.memref_slice %arg10[%dma_start3A_100, %dma_start3A_101, %dma_start3A_102] : memref<4x128x64xbf16, #tpu.memory_space<vmem>> -> memref<1x128x64xbf16, #tpu.memory_space<vmem>>
    %dma_start3A_104 = tpu.memref_squeeze %dma_start3A_103 : memref<1x128x64xbf16, #tpu.memory_space<vmem>> -> memref<128x64xbf16, #tpu.memory_space<vmem>>
    %dma_start3A_105 = arith.constant 0 : i32
    %dma_start3A_106 = tpu.memref_slice %arg7[%dma_start3A_99, %dma_start3A_105] : memref<124x128xi32, #tpu.memory_space<vmem>> -> memref<1x128xi32, #tpu.memory_space<vmem>>
    %dma_start3A_107 = tpu.memref_squeeze %dma_start3A_106 : memref<1x128xi32, #tpu.memory_space<vmem>> -> memref<128xi32, #tpu.memory_space<vmem>>
    %dma_start3A_108 = arith.constant 0 : i32
    %dma_start3A_109 = arith.constant 0 : i32
    %dma_start3A_110 = tpu.memref_slice %arg4[%arg0, %dma_start3A_108, %dma_start3A_109] : memref<2x31744x64xbf16, #tpu.memory_space<hbm>> -> memref<1x31744x64xbf16, #tpu.memory_space<hbm>>
    %dma_start3A_111 = tpu.memref_squeeze %dma_start3A_110 : memref<1x31744x64xbf16, #tpu.memory_space<hbm>> -> memref<31744x64xbf16, #tpu.memory_space<hbm>>
    %dma_start3A_112 = arith.constant 0 : i32
    %dma_start3A_113 = arith.constant 0 : i32
    %dma_start3A_114 = tpu.memref_slice %dma_start3A_111[%dma_start3A_112, %dma_start3A_113] : memref<31744x64xbf16, #tpu.memory_space<hbm>> -> memref<31744x64xbf16, #tpu.memory_space<hbm>>
    tpu.enqueue_indirect_dma source(%dma_start3A_114 : memref<31744x64xbf16, #tpu.memory_space<hbm>>) target(%dma_start3A_104 : memref<128x64xbf16, #tpu.memory_space<vmem>>) offsets(%dma_start3A_107 : memref<128xi32, #tpu.memory_space<vmem>>) semaphore(%arg13 : memref<!tpu.dma_semaphore, #tpu.memory_space<semaphore_mem>>)
    %dma_start3A_115 = arith.constant 7 : i32
    %dma_start3A_116 = arith.constant 3 : i32
    %dma_start3A_117 = arith.constant 0 : i32
    %dma_start3A_118 = arith.constant 0 : i32
    %dma_start3A_119 = tpu.memref_slice %arg10[%dma_start3A_116, %dma_start3A_117, %dma_start3A_118] : memref<4x128x64xbf16, #tpu.memory_space<vmem>> -> memref<1x128x64xbf16, #tpu.memory_space<vmem>>
    %dma_start3A_120 = tpu.memref_squeeze %dma_start3A_119 : memref<1x128x64xbf16, #tpu.memory_space<vmem>> -> memref<128x64xbf16, #tpu.memory_space<vmem>>
    %dma_start3A_121 = arith.constant 0 : i32
    %dma_start3A_122 = tpu.memref_slice %arg7[%dma_start3A_115, %dma_start3A_121] : memref<124x128xi32, #tpu.memory_space<vmem>> -> memref<1x128xi32, #tpu.memory_space<vmem>>
    %dma_start3A_123 = tpu.memref_squeeze %dma_start3A_122 : memref<1x128xi32, #tpu.memory_space<vmem>> -> memref<128xi32, #tpu.memory_space<vmem>>
    %dma_start3A_124 = arith.constant 0 : i32
    %dma_start3A_125 = arith.constant 0 : i32
    %dma_start3A_126 = tpu.memref_slice %arg4[%arg0, %dma_start3A_124, %dma_start3A_125] : memref<2x31744x64xbf16, #tpu.memory_space<hbm>> -> memref<1x31744x64xbf16, #tpu.memory_space<hbm>>
    %dma_start3A_127 = tpu.memref_squeeze %dma_start3A_126 : memref<1x31744x64xbf16, #tpu.memory_space<hbm>> -> memref<31744x64xbf16, #tpu.memory_space<hbm>>
    %dma_start3A_128 = arith.constant 0 : i32
    %dma_start3A_129 = arith.constant 0 : i32
    %dma_start3A_130 = tpu.memref_slice %dma_start3A_127[%dma_start3A_128, %dma_start3A_129] : memref<31744x64xbf16, #tpu.memory_space<hbm>> -> memref<31744x64xbf16, #tpu.memory_space<hbm>>
    tpu.enqueue_indirect_dma source(%dma_start3A_130 : memref<31744x64xbf16, #tpu.memory_space<hbm>>) target(%dma_start3A_120 : memref<128x64xbf16, #tpu.memory_space<vmem>>) offsets(%dma_start3A_123 : memref<128xi32, #tpu.memory_space<vmem>>) semaphore(%arg13 : memref<!tpu.dma_semaphore, #tpu.memory_space<semaphore_mem>>)
    %scan3A = arith.constant 0 : i32
    %scan3A_131 = arith.constant 0 : i32
    %scan3A_132 = arith.constant 1 : i32
    %scan3A_133 = arith.constant 1 : i32
    %scan3A_134 = arith.constant 2 : i32
    %scan3A_135 = arith.constant 2 : i32
    %scan3A_136 = arith.constant 3 : i32
    %scan3A_137 = arith.constant 3 : i32
    %scan3A_138 = arith.constant 4 : i32
    %scan3A_139 = arith.constant 0 : i32
    %scan3A_140 = arith.constant 5 : i32
    %scan3A_141 = arith.constant 1 : i32
    %scan3A_142 = arith.constant 6 : i32
    %scan3A_143 = arith.constant 2 : i32
    %scan3A_144 = arith.constant 7 : i32
    %scan3A_145 = arith.constant 3 : i32
    %scan3A_146 = arith.constant 0 : i32
    %scan3A_147 = arith.constant 0 : i32
    %scan3A_148 = arith.constant 14 : i32
    %scan3A_149 = arith.addi %scan3A_147, %scan3A_148 : i32
    %scan3A_150 = arith.constant 1 : i32
    %scan3A_151 = scf.for %scan3A_869 = %scan3A_147 to %scan3A_149 step %scan3A_150 iter_args(%scan3A_870 = %scan3A_146) -> (i32)  : i32 {
      %mul3A_871 = arith.constant 2 : i32
      %mul3A_872 = arith.muli %mul3A_871, %scan3A_869 : i32
      %mul3A_873 = arith.constant 4 : i32
      %mul3A_874 = arith.muli %mul3A_872, %mul3A_873 : i32
      %dma_wait3A_875 = arith.constant 0 : i32
      %dma_wait3A_876 = arith.constant 0 : i32
      %dma_wait3A_877 = tpu.memref_slice %arg9[%scan3A_131, %dma_wait3A_875, %dma_wait3A_876] : memref<4x128x64xbf16, #tpu.memory_space<vmem>> -> memref<1x128x64xbf16, #tpu.memory_space<vmem>>
      %dma_wait3A_878 = tpu.memref_squeeze %dma_wait3A_877 : memref<1x128x64xbf16, #tpu.memory_space<vmem>> -> memref<128x64xbf16, #tpu.memory_space<vmem>>
      %dma_wait3A_879 = arith.constant 0 : i32
      %dma_wait3A_880 = tpu.memref_slice %arg7[%scan3A, %dma_wait3A_879] : memref<124x128xi32, #tpu.memory_space<vmem>> -> memref<1x128xi32, #tpu.memory_space<vmem>>
      %dma_wait3A_881 = tpu.memref_squeeze %dma_wait3A_880 : memref<1x128xi32, #tpu.memory_space<vmem>> -> memref<128xi32, #tpu.memory_space<vmem>>
      %dma_wait3A_882 = arith.constant 0 : i32
      %dma_wait3A_883 = arith.constant 0 : i32
      %dma_wait3A_884 = tpu.memref_slice %arg4[%arg0, %dma_wait3A_882, %dma_wait3A_883] : memref<2x31744x64xbf16, #tpu.memory_space<hbm>> -> memref<1x31744x64xbf16, #tpu.memory_space<hbm>>
      %dma_wait3A_885 = tpu.memref_squeeze %dma_wait3A_884 : memref<1x31744x64xbf16, #tpu.memory_space<hbm>> -> memref<31744x64xbf16, #tpu.memory_space<hbm>>
      %dma_wait3A_886 = arith.constant 0 : i32
      %dma_wait3A_887 = arith.constant 0 : i32
      %dma_wait3A_888 = tpu.memref_slice %dma_wait3A_885[%dma_wait3A_886, %dma_wait3A_887] : memref<31744x64xbf16, #tpu.memory_space<hbm>> -> memref<31744x64xbf16, #tpu.memory_space<hbm>>
      tpu.wait_indirect_dma semaphore(%arg12 : memref<!tpu.dma_semaphore, #tpu.memory_space<semaphore_mem>>) src(%dma_wait3A_888 : memref<31744x64xbf16, #tpu.memory_space<hbm>>) dst(%dma_wait3A_878 : memref<128x64xbf16, #tpu.memory_space<vmem>>)
      %dma_wait3A_889 = arith.constant 0 : i32
      %dma_wait3A_890 = arith.constant 0 : i32
      %dma_wait3A_891 = tpu.memref_slice %arg9[%scan3A_133, %dma_wait3A_889, %dma_wait3A_890] : memref<4x128x64xbf16, #tpu.memory_space<vmem>> -> memref<1x128x64xbf16, #tpu.memory_space<vmem>>
      %dma_wait3A_892 = tpu.memref_squeeze %dma_wait3A_891 : memref<1x128x64xbf16, #tpu.memory_space<vmem>> -> memref<128x64xbf16, #tpu.memory_space<vmem>>
      %dma_wait3A_893 = arith.constant 0 : i32
      %dma_wait3A_894 = tpu.memref_slice %arg7[%scan3A_132, %dma_wait3A_893] : memref<124x128xi32, #tpu.memory_space<vmem>> -> memref<1x128xi32, #tpu.memory_space<vmem>>
      %dma_wait3A_895 = tpu.memref_squeeze %dma_wait3A_894 : memref<1x128xi32, #tpu.memory_space<vmem>> -> memref<128xi32, #tpu.memory_space<vmem>>
      %dma_wait3A_896 = arith.constant 0 : i32
      %dma_wait3A_897 = arith.constant 0 : i32
      %dma_wait3A_898 = tpu.memref_slice %arg4[%arg0, %dma_wait3A_896, %dma_wait3A_897] : memref<2x31744x64xbf16, #tpu.memory_space<hbm>> -> memref<1x31744x64xbf16, #tpu.memory_space<hbm>>
      %dma_wait3A_899 = tpu.memref_squeeze %dma_wait3A_898 : memref<1x31744x64xbf16, #tpu.memory_space<hbm>> -> memref<31744x64xbf16, #tpu.memory_space<hbm>>
      %dma_wait3A_900 = arith.constant 0 : i32
      %dma_wait3A_901 = arith.constant 0 : i32
      %dma_wait3A_902 = tpu.memref_slice %dma_wait3A_899[%dma_wait3A_900, %dma_wait3A_901] : memref<31744x64xbf16, #tpu.memory_space<hbm>> -> memref<31744x64xbf16, #tpu.memory_space<hbm>>
      tpu.wait_indirect_dma semaphore(%arg12 : memref<!tpu.dma_semaphore, #tpu.memory_space<semaphore_mem>>) src(%dma_wait3A_902 : memref<31744x64xbf16, #tpu.memory_space<hbm>>) dst(%dma_wait3A_892 : memref<128x64xbf16, #tpu.memory_space<vmem>>)
      %dma_wait3A_903 = arith.constant 0 : i32
      %dma_wait3A_904 = arith.constant 0 : i32
      %dma_wait3A_905 = tpu.memref_slice %arg9[%scan3A_135, %dma_wait3A_903, %dma_wait3A_904] : memref<4x128x64xbf16, #tpu.memory_space<vmem>> -> memref<1x128x64xbf16, #tpu.memory_space<vmem>>
      %dma_wait3A_906 = tpu.memref_squeeze %dma_wait3A_905 : memref<1x128x64xbf16, #tpu.memory_space<vmem>> -> memref<128x64xbf16, #tpu.memory_space<vmem>>
      %dma_wait3A_907 = arith.constant 0 : i32
      %dma_wait3A_908 = tpu.memref_slice %arg7[%scan3A_134, %dma_wait3A_907] : memref<124x128xi32, #tpu.memory_space<vmem>> -> memref<1x128xi32, #tpu.memory_space<vmem>>
      %dma_wait3A_909 = tpu.memref_squeeze %dma_wait3A_908 : memref<1x128xi32, #tpu.memory_space<vmem>> -> memref<128xi32, #tpu.memory_space<vmem>>
      %dma_wait3A_910 = arith.constant 0 : i32
      %dma_wait3A_911 = arith.constant 0 : i32
      %dma_wait3A_912 = tpu.memref_slice %arg4[%arg0, %dma_wait3A_910, %dma_wait3A_911] : memref<2x31744x64xbf16, #tpu.memory_space<hbm>> -> memref<1x31744x64xbf16, #tpu.memory_space<hbm>>
      %dma_wait3A_913 = tpu.memref_squeeze %dma_wait3A_912 : memref<1x31744x64xbf16, #tpu.memory_space<hbm>> -> memref<31744x64xbf16, #tpu.memory_space<hbm>>
      %dma_wait3A_914 = arith.constant 0 : i32
      %dma_wait3A_915 = arith.constant 0 : i32
      %dma_wait3A_916 = tpu.memref_slice %dma_wait3A_913[%dma_wait3A_914, %dma_wait3A_915] : memref<31744x64xbf16, #tpu.memory_space<hbm>> -> memref<31744x64xbf16, #tpu.memory_space<hbm>>
      tpu.wait_indirect_dma semaphore(%arg12 : memref<!tpu.dma_semaphore, #tpu.memory_space<semaphore_mem>>) src(%dma_wait3A_916 : memref<31744x64xbf16, #tpu.memory_space<hbm>>) dst(%dma_wait3A_906 : memref<128x64xbf16, #tpu.memory_space<vmem>>)
      %dma_wait3A_917 = arith.constant 0 : i32
      %dma_wait3A_918 = arith.constant 0 : i32
      %dma_wait3A_919 = tpu.memref_slice %arg9[%scan3A_137, %dma_wait3A_917, %dma_wait3A_918] : memref<4x128x64xbf16, #tpu.memory_space<vmem>> -> memref<1x128x64xbf16, #tpu.memory_space<vmem>>
      %dma_wait3A_920 = tpu.memref_squeeze %dma_wait3A_919 : memref<1x128x64xbf16, #tpu.memory_space<vmem>> -> memref<128x64xbf16, #tpu.memory_space<vmem>>
      %dma_wait3A_921 = arith.constant 0 : i32
      %dma_wait3A_922 = tpu.memref_slice %arg7[%scan3A_136, %dma_wait3A_921] : memref<124x128xi32, #tpu.memory_space<vmem>> -> memref<1x128xi32, #tpu.memory_space<vmem>>
      %dma_wait3A_923 = tpu.memref_squeeze %dma_wait3A_922 : memref<1x128xi32, #tpu.memory_space<vmem>> -> memref<128xi32, #tpu.memory_space<vmem>>
      %dma_wait3A_924 = arith.constant 0 : i32
      %dma_wait3A_925 = arith.constant 0 : i32
      %dma_wait3A_926 = tpu.memref_slice %arg4[%arg0, %dma_wait3A_924, %dma_wait3A_925] : memref<2x31744x64xbf16, #tpu.memory_space<hbm>> -> memref<1x31744x64xbf16, #tpu.memory_space<hbm>>
      %dma_wait3A_927 = tpu.memref_squeeze %dma_wait3A_926 : memref<1x31744x64xbf16, #tpu.memory_space<hbm>> -> memref<31744x64xbf16, #tpu.memory_space<hbm>>
      %dma_wait3A_928 = arith.constant 0 : i32
      %dma_wait3A_929 = arith.constant 0 : i32
      %dma_wait3A_930 = tpu.memref_slice %dma_wait3A_927[%dma_wait3A_928, %dma_wait3A_929] : memref<31744x64xbf16, #tpu.memory_space<hbm>> -> memref<31744x64xbf16, #tpu.memory_space<hbm>>
      tpu.wait_indirect_dma semaphore(%arg12 : memref<!tpu.dma_semaphore, #tpu.memory_space<semaphore_mem>>) src(%dma_wait3A_930 : memref<31744x64xbf16, #tpu.memory_space<hbm>>) dst(%dma_wait3A_920 : memref<128x64xbf16, #tpu.memory_space<vmem>>)
      %add3A_931 = arith.constant 0 : i32
      %add3A_932 = arith.addi %mul3A_874, %add3A_931 : i32
      %run_scoped3A_933 = arith.constant 0 : i32
      "tpu.region"() ({
        %run_scoped3A_1154 = tpu.sem_alloc : memref<!tpu.dma_semaphore, #tpu.memory_space<semaphore_mem>>
        %dma_start3A_1155 = arith.constant 0 : i32
        %dma_start3A_1156 = arith.constant 0 : i32
        %dma_start3A_1157 = tpu.memref_slice %arg9[%run_scoped3A_933, %dma_start3A_1155, %dma_start3A_1156] : memref<4x128x64xbf16, #tpu.memory_space<vmem>> -> memref<1x128x64xbf16, #tpu.memory_space<vmem>>
        %dma_start3A_1158 = tpu.memref_squeeze %dma_start3A_1157 : memref<1x128x64xbf16, #tpu.memory_space<vmem>> -> memref<128x64xbf16, #tpu.memory_space<vmem>>
        %dma_start3A_1159 = arith.constant 0 : i32
        %dma_start3A_1160 = tpu.memref_slice %arg8[%add3A_932, %dma_start3A_1159] : memref<124x128xi32, #tpu.memory_space<vmem>> -> memref<1x128xi32, #tpu.memory_space<vmem>>
        %dma_start3A_1161 = tpu.memref_squeeze %dma_start3A_1160 : memref<1x128xi32, #tpu.memory_space<vmem>> -> memref<128xi32, #tpu.memory_space<vmem>>
        %dma_start3A_1162 = arith.constant 0 : i32
        %dma_start3A_1163 = arith.constant 0 : i32
        %dma_start3A_1164 = tpu.memref_slice %arg11[%dma_start3A_1162, %dma_start3A_1163] : memref<31744x64xbf16, #tpu.memory_space<vmem_shared>> -> memref<31744x64xbf16, #tpu.memory_space<vmem_shared>>
        tpu.enqueue_indirect_dma source(%dma_start3A_1158 : memref<128x64xbf16, #tpu.memory_space<vmem>>) target(%dma_start3A_1164 : memref<31744x64xbf16, #tpu.memory_space<vmem_shared>>) offsets(%dma_start3A_1161 : memref<128xi32, #tpu.memory_space<vmem>>) semaphore(%run_scoped3A_1154 : memref<!tpu.dma_semaphore, #tpu.memory_space<semaphore_mem>>) {add = true}
        %dma_wait3A_1165 = arith.constant 0 : i32
        %dma_wait3A_1166 = arith.constant 0 : i32
        %dma_wait3A_1167 = tpu.memref_slice %arg9[%run_scoped3A_933, %dma_wait3A_1165, %dma_wait3A_1166] : memref<4x128x64xbf16, #tpu.memory_space<vmem>> -> memref<1x128x64xbf16, #tpu.memory_space<vmem>>
        %dma_wait3A_1168 = tpu.memref_squeeze %dma_wait3A_1167 : memref<1x128x64xbf16, #tpu.memory_space<vmem>> -> memref<128x64xbf16, #tpu.memory_space<vmem>>
        %dma_wait3A_1169 = arith.constant 0 : i32
        %dma_wait3A_1170 = tpu.memref_slice %arg8[%add3A_932, %dma_wait3A_1169] : memref<124x128xi32, #tpu.memory_space<vmem>> -> memref<1x128xi32, #tpu.memory_space<vmem>>
        %dma_wait3A_1171 = tpu.memref_squeeze %dma_wait3A_1170 : memref<1x128xi32, #tpu.memory_space<vmem>> -> memref<128xi32, #tpu.memory_space<vmem>>
        %dma_wait3A_1172 = arith.constant 0 : i32
        %dma_wait3A_1173 = arith.constant 0 : i32
        %dma_wait3A_1174 = tpu.memref_slice %arg11[%dma_wait3A_1172, %dma_wait3A_1173] : memref<31744x64xbf16, #tpu.memory_space<vmem_shared>> -> memref<31744x64xbf16, #tpu.memory_space<vmem_shared>>
        tpu.wait_indirect_dma semaphore(%run_scoped3A_1154 : memref<!tpu.dma_semaphore, #tpu.memory_space<semaphore_mem>>) src(%dma_wait3A_1168 : memref<128x64xbf16, #tpu.memory_space<vmem>>) dst(%dma_wait3A_1174 : memref<31744x64xbf16, #tpu.memory_space<vmem_shared>>)
        tpu.yield
      }) : () -> ()
      %add3A_934 = arith.constant 1 : i32
      %add3A_935 = arith.addi %mul3A_874, %add3A_934 : i32
      %run_scoped3A_936 = arith.constant 1 : i32
      "tpu.region"() ({
        %run_scoped3A_1154 = tpu.sem_alloc : memref<!tpu.dma_semaphore, #tpu.memory_space<semaphore_mem>>
        %dma_start3A_1155 = arith.constant 0 : i32
        %dma_start3A_1156 = arith.constant 0 : i32
        %dma_start3A_1157 = tpu.memref_slice %arg9[%run_scoped3A_936, %dma_start3A_1155, %dma_start3A_1156] : memref<4x128x64xbf16, #tpu.memory_space<vmem>> -> memref<1x128x64xbf16, #tpu.memory_space<vmem>>
        %dma_start3A_1158 = tpu.memref_squeeze %dma_start3A_1157 : memref<1x128x64xbf16, #tpu.memory_space<vmem>> -> memref<128x64xbf16, #tpu.memory_space<vmem>>
        %dma_start3A_1159 = arith.constant 0 : i32
        %dma_start3A_1160 = tpu.memref_slice %arg8[%add3A_935, %dma_start3A_1159] : memref<124x128xi32, #tpu.memory_space<vmem>> -> memref<1x128xi32, #tpu.memory_space<vmem>>
        %dma_start3A_1161 = tpu.memref_squeeze %dma_start3A_1160 : memref<1x128xi32, #tpu.memory_space<vmem>> -> memref<128xi32, #tpu.memory_space<vmem>>
        %dma_start3A_1162 = arith.constant 0 : i32
        %dma_start3A_1163 = arith.constant 0 : i32
        %dma_start3A_1164 = tpu.memref_slice %arg11[%dma_start3A_1162, %dma_start3A_1163] : memref<31744x64xbf16, #tpu.memory_space<vmem_shared>> -> memref<31744x64xbf16, #tpu.memory_space<vmem_shared>>
        tpu.enqueue_indirect_dma source(%dma_start3A_1158 : memref<128x64xbf16, #tpu.memory_space<vmem>>) target(%dma_start3A_1164 : memref<31744x64xbf16, #tpu.memory_space<vmem_shared>>) offsets(%dma_start3A_1161 : memref<128xi32, #tpu.memory_space<vmem>>) semaphore(%run_scoped3A_1154 : memref<!tpu.dma_semaphore, #tpu.memory_space<semaphore_mem>>) {add = true}
        %dma_wait3A_1165 = arith.constant 0 : i32
        %dma_wait3A_1166 = arith.constant 0 : i32
        %dma_wait3A_1167 = tpu.memref_slice %arg9[%run_scoped3A_936, %dma_wait3A_1165, %dma_wait3A_1166] : memref<4x128x64xbf16, #tpu.memory_space<vmem>> -> memref<1x128x64xbf16, #tpu.memory_space<vmem>>
        %dma_wait3A_1168 = tpu.memref_squeeze %dma_wait3A_1167 : memref<1x128x64xbf16, #tpu.memory_space<vmem>> -> memref<128x64xbf16, #tpu.memory_space<vmem>>
        %dma_wait3A_1169 = arith.constant 0 : i32
        %dma_wait3A_1170 = tpu.memref_slice %arg8[%add3A_935, %dma_wait3A_1169] : memref<124x128xi32, #tpu.memory_space<vmem>> -> memref<1x128xi32, #tpu.memory_space<vmem>>
        %dma_wait3A_1171 = tpu.memref_squeeze %dma_wait3A_1170 : memref<1x128xi32, #tpu.memory_space<vmem>> -> memref<128xi32, #tpu.memory_space<vmem>>
        %dma_wait3A_1172 = arith.constant 0 : i32
        %dma_wait3A_1173 = arith.constant 0 : i32
        %dma_wait3A_1174 = tpu.memref_slice %arg11[%dma_wait3A_1172, %dma_wait3A_1173] : memref<31744x64xbf16, #tpu.memory_space<vmem_shared>> -> memref<31744x64xbf16, #tpu.memory_space<vmem_shared>>
        tpu.wait_indirect_dma semaphore(%run_scoped3A_1154 : memref<!tpu.dma_semaphore, #tpu.memory_space<semaphore_mem>>) src(%dma_wait3A_1168 : memref<128x64xbf16, #tpu.memory_space<vmem>>) dst(%dma_wait3A_1174 : memref<31744x64xbf16, #tpu.memory_space<vmem_shared>>)
        tpu.yield
      }) : () -> ()
      %add3A_937 = arith.constant 2 : i32
      %add3A_938 = arith.addi %mul3A_874, %add3A_937 : i32
      %run_scoped3A_939 = arith.constant 2 : i32
      "tpu.region"() ({
        %run_scoped3A_1154 = tpu.sem_alloc : memref<!tpu.dma_semaphore, #tpu.memory_space<semaphore_mem>>
        %dma_start3A_1155 = arith.constant 0 : i32
        %dma_start3A_1156 = arith.constant 0 : i32
        %dma_start3A_1157 = tpu.memref_slice %arg9[%run_scoped3A_939, %dma_start3A_1155, %dma_start3A_1156] : memref<4x128x64xbf16, #tpu.memory_space<vmem>> -> memref<1x128x64xbf16, #tpu.memory_space<vmem>>
        %dma_start3A_1158 = tpu.memref_squeeze %dma_start3A_1157 : memref<1x128x64xbf16, #tpu.memory_space<vmem>> -> memref<128x64xbf16, #tpu.memory_space<vmem>>
        %dma_start3A_1159 = arith.constant 0 : i32
        %dma_start3A_1160 = tpu.memref_slice %arg8[%add3A_938, %dma_start3A_1159] : memref<124x128xi32, #tpu.memory_space<vmem>> -> memref<1x128xi32, #tpu.memory_space<vmem>>
        %dma_start3A_1161 = tpu.memref_squeeze %dma_start3A_1160 : memref<1x128xi32, #tpu.memory_space<vmem>> -> memref<128xi32, #tpu.memory_space<vmem>>
        %dma_start3A_1162 = arith.constant 0 : i32
        %dma_start3A_1163 = arith.constant 0 : i32
        %dma_start3A_1164 = tpu.memref_slice %arg11[%dma_start3A_1162, %dma_start3A_1163] : memref<31744x64xbf16, #tpu.memory_space<vmem_shared>> -> memref<31744x64xbf16, #tpu.memory_space<vmem_shared>>
        tpu.enqueue_indirect_dma source(%dma_start3A_1158 : memref<128x64xbf16, #tpu.memory_space<vmem>>) target(%dma_start3A_1164 : memref<31744x64xbf16, #tpu.memory_space<vmem_shared>>) offsets(%dma_start3A_1161 : memref<128xi32, #tpu.memory_space<vmem>>) semaphore(%run_scoped3A_1154 : memref<!tpu.dma_semaphore, #tpu.memory_space<semaphore_mem>>) {add = true}
        %dma_wait3A_1165 = arith.constant 0 : i32
        %dma_wait3A_1166 = arith.constant 0 : i32
        %dma_wait3A_1167 = tpu.memref_slice %arg9[%run_scoped3A_939, %dma_wait3A_1165, %dma_wait3A_1166] : memref<4x128x64xbf16, #tpu.memory_space<vmem>> -> memref<1x128x64xbf16, #tpu.memory_space<vmem>>
        %dma_wait3A_1168 = tpu.memref_squeeze %dma_wait3A_1167 : memref<1x128x64xbf16, #tpu.memory_space<vmem>> -> memref<128x64xbf16, #tpu.memory_space<vmem>>
        %dma_wait3A_1169 = arith.constant 0 : i32
        %dma_wait3A_1170 = tpu.memref_slice %arg8[%add3A_938, %dma_wait3A_1169] : memref<124x128xi32, #tpu.memory_space<vmem>> -> memref<1x128xi32, #tpu.memory_space<vmem>>
        %dma_wait3A_1171 = tpu.memref_squeeze %dma_wait3A_1170 : memref<1x128xi32, #tpu.memory_space<vmem>> -> memref<128xi32, #tpu.memory_space<vmem>>
        %dma_wait3A_1172 = arith.constant 0 : i32
        %dma_wait3A_1173 = arith.constant 0 : i32
        %dma_wait3A_1174 = tpu.memref_slice %arg11[%dma_wait3A_1172, %dma_wait3A_1173] : memref<31744x64xbf16, #tpu.memory_space<vmem_shared>> -> memref<31744x64xbf16, #tpu.memory_space<vmem_shared>>
        tpu.wait_indirect_dma semaphore(%run_scoped3A_1154 : memref<!tpu.dma_semaphore, #tpu.memory_space<semaphore_mem>>) src(%dma_wait3A_1168 : memref<128x64xbf16, #tpu.memory_space<vmem>>) dst(%dma_wait3A_1174 : memref<31744x64xbf16, #tpu.memory_space<vmem_shared>>)
        tpu.yield
      }) : () -> ()
      %add3A_940 = arith.constant 3 : i32
      %add3A_941 = arith.addi %mul3A_874, %add3A_940 : i32
      %run_scoped3A_942 = arith.constant 3 : i32
      "tpu.region"() ({
        %run_scoped3A_1154 = tpu.sem_alloc : memref<!tpu.dma_semaphore, #tpu.memory_space<semaphore_mem>>
        %dma_start3A_1155 = arith.constant 0 : i32
        %dma_start3A_1156 = arith.constant 0 : i32
        %dma_start3A_1157 = tpu.memref_slice %arg9[%run_scoped3A_942, %dma_start3A_1155, %dma_start3A_1156] : memref<4x128x64xbf16, #tpu.memory_space<vmem>> -> memref<1x128x64xbf16, #tpu.memory_space<vmem>>
        %dma_start3A_1158 = tpu.memref_squeeze %dma_start3A_1157 : memref<1x128x64xbf16, #tpu.memory_space<vmem>> -> memref<128x64xbf16, #tpu.memory_space<vmem>>
        %dma_start3A_1159 = arith.constant 0 : i32
        %dma_start3A_1160 = tpu.memref_slice %arg8[%add3A_941, %dma_start3A_1159] : memref<124x128xi32, #tpu.memory_space<vmem>> -> memref<1x128xi32, #tpu.memory_space<vmem>>
        %dma_start3A_1161 = tpu.memref_squeeze %dma_start3A_1160 : memref<1x128xi32, #tpu.memory_space<vmem>> -> memref<128xi32, #tpu.memory_space<vmem>>
        %dma_start3A_1162 = arith.constant 0 : i32
        %dma_start3A_1163 = arith.constant 0 : i32
        %dma_start3A_1164 = tpu.memref_slice %arg11[%dma_start3A_1162, %dma_start3A_1163] : memref<31744x64xbf16, #tpu.memory_space<vmem_shared>> -> memref<31744x64xbf16, #tpu.memory_space<vmem_shared>>
        tpu.enqueue_indirect_dma source(%dma_start3A_1158 : memref<128x64xbf16, #tpu.memory_space<vmem>>) target(%dma_start3A_1164 : memref<31744x64xbf16, #tpu.memory_space<vmem_shared>>) offsets(%dma_start3A_1161 : memref<128xi32, #tpu.memory_space<vmem>>) semaphore(%run_scoped3A_1154 : memref<!tpu.dma_semaphore, #tpu.memory_space<semaphore_mem>>) {add = true}
        %dma_wait3A_1165 = arith.constant 0 : i32
        %dma_wait3A_1166 = arith.constant 0 : i32
        %dma_wait3A_1167 = tpu.memref_slice %arg9[%run_scoped3A_942, %dma_wait3A_1165, %dma_wait3A_1166] : memref<4x128x64xbf16, #tpu.memory_space<vmem>> -> memref<1x128x64xbf16, #tpu.memory_space<vmem>>
        %dma_wait3A_1168 = tpu.memref_squeeze %dma_wait3A_1167 : memref<1x128x64xbf16, #tpu.memory_space<vmem>> -> memref<128x64xbf16, #tpu.memory_space<vmem>>
        %dma_wait3A_1169 = arith.constant 0 : i32
        %dma_wait3A_1170 = tpu.memref_slice %arg8[%add3A_941, %dma_wait3A_1169] : memref<124x128xi32, #tpu.memory_space<vmem>> -> memref<1x128xi32, #tpu.memory_space<vmem>>
        %dma_wait3A_1171 = tpu.memref_squeeze %dma_wait3A_1170 : memref<1x128xi32, #tpu.memory_space<vmem>> -> memref<128xi32, #tpu.memory_space<vmem>>
        %dma_wait3A_1172 = arith.constant 0 : i32
        %dma_wait3A_1173 = arith.constant 0 : i32
        %dma_wait3A_1174 = tpu.memref_slice %arg11[%dma_wait3A_1172, %dma_wait3A_1173] : memref<31744x64xbf16, #tpu.memory_space<vmem_shared>> -> memref<31744x64xbf16, #tpu.memory_space<vmem_shared>>
        tpu.wait_indirect_dma semaphore(%run_scoped3A_1154 : memref<!tpu.dma_semaphore, #tpu.memory_space<semaphore_mem>>) src(%dma_wait3A_1168 : memref<128x64xbf16, #tpu.memory_space<vmem>>) dst(%dma_wait3A_1174 : memref<31744x64xbf16, #tpu.memory_space<vmem_shared>>)
        tpu.yield
      }) : () -> ()
      %add3A_943 = arith.constant 8 : i32
      %add3A_944 = arith.addi %mul3A_874, %add3A_943 : i32
      %add3A_945 = arith.constant 0 : i32
      %add3A_946 = arith.addi %add3A_944, %add3A_945 : i32
      %dma_start3A_947 = arith.constant 0 : i32
      %dma_start3A_948 = arith.constant 0 : i32
      %dma_start3A_949 = arith.constant 0 : i32
      %dma_start3A_950 = tpu.memref_slice %arg9[%dma_start3A_947, %dma_start3A_948, %dma_start3A_949] : memref<4x128x64xbf16, #tpu.memory_space<vmem>> -> memref<1x128x64xbf16, #tpu.memory_space<vmem>>
      %dma_start3A_951 = tpu.memref_squeeze %dma_start3A_950 : memref<1x128x64xbf16, #tpu.memory_space<vmem>> -> memref<128x64xbf16, #tpu.memory_space<vmem>>
      %dma_start3A_952 = arith.constant 0 : i32
      %dma_start3A_953 = tpu.memref_slice %arg7[%add3A_946, %dma_start3A_952] : memref<124x128xi32, #tpu.memory_space<vmem>> -> memref<1x128xi32, #tpu.memory_space<vmem>>
      %dma_start3A_954 = tpu.memref_squeeze %dma_start3A_953 : memref<1x128xi32, #tpu.memory_space<vmem>> -> memref<128xi32, #tpu.memory_space<vmem>>
      %dma_start3A_955 = arith.constant 0 : i32
      %dma_start3A_956 = arith.constant 0 : i32
      %dma_start3A_957 = tpu.memref_slice %arg4[%arg0, %dma_start3A_955, %dma_start3A_956] : memref<2x31744x64xbf16, #tpu.memory_space<hbm>> -> memref<1x31744x64xbf16, #tpu.memory_space<hbm>>
      %dma_start3A_958 = tpu.memref_squeeze %dma_start3A_957 : memref<1x31744x64xbf16, #tpu.memory_space<hbm>> -> memref<31744x64xbf16, #tpu.memory_space<hbm>>
      %dma_start3A_959 = arith.constant 0 : i32
      %dma_start3A_960 = arith.constant 0 : i32
      %dma_start3A_961 = tpu.memref_slice %dma_start3A_958[%dma_start3A_959, %dma_start3A_960] : memref<31744x64xbf16, #tpu.memory_space<hbm>> -> memref<31744x64xbf16, #tpu.memory_space<hbm>>
      tpu.enqueue_indirect_dma source(%dma_start3A_961 : memref<31744x64xbf16, #tpu.memory_space<hbm>>) target(%dma_start3A_951 : memref<128x64xbf16, #tpu.memory_space<vmem>>) offsets(%dma_start3A_954 : memref<128xi32, #tpu.memory_space<vmem>>) semaphore(%arg12 : memref<!tpu.dma_semaphore, #tpu.memory_space<semaphore_mem>>)
      %add3A_962 = arith.constant 1 : i32
      %add3A_963 = arith.addi %add3A_944, %add3A_962 : i32
      %dma_start3A_964 = arith.constant 1 : i32
      %dma_start3A_965 = arith.constant 0 : i32
      %dma_start3A_966 = arith.constant 0 : i32
      %dma_start3A_967 = tpu.memref_slice %arg9[%dma_start3A_964, %dma_start3A_965, %dma_start3A_966] : memref<4x128x64xbf16, #tpu.memory_space<vmem>> -> memref<1x128x64xbf16, #tpu.memory_space<vmem>>
      %dma_start3A_968 = tpu.memref_squeeze %dma_start3A_967 : memref<1x128x64xbf16, #tpu.memory_space<vmem>> -> memref<128x64xbf16, #tpu.memory_space<vmem>>
      %dma_start3A_969 = arith.constant 0 : i32
      %dma_start3A_970 = tpu.memref_slice %arg7[%add3A_963, %dma_start3A_969] : memref<124x128xi32, #tpu.memory_space<vmem>> -> memref<1x128xi32, #tpu.memory_space<vmem>>
      %dma_start3A_971 = tpu.memref_squeeze %dma_start3A_970 : memref<1x128xi32, #tpu.memory_space<vmem>> -> memref<128xi32, #tpu.memory_space<vmem>>
      %dma_start3A_972 = arith.constant 0 : i32
      %dma_start3A_973 = arith.constant 0 : i32
      %dma_start3A_974 = tpu.memref_slice %arg4[%arg0, %dma_start3A_972, %dma_start3A_973] : memref<2x31744x64xbf16, #tpu.memory_space<hbm>> -> memref<1x31744x64xbf16, #tpu.memory_space<hbm>>
      %dma_start3A_975 = tpu.memref_squeeze %dma_start3A_974 : memref<1x31744x64xbf16, #tpu.memory_space<hbm>> -> memref<31744x64xbf16, #tpu.memory_space<hbm>>
      %dma_start3A_976 = arith.constant 0 : i32
      %dma_start3A_977 = arith.constant 0 : i32
      %dma_start3A_978 = tpu.memref_slice %dma_start3A_975[%dma_start3A_976, %dma_start3A_977] : memref<31744x64xbf16, #tpu.memory_space<hbm>> -> memref<31744x64xbf16, #tpu.memory_space<hbm>>
      tpu.enqueue_indirect_dma source(%dma_start3A_978 : memref<31744x64xbf16, #tpu.memory_space<hbm>>) target(%dma_start3A_968 : memref<128x64xbf16, #tpu.memory_space<vmem>>) offsets(%dma_start3A_971 : memref<128xi32, #tpu.memory_space<vmem>>) semaphore(%arg12 : memref<!tpu.dma_semaphore, #tpu.memory_space<semaphore_mem>>)
      %add3A_979 = arith.constant 2 : i32
      %add3A_980 = arith.addi %add3A_944, %add3A_979 : i32
      %dma_start3A_981 = arith.constant 2 : i32
      %dma_start3A_982 = arith.constant 0 : i32
      %dma_start3A_983 = arith.constant 0 : i32
      %dma_start3A_984 = tpu.memref_slice %arg9[%dma_start3A_981, %dma_start3A_982, %dma_start3A_983] : memref<4x128x64xbf16, #tpu.memory_space<vmem>> -> memref<1x128x64xbf16, #tpu.memory_space<vmem>>
      %dma_start3A_985 = tpu.memref_squeeze %dma_start3A_984 : memref<1x128x64xbf16, #tpu.memory_space<vmem>> -> memref<128x64xbf16, #tpu.memory_space<vmem>>
      %dma_start3A_986 = arith.constant 0 : i32
      %dma_start3A_987 = tpu.memref_slice %arg7[%add3A_980, %dma_start3A_986] : memref<124x128xi32, #tpu.memory_space<vmem>> -> memref<1x128xi32, #tpu.memory_space<vmem>>
      %dma_start3A_988 = tpu.memref_squeeze %dma_start3A_987 : memref<1x128xi32, #tpu.memory_space<vmem>> -> memref<128xi32, #tpu.memory_space<vmem>>
      %dma_start3A_989 = arith.constant 0 : i32
      %dma_start3A_990 = arith.constant 0 : i32
      %dma_start3A_991 = tpu.memref_slice %arg4[%arg0, %dma_start3A_989, %dma_start3A_990] : memref<2x31744x64xbf16, #tpu.memory_space<hbm>> -> memref<1x31744x64xbf16, #tpu.memory_space<hbm>>
      %dma_start3A_992 = tpu.memref_squeeze %dma_start3A_991 : memref<1x31744x64xbf16, #tpu.memory_space<hbm>> -> memref<31744x64xbf16, #tpu.memory_space<hbm>>
      %dma_start3A_993 = arith.constant 0 : i32
      %dma_start3A_994 = arith.constant 0 : i32
      %dma_start3A_995 = tpu.memref_slice %dma_start3A_992[%dma_start3A_993, %dma_start3A_994] : memref<31744x64xbf16, #tpu.memory_space<hbm>> -> memref<31744x64xbf16, #tpu.memory_space<hbm>>
      tpu.enqueue_indirect_dma source(%dma_start3A_995 : memref<31744x64xbf16, #tpu.memory_space<hbm>>) target(%dma_start3A_985 : memref<128x64xbf16, #tpu.memory_space<vmem>>) offsets(%dma_start3A_988 : memref<128xi32, #tpu.memory_space<vmem>>) semaphore(%arg12 : memref<!tpu.dma_semaphore, #tpu.memory_space<semaphore_mem>>)
      %add3A_996 = arith.constant 3 : i32
      %add3A_997 = arith.addi %add3A_944, %add3A_996 : i32
      %dma_start3A_998 = arith.constant 3 : i32
      %dma_start3A_999 = arith.constant 0 : i32
      %dma_start3A_1000 = arith.constant 0 : i32
      %dma_start3A_1001 = tpu.memref_slice %arg9[%dma_start3A_998, %dma_start3A_999, %dma_start3A_1000] : memref<4x128x64xbf16, #tpu.memory_space<vmem>> -> memref<1x128x64xbf16, #tpu.memory_space<vmem>>
      %dma_start3A_1002 = tpu.memref_squeeze %dma_start3A_1001 : memref<1x128x64xbf16, #tpu.memory_space<vmem>> -> memref<128x64xbf16, #tpu.memory_space<vmem>>
      %dma_start3A_1003 = arith.constant 0 : i32
      %dma_start3A_1004 = tpu.memref_slice %arg7[%add3A_997, %dma_start3A_1003] : memref<124x128xi32, #tpu.memory_space<vmem>> -> memref<1x128xi32, #tpu.memory_space<vmem>>
      %dma_start3A_1005 = tpu.memref_squeeze %dma_start3A_1004 : memref<1x128xi32, #tpu.memory_space<vmem>> -> memref<128xi32, #tpu.memory_space<vmem>>
      %dma_start3A_1006 = arith.constant 0 : i32
      %dma_start3A_1007 = arith.constant 0 : i32
      %dma_start3A_1008 = tpu.memref_slice %arg4[%arg0, %dma_start3A_1006, %dma_start3A_1007] : memref<2x31744x64xbf16, #tpu.memory_space<hbm>> -> memref<1x31744x64xbf16, #tpu.memory_space<hbm>>
      %dma_start3A_1009 = tpu.memref_squeeze %dma_start3A_1008 : memref<1x31744x64xbf16, #tpu.memory_space<hbm>> -> memref<31744x64xbf16, #tpu.memory_space<hbm>>
      %dma_start3A_1010 = arith.constant 0 : i32
      %dma_start3A_1011 = arith.constant 0 : i32
      %dma_start3A_1012 = tpu.memref_slice %dma_start3A_1009[%dma_start3A_1010, %dma_start3A_1011] : memref<31744x64xbf16, #tpu.memory_space<hbm>> -> memref<31744x64xbf16, #tpu.memory_space<hbm>>
      tpu.enqueue_indirect_dma source(%dma_start3A_1012 : memref<31744x64xbf16, #tpu.memory_space<hbm>>) target(%dma_start3A_1002 : memref<128x64xbf16, #tpu.memory_space<vmem>>) offsets(%dma_start3A_1005 : memref<128xi32, #tpu.memory_space<vmem>>) semaphore(%arg12 : memref<!tpu.dma_semaphore, #tpu.memory_space<semaphore_mem>>)
      %dma_wait3A_1013 = arith.constant 0 : i32
      %dma_wait3A_1014 = arith.constant 0 : i32
      %dma_wait3A_1015 = tpu.memref_slice %arg10[%scan3A_139, %dma_wait3A_1013, %dma_wait3A_1014] : memref<4x128x64xbf16, #tpu.memory_space<vmem>> -> memref<1x128x64xbf16, #tpu.memory_space<vmem>>
      %dma_wait3A_1016 = tpu.memref_squeeze %dma_wait3A_1015 : memref<1x128x64xbf16, #tpu.memory_space<vmem>> -> memref<128x64xbf16, #tpu.memory_space<vmem>>
      %dma_wait3A_1017 = arith.constant 0 : i32
      %dma_wait3A_1018 = tpu.memref_slice %arg7[%scan3A_138, %dma_wait3A_1017] : memref<124x128xi32, #tpu.memory_space<vmem>> -> memref<1x128xi32, #tpu.memory_space<vmem>>
      %dma_wait3A_1019 = tpu.memref_squeeze %dma_wait3A_1018 : memref<1x128xi32, #tpu.memory_space<vmem>> -> memref<128xi32, #tpu.memory_space<vmem>>
      %dma_wait3A_1020 = arith.constant 0 : i32
      %dma_wait3A_1021 = arith.constant 0 : i32
      %dma_wait3A_1022 = tpu.memref_slice %arg4[%arg0, %dma_wait3A_1020, %dma_wait3A_1021] : memref<2x31744x64xbf16, #tpu.memory_space<hbm>> -> memref<1x31744x64xbf16, #tpu.memory_space<hbm>>
      %dma_wait3A_1023 = tpu.memref_squeeze %dma_wait3A_1022 : memref<1x31744x64xbf16, #tpu.memory_space<hbm>> -> memref<31744x64xbf16, #tpu.memory_space<hbm>>
      %dma_wait3A_1024 = arith.constant 0 : i32
      %dma_wait3A_1025 = arith.constant 0 : i32
      %dma_wait3A_1026 = tpu.memref_slice %dma_wait3A_1023[%dma_wait3A_1024, %dma_wait3A_1025] : memref<31744x64xbf16, #tpu.memory_space<hbm>> -> memref<31744x64xbf16, #tpu.memory_space<hbm>>
      tpu.wait_indirect_dma semaphore(%arg13 : memref<!tpu.dma_semaphore, #tpu.memory_space<semaphore_mem>>) src(%dma_wait3A_1026 : memref<31744x64xbf16, #tpu.memory_space<hbm>>) dst(%dma_wait3A_1016 : memref<128x64xbf16, #tpu.memory_space<vmem>>)
      %dma_wait3A_1027 = arith.constant 0 : i32
      %dma_wait3A_1028 = arith.constant 0 : i32
      %dma_wait3A_1029 = tpu.memref_slice %arg10[%scan3A_141, %dma_wait3A_1027, %dma_wait3A_1028] : memref<4x128x64xbf16, #tpu.memory_space<vmem>> -> memref<1x128x64xbf16, #tpu.memory_space<vmem>>
      %dma_wait3A_1030 = tpu.memref_squeeze %dma_wait3A_1029 : memref<1x128x64xbf16, #tpu.memory_space<vmem>> -> memref<128x64xbf16, #tpu.memory_space<vmem>>
      %dma_wait3A_1031 = arith.constant 0 : i32
      %dma_wait3A_1032 = tpu.memref_slice %arg7[%scan3A_140, %dma_wait3A_1031] : memref<124x128xi32, #tpu.memory_space<vmem>> -> memref<1x128xi32, #tpu.memory_space<vmem>>
      %dma_wait3A_1033 = tpu.memref_squeeze %dma_wait3A_1032 : memref<1x128xi32, #tpu.memory_space<vmem>> -> memref<128xi32, #tpu.memory_space<vmem>>
      %dma_wait3A_1034 = arith.constant 0 : i32
      %dma_wait3A_1035 = arith.constant 0 : i32
      %dma_wait3A_1036 = tpu.memref_slice %arg4[%arg0, %dma_wait3A_1034, %dma_wait3A_1035] : memref<2x31744x64xbf16, #tpu.memory_space<hbm>> -> memref<1x31744x64xbf16, #tpu.memory_space<hbm>>
      %dma_wait3A_1037 = tpu.memref_squeeze %dma_wait3A_1036 : memref<1x31744x64xbf16, #tpu.memory_space<hbm>> -> memref<31744x64xbf16, #tpu.memory_space<hbm>>
      %dma_wait3A_1038 = arith.constant 0 : i32
      %dma_wait3A_1039 = arith.constant 0 : i32
      %dma_wait3A_1040 = tpu.memref_slice %dma_wait3A_1037[%dma_wait3A_1038, %dma_wait3A_1039] : memref<31744x64xbf16, #tpu.memory_space<hbm>> -> memref<31744x64xbf16, #tpu.memory_space<hbm>>
      tpu.wait_indirect_dma semaphore(%arg13 : memref<!tpu.dma_semaphore, #tpu.memory_space<semaphore_mem>>) src(%dma_wait3A_1040 : memref<31744x64xbf16, #tpu.memory_space<hbm>>) dst(%dma_wait3A_1030 : memref<128x64xbf16, #tpu.memory_space<vmem>>)
      %dma_wait3A_1041 = arith.constant 0 : i32
      %dma_wait3A_1042 = arith.constant 0 : i32
      %dma_wait3A_1043 = tpu.memref_slice %arg10[%scan3A_143, %dma_wait3A_1041, %dma_wait3A_1042] : memref<4x128x64xbf16, #tpu.memory_space<vmem>> -> memref<1x128x64xbf16, #tpu.memory_space<vmem>>
      %dma_wait3A_1044 = tpu.memref_squeeze %dma_wait3A_1043 : memref<1x128x64xbf16, #tpu.memory_space<vmem>> -> memref<128x64xbf16, #tpu.memory_space<vmem>>
      %dma_wait3A_1045 = arith.constant 0 : i32
      %dma_wait3A_1046 = tpu.memref_slice %arg7[%scan3A_142, %dma_wait3A_1045] : memref<124x128xi32, #tpu.memory_space<vmem>> -> memref<1x128xi32, #tpu.memory_space<vmem>>
      %dma_wait3A_1047 = tpu.memref_squeeze %dma_wait3A_1046 : memref<1x128xi32, #tpu.memory_space<vmem>> -> memref<128xi32, #tpu.memory_space<vmem>>
      %dma_wait3A_1048 = arith.constant 0 : i32
      %dma_wait3A_1049 = arith.constant 0 : i32
      %dma_wait3A_1050 = tpu.memref_slice %arg4[%arg0, %dma_wait3A_1048, %dma_wait3A_1049] : memref<2x31744x64xbf16, #tpu.memory_space<hbm>> -> memref<1x31744x64xbf16, #tpu.memory_space<hbm>>
      %dma_wait3A_1051 = tpu.memref_squeeze %dma_wait3A_1050 : memref<1x31744x64xbf16, #tpu.memory_space<hbm>> -> memref<31744x64xbf16, #tpu.memory_space<hbm>>
      %dma_wait3A_1052 = arith.constant 0 : i32
      %dma_wait3A_1053 = arith.constant 0 : i32
      %dma_wait3A_1054 = tpu.memref_slice %dma_wait3A_1051[%dma_wait3A_1052, %dma_wait3A_1053] : memref<31744x64xbf16, #tpu.memory_space<hbm>> -> memref<31744x64xbf16, #tpu.memory_space<hbm>>
      tpu.wait_indirect_dma semaphore(%arg13 : memref<!tpu.dma_semaphore, #tpu.memory_space<semaphore_mem>>) src(%dma_wait3A_1054 : memref<31744x64xbf16, #tpu.memory_space<hbm>>) dst(%dma_wait3A_1044 : memref<128x64xbf16, #tpu.memory_space<vmem>>)
      %dma_wait3A_1055 = arith.constant 0 : i32
      %dma_wait3A_1056 = arith.constant 0 : i32
      %dma_wait3A_1057 = tpu.memref_slice %arg10[%scan3A_145, %dma_wait3A_1055, %dma_wait3A_1056] : memref<4x128x64xbf16, #tpu.memory_space<vmem>> -> memref<1x128x64xbf16, #tpu.memory_space<vmem>>
      %dma_wait3A_1058 = tpu.memref_squeeze %dma_wait3A_1057 : memref<1x128x64xbf16, #tpu.memory_space<vmem>> -> memref<128x64xbf16, #tpu.memory_space<vmem>>
      %dma_wait3A_1059 = arith.constant 0 : i32
      %dma_wait3A_1060 = tpu.memref_slice %arg7[%scan3A_144, %dma_wait3A_1059] : memref<124x128xi32, #tpu.memory_space<vmem>> -> memref<1x128xi32, #tpu.memory_space<vmem>>
      %dma_wait3A_1061 = tpu.memref_squeeze %dma_wait3A_1060 : memref<1x128xi32, #tpu.memory_space<vmem>> -> memref<128xi32, #tpu.memory_space<vmem>>
      %dma_wait3A_1062 = arith.constant 0 : i32
      %dma_wait3A_1063 = arith.constant 0 : i32
      %dma_wait3A_1064 = tpu.memref_slice %arg4[%arg0, %dma_wait3A_1062, %dma_wait3A_1063] : memref<2x31744x64xbf16, #tpu.memory_space<hbm>> -> memref<1x31744x64xbf16, #tpu.memory_space<hbm>>
      %dma_wait3A_1065 = tpu.memref_squeeze %dma_wait3A_1064 : memref<1x31744x64xbf16, #tpu.memory_space<hbm>> -> memref<31744x64xbf16, #tpu.memory_space<hbm>>
      %dma_wait3A_1066 = arith.constant 0 : i32
      %dma_wait3A_1067 = arith.constant 0 : i32
      %dma_wait3A_1068 = tpu.memref_slice %dma_wait3A_1065[%dma_wait3A_1066, %dma_wait3A_1067] : memref<31744x64xbf16, #tpu.memory_space<hbm>> -> memref<31744x64xbf16, #tpu.memory_space<hbm>>
      tpu.wait_indirect_dma semaphore(%arg13 : memref<!tpu.dma_semaphore, #tpu.memory_space<semaphore_mem>>) src(%dma_wait3A_1068 : memref<31744x64xbf16, #tpu.memory_space<hbm>>) dst(%dma_wait3A_1058 : memref<128x64xbf16, #tpu.memory_space<vmem>>)
      %add3A_1069 = arith.constant 4 : i32
      %add3A_1070 = arith.addi %mul3A_874, %add3A_1069 : i32
      %add3A_1071 = arith.constant 0 : i32
      %add3A_1072 = arith.addi %add3A_1070, %add3A_1071 : i32
      %run_scoped3A_1073 = arith.constant 0 : i32
      "tpu.region"() ({
        %run_scoped3A_1154 = tpu.sem_alloc : memref<!tpu.dma_semaphore, #tpu.memory_space<semaphore_mem>>
        %dma_start3A_1155 = arith.constant 0 : i32
        %dma_start3A_1156 = arith.constant 0 : i32
        %dma_start3A_1157 = tpu.memref_slice %arg10[%run_scoped3A_1073, %dma_start3A_1155, %dma_start3A_1156] : memref<4x128x64xbf16, #tpu.memory_space<vmem>> -> memref<1x128x64xbf16, #tpu.memory_space<vmem>>
        %dma_start3A_1158 = tpu.memref_squeeze %dma_start3A_1157 : memref<1x128x64xbf16, #tpu.memory_space<vmem>> -> memref<128x64xbf16, #tpu.memory_space<vmem>>
        %dma_start3A_1159 = arith.constant 0 : i32
        %dma_start3A_1160 = tpu.memref_slice %arg8[%add3A_1072, %dma_start3A_1159] : memref<124x128xi32, #tpu.memory_space<vmem>> -> memref<1x128xi32, #tpu.memory_space<vmem>>
        %dma_start3A_1161 = tpu.memref_squeeze %dma_start3A_1160 : memref<1x128xi32, #tpu.memory_space<vmem>> -> memref<128xi32, #tpu.memory_space<vmem>>
        %dma_start3A_1162 = arith.constant 0 : i32
        %dma_start3A_1163 = arith.constant 0 : i32
        %dma_start3A_1164 = tpu.memref_slice %arg11[%dma_start3A_1162, %dma_start3A_1163] : memref<31744x64xbf16, #tpu.memory_space<vmem_shared>> -> memref<31744x64xbf16, #tpu.memory_space<vmem_shared>>
        tpu.enqueue_indirect_dma source(%dma_start3A_1158 : memref<128x64xbf16, #tpu.memory_space<vmem>>) target(%dma_start3A_1164 : memref<31744x64xbf16, #tpu.memory_space<vmem_shared>>) offsets(%dma_start3A_1161 : memref<128xi32, #tpu.memory_space<vmem>>) semaphore(%run_scoped3A_1154 : memref<!tpu.dma_semaphore, #tpu.memory_space<semaphore_mem>>) {add = true}
        %dma_wait3A_1165 = arith.constant 0 : i32
        %dma_wait3A_1166 = arith.constant 0 : i32
        %dma_wait3A_1167 = tpu.memref_slice %arg10[%run_scoped3A_1073, %dma_wait3A_1165, %dma_wait3A_1166] : memref<4x128x64xbf16, #tpu.memory_space<vmem>> -> memref<1x128x64xbf16, #tpu.memory_space<vmem>>
        %dma_wait3A_1168 = tpu.memref_squeeze %dma_wait3A_1167 : memref<1x128x64xbf16, #tpu.memory_space<vmem>> -> memref<128x64xbf16, #tpu.memory_space<vmem>>
        %dma_wait3A_1169 = arith.constant 0 : i32
        %dma_wait3A_1170 = tpu.memref_slice %arg8[%add3A_1072, %dma_wait3A_1169] : memref<124x128xi32, #tpu.memory_space<vmem>> -> memref<1x128xi32, #tpu.memory_space<vmem>>
        %dma_wait3A_1171 = tpu.memref_squeeze %dma_wait3A_1170 : memref<1x128xi32, #tpu.memory_space<vmem>> -> memref<128xi32, #tpu.memory_space<vmem>>
        %dma_wait3A_1172 = arith.constant 0 : i32
        %dma_wait3A_1173 = arith.constant 0 : i32
        %dma_wait3A_1174 = tpu.memref_slice %arg11[%dma_wait3A_1172, %dma_wait3A_1173] : memref<31744x64xbf16, #tpu.memory_space<vmem_shared>> -> memref<31744x64xbf16, #tpu.memory_space<vmem_shared>>
        tpu.wait_indirect_dma semaphore(%run_scoped3A_1154 : memref<!tpu.dma_semaphore, #tpu.memory_space<semaphore_mem>>) src(%dma_wait3A_1168 : memref<128x64xbf16, #tpu.memory_space<vmem>>) dst(%dma_wait3A_1174 : memref<31744x64xbf16, #tpu.memory_space<vmem_shared>>)
        tpu.yield
      }) : () -> ()
      %add3A_1074 = arith.constant 1 : i32
      %add3A_1075 = arith.addi %add3A_1070, %add3A_1074 : i32
      %run_scoped3A_1076 = arith.constant 1 : i32
      "tpu.region"() ({
        %run_scoped3A_1154 = tpu.sem_alloc : memref<!tpu.dma_semaphore, #tpu.memory_space<semaphore_mem>>
        %dma_start3A_1155 = arith.constant 0 : i32
        %dma_start3A_1156 = arith.constant 0 : i32
        %dma_start3A_1157 = tpu.memref_slice %arg10[%run_scoped3A_1076, %dma_start3A_1155, %dma_start3A_1156] : memref<4x128x64xbf16, #tpu.memory_space<vmem>> -> memref<1x128x64xbf16, #tpu.memory_space<vmem>>
        %dma_start3A_1158 = tpu.memref_squeeze %dma_start3A_1157 : memref<1x128x64xbf16, #tpu.memory_space<vmem>> -> memref<128x64xbf16, #tpu.memory_space<vmem>>
        %dma_start3A_1159 = arith.constant 0 : i32
        %dma_start3A_1160 = tpu.memref_slice %arg8[%add3A_1075, %dma_start3A_1159] : memref<124x128xi32, #tpu.memory_space<vmem>> -> memref<1x128xi32, #tpu.memory_space<vmem>>
        %dma_start3A_1161 = tpu.memref_squeeze %dma_start3A_1160 : memref<1x128xi32, #tpu.memory_space<vmem>> -> memref<128xi32, #tpu.memory_space<vmem>>
        %dma_start3A_1162 = arith.constant 0 : i32
        %dma_start3A_1163 = arith.constant 0 : i32
        %dma_start3A_1164 = tpu.memref_slice %arg11[%dma_start3A_1162, %dma_start3A_1163] : memref<31744x64xbf16, #tpu.memory_space<vmem_shared>> -> memref<31744x64xbf16, #tpu.memory_space<vmem_shared>>
        tpu.enqueue_indirect_dma source(%dma_start3A_1158 : memref<128x64xbf16, #tpu.memory_space<vmem>>) target(%dma_start3A_1164 : memref<31744x64xbf16, #tpu.memory_space<vmem_shared>>) offsets(%dma_start3A_1161 : memref<128xi32, #tpu.memory_space<vmem>>) semaphore(%run_scoped3A_1154 : memref<!tpu.dma_semaphore, #tpu.memory_space<semaphore_mem>>) {add = true}
        %dma_wait3A_1165 = arith.constant 0 : i32
        %dma_wait3A_1166 = arith.constant 0 : i32
        %dma_wait3A_1167 = tpu.memref_slice %arg10[%run_scoped3A_1076, %dma_wait3A_1165, %dma_wait3A_1166] : memref<4x128x64xbf16, #tpu.memory_space<vmem>> -> memref<1x128x64xbf16, #tpu.memory_space<vmem>>
        %dma_wait3A_1168 = tpu.memref_squeeze %dma_wait3A_1167 : memref<1x128x64xbf16, #tpu.memory_space<vmem>> -> memref<128x64xbf16, #tpu.memory_space<vmem>>
        %dma_wait3A_1169 = arith.constant 0 : i32
        %dma_wait3A_1170 = tpu.memref_slice %arg8[%add3A_1075, %dma_wait3A_1169] : memref<124x128xi32, #tpu.memory_space<vmem>> -> memref<1x128xi32, #tpu.memory_space<vmem>>
        %dma_wait3A_1171 = tpu.memref_squeeze %dma_wait3A_1170 : memref<1x128xi32, #tpu.memory_space<vmem>> -> memref<128xi32, #tpu.memory_space<vmem>>
        %dma_wait3A_1172 = arith.constant 0 : i32
        %dma_wait3A_1173 = arith.constant 0 : i32
        %dma_wait3A_1174 = tpu.memref_slice %arg11[%dma_wait3A_1172, %dma_wait3A_1173] : memref<31744x64xbf16, #tpu.memory_space<vmem_shared>> -> memref<31744x64xbf16, #tpu.memory_space<vmem_shared>>
        tpu.wait_indirect_dma semaphore(%run_scoped3A_1154 : memref<!tpu.dma_semaphore, #tpu.memory_space<semaphore_mem>>) src(%dma_wait3A_1168 : memref<128x64xbf16, #tpu.memory_space<vmem>>) dst(%dma_wait3A_1174 : memref<31744x64xbf16, #tpu.memory_space<vmem_shared>>)
        tpu.yield
      }) : () -> ()
      %add3A_1077 = arith.constant 2 : i32
      %add3A_1078 = arith.addi %add3A_1070, %add3A_1077 : i32
      %run_scoped3A_1079 = arith.constant 2 : i32
      "tpu.region"() ({
        %run_scoped3A_1154 = tpu.sem_alloc : memref<!tpu.dma_semaphore, #tpu.memory_space<semaphore_mem>>
        %dma_start3A_1155 = arith.constant 0 : i32
        %dma_start3A_1156 = arith.constant 0 : i32
        %dma_start3A_1157 = tpu.memref_slice %arg10[%run_scoped3A_1079, %dma_start3A_1155, %dma_start3A_1156] : memref<4x128x64xbf16, #tpu.memory_space<vmem>> -> memref<1x128x64xbf16, #tpu.memory_space<vmem>>
        %dma_start3A_1158 = tpu.memref_squeeze %dma_start3A_1157 : memref<1x128x64xbf16, #tpu.memory_space<vmem>> -> memref<128x64xbf16, #tpu.memory_space<vmem>>
        %dma_start3A_1159 = arith.constant 0 : i32
        %dma_start3A_1160 = tpu.memref_slice %arg8[%add3A_1078, %dma_start3A_1159] : memref<124x128xi32, #tpu.memory_space<vmem>> -> memref<1x128xi32, #tpu.memory_space<vmem>>
        %dma_start3A_1161 = tpu.memref_squeeze %dma_start3A_1160 : memref<1x128xi32, #tpu.memory_space<vmem>> -> memref<128xi32, #tpu.memory_space<vmem>>
        %dma_start3A_1162 = arith.constant 0 : i32
        %dma_start3A_1163 = arith.constant 0 : i32
        %dma_start3A_1164 = tpu.memref_slice %arg11[%dma_start3A_1162, %dma_start3A_1163] : memref<31744x64xbf16, #tpu.memory_space<vmem_shared>> -> memref<31744x64xbf16, #tpu.memory_space<vmem_shared>>
        tpu.enqueue_indirect_dma source(%dma_start3A_1158 : memref<128x64xbf16, #tpu.memory_space<vmem>>) target(%dma_start3A_1164 : memref<31744x64xbf16, #tpu.memory_space<vmem_shared>>) offsets(%dma_start3A_1161 : memref<128xi32, #tpu.memory_space<vmem>>) semaphore(%run_scoped3A_1154 : memref<!tpu.dma_semaphore, #tpu.memory_space<semaphore_mem>>) {add = true}
        %dma_wait3A_1165 = arith.constant 0 : i32
        %dma_wait3A_1166 = arith.constant 0 : i32
        %dma_wait3A_1167 = tpu.memref_slice %arg10[%run_scoped3A_1079, %dma_wait3A_1165, %dma_wait3A_1166] : memref<4x128x64xbf16, #tpu.memory_space<vmem>> -> memref<1x128x64xbf16, #tpu.memory_space<vmem>>
        %dma_wait3A_1168 = tpu.memref_squeeze %dma_wait3A_1167 : memref<1x128x64xbf16, #tpu.memory_space<vmem>> -> memref<128x64xbf16, #tpu.memory_space<vmem>>
        %dma_wait3A_1169 = arith.constant 0 : i32
        %dma_wait3A_1170 = tpu.memref_slice %arg8[%add3A_1078, %dma_wait3A_1169] : memref<124x128xi32, #tpu.memory_space<vmem>> -> memref<1x128xi32, #tpu.memory_space<vmem>>
        %dma_wait3A_1171 = tpu.memref_squeeze %dma_wait3A_1170 : memref<1x128xi32, #tpu.memory_space<vmem>> -> memref<128xi32, #tpu.memory_space<vmem>>
        %dma_wait3A_1172 = arith.constant 0 : i32
        %dma_wait3A_1173 = arith.constant 0 : i32
        %dma_wait3A_1174 = tpu.memref_slice %arg11[%dma_wait3A_1172, %dma_wait3A_1173] : memref<31744x64xbf16, #tpu.memory_space<vmem_shared>> -> memref<31744x64xbf16, #tpu.memory_space<vmem_shared>>
        tpu.wait_indirect_dma semaphore(%run_scoped3A_1154 : memref<!tpu.dma_semaphore, #tpu.memory_space<semaphore_mem>>) src(%dma_wait3A_1168 : memref<128x64xbf16, #tpu.memory_space<vmem>>) dst(%dma_wait3A_1174 : memref<31744x64xbf16, #tpu.memory_space<vmem_shared>>)
        tpu.yield
      }) : () -> ()
      %add3A_1080 = arith.constant 3 : i32
      %add3A_1081 = arith.addi %add3A_1070, %add3A_1080 : i32
      %run_scoped3A_1082 = arith.constant 3 : i32
      "tpu.region"() ({
        %run_scoped3A_1154 = tpu.sem_alloc : memref<!tpu.dma_semaphore, #tpu.memory_space<semaphore_mem>>
        %dma_start3A_1155 = arith.constant 0 : i32
        %dma_start3A_1156 = arith.constant 0 : i32
        %dma_start3A_1157 = tpu.memref_slice %arg10[%run_scoped3A_1082, %dma_start3A_1155, %dma_start3A_1156] : memref<4x128x64xbf16, #tpu.memory_space<vmem>> -> memref<1x128x64xbf16, #tpu.memory_space<vmem>>
        %dma_start3A_1158 = tpu.memref_squeeze %dma_start3A_1157 : memref<1x128x64xbf16, #tpu.memory_space<vmem>> -> memref<128x64xbf16, #tpu.memory_space<vmem>>
        %dma_start3A_1159 = arith.constant 0 : i32
        %dma_start3A_1160 = tpu.memref_slice %arg8[%add3A_1081, %dma_start3A_1159] : memref<124x128xi32, #tpu.memory_space<vmem>> -> memref<1x128xi32, #tpu.memory_space<vmem>>
        %dma_start3A_1161 = tpu.memref_squeeze %dma_start3A_1160 : memref<1x128xi32, #tpu.memory_space<vmem>> -> memref<128xi32, #tpu.memory_space<vmem>>
        %dma_start3A_1162 = arith.constant 0 : i32
        %dma_start3A_1163 = arith.constant 0 : i32
        %dma_start3A_1164 = tpu.memref_slice %arg11[%dma_start3A_1162, %dma_start3A_1163] : memref<31744x64xbf16, #tpu.memory_space<vmem_shared>> -> memref<31744x64xbf16, #tpu.memory_space<vmem_shared>>
        tpu.enqueue_indirect_dma source(%dma_start3A_1158 : memref<128x64xbf16, #tpu.memory_space<vmem>>) target(%dma_start3A_1164 : memref<31744x64xbf16, #tpu.memory_space<vmem_shared>>) offsets(%dma_start3A_1161 : memref<128xi32, #tpu.memory_space<vmem>>) semaphore(%run_scoped3A_1154 : memref<!tpu.dma_semaphore, #tpu.memory_space<semaphore_mem>>) {add = true}
        %dma_wait3A_1165 = arith.constant 0 : i32
        %dma_wait3A_1166 = arith.constant 0 : i32
        %dma_wait3A_1167 = tpu.memref_slice %arg10[%run_scoped3A_1082, %dma_wait3A_1165, %dma_wait3A_1166] : memref<4x128x64xbf16, #tpu.memory_space<vmem>> -> memref<1x128x64xbf16, #tpu.memory_space<vmem>>
        %dma_wait3A_1168 = tpu.memref_squeeze %dma_wait3A_1167 : memref<1x128x64xbf16, #tpu.memory_space<vmem>> -> memref<128x64xbf16, #tpu.memory_space<vmem>>
        %dma_wait3A_1169 = arith.constant 0 : i32
        %dma_wait3A_1170 = tpu.memref_slice %arg8[%add3A_1081, %dma_wait3A_1169] : memref<124x128xi32, #tpu.memory_space<vmem>> -> memref<1x128xi32, #tpu.memory_space<vmem>>
        %dma_wait3A_1171 = tpu.memref_squeeze %dma_wait3A_1170 : memref<1x128xi32, #tpu.memory_space<vmem>> -> memref<128xi32, #tpu.memory_space<vmem>>
        %dma_wait3A_1172 = arith.constant 0 : i32
        %dma_wait3A_1173 = arith.constant 0 : i32
        %dma_wait3A_1174 = tpu.memref_slice %arg11[%dma_wait3A_1172, %dma_wait3A_1173] : memref<31744x64xbf16, #tpu.memory_space<vmem_shared>> -> memref<31744x64xbf16, #tpu.memory_space<vmem_shared>>
        tpu.wait_indirect_dma semaphore(%run_scoped3A_1154 : memref<!tpu.dma_semaphore, #tpu.memory_space<semaphore_mem>>) src(%dma_wait3A_1168 : memref<128x64xbf16, #tpu.memory_space<vmem>>) dst(%dma_wait3A_1174 : memref<31744x64xbf16, #tpu.memory_space<vmem_shared>>)
        tpu.yield
      }) : () -> ()
      %add3A_1083 = arith.constant 12 : i32
      %add3A_1084 = arith.addi %mul3A_874, %add3A_1083 : i32
      %add3A_1085 = arith.constant 0 : i32
      %add3A_1086 = arith.addi %add3A_1084, %add3A_1085 : i32
      %dma_start3A_1087 = arith.constant 0 : i32
      %dma_start3A_1088 = arith.constant 0 : i32
      %dma_start3A_1089 = arith.constant 0 : i32
      %dma_start3A_1090 = tpu.memref_slice %arg10[%dma_start3A_1087, %dma_start3A_1088, %dma_start3A_1089] : memref<4x128x64xbf16, #tpu.memory_space<vmem>> -> memref<1x128x64xbf16, #tpu.memory_space<vmem>>
      %dma_start3A_1091 = tpu.memref_squeeze %dma_start3A_1090 : memref<1x128x64xbf16, #tpu.memory_space<vmem>> -> memref<128x64xbf16, #tpu.memory_space<vmem>>
      %dma_start3A_1092 = arith.constant 0 : i32
      %dma_start3A_1093 = tpu.memref_slice %arg7[%add3A_1086, %dma_start3A_1092] : memref<124x128xi32, #tpu.memory_space<vmem>> -> memref<1x128xi32, #tpu.memory_space<vmem>>
      %dma_start3A_1094 = tpu.memref_squeeze %dma_start3A_1093 : memref<1x128xi32, #tpu.memory_space<vmem>> -> memref<128xi32, #tpu.memory_space<vmem>>
      %dma_start3A_1095 = arith.constant 0 : i32
      %dma_start3A_1096 = arith.constant 0 : i32
      %dma_start3A_1097 = tpu.memref_slice %arg4[%arg0, %dma_start3A_1095, %dma_start3A_1096] : memref<2x31744x64xbf16, #tpu.memory_space<hbm>> -> memref<1x31744x64xbf16, #tpu.memory_space<hbm>>
      %dma_start3A_1098 = tpu.memref_squeeze %dma_start3A_1097 : memref<1x31744x64xbf16, #tpu.memory_space<hbm>> -> memref<31744x64xbf16, #tpu.memory_space<hbm>>
      %dma_start3A_1099 = arith.constant 0 : i32
      %dma_start3A_1100 = arith.constant 0 : i32
      %dma_start3A_1101 = tpu.memref_slice %dma_start3A_1098[%dma_start3A_1099, %dma_start3A_1100] : memref<31744x64xbf16, #tpu.memory_space<hbm>> -> memref<31744x64xbf16, #tpu.memory_space<hbm>>
      tpu.enqueue_indirect_dma source(%dma_start3A_1101 : memref<31744x64xbf16, #tpu.memory_space<hbm>>) target(%dma_start3A_1091 : memref<128x64xbf16, #tpu.memory_space<vmem>>) offsets(%dma_start3A_1094 : memref<128xi32, #tpu.memory_space<vmem>>) semaphore(%arg13 : memref<!tpu.dma_semaphore, #tpu.memory_space<semaphore_mem>>)
      %add3A_1102 = arith.constant 1 : i32
      %add3A_1103 = arith.addi %add3A_1084, %add3A_1102 : i32
      %dma_start3A_1104 = arith.constant 1 : i32
      %dma_start3A_1105 = arith.constant 0 : i32
      %dma_start3A_1106 = arith.constant 0 : i32
      %dma_start3A_1107 = tpu.memref_slice %arg10[%dma_start3A_1104, %dma_start3A_1105, %dma_start3A_1106] : memref<4x128x64xbf16, #tpu.memory_space<vmem>> -> memref<1x128x64xbf16, #tpu.memory_space<vmem>>
      %dma_start3A_1108 = tpu.memref_squeeze %dma_start3A_1107 : memref<1x128x64xbf16, #tpu.memory_space<vmem>> -> memref<128x64xbf16, #tpu.memory_space<vmem>>
      %dma_start3A_1109 = arith.constant 0 : i32
      %dma_start3A_1110 = tpu.memref_slice %arg7[%add3A_1103, %dma_start3A_1109] : memref<124x128xi32, #tpu.memory_space<vmem>> -> memref<1x128xi32, #tpu.memory_space<vmem>>
      %dma_start3A_1111 = tpu.memref_squeeze %dma_start3A_1110 : memref<1x128xi32, #tpu.memory_space<vmem>> -> memref<128xi32, #tpu.memory_space<vmem>>
      %dma_start3A_1112 = arith.constant 0 : i32
      %dma_start3A_1113 = arith.constant 0 : i32
      %dma_start3A_1114 = tpu.memref_slice %arg4[%arg0, %dma_start3A_1112, %dma_start3A_1113] : memref<2x31744x64xbf16, #tpu.memory_space<hbm>> -> memref<1x31744x64xbf16, #tpu.memory_space<hbm>>
      %dma_start3A_1115 = tpu.memref_squeeze %dma_start3A_1114 : memref<1x31744x64xbf16, #tpu.memory_space<hbm>> -> memref<31744x64xbf16, #tpu.memory_space<hbm>>
      %dma_start3A_1116 = arith.constant 0 : i32
      %dma_start3A_1117 = arith.constant 0 : i32
      %dma_start3A_1118 = tpu.memref_slice %dma_start3A_1115[%dma_start3A_1116, %dma_start3A_1117] : memref<31744x64xbf16, #tpu.memory_space<hbm>> -> memref<31744x64xbf16, #tpu.memory_space<hbm>>
      tpu.enqueue_indirect_dma source(%dma_start3A_1118 : memref<31744x64xbf16, #tpu.memory_space<hbm>>) target(%dma_start3A_1108 : memref<128x64xbf16, #tpu.memory_space<vmem>>) offsets(%dma_start3A_1111 : memref<128xi32, #tpu.memory_space<vmem>>) semaphore(%arg13 : memref<!tpu.dma_semaphore, #tpu.memory_space<semaphore_mem>>)
      %add3A_1119 = arith.constant 2 : i32
      %add3A_1120 = arith.addi %add3A_1084, %add3A_1119 : i32
      %dma_start3A_1121 = arith.constant 2 : i32
      %dma_start3A_1122 = arith.constant 0 : i32
      %dma_start3A_1123 = arith.constant 0 : i32
      %dma_start3A_1124 = tpu.memref_slice %arg10[%dma_start3A_1121, %dma_start3A_1122, %dma_start3A_1123] : memref<4x128x64xbf16, #tpu.memory_space<vmem>> -> memref<1x128x64xbf16, #tpu.memory_space<vmem>>
      %dma_start3A_1125 = tpu.memref_squeeze %dma_start3A_1124 : memref<1x128x64xbf16, #tpu.memory_space<vmem>> -> memref<128x64xbf16, #tpu.memory_space<vmem>>
      %dma_start3A_1126 = arith.constant 0 : i32
      %dma_start3A_1127 = tpu.memref_slice %arg7[%add3A_1120, %dma_start3A_1126] : memref<124x128xi32, #tpu.memory_space<vmem>> -> memref<1x128xi32, #tpu.memory_space<vmem>>
      %dma_start3A_1128 = tpu.memref_squeeze %dma_start3A_1127 : memref<1x128xi32, #tpu.memory_space<vmem>> -> memref<128xi32, #tpu.memory_space<vmem>>
      %dma_start3A_1129 = arith.constant 0 : i32
      %dma_start3A_1130 = arith.constant 0 : i32
      %dma_start3A_1131 = tpu.memref_slice %arg4[%arg0, %dma_start3A_1129, %dma_start3A_1130] : memref<2x31744x64xbf16, #tpu.memory_space<hbm>> -> memref<1x31744x64xbf16, #tpu.memory_space<hbm>>
      %dma_start3A_1132 = tpu.memref_squeeze %dma_start3A_1131 : memref<1x31744x64xbf16, #tpu.memory_space<hbm>> -> memref<31744x64xbf16, #tpu.memory_space<hbm>>
      %dma_start3A_1133 = arith.constant 0 : i32
      %dma_start3A_1134 = arith.constant 0 : i32
      %dma_start3A_1135 = tpu.memref_slice %dma_start3A_1132[%dma_start3A_1133, %dma_start3A_1134] : memref<31744x64xbf16, #tpu.memory_space<hbm>> -> memref<31744x64xbf16, #tpu.memory_space<hbm>>
      tpu.enqueue_indirect_dma source(%dma_start3A_1135 : memref<31744x64xbf16, #tpu.memory_space<hbm>>) target(%dma_start3A_1125 : memref<128x64xbf16, #tpu.memory_space<vmem>>) offsets(%dma_start3A_1128 : memref<128xi32, #tpu.memory_space<vmem>>) semaphore(%arg13 : memref<!tpu.dma_semaphore, #tpu.memory_space<semaphore_mem>>)
      %add3A_1136 = arith.constant 3 : i32
      %add3A_1137 = arith.addi %add3A_1084, %add3A_1136 : i32
      %dma_start3A_1138 = arith.constant 3 : i32
      %dma_start3A_1139 = arith.constant 0 : i32
      %dma_start3A_1140 = arith.constant 0 : i32
      %dma_start3A_1141 = tpu.memref_slice %arg10[%dma_start3A_1138, %dma_start3A_1139, %dma_start3A_1140] : memref<4x128x64xbf16, #tpu.memory_space<vmem>> -> memref<1x128x64xbf16, #tpu.memory_space<vmem>>
      %dma_start3A_1142 = tpu.memref_squeeze %dma_start3A_1141 : memref<1x128x64xbf16, #tpu.memory_space<vmem>> -> memref<128x64xbf16, #tpu.memory_space<vmem>>
      %dma_start3A_1143 = arith.constant 0 : i32
      %dma_start3A_1144 = tpu.memref_slice %arg7[%add3A_1137, %dma_start3A_1143] : memref<124x128xi32, #tpu.memory_space<vmem>> -> memref<1x128xi32, #tpu.memory_space<vmem>>
      %dma_start3A_1145 = tpu.memref_squeeze %dma_start3A_1144 : memref<1x128xi32, #tpu.memory_space<vmem>> -> memref<128xi32, #tpu.memory_space<vmem>>
      %dma_start3A_1146 = arith.constant 0 : i32
      %dma_start3A_1147 = arith.constant 0 : i32
      %dma_start3A_1148 = tpu.memref_slice %arg4[%arg0, %dma_start3A_1146, %dma_start3A_1147] : memref<2x31744x64xbf16, #tpu.memory_space<hbm>> -> memref<1x31744x64xbf16, #tpu.memory_space<hbm>>
      %dma_start3A_1149 = tpu.memref_squeeze %dma_start3A_1148 : memref<1x31744x64xbf16, #tpu.memory_space<hbm>> -> memref<31744x64xbf16, #tpu.memory_space<hbm>>
      %dma_start3A_1150 = arith.constant 0 : i32
      %dma_start3A_1151 = arith.constant 0 : i32
      %dma_start3A_1152 = tpu.memref_slice %dma_start3A_1149[%dma_start3A_1150, %dma_start3A_1151] : memref<31744x64xbf16, #tpu.memory_space<hbm>> -> memref<31744x64xbf16, #tpu.memory_space<hbm>>
      tpu.enqueue_indirect_dma source(%dma_start3A_1152 : memref<31744x64xbf16, #tpu.memory_space<hbm>>) target(%dma_start3A_1142 : memref<128x64xbf16, #tpu.memory_space<vmem>>) offsets(%dma_start3A_1145 : memref<128xi32, #tpu.memory_space<vmem>>) semaphore(%arg13 : memref<!tpu.dma_semaphore, #tpu.memory_space<semaphore_mem>>)
      %scan3A_1153 = arith.constant 0 : i32
      scf.yield %scan3A_1153 : i32
    }
    %scan3A_152 = arith.constant 14 : i32
    %dma_wait3A = arith.constant 0 : i32
    %dma_wait3A_153 = arith.constant 0 : i32
    %dma_wait3A_154 = arith.constant 0 : i32
    %dma_wait3A_155 = arith.constant 0 : i32
    %dma_wait3A_156 = tpu.memref_slice %arg9[%dma_wait3A_153, %dma_wait3A_154, %dma_wait3A_155] : memref<4x128x64xbf16, #tpu.memory_space<vmem>> -> memref<1x128x64xbf16, #tpu.memory_space<vmem>>
    %dma_wait3A_157 = tpu.memref_squeeze %dma_wait3A_156 : memref<1x128x64xbf16, #tpu.memory_space<vmem>> -> memref<128x64xbf16, #tpu.memory_space<vmem>>
    %dma_wait3A_158 = arith.constant 0 : i32
    %dma_wait3A_159 = tpu.memref_slice %arg7[%dma_wait3A, %dma_wait3A_158] : memref<124x128xi32, #tpu.memory_space<vmem>> -> memref<1x128xi32, #tpu.memory_space<vmem>>
    %dma_wait3A_160 = tpu.memref_squeeze %dma_wait3A_159 : memref<1x128xi32, #tpu.memory_space<vmem>> -> memref<128xi32, #tpu.memory_space<vmem>>
    %dma_wait3A_161 = arith.constant 0 : i32
    %dma_wait3A_162 = arith.constant 0 : i32
    %dma_wait3A_163 = tpu.memref_slice %arg4[%arg0, %dma_wait3A_161, %dma_wait3A_162] : memref<2x31744x64xbf16, #tpu.memory_space<hbm>> -> memref<1x31744x64xbf16, #tpu.memory_space<hbm>>
    %dma_wait3A_164 = tpu.memref_squeeze %dma_wait3A_163 : memref<1x31744x64xbf16, #tpu.memory_space<hbm>> -> memref<31744x64xbf16, #tpu.memory_space<hbm>>
    %dma_wait3A_165 = arith.constant 0 : i32
    %dma_wait3A_166 = arith.constant 0 : i32
    %dma_wait3A_167 = tpu.memref_slice %dma_wait3A_164[%dma_wait3A_165, %dma_wait3A_166] : memref<31744x64xbf16, #tpu.memory_space<hbm>> -> memref<31744x64xbf16, #tpu.memory_space<hbm>>
    tpu.wait_indirect_dma semaphore(%arg12 : memref<!tpu.dma_semaphore, #tpu.memory_space<semaphore_mem>>) src(%dma_wait3A_167 : memref<31744x64xbf16, #tpu.memory_space<hbm>>) dst(%dma_wait3A_157 : memref<128x64xbf16, #tpu.memory_space<vmem>>)
    %dma_wait3A_168 = arith.constant 1 : i32
    %dma_wait3A_169 = arith.constant 1 : i32
    %dma_wait3A_170 = arith.constant 0 : i32
    %dma_wait3A_171 = arith.constant 0 : i32
    %dma_wait3A_172 = tpu.memref_slice %arg9[%dma_wait3A_169, %dma_wait3A_170, %dma_wait3A_171] : memref<4x128x64xbf16, #tpu.memory_space<vmem>> -> memref<1x128x64xbf16, #tpu.memory_space<vmem>>
    %dma_wait3A_173 = tpu.memref_squeeze %dma_wait3A_172 : memref<1x128x64xbf16, #tpu.memory_space<vmem>> -> memref<128x64xbf16, #tpu.memory_space<vmem>>
    %dma_wait3A_174 = arith.constant 0 : i32
    %dma_wait3A_175 = tpu.memref_slice %arg7[%dma_wait3A_168, %dma_wait3A_174] : memref<124x128xi32, #tpu.memory_space<vmem>> -> memref<1x128xi32, #tpu.memory_space<vmem>>
    %dma_wait3A_176 = tpu.memref_squeeze %dma_wait3A_175 : memref<1x128xi32, #tpu.memory_space<vmem>> -> memref<128xi32, #tpu.memory_space<vmem>>
    %dma_wait3A_177 = arith.constant 0 : i32
    %dma_wait3A_178 = arith.constant 0 : i32
    %dma_wait3A_179 = tpu.memref_slice %arg4[%arg0, %dma_wait3A_177, %dma_wait3A_178] : memref<2x31744x64xbf16, #tpu.memory_space<hbm>> -> memref<1x31744x64xbf16, #tpu.memory_space<hbm>>
    %dma_wait3A_180 = tpu.memref_squeeze %dma_wait3A_179 : memref<1x31744x64xbf16, #tpu.memory_space<hbm>> -> memref<31744x64xbf16, #tpu.memory_space<hbm>>
    %dma_wait3A_181 = arith.constant 0 : i32
    %dma_wait3A_182 = arith.constant 0 : i32
    %dma_wait3A_183 = tpu.memref_slice %dma_wait3A_180[%dma_wait3A_181, %dma_wait3A_182] : memref<31744x64xbf16, #tpu.memory_space<hbm>> -> memref<31744x64xbf16, #tpu.memory_space<hbm>>
    tpu.wait_indirect_dma semaphore(%arg12 : memref<!tpu.dma_semaphore, #tpu.memory_space<semaphore_mem>>) src(%dma_wait3A_183 : memref<31744x64xbf16, #tpu.memory_space<hbm>>) dst(%dma_wait3A_173 : memref<128x64xbf16, #tpu.memory_space<vmem>>)
    %dma_wait3A_184 = arith.constant 2 : i32
    %dma_wait3A_185 = arith.constant 2 : i32
    %dma_wait3A_186 = arith.constant 0 : i32
    %dma_wait3A_187 = arith.constant 0 : i32
    %dma_wait3A_188 = tpu.memref_slice %arg9[%dma_wait3A_185, %dma_wait3A_186, %dma_wait3A_187] : memref<4x128x64xbf16, #tpu.memory_space<vmem>> -> memref<1x128x64xbf16, #tpu.memory_space<vmem>>
    %dma_wait3A_189 = tpu.memref_squeeze %dma_wait3A_188 : memref<1x128x64xbf16, #tpu.memory_space<vmem>> -> memref<128x64xbf16, #tpu.memory_space<vmem>>
    %dma_wait3A_190 = arith.constant 0 : i32
    %dma_wait3A_191 = tpu.memref_slice %arg7[%dma_wait3A_184, %dma_wait3A_190] : memref<124x128xi32, #tpu.memory_space<vmem>> -> memref<1x128xi32, #tpu.memory_space<vmem>>
    %dma_wait3A_192 = tpu.memref_squeeze %dma_wait3A_191 : memref<1x128xi32, #tpu.memory_space<vmem>> -> memref<128xi32, #tpu.memory_space<vmem>>
    %dma_wait3A_193 = arith.constant 0 : i32
    %dma_wait3A_194 = arith.constant 0 : i32
    %dma_wait3A_195 = tpu.memref_slice %arg4[%arg0, %dma_wait3A_193, %dma_wait3A_194] : memref<2x31744x64xbf16, #tpu.memory_space<hbm>> -> memref<1x31744x64xbf16, #tpu.memory_space<hbm>>
    %dma_wait3A_196 = tpu.memref_squeeze %dma_wait3A_195 : memref<1x31744x64xbf16, #tpu.memory_space<hbm>> -> memref<31744x64xbf16, #tpu.memory_space<hbm>>
    %dma_wait3A_197 = arith.constant 0 : i32
    %dma_wait3A_198 = arith.constant 0 : i32
    %dma_wait3A_199 = tpu.memref_slice %dma_wait3A_196[%dma_wait3A_197, %dma_wait3A_198] : memref<31744x64xbf16, #tpu.memory_space<hbm>> -> memref<31744x64xbf16, #tpu.memory_space<hbm>>
    tpu.wait_indirect_dma semaphore(%arg12 : memref<!tpu.dma_semaphore, #tpu.memory_space<semaphore_mem>>) src(%dma_wait3A_199 : memref<31744x64xbf16, #tpu.memory_space<hbm>>) dst(%dma_wait3A_189 : memref<128x64xbf16, #tpu.memory_space<vmem>>)
    %dma_wait3A_200 = arith.constant 3 : i32
    %dma_wait3A_201 = arith.constant 3 : i32
    %dma_wait3A_202 = arith.constant 0 : i32
    %dma_wait3A_203 = arith.constant 0 : i32
    %dma_wait3A_204 = tpu.memref_slice %arg9[%dma_wait3A_201, %dma_wait3A_202, %dma_wait3A_203] : memref<4x128x64xbf16, #tpu.memory_space<vmem>> -> memref<1x128x64xbf16, #tpu.memory_space<vmem>>
    %dma_wait3A_205 = tpu.memref_squeeze %dma_wait3A_204 : memref<1x128x64xbf16, #tpu.memory_space<vmem>> -> memref<128x64xbf16, #tpu.memory_space<vmem>>
    %dma_wait3A_206 = arith.constant 0 : i32
    %dma_wait3A_207 = tpu.memref_slice %arg7[%dma_wait3A_200, %dma_wait3A_206] : memref<124x128xi32, #tpu.memory_space<vmem>> -> memref<1x128xi32, #tpu.memory_space<vmem>>
    %dma_wait3A_208 = tpu.memref_squeeze %dma_wait3A_207 : memref<1x128xi32, #tpu.memory_space<vmem>> -> memref<128xi32, #tpu.memory_space<vmem>>
    %dma_wait3A_209 = arith.constant 0 : i32
    %dma_wait3A_210 = arith.constant 0 : i32
    %dma_wait3A_211 = tpu.memref_slice %arg4[%arg0, %dma_wait3A_209, %dma_wait3A_210] : memref<2x31744x64xbf16, #tpu.memory_space<hbm>> -> memref<1x31744x64xbf16, #tpu.memory_space<hbm>>
    %dma_wait3A_212 = tpu.memref_squeeze %dma_wait3A_211 : memref<1x31744x64xbf16, #tpu.memory_space<hbm>> -> memref<31744x64xbf16, #tpu.memory_space<hbm>>
    %dma_wait3A_213 = arith.constant 0 : i32
    %dma_wait3A_214 = arith.constant 0 : i32
    %dma_wait3A_215 = tpu.memref_slice %dma_wait3A_212[%dma_wait3A_213, %dma_wait3A_214] : memref<31744x64xbf16, #tpu.memory_space<hbm>> -> memref<31744x64xbf16, #tpu.memory_space<hbm>>
    tpu.wait_indirect_dma semaphore(%arg12 : memref<!tpu.dma_semaphore, #tpu.memory_space<semaphore_mem>>) src(%dma_wait3A_215 : memref<31744x64xbf16, #tpu.memory_space<hbm>>) dst(%dma_wait3A_205 : memref<128x64xbf16, #tpu.memory_space<vmem>>)
    %run_scoped3A = arith.constant 0 : i32
    %run_scoped3A_216 = arith.constant 112 : i32
    "tpu.region"() ({
      %run_scoped3A_869 = tpu.sem_alloc : memref<!tpu.dma_semaphore, #tpu.memory_space<semaphore_mem>>
      %dma_start3A_870 = arith.constant 0 : i32
      %dma_start3A_871 = arith.constant 0 : i32
      %dma_start3A_872 = tpu.memref_slice %arg9[%run_scoped3A, %dma_start3A_870, %dma_start3A_871] : memref<4x128x64xbf16, #tpu.memory_space<vmem>> -> memref<1x128x64xbf16, #tpu.memory_space<vmem>>
      %dma_start3A_873 = tpu.memref_squeeze %dma_start3A_872 : memref<1x128x64xbf16, #tpu.memory_space<vmem>> -> memref<128x64xbf16, #tpu.memory_space<vmem>>
      %dma_start3A_874 = arith.constant 0 : i32
      %dma_start3A_875 = tpu.memref_slice %arg8[%run_scoped3A_216, %dma_start3A_874] : memref<124x128xi32, #tpu.memory_space<vmem>> -> memref<1x128xi32, #tpu.memory_space<vmem>>
      %dma_start3A_876 = tpu.memref_squeeze %dma_start3A_875 : memref<1x128xi32, #tpu.memory_space<vmem>> -> memref<128xi32, #tpu.memory_space<vmem>>
      %dma_start3A_877 = arith.constant 0 : i32
      %dma_start3A_878 = arith.constant 0 : i32
      %dma_start3A_879 = tpu.memref_slice %arg11[%dma_start3A_877, %dma_start3A_878] : memref<31744x64xbf16, #tpu.memory_space<vmem_shared>> -> memref<31744x64xbf16, #tpu.memory_space<vmem_shared>>
      tpu.enqueue_indirect_dma source(%dma_start3A_873 : memref<128x64xbf16, #tpu.memory_space<vmem>>) target(%dma_start3A_879 : memref<31744x64xbf16, #tpu.memory_space<vmem_shared>>) offsets(%dma_start3A_876 : memref<128xi32, #tpu.memory_space<vmem>>) semaphore(%run_scoped3A_869 : memref<!tpu.dma_semaphore, #tpu.memory_space<semaphore_mem>>) {add = true}
      %dma_wait3A_880 = arith.constant 0 : i32
      %dma_wait3A_881 = arith.constant 0 : i32
      %dma_wait3A_882 = tpu.memref_slice %arg9[%run_scoped3A, %dma_wait3A_880, %dma_wait3A_881] : memref<4x128x64xbf16, #tpu.memory_space<vmem>> -> memref<1x128x64xbf16, #tpu.memory_space<vmem>>
      %dma_wait3A_883 = tpu.memref_squeeze %dma_wait3A_882 : memref<1x128x64xbf16, #tpu.memory_space<vmem>> -> memref<128x64xbf16, #tpu.memory_space<vmem>>
      %dma_wait3A_884 = arith.constant 0 : i32
      %dma_wait3A_885 = tpu.memref_slice %arg8[%run_scoped3A_216, %dma_wait3A_884] : memref<124x128xi32, #tpu.memory_space<vmem>> -> memref<1x128xi32, #tpu.memory_space<vmem>>
      %dma_wait3A_886 = tpu.memref_squeeze %dma_wait3A_885 : memref<1x128xi32, #tpu.memory_space<vmem>> -> memref<128xi32, #tpu.memory_space<vmem>>
      %dma_wait3A_887 = arith.constant 0 : i32
      %dma_wait3A_888 = arith.constant 0 : i32
      %dma_wait3A_889 = tpu.memref_slice %arg11[%dma_wait3A_887, %dma_wait3A_888] : memref<31744x64xbf16, #tpu.memory_space<vmem_shared>> -> memref<31744x64xbf16, #tpu.memory_space<vmem_shared>>
      tpu.wait_indirect_dma semaphore(%run_scoped3A_869 : memref<!tpu.dma_semaphore, #tpu.memory_space<semaphore_mem>>) src(%dma_wait3A_883 : memref<128x64xbf16, #tpu.memory_space<vmem>>) dst(%dma_wait3A_889 : memref<31744x64xbf16, #tpu.memory_space<vmem_shared>>)
      tpu.yield
    }) : () -> ()
    %run_scoped3A_217 = arith.constant 1 : i32
    %run_scoped3A_218 = arith.constant 113 : i32
    "tpu.region"() ({
      %run_scoped3A_869 = tpu.sem_alloc : memref<!tpu.dma_semaphore, #tpu.memory_space<semaphore_mem>>
      %dma_start3A_870 = arith.constant 0 : i32
      %dma_start3A_871 = arith.constant 0 : i32
      %dma_start3A_872 = tpu.memref_slice %arg9[%run_scoped3A_217, %dma_start3A_870, %dma_start3A_871] : memref<4x128x64xbf16, #tpu.memory_space<vmem>> -> memref<1x128x64xbf16, #tpu.memory_space<vmem>>
      %dma_start3A_873 = tpu.memref_squeeze %dma_start3A_872 : memref<1x128x64xbf16, #tpu.memory_space<vmem>> -> memref<128x64xbf16, #tpu.memory_space<vmem>>
      %dma_start3A_874 = arith.constant 0 : i32
      %dma_start3A_875 = tpu.memref_slice %arg8[%run_scoped3A_218, %dma_start3A_874] : memref<124x128xi32, #tpu.memory_space<vmem>> -> memref<1x128xi32, #tpu.memory_space<vmem>>
      %dma_start3A_876 = tpu.memref_squeeze %dma_start3A_875 : memref<1x128xi32, #tpu.memory_space<vmem>> -> memref<128xi32, #tpu.memory_space<vmem>>
      %dma_start3A_877 = arith.constant 0 : i32
      %dma_start3A_878 = arith.constant 0 : i32
      %dma_start3A_879 = tpu.memref_slice %arg11[%dma_start3A_877, %dma_start3A_878] : memref<31744x64xbf16, #tpu.memory_space<vmem_shared>> -> memref<31744x64xbf16, #tpu.memory_space<vmem_shared>>
      tpu.enqueue_indirect_dma source(%dma_start3A_873 : memref<128x64xbf16, #tpu.memory_space<vmem>>) target(%dma_start3A_879 : memref<31744x64xbf16, #tpu.memory_space<vmem_shared>>) offsets(%dma_start3A_876 : memref<128xi32, #tpu.memory_space<vmem>>) semaphore(%run_scoped3A_869 : memref<!tpu.dma_semaphore, #tpu.memory_space<semaphore_mem>>) {add = true}
      %dma_wait3A_880 = arith.constant 0 : i32
      %dma_wait3A_881 = arith.constant 0 : i32
      %dma_wait3A_882 = tpu.memref_slice %arg9[%run_scoped3A_217, %dma_wait3A_880, %dma_wait3A_881] : memref<4x128x64xbf16, #tpu.memory_space<vmem>> -> memref<1x128x64xbf16, #tpu.memory_space<vmem>>
      %dma_wait3A_883 = tpu.memref_squeeze %dma_wait3A_882 : memref<1x128x64xbf16, #tpu.memory_space<vmem>> -> memref<128x64xbf16, #tpu.memory_space<vmem>>
      %dma_wait3A_884 = arith.constant 0 : i32
      %dma_wait3A_885 = tpu.memref_slice %arg8[%run_scoped3A_218, %dma_wait3A_884] : memref<124x128xi32, #tpu.memory_space<vmem>> -> memref<1x128xi32, #tpu.memory_space<vmem>>
      %dma_wait3A_886 = tpu.memref_squeeze %dma_wait3A_885 : memref<1x128xi32, #tpu.memory_space<vmem>> -> memref<128xi32, #tpu.memory_space<vmem>>
      %dma_wait3A_887 = arith.constant 0 : i32
      %dma_wait3A_888 = arith.constant 0 : i32
      %dma_wait3A_889 = tpu.memref_slice %arg11[%dma_wait3A_887, %dma_wait3A_888] : memref<31744x64xbf16, #tpu.memory_space<vmem_shared>> -> memref<31744x64xbf16, #tpu.memory_space<vmem_shared>>
      tpu.wait_indirect_dma semaphore(%run_scoped3A_869 : memref<!tpu.dma_semaphore, #tpu.memory_space<semaphore_mem>>) src(%dma_wait3A_883 : memref<128x64xbf16, #tpu.memory_space<vmem>>) dst(%dma_wait3A_889 : memref<31744x64xbf16, #tpu.memory_space<vmem_shared>>)
      tpu.yield
    }) : () -> ()
    %run_scoped3A_219 = arith.constant 2 : i32
    %run_scoped3A_220 = arith.constant 114 : i32
    "tpu.region"() ({
      %run_scoped3A_869 = tpu.sem_alloc : memref<!tpu.dma_semaphore, #tpu.memory_space<semaphore_mem>>
      %dma_start3A_870 = arith.constant 0 : i32
      %dma_start3A_871 = arith.constant 0 : i32
      %dma_start3A_872 = tpu.memref_slice %arg9[%run_scoped3A_219, %dma_start3A_870, %dma_start3A_871] : memref<4x128x64xbf16, #tpu.memory_space<vmem>> -> memref<1x128x64xbf16, #tpu.memory_space<vmem>>
      %dma_start3A_873 = tpu.memref_squeeze %dma_start3A_872 : memref<1x128x64xbf16, #tpu.memory_space<vmem>> -> memref<128x64xbf16, #tpu.memory_space<vmem>>
      %dma_start3A_874 = arith.constant 0 : i32
      %dma_start3A_875 = tpu.memref_slice %arg8[%run_scoped3A_220, %dma_start3A_874] : memref<124x128xi32, #tpu.memory_space<vmem>> -> memref<1x128xi32, #tpu.memory_space<vmem>>
      %dma_start3A_876 = tpu.memref_squeeze %dma_start3A_875 : memref<1x128xi32, #tpu.memory_space<vmem>> -> memref<128xi32, #tpu.memory_space<vmem>>
      %dma_start3A_877 = arith.constant 0 : i32
      %dma_start3A_878 = arith.constant 0 : i32
      %dma_start3A_879 = tpu.memref_slice %arg11[%dma_start3A_877, %dma_start3A_878] : memref<31744x64xbf16, #tpu.memory_space<vmem_shared>> -> memref<31744x64xbf16, #tpu.memory_space<vmem_shared>>
      tpu.enqueue_indirect_dma source(%dma_start3A_873 : memref<128x64xbf16, #tpu.memory_space<vmem>>) target(%dma_start3A_879 : memref<31744x64xbf16, #tpu.memory_space<vmem_shared>>) offsets(%dma_start3A_876 : memref<128xi32, #tpu.memory_space<vmem>>) semaphore(%run_scoped3A_869 : memref<!tpu.dma_semaphore, #tpu.memory_space<semaphore_mem>>) {add = true}
      %dma_wait3A_880 = arith.constant 0 : i32
      %dma_wait3A_881 = arith.constant 0 : i32
      %dma_wait3A_882 = tpu.memref_slice %arg9[%run_scoped3A_219, %dma_wait3A_880, %dma_wait3A_881] : memref<4x128x64xbf16, #tpu.memory_space<vmem>> -> memref<1x128x64xbf16, #tpu.memory_space<vmem>>
      %dma_wait3A_883 = tpu.memref_squeeze %dma_wait3A_882 : memref<1x128x64xbf16, #tpu.memory_space<vmem>> -> memref<128x64xbf16, #tpu.memory_space<vmem>>
      %dma_wait3A_884 = arith.constant 0 : i32
      %dma_wait3A_885 = tpu.memref_slice %arg8[%run_scoped3A_220, %dma_wait3A_884] : memref<124x128xi32, #tpu.memory_space<vmem>> -> memref<1x128xi32, #tpu.memory_space<vmem>>
      %dma_wait3A_886 = tpu.memref_squeeze %dma_wait3A_885 : memref<1x128xi32, #tpu.memory_space<vmem>> -> memref<128xi32, #tpu.memory_space<vmem>>
      %dma_wait3A_887 = arith.constant 0 : i32
      %dma_wait3A_888 = arith.constant 0 : i32
      %dma_wait3A_889 = tpu.memref_slice %arg11[%dma_wait3A_887, %dma_wait3A_888] : memref<31744x64xbf16, #tpu.memory_space<vmem_shared>> -> memref<31744x64xbf16, #tpu.memory_space<vmem_shared>>
      tpu.wait_indirect_dma semaphore(%run_scoped3A_869 : memref<!tpu.dma_semaphore, #tpu.memory_space<semaphore_mem>>) src(%dma_wait3A_883 : memref<128x64xbf16, #tpu.memory_space<vmem>>) dst(%dma_wait3A_889 : memref<31744x64xbf16, #tpu.memory_space<vmem_shared>>)
      tpu.yield
    }) : () -> ()
    %run_scoped3A_221 = arith.constant 3 : i32
    %run_scoped3A_222 = arith.constant 115 : i32
    "tpu.region"() ({
      %run_scoped3A_869 = tpu.sem_alloc : memref<!tpu.dma_semaphore, #tpu.memory_space<semaphore_mem>>
      %dma_start3A_870 = arith.constant 0 : i32
      %dma_start3A_871 = arith.constant 0 : i32
      %dma_start3A_872 = tpu.memref_slice %arg9[%run_scoped3A_221, %dma_start3A_870, %dma_start3A_871] : memref<4x128x64xbf16, #tpu.memory_space<vmem>> -> memref<1x128x64xbf16, #tpu.memory_space<vmem>>
      %dma_start3A_873 = tpu.memref_squeeze %dma_start3A_872 : memref<1x128x64xbf16, #tpu.memory_space<vmem>> -> memref<128x64xbf16, #tpu.memory_space<vmem>>
      %dma_start3A_874 = arith.constant 0 : i32
      %dma_start3A_875 = tpu.memref_slice %arg8[%run_scoped3A_222, %dma_start3A_874] : memref<124x128xi32, #tpu.memory_space<vmem>> -> memref<1x128xi32, #tpu.memory_space<vmem>>
      %dma_start3A_876 = tpu.memref_squeeze %dma_start3A_875 : memref<1x128xi32, #tpu.memory_space<vmem>> -> memref<128xi32, #tpu.memory_space<vmem>>
      %dma_start3A_877 = arith.constant 0 : i32
      %dma_start3A_878 = arith.constant 0 : i32
      %dma_start3A_879 = tpu.memref_slice %arg11[%dma_start3A_877, %dma_start3A_878] : memref<31744x64xbf16, #tpu.memory_space<vmem_shared>> -> memref<31744x64xbf16, #tpu.memory_space<vmem_shared>>
      tpu.enqueue_indirect_dma source(%dma_start3A_873 : memref<128x64xbf16, #tpu.memory_space<vmem>>) target(%dma_start3A_879 : memref<31744x64xbf16, #tpu.memory_space<vmem_shared>>) offsets(%dma_start3A_876 : memref<128xi32, #tpu.memory_space<vmem>>) semaphore(%run_scoped3A_869 : memref<!tpu.dma_semaphore, #tpu.memory_space<semaphore_mem>>) {add = true}
      %dma_wait3A_880 = arith.constant 0 : i32
      %dma_wait3A_881 = arith.constant 0 : i32
      %dma_wait3A_882 = tpu.memref_slice %arg9[%run_scoped3A_221, %dma_wait3A_880, %dma_wait3A_881] : memref<4x128x64xbf16, #tpu.memory_space<vmem>> -> memref<1x128x64xbf16, #tpu.memory_space<vmem>>
      %dma_wait3A_883 = tpu.memref_squeeze %dma_wait3A_882 : memref<1x128x64xbf16, #tpu.memory_space<vmem>> -> memref<128x64xbf16, #tpu.memory_space<vmem>>
      %dma_wait3A_884 = arith.constant 0 : i32
      %dma_wait3A_885 = tpu.memref_slice %arg8[%run_scoped3A_222, %dma_wait3A_884] : memref<124x128xi32, #tpu.memory_space<vmem>> -> memref<1x128xi32, #tpu.memory_space<vmem>>
      %dma_wait3A_886 = tpu.memref_squeeze %dma_wait3A_885 : memref<1x128xi32, #tpu.memory_space<vmem>> -> memref<128xi32, #tpu.memory_space<vmem>>
      %dma_wait3A_887 = arith.constant 0 : i32
      %dma_wait3A_888 = arith.constant 0 : i32
      %dma_wait3A_889 = tpu.memref_slice %arg11[%dma_wait3A_887, %dma_wait3A_888] : memref<31744x64xbf16, #tpu.memory_space<vmem_shared>> -> memref<31744x64xbf16, #tpu.memory_space<vmem_shared>>
      tpu.wait_indirect_dma semaphore(%run_scoped3A_869 : memref<!tpu.dma_semaphore, #tpu.memory_space<semaphore_mem>>) src(%dma_wait3A_883 : memref<128x64xbf16, #tpu.memory_space<vmem>>) dst(%dma_wait3A_889 : memref<31744x64xbf16, #tpu.memory_space<vmem_shared>>)
      tpu.yield
    }) : () -> ()
    %dma_start3A_223 = arith.constant 120 : i32
    %dma_start3A_224 = arith.constant 0 : i32
    %dma_start3A_225 = arith.constant 0 : i32
    %dma_start3A_226 = arith.constant 0 : i32
    %dma_start3A_227 = tpu.memref_slice %arg9[%dma_start3A_224, %dma_start3A_225, %dma_start3A_226] : memref<4x128x64xbf16, #tpu.memory_space<vmem>> -> memref<1x128x64xbf16, #tpu.memory_space<vmem>>
    %dma_start3A_228 = tpu.memref_squeeze %dma_start3A_227 : memref<1x128x64xbf16, #tpu.memory_space<vmem>> -> memref<128x64xbf16, #tpu.memory_space<vmem>>
    %dma_start3A_229 = arith.constant 0 : i32
    %dma_start3A_230 = tpu.memref_slice %arg7[%dma_start3A_223, %dma_start3A_229] : memref<124x128xi32, #tpu.memory_space<vmem>> -> memref<1x128xi32, #tpu.memory_space<vmem>>
    %dma_start3A_231 = tpu.memref_squeeze %dma_start3A_230 : memref<1x128xi32, #tpu.memory_space<vmem>> -> memref<128xi32, #tpu.memory_space<vmem>>
    %dma_start3A_232 = arith.constant 0 : i32
    %dma_start3A_233 = arith.constant 0 : i32
    %dma_start3A_234 = tpu.memref_slice %arg4[%arg0, %dma_start3A_232, %dma_start3A_233] : memref<2x31744x64xbf16, #tpu.memory_space<hbm>> -> memref<1x31744x64xbf16, #tpu.memory_space<hbm>>
    %dma_start3A_235 = tpu.memref_squeeze %dma_start3A_234 : memref<1x31744x64xbf16, #tpu.memory_space<hbm>> -> memref<31744x64xbf16, #tpu.memory_space<hbm>>
    %dma_start3A_236 = arith.constant 0 : i32
    %dma_start3A_237 = arith.constant 0 : i32
    %dma_start3A_238 = tpu.memref_slice %dma_start3A_235[%dma_start3A_236, %dma_start3A_237] : memref<31744x64xbf16, #tpu.memory_space<hbm>> -> memref<31744x64xbf16, #tpu.memory_space<hbm>>
    tpu.enqueue_indirect_dma source(%dma_start3A_238 : memref<31744x64xbf16, #tpu.memory_space<hbm>>) target(%dma_start3A_228 : memref<128x64xbf16, #tpu.memory_space<vmem>>) offsets(%dma_start3A_231 : memref<128xi32, #tpu.memory_space<vmem>>) semaphore(%arg12 : memref<!tpu.dma_semaphore, #tpu.memory_space<semaphore_mem>>)
    %dma_start3A_239 = arith.constant 121 : i32
    %dma_start3A_240 = arith.constant 1 : i32
    %dma_start3A_241 = arith.constant 0 : i32
    %dma_start3A_242 = arith.constant 0 : i32
    %dma_start3A_243 = tpu.memref_slice %arg9[%dma_start3A_240, %dma_start3A_241, %dma_start3A_242] : memref<4x128x64xbf16, #tpu.memory_space<vmem>> -> memref<1x128x64xbf16, #tpu.memory_space<vmem>>
    %dma_start3A_244 = tpu.memref_squeeze %dma_start3A_243 : memref<1x128x64xbf16, #tpu.memory_space<vmem>> -> memref<128x64xbf16, #tpu.memory_space<vmem>>
    %dma_start3A_245 = arith.constant 0 : i32
    %dma_start3A_246 = tpu.memref_slice %arg7[%dma_start3A_239, %dma_start3A_245] : memref<124x128xi32, #tpu.memory_space<vmem>> -> memref<1x128xi32, #tpu.memory_space<vmem>>
    %dma_start3A_247 = tpu.memref_squeeze %dma_start3A_246 : memref<1x128xi32, #tpu.memory_space<vmem>> -> memref<128xi32, #tpu.memory_space<vmem>>
    %dma_start3A_248 = arith.constant 0 : i32
    %dma_start3A_249 = arith.constant 0 : i32
    %dma_start3A_250 = tpu.memref_slice %arg4[%arg0, %dma_start3A_248, %dma_start3A_249] : memref<2x31744x64xbf16, #tpu.memory_space<hbm>> -> memref<1x31744x64xbf16, #tpu.memory_space<hbm>>
    %dma_start3A_251 = tpu.memref_squeeze %dma_start3A_250 : memref<1x31744x64xbf16, #tpu.memory_space<hbm>> -> memref<31744x64xbf16, #tpu.memory_space<hbm>>
    %dma_start3A_252 = arith.constant 0 : i32
    %dma_start3A_253 = arith.constant 0 : i32
    %dma_start3A_254 = tpu.memref_slice %dma_start3A_251[%dma_start3A_252, %dma_start3A_253] : memref<31744x64xbf16, #tpu.memory_space<hbm>> -> memref<31744x64xbf16, #tpu.memory_space<hbm>>
    tpu.enqueue_indirect_dma source(%dma_start3A_254 : memref<31744x64xbf16, #tpu.memory_space<hbm>>) target(%dma_start3A_244 : memref<128x64xbf16, #tpu.memory_space<vmem>>) offsets(%dma_start3A_247 : memref<128xi32, #tpu.memory_space<vmem>>) semaphore(%arg12 : memref<!tpu.dma_semaphore, #tpu.memory_space<semaphore_mem>>)
    %dma_start3A_255 = arith.constant 122 : i32
    %dma_start3A_256 = arith.constant 2 : i32
    %dma_start3A_257 = arith.constant 0 : i32
    %dma_start3A_258 = arith.constant 0 : i32
    %dma_start3A_259 = tpu.memref_slice %arg9[%dma_start3A_256, %dma_start3A_257, %dma_start3A_258] : memref<4x128x64xbf16, #tpu.memory_space<vmem>> -> memref<1x128x64xbf16, #tpu.memory_space<vmem>>
    %dma_start3A_260 = tpu.memref_squeeze %dma_start3A_259 : memref<1x128x64xbf16, #tpu.memory_space<vmem>> -> memref<128x64xbf16, #tpu.memory_space<vmem>>
    %dma_start3A_261 = arith.constant 0 : i32
    %dma_start3A_262 = tpu.memref_slice %arg7[%dma_start3A_255, %dma_start3A_261] : memref<124x128xi32, #tpu.memory_space<vmem>> -> memref<1x128xi32, #tpu.memory_space<vmem>>
    %dma_start3A_263 = tpu.memref_squeeze %dma_start3A_262 : memref<1x128xi32, #tpu.memory_space<vmem>> -> memref<128xi32, #tpu.memory_space<vmem>>
    %dma_start3A_264 = arith.constant 0 : i32
    %dma_start3A_265 = arith.constant 0 : i32
    %dma_start3A_266 = tpu.memref_slice %arg4[%arg0, %dma_start3A_264, %dma_start3A_265] : memref<2x31744x64xbf16, #tpu.memory_space<hbm>> -> memref<1x31744x64xbf16, #tpu.memory_space<hbm>>
    %dma_start3A_267 = tpu.memref_squeeze %dma_start3A_266 : memref<1x31744x64xbf16, #tpu.memory_space<hbm>> -> memref<31744x64xbf16, #tpu.memory_space<hbm>>
    %dma_start3A_268 = arith.constant 0 : i32
    %dma_start3A_269 = arith.constant 0 : i32
    %dma_start3A_270 = tpu.memref_slice %dma_start3A_267[%dma_start3A_268, %dma_start3A_269] : memref<31744x64xbf16, #tpu.memory_space<hbm>> -> memref<31744x64xbf16, #tpu.memory_space<hbm>>
    tpu.enqueue_indirect_dma source(%dma_start3A_270 : memref<31744x64xbf16, #tpu.memory_space<hbm>>) target(%dma_start3A_260 : memref<128x64xbf16, #tpu.memory_space<vmem>>) offsets(%dma_start3A_263 : memref<128xi32, #tpu.memory_space<vmem>>) semaphore(%arg12 : memref<!tpu.dma_semaphore, #tpu.memory_space<semaphore_mem>>)
    %dma_start3A_271 = arith.constant 123 : i32
    %dma_start3A_272 = arith.constant 3 : i32
    %dma_start3A_273 = arith.constant 0 : i32
    %dma_start3A_274 = arith.constant 0 : i32
    %dma_start3A_275 = tpu.memref_slice %arg9[%dma_start3A_272, %dma_start3A_273, %dma_start3A_274] : memref<4x128x64xbf16, #tpu.memory_space<vmem>> -> memref<1x128x64xbf16, #tpu.memory_space<vmem>>
    %dma_start3A_276 = tpu.memref_squeeze %dma_start3A_275 : memref<1x128x64xbf16, #tpu.memory_space<vmem>> -> memref<128x64xbf16, #tpu.memory_space<vmem>>
    %dma_start3A_277 = arith.constant 0 : i32
    %dma_start3A_278 = tpu.memref_slice %arg7[%dma_start3A_271, %dma_start3A_277] : memref<124x128xi32, #tpu.memory_space<vmem>> -> memref<1x128xi32, #tpu.memory_space<vmem>>
    %dma_start3A_279 = tpu.memref_squeeze %dma_start3A_278 : memref<1x128xi32, #tpu.memory_space<vmem>> -> memref<128xi32, #tpu.memory_space<vmem>>
    %dma_start3A_280 = arith.constant 0 : i32
    %dma_start3A_281 = arith.constant 0 : i32
    %dma_start3A_282 = tpu.memref_slice %arg4[%arg0, %dma_start3A_280, %dma_start3A_281] : memref<2x31744x64xbf16, #tpu.memory_space<hbm>> -> memref<1x31744x64xbf16, #tpu.memory_space<hbm>>
    %dma_start3A_283 = tpu.memref_squeeze %dma_start3A_282 : memref<1x31744x64xbf16, #tpu.memory_space<hbm>> -> memref<31744x64xbf16, #tpu.memory_space<hbm>>
    %dma_start3A_284 = arith.constant 0 : i32
    %dma_start3A_285 = arith.constant 0 : i32
    %dma_start3A_286 = tpu.memref_slice %dma_start3A_283[%dma_start3A_284, %dma_start3A_285] : memref<31744x64xbf16, #tpu.memory_space<hbm>> -> memref<31744x64xbf16, #tpu.memory_space<hbm>>
    tpu.enqueue_indirect_dma source(%dma_start3A_286 : memref<31744x64xbf16, #tpu.memory_space<hbm>>) target(%dma_start3A_276 : memref<128x64xbf16, #tpu.memory_space<vmem>>) offsets(%dma_start3A_279 : memref<128xi32, #tpu.memory_space<vmem>>) semaphore(%arg12 : memref<!tpu.dma_semaphore, #tpu.memory_space<semaphore_mem>>)
    %dma_wait3A_287 = arith.constant 4 : i32
    %dma_wait3A_288 = arith.constant 0 : i32
    %dma_wait3A_289 = arith.constant 0 : i32
    %dma_wait3A_290 = arith.constant 0 : i32
    %dma_wait3A_291 = tpu.memref_slice %arg10[%dma_wait3A_288, %dma_wait3A_289, %dma_wait3A_290] : memref<4x128x64xbf16, #tpu.memory_space<vmem>> -> memref<1x128x64xbf16, #tpu.memory_space<vmem>>
    %dma_wait3A_292 = tpu.memref_squeeze %dma_wait3A_291 : memref<1x128x64xbf16, #tpu.memory_space<vmem>> -> memref<128x64xbf16, #tpu.memory_space<vmem>>
    %dma_wait3A_293 = arith.constant 0 : i32
    %dma_wait3A_294 = tpu.memref_slice %arg7[%dma_wait3A_287, %dma_wait3A_293] : memref<124x128xi32, #tpu.memory_space<vmem>> -> memref<1x128xi32, #tpu.memory_space<vmem>>
    %dma_wait3A_295 = tpu.memref_squeeze %dma_wait3A_294 : memref<1x128xi32, #tpu.memory_space<vmem>> -> memref<128xi32, #tpu.memory_space<vmem>>
    %dma_wait3A_296 = arith.constant 0 : i32
    %dma_wait3A_297 = arith.constant 0 : i32
    %dma_wait3A_298 = tpu.memref_slice %arg4[%arg0, %dma_wait3A_296, %dma_wait3A_297] : memref<2x31744x64xbf16, #tpu.memory_space<hbm>> -> memref<1x31744x64xbf16, #tpu.memory_space<hbm>>
    %dma_wait3A_299 = tpu.memref_squeeze %dma_wait3A_298 : memref<1x31744x64xbf16, #tpu.memory_space<hbm>> -> memref<31744x64xbf16, #tpu.memory_space<hbm>>
    %dma_wait3A_300 = arith.constant 0 : i32
    %dma_wait3A_301 = arith.constant 0 : i32
    %dma_wait3A_302 = tpu.memref_slice %dma_wait3A_299[%dma_wait3A_300, %dma_wait3A_301] : memref<31744x64xbf16, #tpu.memory_space<hbm>> -> memref<31744x64xbf16, #tpu.memory_space<hbm>>
    tpu.wait_indirect_dma semaphore(%arg13 : memref<!tpu.dma_semaphore, #tpu.memory_space<semaphore_mem>>) src(%dma_wait3A_302 : memref<31744x64xbf16, #tpu.memory_space<hbm>>) dst(%dma_wait3A_292 : memref<128x64xbf16, #tpu.memory_space<vmem>>)
    %dma_wait3A_303 = arith.constant 5 : i32
    %dma_wait3A_304 = arith.constant 1 : i32
    %dma_wait3A_305 = arith.constant 0 : i32
    %dma_wait3A_306 = arith.constant 0 : i32
    %dma_wait3A_307 = tpu.memref_slice %arg10[%dma_wait3A_304, %dma_wait3A_305, %dma_wait3A_306] : memref<4x128x64xbf16, #tpu.memory_space<vmem>> -> memref<1x128x64xbf16, #tpu.memory_space<vmem>>
    %dma_wait3A_308 = tpu.memref_squeeze %dma_wait3A_307 : memref<1x128x64xbf16, #tpu.memory_space<vmem>> -> memref<128x64xbf16, #tpu.memory_space<vmem>>
    %dma_wait3A_309 = arith.constant 0 : i32
    %dma_wait3A_310 = tpu.memref_slice %arg7[%dma_wait3A_303, %dma_wait3A_309] : memref<124x128xi32, #tpu.memory_space<vmem>> -> memref<1x128xi32, #tpu.memory_space<vmem>>
    %dma_wait3A_311 = tpu.memref_squeeze %dma_wait3A_310 : memref<1x128xi32, #tpu.memory_space<vmem>> -> memref<128xi32, #tpu.memory_space<vmem>>
    %dma_wait3A_312 = arith.constant 0 : i32
    %dma_wait3A_313 = arith.constant 0 : i32
    %dma_wait3A_314 = tpu.memref_slice %arg4[%arg0, %dma_wait3A_312, %dma_wait3A_313] : memref<2x31744x64xbf16, #tpu.memory_space<hbm>> -> memref<1x31744x64xbf16, #tpu.memory_space<hbm>>
    %dma_wait3A_315 = tpu.memref_squeeze %dma_wait3A_314 : memref<1x31744x64xbf16, #tpu.memory_space<hbm>> -> memref<31744x64xbf16, #tpu.memory_space<hbm>>
    %dma_wait3A_316 = arith.constant 0 : i32
    %dma_wait3A_317 = arith.constant 0 : i32
    %dma_wait3A_318 = tpu.memref_slice %dma_wait3A_315[%dma_wait3A_316, %dma_wait3A_317] : memref<31744x64xbf16, #tpu.memory_space<hbm>> -> memref<31744x64xbf16, #tpu.memory_space<hbm>>
    tpu.wait_indirect_dma semaphore(%arg13 : memref<!tpu.dma_semaphore, #tpu.memory_space<semaphore_mem>>) src(%dma_wait3A_318 : memref<31744x64xbf16, #tpu.memory_space<hbm>>) dst(%dma_wait3A_308 : memref<128x64xbf16, #tpu.memory_space<vmem>>)
    %dma_wait3A_319 = arith.constant 6 : i32
    %dma_wait3A_320 = arith.constant 2 : i32
    %dma_wait3A_321 = arith.constant 0 : i32
    %dma_wait3A_322 = arith.constant 0 : i32
    %dma_wait3A_323 = tpu.memref_slice %arg10[%dma_wait3A_320, %dma_wait3A_321, %dma_wait3A_322] : memref<4x128x64xbf16, #tpu.memory_space<vmem>> -> memref<1x128x64xbf16, #tpu.memory_space<vmem>>
    %dma_wait3A_324 = tpu.memref_squeeze %dma_wait3A_323 : memref<1x128x64xbf16, #tpu.memory_space<vmem>> -> memref<128x64xbf16, #tpu.memory_space<vmem>>
    %dma_wait3A_325 = arith.constant 0 : i32
    %dma_wait3A_326 = tpu.memref_slice %arg7[%dma_wait3A_319, %dma_wait3A_325] : memref<124x128xi32, #tpu.memory_space<vmem>> -> memref<1x128xi32, #tpu.memory_space<vmem>>
    %dma_wait3A_327 = tpu.memref_squeeze %dma_wait3A_326 : memref<1x128xi32, #tpu.memory_space<vmem>> -> memref<128xi32, #tpu.memory_space<vmem>>
    %dma_wait3A_328 = arith.constant 0 : i32
    %dma_wait3A_329 = arith.constant 0 : i32
    %dma_wait3A_330 = tpu.memref_slice %arg4[%arg0, %dma_wait3A_328, %dma_wait3A_329] : memref<2x31744x64xbf16, #tpu.memory_space<hbm>> -> memref<1x31744x64xbf16, #tpu.memory_space<hbm>>
    %dma_wait3A_331 = tpu.memref_squeeze %dma_wait3A_330 : memref<1x31744x64xbf16, #tpu.memory_space<hbm>> -> memref<31744x64xbf16, #tpu.memory_space<hbm>>
    %dma_wait3A_332 = arith.constant 0 : i32
    %dma_wait3A_333 = arith.constant 0 : i32
    %dma_wait3A_334 = tpu.memref_slice %dma_wait3A_331[%dma_wait3A_332, %dma_wait3A_333] : memref<31744x64xbf16, #tpu.memory_space<hbm>> -> memref<31744x64xbf16, #tpu.memory_space<hbm>>
    tpu.wait_indirect_dma semaphore(%arg13 : memref<!tpu.dma_semaphore, #tpu.memory_space<semaphore_mem>>) src(%dma_wait3A_334 : memref<31744x64xbf16, #tpu.memory_space<hbm>>) dst(%dma_wait3A_324 : memref<128x64xbf16, #tpu.memory_space<vmem>>)
    %dma_wait3A_335 = arith.constant 7 : i32
    %dma_wait3A_336 = arith.constant 3 : i32
    %dma_wait3A_337 = arith.constant 0 : i32
    %dma_wait3A_338 = arith.constant 0 : i32
    %dma_wait3A_339 = tpu.memref_slice %arg10[%dma_wait3A_336, %dma_wait3A_337, %dma_wait3A_338] : memref<4x128x64xbf16, #tpu.memory_space<vmem>> -> memref<1x128x64xbf16, #tpu.memory_space<vmem>>
    %dma_wait3A_340 = tpu.memref_squeeze %dma_wait3A_339 : memref<1x128x64xbf16, #tpu.memory_space<vmem>> -> memref<128x64xbf16, #tpu.memory_space<vmem>>
    %dma_wait3A_341 = arith.constant 0 : i32
    %dma_wait3A_342 = tpu.memref_slice %arg7[%dma_wait3A_335, %dma_wait3A_341] : memref<124x128xi32, #tpu.memory_space<vmem>> -> memref<1x128xi32, #tpu.memory_space<vmem>>
    %dma_wait3A_343 = tpu.memref_squeeze %dma_wait3A_342 : memref<1x128xi32, #tpu.memory_space<vmem>> -> memref<128xi32, #tpu.memory_space<vmem>>
    %dma_wait3A_344 = arith.constant 0 : i32
    %dma_wait3A_345 = arith.constant 0 : i32
    %dma_wait3A_346 = tpu.memref_slice %arg4[%arg0, %dma_wait3A_344, %dma_wait3A_345] : memref<2x31744x64xbf16, #tpu.memory_space<hbm>> -> memref<1x31744x64xbf16, #tpu.memory_space<hbm>>
    %dma_wait3A_347 = tpu.memref_squeeze %dma_wait3A_346 : memref<1x31744x64xbf16, #tpu.memory_space<hbm>> -> memref<31744x64xbf16, #tpu.memory_space<hbm>>
    %dma_wait3A_348 = arith.constant 0 : i32
    %dma_wait3A_349 = arith.constant 0 : i32
    %dma_wait3A_350 = tpu.memref_slice %dma_wait3A_347[%dma_wait3A_348, %dma_wait3A_349] : memref<31744x64xbf16, #tpu.memory_space<hbm>> -> memref<31744x64xbf16, #tpu.memory_space<hbm>>
    tpu.wait_indirect_dma semaphore(%arg13 : memref<!tpu.dma_semaphore, #tpu.memory_space<semaphore_mem>>) src(%dma_wait3A_350 : memref<31744x64xbf16, #tpu.memory_space<hbm>>) dst(%dma_wait3A_340 : memref<128x64xbf16, #tpu.memory_space<vmem>>)
    %run_scoped3A_351 = arith.constant 0 : i32
    %run_scoped3A_352 = arith.constant 116 : i32
    "tpu.region"() ({
      %run_scoped3A_869 = tpu.sem_alloc : memref<!tpu.dma_semaphore, #tpu.memory_space<semaphore_mem>>
      %dma_start3A_870 = arith.constant 0 : i32
      %dma_start3A_871 = arith.constant 0 : i32
      %dma_start3A_872 = tpu.memref_slice %arg10[%run_scoped3A_351, %dma_start3A_870, %dma_start3A_871] : memref<4x128x64xbf16, #tpu.memory_space<vmem>> -> memref<1x128x64xbf16, #tpu.memory_space<vmem>>
      %dma_start3A_873 = tpu.memref_squeeze %dma_start3A_872 : memref<1x128x64xbf16, #tpu.memory_space<vmem>> -> memref<128x64xbf16, #tpu.memory_space<vmem>>
      %dma_start3A_874 = arith.constant 0 : i32
      %dma_start3A_875 = tpu.memref_slice %arg8[%run_scoped3A_352, %dma_start3A_874] : memref<124x128xi32, #tpu.memory_space<vmem>> -> memref<1x128xi32, #tpu.memory_space<vmem>>
      %dma_start3A_876 = tpu.memref_squeeze %dma_start3A_875 : memref<1x128xi32, #tpu.memory_space<vmem>> -> memref<128xi32, #tpu.memory_space<vmem>>
      %dma_start3A_877 = arith.constant 0 : i32
      %dma_start3A_878 = arith.constant 0 : i32
      %dma_start3A_879 = tpu.memref_slice %arg11[%dma_start3A_877, %dma_start3A_878] : memref<31744x64xbf16, #tpu.memory_space<vmem_shared>> -> memref<31744x64xbf16, #tpu.memory_space<vmem_shared>>
      tpu.enqueue_indirect_dma source(%dma_start3A_873 : memref<128x64xbf16, #tpu.memory_space<vmem>>) target(%dma_start3A_879 : memref<31744x64xbf16, #tpu.memory_space<vmem_shared>>) offsets(%dma_start3A_876 : memref<128xi32, #tpu.memory_space<vmem>>) semaphore(%run_scoped3A_869 : memref<!tpu.dma_semaphore, #tpu.memory_space<semaphore_mem>>) {add = true}
      %dma_wait3A_880 = arith.constant 0 : i32
      %dma_wait3A_881 = arith.constant 0 : i32
      %dma_wait3A_882 = tpu.memref_slice %arg10[%run_scoped3A_351, %dma_wait3A_880, %dma_wait3A_881] : memref<4x128x64xbf16, #tpu.memory_space<vmem>> -> memref<1x128x64xbf16, #tpu.memory_space<vmem>>
      %dma_wait3A_883 = tpu.memref_squeeze %dma_wait3A_882 : memref<1x128x64xbf16, #tpu.memory_space<vmem>> -> memref<128x64xbf16, #tpu.memory_space<vmem>>
      %dma_wait3A_884 = arith.constant 0 : i32
      %dma_wait3A_885 = tpu.memref_slice %arg8[%run_scoped3A_352, %dma_wait3A_884] : memref<124x128xi32, #tpu.memory_space<vmem>> -> memref<1x128xi32, #tpu.memory_space<vmem>>
      %dma_wait3A_886 = tpu.memref_squeeze %dma_wait3A_885 : memref<1x128xi32, #tpu.memory_space<vmem>> -> memref<128xi32, #tpu.memory_space<vmem>>
      %dma_wait3A_887 = arith.constant 0 : i32
      %dma_wait3A_888 = arith.constant 0 : i32
      %dma_wait3A_889 = tpu.memref_slice %arg11[%dma_wait3A_887, %dma_wait3A_888] : memref<31744x64xbf16, #tpu.memory_space<vmem_shared>> -> memref<31744x64xbf16, #tpu.memory_space<vmem_shared>>
      tpu.wait_indirect_dma semaphore(%run_scoped3A_869 : memref<!tpu.dma_semaphore, #tpu.memory_space<semaphore_mem>>) src(%dma_wait3A_883 : memref<128x64xbf16, #tpu.memory_space<vmem>>) dst(%dma_wait3A_889 : memref<31744x64xbf16, #tpu.memory_space<vmem_shared>>)
      tpu.yield
    }) : () -> ()
    %run_scoped3A_353 = arith.constant 1 : i32
    %run_scoped3A_354 = arith.constant 117 : i32
    "tpu.region"() ({
      %run_scoped3A_869 = tpu.sem_alloc : memref<!tpu.dma_semaphore, #tpu.memory_space<semaphore_mem>>
      %dma_start3A_870 = arith.constant 0 : i32
      %dma_start3A_871 = arith.constant 0 : i32
      %dma_start3A_872 = tpu.memref_slice %arg10[%run_scoped3A_353, %dma_start3A_870, %dma_start3A_871] : memref<4x128x64xbf16, #tpu.memory_space<vmem>> -> memref<1x128x64xbf16, #tpu.memory_space<vmem>>
      %dma_start3A_873 = tpu.memref_squeeze %dma_start3A_872 : memref<1x128x64xbf16, #tpu.memory_space<vmem>> -> memref<128x64xbf16, #tpu.memory_space<vmem>>
      %dma_start3A_874 = arith.constant 0 : i32
      %dma_start3A_875 = tpu.memref_slice %arg8[%run_scoped3A_354, %dma_start3A_874] : memref<124x128xi32, #tpu.memory_space<vmem>> -> memref<1x128xi32, #tpu.memory_space<vmem>>
      %dma_start3A_876 = tpu.memref_squeeze %dma_start3A_875 : memref<1x128xi32, #tpu.memory_space<vmem>> -> memref<128xi32, #tpu.memory_space<vmem>>
      %dma_start3A_877 = arith.constant 0 : i32
      %dma_start3A_878 = arith.constant 0 : i32
      %dma_start3A_879 = tpu.memref_slice %arg11[%dma_start3A_877, %dma_start3A_878] : memref<31744x64xbf16, #tpu.memory_space<vmem_shared>> -> memref<31744x64xbf16, #tpu.memory_space<vmem_shared>>
      tpu.enqueue_indirect_dma source(%dma_start3A_873 : memref<128x64xbf16, #tpu.memory_space<vmem>>) target(%dma_start3A_879 : memref<31744x64xbf16, #tpu.memory_space<vmem_shared>>) offsets(%dma_start3A_876 : memref<128xi32, #tpu.memory_space<vmem>>) semaphore(%run_scoped3A_869 : memref<!tpu.dma_semaphore, #tpu.memory_space<semaphore_mem>>) {add = true}
      %dma_wait3A_880 = arith.constant 0 : i32
      %dma_wait3A_881 = arith.constant 0 : i32
      %dma_wait3A_882 = tpu.memref_slice %arg10[%run_scoped3A_353, %dma_wait3A_880, %dma_wait3A_881] : memref<4x128x64xbf16, #tpu.memory_space<vmem>> -> memref<1x128x64xbf16, #tpu.memory_space<vmem>>
      %dma_wait3A_883 = tpu.memref_squeeze %dma_wait3A_882 : memref<1x128x64xbf16, #tpu.memory_space<vmem>> -> memref<128x64xbf16, #tpu.memory_space<vmem>>
      %dma_wait3A_884 = arith.constant 0 : i32
      %dma_wait3A_885 = tpu.memref_slice %arg8[%run_scoped3A_354, %dma_wait3A_884] : memref<124x128xi32, #tpu.memory_space<vmem>> -> memref<1x128xi32, #tpu.memory_space<vmem>>
      %dma_wait3A_886 = tpu.memref_squeeze %dma_wait3A_885 : memref<1x128xi32, #tpu.memory_space<vmem>> -> memref<128xi32, #tpu.memory_space<vmem>>
      %dma_wait3A_887 = arith.constant 0 : i32
      %dma_wait3A_888 = arith.constant 0 : i32
      %dma_wait3A_889 = tpu.memref_slice %arg11[%dma_wait3A_887, %dma_wait3A_888] : memref<31744x64xbf16, #tpu.memory_space<vmem_shared>> -> memref<31744x64xbf16, #tpu.memory_space<vmem_shared>>
      tpu.wait_indirect_dma semaphore(%run_scoped3A_869 : memref<!tpu.dma_semaphore, #tpu.memory_space<semaphore_mem>>) src(%dma_wait3A_883 : memref<128x64xbf16, #tpu.memory_space<vmem>>) dst(%dma_wait3A_889 : memref<31744x64xbf16, #tpu.memory_space<vmem_shared>>)
      tpu.yield
    }) : () -> ()
    %run_scoped3A_355 = arith.constant 2 : i32
    %run_scoped3A_356 = arith.constant 118 : i32
    "tpu.region"() ({
      %run_scoped3A_869 = tpu.sem_alloc : memref<!tpu.dma_semaphore, #tpu.memory_space<semaphore_mem>>
      %dma_start3A_870 = arith.constant 0 : i32
      %dma_start3A_871 = arith.constant 0 : i32
      %dma_start3A_872 = tpu.memref_slice %arg10[%run_scoped3A_355, %dma_start3A_870, %dma_start3A_871] : memref<4x128x64xbf16, #tpu.memory_space<vmem>> -> memref<1x128x64xbf16, #tpu.memory_space<vmem>>
      %dma_start3A_873 = tpu.memref_squeeze %dma_start3A_872 : memref<1x128x64xbf16, #tpu.memory_space<vmem>> -> memref<128x64xbf16, #tpu.memory_space<vmem>>
      %dma_start3A_874 = arith.constant 0 : i32
      %dma_start3A_875 = tpu.memref_slice %arg8[%run_scoped3A_356, %dma_start3A_874] : memref<124x128xi32, #tpu.memory_space<vmem>> -> memref<1x128xi32, #tpu.memory_space<vmem>>
      %dma_start3A_876 = tpu.memref_squeeze %dma_start3A_875 : memref<1x128xi32, #tpu.memory_space<vmem>> -> memref<128xi32, #tpu.memory_space<vmem>>
      %dma_start3A_877 = arith.constant 0 : i32
      %dma_start3A_878 = arith.constant 0 : i32
      %dma_start3A_879 = tpu.memref_slice %arg11[%dma_start3A_877, %dma_start3A_878] : memref<31744x64xbf16, #tpu.memory_space<vmem_shared>> -> memref<31744x64xbf16, #tpu.memory_space<vmem_shared>>
      tpu.enqueue_indirect_dma source(%dma_start3A_873 : memref<128x64xbf16, #tpu.memory_space<vmem>>) target(%dma_start3A_879 : memref<31744x64xbf16, #tpu.memory_space<vmem_shared>>) offsets(%dma_start3A_876 : memref<128xi32, #tpu.memory_space<vmem>>) semaphore(%run_scoped3A_869 : memref<!tpu.dma_semaphore, #tpu.memory_space<semaphore_mem>>) {add = true}
      %dma_wait3A_880 = arith.constant 0 : i32
      %dma_wait3A_881 = arith.constant 0 : i32
      %dma_wait3A_882 = tpu.memref_slice %arg10[%run_scoped3A_355, %dma_wait3A_880, %dma_wait3A_881] : memref<4x128x64xbf16, #tpu.memory_space<vmem>> -> memref<1x128x64xbf16, #tpu.memory_space<vmem>>
      %dma_wait3A_883 = tpu.memref_squeeze %dma_wait3A_882 : memref<1x128x64xbf16, #tpu.memory_space<vmem>> -> memref<128x64xbf16, #tpu.memory_space<vmem>>
      %dma_wait3A_884 = arith.constant 0 : i32
      %dma_wait3A_885 = tpu.memref_slice %arg8[%run_scoped3A_356, %dma_wait3A_884] : memref<124x128xi32, #tpu.memory_space<vmem>> -> memref<1x128xi32, #tpu.memory_space<vmem>>
      %dma_wait3A_886 = tpu.memref_squeeze %dma_wait3A_885 : memref<1x128xi32, #tpu.memory_space<vmem>> -> memref<128xi32, #tpu.memory_space<vmem>>
      %dma_wait3A_887 = arith.constant 0 : i32
      %dma_wait3A_888 = arith.constant 0 : i32
      %dma_wait3A_889 = tpu.memref_slice %arg11[%dma_wait3A_887, %dma_wait3A_888] : memref<31744x64xbf16, #tpu.memory_space<vmem_shared>> -> memref<31744x64xbf16, #tpu.memory_space<vmem_shared>>
      tpu.wait_indirect_dma semaphore(%run_scoped3A_869 : memref<!tpu.dma_semaphore, #tpu.memory_space<semaphore_mem>>) src(%dma_wait3A_883 : memref<128x64xbf16, #tpu.memory_space<vmem>>) dst(%dma_wait3A_889 : memref<31744x64xbf16, #tpu.memory_space<vmem_shared>>)
      tpu.yield
    }) : () -> ()
    %run_scoped3A_357 = arith.constant 3 : i32
    %run_scoped3A_358 = arith.constant 119 : i32
    "tpu.region"() ({
      %run_scoped3A_869 = tpu.sem_alloc : memref<!tpu.dma_semaphore, #tpu.memory_space<semaphore_mem>>
      %dma_start3A_870 = arith.constant 0 : i32
      %dma_start3A_871 = arith.constant 0 : i32
      %dma_start3A_872 = tpu.memref_slice %arg10[%run_scoped3A_357, %dma_start3A_870, %dma_start3A_871] : memref<4x128x64xbf16, #tpu.memory_space<vmem>> -> memref<1x128x64xbf16, #tpu.memory_space<vmem>>
      %dma_start3A_873 = tpu.memref_squeeze %dma_start3A_872 : memref<1x128x64xbf16, #tpu.memory_space<vmem>> -> memref<128x64xbf16, #tpu.memory_space<vmem>>
      %dma_start3A_874 = arith.constant 0 : i32
      %dma_start3A_875 = tpu.memref_slice %arg8[%run_scoped3A_358, %dma_start3A_874] : memref<124x128xi32, #tpu.memory_space<vmem>> -> memref<1x128xi32, #tpu.memory_space<vmem>>
      %dma_start3A_876 = tpu.memref_squeeze %dma_start3A_875 : memref<1x128xi32, #tpu.memory_space<vmem>> -> memref<128xi32, #tpu.memory_space<vmem>>
      %dma_start3A_877 = arith.constant 0 : i32
      %dma_start3A_878 = arith.constant 0 : i32
      %dma_start3A_879 = tpu.memref_slice %arg11[%dma_start3A_877, %dma_start3A_878] : memref<31744x64xbf16, #tpu.memory_space<vmem_shared>> -> memref<31744x64xbf16, #tpu.memory_space<vmem_shared>>
      tpu.enqueue_indirect_dma source(%dma_start3A_873 : memref<128x64xbf16, #tpu.memory_space<vmem>>) target(%dma_start3A_879 : memref<31744x64xbf16, #tpu.memory_space<vmem_shared>>) offsets(%dma_start3A_876 : memref<128xi32, #tpu.memory_space<vmem>>) semaphore(%run_scoped3A_869 : memref<!tpu.dma_semaphore, #tpu.memory_space<semaphore_mem>>) {add = true}
      %dma_wait3A_880 = arith.constant 0 : i32
      %dma_wait3A_881 = arith.constant 0 : i32
      %dma_wait3A_882 = tpu.memref_slice %arg10[%run_scoped3A_357, %dma_wait3A_880, %dma_wait3A_881] : memref<4x128x64xbf16, #tpu.memory_space<vmem>> -> memref<1x128x64xbf16, #tpu.memory_space<vmem>>
      %dma_wait3A_883 = tpu.memref_squeeze %dma_wait3A_882 : memref<1x128x64xbf16, #tpu.memory_space<vmem>> -> memref<128x64xbf16, #tpu.memory_space<vmem>>
      %dma_wait3A_884 = arith.constant 0 : i32
      %dma_wait3A_885 = tpu.memref_slice %arg8[%run_scoped3A_358, %dma_wait3A_884] : memref<124x128xi32, #tpu.memory_space<vmem>> -> memref<1x128xi32, #tpu.memory_space<vmem>>
      %dma_wait3A_886 = tpu.memref_squeeze %dma_wait3A_885 : memref<1x128xi32, #tpu.memory_space<vmem>> -> memref<128xi32, #tpu.memory_space<vmem>>
      %dma_wait3A_887 = arith.constant 0 : i32
      %dma_wait3A_888 = arith.constant 0 : i32
      %dma_wait3A_889 = tpu.memref_slice %arg11[%dma_wait3A_887, %dma_wait3A_888] : memref<31744x64xbf16, #tpu.memory_space<vmem_shared>> -> memref<31744x64xbf16, #tpu.memory_space<vmem_shared>>
      tpu.wait_indirect_dma semaphore(%run_scoped3A_869 : memref<!tpu.dma_semaphore, #tpu.memory_space<semaphore_mem>>) src(%dma_wait3A_883 : memref<128x64xbf16, #tpu.memory_space<vmem>>) dst(%dma_wait3A_889 : memref<31744x64xbf16, #tpu.memory_space<vmem_shared>>)
      tpu.yield
    }) : () -> ()
    %dma_wait3A_359 = arith.constant 0 : i32
    %dma_wait3A_360 = arith.constant 0 : i32
    %dma_wait3A_361 = arith.constant 0 : i32
    %dma_wait3A_362 = arith.constant 0 : i32
    %dma_wait3A_363 = tpu.memref_slice %arg9[%dma_wait3A_360, %dma_wait3A_361, %dma_wait3A_362] : memref<4x128x64xbf16, #tpu.memory_space<vmem>> -> memref<1x128x64xbf16, #tpu.memory_space<vmem>>
    %dma_wait3A_364 = tpu.memref_squeeze %dma_wait3A_363 : memref<1x128x64xbf16, #tpu.memory_space<vmem>> -> memref<128x64xbf16, #tpu.memory_space<vmem>>
    %dma_wait3A_365 = arith.constant 0 : i32
    %dma_wait3A_366 = tpu.memref_slice %arg7[%dma_wait3A_359, %dma_wait3A_365] : memref<124x128xi32, #tpu.memory_space<vmem>> -> memref<1x128xi32, #tpu.memory_space<vmem>>
    %dma_wait3A_367 = tpu.memref_squeeze %dma_wait3A_366 : memref<1x128xi32, #tpu.memory_space<vmem>> -> memref<128xi32, #tpu.memory_space<vmem>>
    %dma_wait3A_368 = arith.constant 0 : i32
    %dma_wait3A_369 = arith.constant 0 : i32
    %dma_wait3A_370 = tpu.memref_slice %arg4[%arg0, %dma_wait3A_368, %dma_wait3A_369] : memref<2x31744x64xbf16, #tpu.memory_space<hbm>> -> memref<1x31744x64xbf16, #tpu.memory_space<hbm>>
    %dma_wait3A_371 = tpu.memref_squeeze %dma_wait3A_370 : memref<1x31744x64xbf16, #tpu.memory_space<hbm>> -> memref<31744x64xbf16, #tpu.memory_space<hbm>>
    %dma_wait3A_372 = arith.constant 0 : i32
    %dma_wait3A_373 = arith.constant 0 : i32
    %dma_wait3A_374 = tpu.memref_slice %dma_wait3A_371[%dma_wait3A_372, %dma_wait3A_373] : memref<31744x64xbf16, #tpu.memory_space<hbm>> -> memref<31744x64xbf16, #tpu.memory_space<hbm>>
    tpu.wait_indirect_dma semaphore(%arg12 : memref<!tpu.dma_semaphore, #tpu.memory_space<semaphore_mem>>) src(%dma_wait3A_374 : memref<31744x64xbf16, #tpu.memory_space<hbm>>) dst(%dma_wait3A_364 : memref<128x64xbf16, #tpu.memory_space<vmem>>)
    %dma_wait3A_375 = arith.constant 1 : i32
    %dma_wait3A_376 = arith.constant 1 : i32
    %dma_wait3A_377 = arith.constant 0 : i32
    %dma_wait3A_378 = arith.constant 0 : i32
    %dma_wait3A_379 = tpu.memref_slice %arg9[%dma_wait3A_376, %dma_wait3A_377, %dma_wait3A_378] : memref<4x128x64xbf16, #tpu.memory_space<vmem>> -> memref<1x128x64xbf16, #tpu.memory_space<vmem>>
    %dma_wait3A_380 = tpu.memref_squeeze %dma_wait3A_379 : memref<1x128x64xbf16, #tpu.memory_space<vmem>> -> memref<128x64xbf16, #tpu.memory_space<vmem>>
    %dma_wait3A_381 = arith.constant 0 : i32
    %dma_wait3A_382 = tpu.memref_slice %arg7[%dma_wait3A_375, %dma_wait3A_381] : memref<124x128xi32, #tpu.memory_space<vmem>> -> memref<1x128xi32, #tpu.memory_space<vmem>>
    %dma_wait3A_383 = tpu.memref_squeeze %dma_wait3A_382 : memref<1x128xi32, #tpu.memory_space<vmem>> -> memref<128xi32, #tpu.memory_space<vmem>>
    %dma_wait3A_384 = arith.constant 0 : i32
    %dma_wait3A_385 = arith.constant 0 : i32
    %dma_wait3A_386 = tpu.memref_slice %arg4[%arg0, %dma_wait3A_384, %dma_wait3A_385] : memref<2x31744x64xbf16, #tpu.memory_space<hbm>> -> memref<1x31744x64xbf16, #tpu.memory_space<hbm>>
    %dma_wait3A_387 = tpu.memref_squeeze %dma_wait3A_386 : memref<1x31744x64xbf16, #tpu.memory_space<hbm>> -> memref<31744x64xbf16, #tpu.memory_space<hbm>>
    %dma_wait3A_388 = arith.constant 0 : i32
    %dma_wait3A_389 = arith.constant 0 : i32
    %dma_wait3A_390 = tpu.memref_slice %dma_wait3A_387[%dma_wait3A_388, %dma_wait3A_389] : memref<31744x64xbf16, #tpu.memory_space<hbm>> -> memref<31744x64xbf16, #tpu.memory_space<hbm>>
    tpu.wait_indirect_dma semaphore(%arg12 : memref<!tpu.dma_semaphore, #tpu.memory_space<semaphore_mem>>) src(%dma_wait3A_390 : memref<31744x64xbf16, #tpu.memory_space<hbm>>) dst(%dma_wait3A_380 : memref<128x64xbf16, #tpu.memory_space<vmem>>)
    %dma_wait3A_391 = arith.constant 2 : i32
    %dma_wait3A_392 = arith.constant 2 : i32
    %dma_wait3A_393 = arith.constant 0 : i32
    %dma_wait3A_394 = arith.constant 0 : i32
    %dma_wait3A_395 = tpu.memref_slice %arg9[%dma_wait3A_392, %dma_wait3A_393, %dma_wait3A_394] : memref<4x128x64xbf16, #tpu.memory_space<vmem>> -> memref<1x128x64xbf16, #tpu.memory_space<vmem>>
    %dma_wait3A_396 = tpu.memref_squeeze %dma_wait3A_395 : memref<1x128x64xbf16, #tpu.memory_space<vmem>> -> memref<128x64xbf16, #tpu.memory_space<vmem>>
    %dma_wait3A_397 = arith.constant 0 : i32
    %dma_wait3A_398 = tpu.memref_slice %arg7[%dma_wait3A_391, %dma_wait3A_397] : memref<124x128xi32, #tpu.memory_space<vmem>> -> memref<1x128xi32, #tpu.memory_space<vmem>>
    %dma_wait3A_399 = tpu.memref_squeeze %dma_wait3A_398 : memref<1x128xi32, #tpu.memory_space<vmem>> -> memref<128xi32, #tpu.memory_space<vmem>>
    %dma_wait3A_400 = arith.constant 0 : i32
    %dma_wait3A_401 = arith.constant 0 : i32
    %dma_wait3A_402 = tpu.memref_slice %arg4[%arg0, %dma_wait3A_400, %dma_wait3A_401] : memref<2x31744x64xbf16, #tpu.memory_space<hbm>> -> memref<1x31744x64xbf16, #tpu.memory_space<hbm>>
    %dma_wait3A_403 = tpu.memref_squeeze %dma_wait3A_402 : memref<1x31744x64xbf16, #tpu.memory_space<hbm>> -> memref<31744x64xbf16, #tpu.memory_space<hbm>>
    %dma_wait3A_404 = arith.constant 0 : i32
    %dma_wait3A_405 = arith.constant 0 : i32
    %dma_wait3A_406 = tpu.memref_slice %dma_wait3A_403[%dma_wait3A_404, %dma_wait3A_405] : memref<31744x64xbf16, #tpu.memory_space<hbm>> -> memref<31744x64xbf16, #tpu.memory_space<hbm>>
    tpu.wait_indirect_dma semaphore(%arg12 : memref<!tpu.dma_semaphore, #tpu.memory_space<semaphore_mem>>) src(%dma_wait3A_406 : memref<31744x64xbf16, #tpu.memory_space<hbm>>) dst(%dma_wait3A_396 : memref<128x64xbf16, #tpu.memory_space<vmem>>)
    %dma_wait3A_407 = arith.constant 3 : i32
    %dma_wait3A_408 = arith.constant 3 : i32
    %dma_wait3A_409 = arith.constant 0 : i32
    %dma_wait3A_410 = arith.constant 0 : i32
    %dma_wait3A_411 = tpu.memref_slice %arg9[%dma_wait3A_408, %dma_wait3A_409, %dma_wait3A_410] : memref<4x128x64xbf16, #tpu.memory_space<vmem>> -> memref<1x128x64xbf16, #tpu.memory_space<vmem>>
    %dma_wait3A_412 = tpu.memref_squeeze %dma_wait3A_411 : memref<1x128x64xbf16, #tpu.memory_space<vmem>> -> memref<128x64xbf16, #tpu.memory_space<vmem>>
    %dma_wait3A_413 = arith.constant 0 : i32
    %dma_wait3A_414 = tpu.memref_slice %arg7[%dma_wait3A_407, %dma_wait3A_413] : memref<124x128xi32, #tpu.memory_space<vmem>> -> memref<1x128xi32, #tpu.memory_space<vmem>>
    %dma_wait3A_415 = tpu.memref_squeeze %dma_wait3A_414 : memref<1x128xi32, #tpu.memory_space<vmem>> -> memref<128xi32, #tpu.memory_space<vmem>>
    %dma_wait3A_416 = arith.constant 0 : i32
    %dma_wait3A_417 = arith.constant 0 : i32
    %dma_wait3A_418 = tpu.memref_slice %arg4[%arg0, %dma_wait3A_416, %dma_wait3A_417] : memref<2x31744x64xbf16, #tpu.memory_space<hbm>> -> memref<1x31744x64xbf16, #tpu.memory_space<hbm>>
    %dma_wait3A_419 = tpu.memref_squeeze %dma_wait3A_418 : memref<1x31744x64xbf16, #tpu.memory_space<hbm>> -> memref<31744x64xbf16, #tpu.memory_space<hbm>>
    %dma_wait3A_420 = arith.constant 0 : i32
    %dma_wait3A_421 = arith.constant 0 : i32
    %dma_wait3A_422 = tpu.memref_slice %dma_wait3A_419[%dma_wait3A_420, %dma_wait3A_421] : memref<31744x64xbf16, #tpu.memory_space<hbm>> -> memref<31744x64xbf16, #tpu.memory_space<hbm>>
    tpu.wait_indirect_dma semaphore(%arg12 : memref<!tpu.dma_semaphore, #tpu.memory_space<semaphore_mem>>) src(%dma_wait3A_422 : memref<31744x64xbf16, #tpu.memory_space<hbm>>) dst(%dma_wait3A_412 : memref<128x64xbf16, #tpu.memory_space<vmem>>)
    %run_scoped3A_423 = arith.constant 0 : i32
    %run_scoped3A_424 = arith.constant 120 : i32
    "tpu.region"() ({
      %run_scoped3A_869 = tpu.sem_alloc : memref<!tpu.dma_semaphore, #tpu.memory_space<semaphore_mem>>
      %dma_start3A_870 = arith.constant 0 : i32
      %dma_start3A_871 = arith.constant 0 : i32
      %dma_start3A_872 = tpu.memref_slice %arg9[%run_scoped3A_423, %dma_start3A_870, %dma_start3A_871] : memref<4x128x64xbf16, #tpu.memory_space<vmem>> -> memref<1x128x64xbf16, #tpu.memory_space<vmem>>
      %dma_start3A_873 = tpu.memref_squeeze %dma_start3A_872 : memref<1x128x64xbf16, #tpu.memory_space<vmem>> -> memref<128x64xbf16, #tpu.memory_space<vmem>>
      %dma_start3A_874 = arith.constant 0 : i32
      %dma_start3A_875 = tpu.memref_slice %arg8[%run_scoped3A_424, %dma_start3A_874] : memref<124x128xi32, #tpu.memory_space<vmem>> -> memref<1x128xi32, #tpu.memory_space<vmem>>
      %dma_start3A_876 = tpu.memref_squeeze %dma_start3A_875 : memref<1x128xi32, #tpu.memory_space<vmem>> -> memref<128xi32, #tpu.memory_space<vmem>>
      %dma_start3A_877 = arith.constant 0 : i32
      %dma_start3A_878 = arith.constant 0 : i32
      %dma_start3A_879 = tpu.memref_slice %arg11[%dma_start3A_877, %dma_start3A_878] : memref<31744x64xbf16, #tpu.memory_space<vmem_shared>> -> memref<31744x64xbf16, #tpu.memory_space<vmem_shared>>
      tpu.enqueue_indirect_dma source(%dma_start3A_873 : memref<128x64xbf16, #tpu.memory_space<vmem>>) target(%dma_start3A_879 : memref<31744x64xbf16, #tpu.memory_space<vmem_shared>>) offsets(%dma_start3A_876 : memref<128xi32, #tpu.memory_space<vmem>>) semaphore(%run_scoped3A_869 : memref<!tpu.dma_semaphore, #tpu.memory_space<semaphore_mem>>) {add = true}
      %dma_wait3A_880 = arith.constant 0 : i32
      %dma_wait3A_881 = arith.constant 0 : i32
      %dma_wait3A_882 = tpu.memref_slice %arg9[%run_scoped3A_423, %dma_wait3A_880, %dma_wait3A_881] : memref<4x128x64xbf16, #tpu.memory_space<vmem>> -> memref<1x128x64xbf16, #tpu.memory_space<vmem>>
      %dma_wait3A_883 = tpu.memref_squeeze %dma_wait3A_882 : memref<1x128x64xbf16, #tpu.memory_space<vmem>> -> memref<128x64xbf16, #tpu.memory_space<vmem>>
      %dma_wait3A_884 = arith.constant 0 : i32
      %dma_wait3A_885 = tpu.memref_slice %arg8[%run_scoped3A_424, %dma_wait3A_884] : memref<124x128xi32, #tpu.memory_space<vmem>> -> memref<1x128xi32, #tpu.memory_space<vmem>>
      %dma_wait3A_886 = tpu.memref_squeeze %dma_wait3A_885 : memref<1x128xi32, #tpu.memory_space<vmem>> -> memref<128xi32, #tpu.memory_space<vmem>>
      %dma_wait3A_887 = arith.constant 0 : i32
      %dma_wait3A_888 = arith.constant 0 : i32
      %dma_wait3A_889 = tpu.memref_slice %arg11[%dma_wait3A_887, %dma_wait3A_888] : memref<31744x64xbf16, #tpu.memory_space<vmem_shared>> -> memref<31744x64xbf16, #tpu.memory_space<vmem_shared>>
      tpu.wait_indirect_dma semaphore(%run_scoped3A_869 : memref<!tpu.dma_semaphore, #tpu.memory_space<semaphore_mem>>) src(%dma_wait3A_883 : memref<128x64xbf16, #tpu.memory_space<vmem>>) dst(%dma_wait3A_889 : memref<31744x64xbf16, #tpu.memory_space<vmem_shared>>)
      tpu.yield
    }) : () -> ()
    %run_scoped3A_425 = arith.constant 1 : i32
    %run_scoped3A_426 = arith.constant 121 : i32
    "tpu.region"() ({
      %run_scoped3A_869 = tpu.sem_alloc : memref<!tpu.dma_semaphore, #tpu.memory_space<semaphore_mem>>
      %dma_start3A_870 = arith.constant 0 : i32
      %dma_start3A_871 = arith.constant 0 : i32
      %dma_start3A_872 = tpu.memref_slice %arg9[%run_scoped3A_425, %dma_start3A_870, %dma_start3A_871] : memref<4x128x64xbf16, #tpu.memory_space<vmem>> -> memref<1x128x64xbf16, #tpu.memory_space<vmem>>
      %dma_start3A_873 = tpu.memref_squeeze %dma_start3A_872 : memref<1x128x64xbf16, #tpu.memory_space<vmem>> -> memref<128x64xbf16, #tpu.memory_space<vmem>>
      %dma_start3A_874 = arith.constant 0 : i32
      %dma_start3A_875 = tpu.memref_slice %arg8[%run_scoped3A_426, %dma_start3A_874] : memref<124x128xi32, #tpu.memory_space<vmem>> -> memref<1x128xi32, #tpu.memory_space<vmem>>
      %dma_start3A_876 = tpu.memref_squeeze %dma_start3A_875 : memref<1x128xi32, #tpu.memory_space<vmem>> -> memref<128xi32, #tpu.memory_space<vmem>>
      %dma_start3A_877 = arith.constant 0 : i32
      %dma_start3A_878 = arith.constant 0 : i32
      %dma_start3A_879 = tpu.memref_slice %arg11[%dma_start3A_877, %dma_start3A_878] : memref<31744x64xbf16, #tpu.memory_space<vmem_shared>> -> memref<31744x64xbf16, #tpu.memory_space<vmem_shared>>
      tpu.enqueue_indirect_dma source(%dma_start3A_873 : memref<128x64xbf16, #tpu.memory_space<vmem>>) target(%dma_start3A_879 : memref<31744x64xbf16, #tpu.memory_space<vmem_shared>>) offsets(%dma_start3A_876 : memref<128xi32, #tpu.memory_space<vmem>>) semaphore(%run_scoped3A_869 : memref<!tpu.dma_semaphore, #tpu.memory_space<semaphore_mem>>) {add = true}
      %dma_wait3A_880 = arith.constant 0 : i32
      %dma_wait3A_881 = arith.constant 0 : i32
      %dma_wait3A_882 = tpu.memref_slice %arg9[%run_scoped3A_425, %dma_wait3A_880, %dma_wait3A_881] : memref<4x128x64xbf16, #tpu.memory_space<vmem>> -> memref<1x128x64xbf16, #tpu.memory_space<vmem>>
      %dma_wait3A_883 = tpu.memref_squeeze %dma_wait3A_882 : memref<1x128x64xbf16, #tpu.memory_space<vmem>> -> memref<128x64xbf16, #tpu.memory_space<vmem>>
      %dma_wait3A_884 = arith.constant 0 : i32
      %dma_wait3A_885 = tpu.memref_slice %arg8[%run_scoped3A_426, %dma_wait3A_884] : memref<124x128xi32, #tpu.memory_space<vmem>> -> memref<1x128xi32, #tpu.memory_space<vmem>>
      %dma_wait3A_886 = tpu.memref_squeeze %dma_wait3A_885 : memref<1x128xi32, #tpu.memory_space<vmem>> -> memref<128xi32, #tpu.memory_space<vmem>>
      %dma_wait3A_887 = arith.constant 0 : i32
      %dma_wait3A_888 = arith.constant 0 : i32
      %dma_wait3A_889 = tpu.memref_slice %arg11[%dma_wait3A_887, %dma_wait3A_888] : memref<31744x64xbf16, #tpu.memory_space<vmem_shared>> -> memref<31744x64xbf16, #tpu.memory_space<vmem_shared>>
      tpu.wait_indirect_dma semaphore(%run_scoped3A_869 : memref<!tpu.dma_semaphore, #tpu.memory_space<semaphore_mem>>) src(%dma_wait3A_883 : memref<128x64xbf16, #tpu.memory_space<vmem>>) dst(%dma_wait3A_889 : memref<31744x64xbf16, #tpu.memory_space<vmem_shared>>)
      tpu.yield
    }) : () -> ()
    %run_scoped3A_427 = arith.constant 2 : i32
    %run_scoped3A_428 = arith.constant 122 : i32
    "tpu.region"() ({
      %run_scoped3A_869 = tpu.sem_alloc : memref<!tpu.dma_semaphore, #tpu.memory_space<semaphore_mem>>
      %dma_start3A_870 = arith.constant 0 : i32
      %dma_start3A_871 = arith.constant 0 : i32
      %dma_start3A_872 = tpu.memref_slice %arg9[%run_scoped3A_427, %dma_start3A_870, %dma_start3A_871] : memref<4x128x64xbf16, #tpu.memory_space<vmem>> -> memref<1x128x64xbf16, #tpu.memory_space<vmem>>
      %dma_start3A_873 = tpu.memref_squeeze %dma_start3A_872 : memref<1x128x64xbf16, #tpu.memory_space<vmem>> -> memref<128x64xbf16, #tpu.memory_space<vmem>>
      %dma_start3A_874 = arith.constant 0 : i32
      %dma_start3A_875 = tpu.memref_slice %arg8[%run_scoped3A_428, %dma_start3A_874] : memref<124x128xi32, #tpu.memory_space<vmem>> -> memref<1x128xi32, #tpu.memory_space<vmem>>
      %dma_start3A_876 = tpu.memref_squeeze %dma_start3A_875 : memref<1x128xi32, #tpu.memory_space<vmem>> -> memref<128xi32, #tpu.memory_space<vmem>>
      %dma_start3A_877 = arith.constant 0 : i32
      %dma_start3A_878 = arith.constant 0 : i32
      %dma_start3A_879 = tpu.memref_slice %arg11[%dma_start3A_877, %dma_start3A_878] : memref<31744x64xbf16, #tpu.memory_space<vmem_shared>> -> memref<31744x64xbf16, #tpu.memory_space<vmem_shared>>
      tpu.enqueue_indirect_dma source(%dma_start3A_873 : memref<128x64xbf16, #tpu.memory_space<vmem>>) target(%dma_start3A_879 : memref<31744x64xbf16, #tpu.memory_space<vmem_shared>>) offsets(%dma_start3A_876 : memref<128xi32, #tpu.memory_space<vmem>>) semaphore(%run_scoped3A_869 : memref<!tpu.dma_semaphore, #tpu.memory_space<semaphore_mem>>) {add = true}
      %dma_wait3A_880 = arith.constant 0 : i32
      %dma_wait3A_881 = arith.constant 0 : i32
      %dma_wait3A_882 = tpu.memref_slice %arg9[%run_scoped3A_427, %dma_wait3A_880, %dma_wait3A_881] : memref<4x128x64xbf16, #tpu.memory_space<vmem>> -> memref<1x128x64xbf16, #tpu.memory_space<vmem>>
      %dma_wait3A_883 = tpu.memref_squeeze %dma_wait3A_882 : memref<1x128x64xbf16, #tpu.memory_space<vmem>> -> memref<128x64xbf16, #tpu.memory_space<vmem>>
      %dma_wait3A_884 = arith.constant 0 : i32
      %dma_wait3A_885 = tpu.memref_slice %arg8[%run_scoped3A_428, %dma_wait3A_884] : memref<124x128xi32, #tpu.memory_space<vmem>> -> memref<1x128xi32, #tpu.memory_space<vmem>>
      %dma_wait3A_886 = tpu.memref_squeeze %dma_wait3A_885 : memref<1x128xi32, #tpu.memory_space<vmem>> -> memref<128xi32, #tpu.memory_space<vmem>>
      %dma_wait3A_887 = arith.constant 0 : i32
      %dma_wait3A_888 = arith.constant 0 : i32
      %dma_wait3A_889 = tpu.memref_slice %arg11[%dma_wait3A_887, %dma_wait3A_888] : memref<31744x64xbf16, #tpu.memory_space<vmem_shared>> -> memref<31744x64xbf16, #tpu.memory_space<vmem_shared>>
      tpu.wait_indirect_dma semaphore(%run_scoped3A_869 : memref<!tpu.dma_semaphore, #tpu.memory_space<semaphore_mem>>) src(%dma_wait3A_883 : memref<128x64xbf16, #tpu.memory_space<vmem>>) dst(%dma_wait3A_889 : memref<31744x64xbf16, #tpu.memory_space<vmem_shared>>)
      tpu.yield
    }) : () -> ()
    %run_scoped3A_429 = arith.constant 3 : i32
    %run_scoped3A_430 = arith.constant 123 : i32
    "tpu.region"() ({
      %run_scoped3A_869 = tpu.sem_alloc : memref<!tpu.dma_semaphore, #tpu.memory_space<semaphore_mem>>
      %dma_start3A_870 = arith.constant 0 : i32
      %dma_start3A_871 = arith.constant 0 : i32
      %dma_start3A_872 = tpu.memref_slice %arg9[%run_scoped3A_429, %dma_start3A_870, %dma_start3A_871] : memref<4x128x64xbf16, #tpu.memory_space<vmem>> -> memref<1x128x64xbf16, #tpu.memory_space<vmem>>
      %dma_start3A_873 = tpu.memref_squeeze %dma_start3A_872 : memref<1x128x64xbf16, #tpu.memory_space<vmem>> -> memref<128x64xbf16, #tpu.memory_space<vmem>>
      %dma_start3A_874 = arith.constant 0 : i32
      %dma_start3A_875 = tpu.memref_slice %arg8[%run_scoped3A_430, %dma_start3A_874] : memref<124x128xi32, #tpu.memory_space<vmem>> -> memref<1x128xi32, #tpu.memory_space<vmem>>
      %dma_start3A_876 = tpu.memref_squeeze %dma_start3A_875 : memref<1x128xi32, #tpu.memory_space<vmem>> -> memref<128xi32, #tpu.memory_space<vmem>>
      %dma_start3A_877 = arith.constant 0 : i32
      %dma_start3A_878 = arith.constant 0 : i32
      %dma_start3A_879 = tpu.memref_slice %arg11[%dma_start3A_877, %dma_start3A_878] : memref<31744x64xbf16, #tpu.memory_space<vmem_shared>> -> memref<31744x64xbf16, #tpu.memory_space<vmem_shared>>
      tpu.enqueue_indirect_dma source(%dma_start3A_873 : memref<128x64xbf16, #tpu.memory_space<vmem>>) target(%dma_start3A_879 : memref<31744x64xbf16, #tpu.memory_space<vmem_shared>>) offsets(%dma_start3A_876 : memref<128xi32, #tpu.memory_space<vmem>>) semaphore(%run_scoped3A_869 : memref<!tpu.dma_semaphore, #tpu.memory_space<semaphore_mem>>) {add = true}
      %dma_wait3A_880 = arith.constant 0 : i32
      %dma_wait3A_881 = arith.constant 0 : i32
      %dma_wait3A_882 = tpu.memref_slice %arg9[%run_scoped3A_429, %dma_wait3A_880, %dma_wait3A_881] : memref<4x128x64xbf16, #tpu.memory_space<vmem>> -> memref<1x128x64xbf16, #tpu.memory_space<vmem>>
      %dma_wait3A_883 = tpu.memref_squeeze %dma_wait3A_882 : memref<1x128x64xbf16, #tpu.memory_space<vmem>> -> memref<128x64xbf16, #tpu.memory_space<vmem>>
      %dma_wait3A_884 = arith.constant 0 : i32
      %dma_wait3A_885 = tpu.memref_slice %arg8[%run_scoped3A_430, %dma_wait3A_884] : memref<124x128xi32, #tpu.memory_space<vmem>> -> memref<1x128xi32, #tpu.memory_space<vmem>>
      %dma_wait3A_886 = tpu.memref_squeeze %dma_wait3A_885 : memref<1x128xi32, #tpu.memory_space<vmem>> -> memref<128xi32, #tpu.memory_space<vmem>>
      %dma_wait3A_887 = arith.constant 0 : i32
      %dma_wait3A_888 = arith.constant 0 : i32
      %dma_wait3A_889 = tpu.memref_slice %arg11[%dma_wait3A_887, %dma_wait3A_888] : memref<31744x64xbf16, #tpu.memory_space<vmem_shared>> -> memref<31744x64xbf16, #tpu.memory_space<vmem_shared>>
      tpu.wait_indirect_dma semaphore(%run_scoped3A_869 : memref<!tpu.dma_semaphore, #tpu.memory_space<semaphore_mem>>) src(%dma_wait3A_883 : memref<128x64xbf16, #tpu.memory_space<vmem>>) dst(%dma_wait3A_889 : memref<31744x64xbf16, #tpu.memory_space<vmem_shared>>)
      tpu.yield
    }) : () -> ()
    %add3A_431 = arith.constant 124 : i32
    %add3A_432 = arith.addi %mul3A_0, %add3A_431 : i32
    "tpu.region"() ({
      %run_scoped3A_869 = tpu.sem_alloc : memref<!tpu.dma_semaphore, #tpu.memory_space<semaphore_mem>>
      %dma_start3A_870 = arith.constant 0 : i32
      %dma_start3A_871 = tpu.memref_slice %arg2[%add3A_432, %dma_start3A_870] : memref<3968x128xi32, #tpu.memory_space<hbm>> -> memref<124x128xi32, #tpu.memory_space<hbm>>
      %dma_start3A_872 = arith.constant 0 : i32
      %dma_start3A_873 = tpu.memref_slice %arg2[%add3A_432, %dma_start3A_872] : memref<3968x128xi32, #tpu.memory_space<hbm>> -> memref<124x128xi32, #tpu.memory_space<hbm>>
      tpu.enqueue_dma source(%dma_start3A_873 : memref<124x128xi32, #tpu.memory_space<hbm>>) target(%arg7 : memref<124x128xi32, #tpu.memory_space<vmem>>) target_semaphore(%run_scoped3A_869 : memref<!tpu.dma_semaphore, #tpu.memory_space<semaphore_mem>>)
      %dma_wait3A_874 = arith.constant 0 : i32
      %dma_wait3A_875 = tpu.memref_slice %arg2[%add3A_432, %dma_wait3A_874] : memref<3968x128xi32, #tpu.memory_space<hbm>> -> memref<124x128xi32, #tpu.memory_space<hbm>>
      %dma_wait3A_876 = arith.constant 0 : i32
      %dma_wait3A_877 = tpu.memref_slice %arg2[%add3A_432, %dma_wait3A_876] : memref<3968x128xi32, #tpu.memory_space<hbm>> -> memref<124x128xi32, #tpu.memory_space<hbm>>
      tpu.wait_dma2 semaphore(%run_scoped3A_869 : memref<!tpu.dma_semaphore, #tpu.memory_space<semaphore_mem>>) src(%dma_wait3A_877 : memref<124x128xi32, #tpu.memory_space<hbm>>) dst(%arg7 : memref<124x128xi32, #tpu.memory_space<vmem>>)
      tpu.yield
    }) : () -> ()
    "tpu.region"() ({
      %run_scoped3A_869 = tpu.sem_alloc : memref<!tpu.dma_semaphore, #tpu.memory_space<semaphore_mem>>
      %dma_start3A_870 = arith.constant 0 : i32
      %dma_start3A_871 = tpu.memref_slice %arg3[%add3A_432, %dma_start3A_870] : memref<3968x128xi32, #tpu.memory_space<hbm>> -> memref<124x128xi32, #tpu.memory_space<hbm>>
      %dma_start3A_872 = arith.constant 0 : i32
      %dma_start3A_873 = tpu.memref_slice %arg3[%add3A_432, %dma_start3A_872] : memref<3968x128xi32, #tpu.memory_space<hbm>> -> memref<124x128xi32, #tpu.memory_space<hbm>>
      tpu.enqueue_dma source(%dma_start3A_873 : memref<124x128xi32, #tpu.memory_space<hbm>>) target(%arg8 : memref<124x128xi32, #tpu.memory_space<vmem>>) target_semaphore(%run_scoped3A_869 : memref<!tpu.dma_semaphore, #tpu.memory_space<semaphore_mem>>)
      %dma_wait3A_874 = arith.constant 0 : i32
      %dma_wait3A_875 = tpu.memref_slice %arg3[%add3A_432, %dma_wait3A_874] : memref<3968x128xi32, #tpu.memory_space<hbm>> -> memref<124x128xi32, #tpu.memory_space<hbm>>
      %dma_wait3A_876 = arith.constant 0 : i32
      %dma_wait3A_877 = tpu.memref_slice %arg3[%add3A_432, %dma_wait3A_876] : memref<3968x128xi32, #tpu.memory_space<hbm>> -> memref<124x128xi32, #tpu.memory_space<hbm>>
      tpu.wait_dma2 semaphore(%run_scoped3A_869 : memref<!tpu.dma_semaphore, #tpu.memory_space<semaphore_mem>>) src(%dma_wait3A_877 : memref<124x128xi32, #tpu.memory_space<hbm>>) dst(%arg8 : memref<124x128xi32, #tpu.memory_space<vmem>>)
      tpu.yield
    }) : () -> ()
    %dma_start3A_433 = arith.constant 0 : i32
    %dma_start3A_434 = arith.constant 0 : i32
    %dma_start3A_435 = arith.constant 0 : i32
    %dma_start3A_436 = arith.constant 0 : i32
    %dma_start3A_437 = tpu.memref_slice %arg9[%dma_start3A_434, %dma_start3A_435, %dma_start3A_436] : memref<4x128x64xbf16, #tpu.memory_space<vmem>> -> memref<1x128x64xbf16, #tpu.memory_space<vmem>>
    %dma_start3A_438 = tpu.memref_squeeze %dma_start3A_437 : memref<1x128x64xbf16, #tpu.memory_space<vmem>> -> memref<128x64xbf16, #tpu.memory_space<vmem>>
    %dma_start3A_439 = arith.constant 0 : i32
    %dma_start3A_440 = tpu.memref_slice %arg7[%dma_start3A_433, %dma_start3A_439] : memref<124x128xi32, #tpu.memory_space<vmem>> -> memref<1x128xi32, #tpu.memory_space<vmem>>
    %dma_start3A_441 = tpu.memref_squeeze %dma_start3A_440 : memref<1x128xi32, #tpu.memory_space<vmem>> -> memref<128xi32, #tpu.memory_space<vmem>>
    %dma_start3A_442 = arith.constant 0 : i32
    %dma_start3A_443 = arith.constant 0 : i32
    %dma_start3A_444 = tpu.memref_slice %arg4[%arg0, %dma_start3A_442, %dma_start3A_443] : memref<2x31744x64xbf16, #tpu.memory_space<hbm>> -> memref<1x31744x64xbf16, #tpu.memory_space<hbm>>
    %dma_start3A_445 = tpu.memref_squeeze %dma_start3A_444 : memref<1x31744x64xbf16, #tpu.memory_space<hbm>> -> memref<31744x64xbf16, #tpu.memory_space<hbm>>
    %dma_start3A_446 = arith.constant 0 : i32
    %dma_start3A_447 = arith.constant 0 : i32
    %dma_start3A_448 = tpu.memref_slice %dma_start3A_445[%dma_start3A_446, %dma_start3A_447] : memref<31744x64xbf16, #tpu.memory_space<hbm>> -> memref<31744x64xbf16, #tpu.memory_space<hbm>>
    tpu.enqueue_indirect_dma source(%dma_start3A_448 : memref<31744x64xbf16, #tpu.memory_space<hbm>>) target(%dma_start3A_438 : memref<128x64xbf16, #tpu.memory_space<vmem>>) offsets(%dma_start3A_441 : memref<128xi32, #tpu.memory_space<vmem>>) semaphore(%arg12 : memref<!tpu.dma_semaphore, #tpu.memory_space<semaphore_mem>>)
    %dma_start3A_449 = arith.constant 1 : i32
    %dma_start3A_450 = arith.constant 1 : i32
    %dma_start3A_451 = arith.constant 0 : i32
    %dma_start3A_452 = arith.constant 0 : i32
    %dma_start3A_453 = tpu.memref_slice %arg9[%dma_start3A_450, %dma_start3A_451, %dma_start3A_452] : memref<4x128x64xbf16, #tpu.memory_space<vmem>> -> memref<1x128x64xbf16, #tpu.memory_space<vmem>>
    %dma_start3A_454 = tpu.memref_squeeze %dma_start3A_453 : memref<1x128x64xbf16, #tpu.memory_space<vmem>> -> memref<128x64xbf16, #tpu.memory_space<vmem>>
    %dma_start3A_455 = arith.constant 0 : i32
    %dma_start3A_456 = tpu.memref_slice %arg7[%dma_start3A_449, %dma_start3A_455] : memref<124x128xi32, #tpu.memory_space<vmem>> -> memref<1x128xi32, #tpu.memory_space<vmem>>
    %dma_start3A_457 = tpu.memref_squeeze %dma_start3A_456 : memref<1x128xi32, #tpu.memory_space<vmem>> -> memref<128xi32, #tpu.memory_space<vmem>>
    %dma_start3A_458 = arith.constant 0 : i32
    %dma_start3A_459 = arith.constant 0 : i32
    %dma_start3A_460 = tpu.memref_slice %arg4[%arg0, %dma_start3A_458, %dma_start3A_459] : memref<2x31744x64xbf16, #tpu.memory_space<hbm>> -> memref<1x31744x64xbf16, #tpu.memory_space<hbm>>
    %dma_start3A_461 = tpu.memref_squeeze %dma_start3A_460 : memref<1x31744x64xbf16, #tpu.memory_space<hbm>> -> memref<31744x64xbf16, #tpu.memory_space<hbm>>
    %dma_start3A_462 = arith.constant 0 : i32
    %dma_start3A_463 = arith.constant 0 : i32
    %dma_start3A_464 = tpu.memref_slice %dma_start3A_461[%dma_start3A_462, %dma_start3A_463] : memref<31744x64xbf16, #tpu.memory_space<hbm>> -> memref<31744x64xbf16, #tpu.memory_space<hbm>>
    tpu.enqueue_indirect_dma source(%dma_start3A_464 : memref<31744x64xbf16, #tpu.memory_space<hbm>>) target(%dma_start3A_454 : memref<128x64xbf16, #tpu.memory_space<vmem>>) offsets(%dma_start3A_457 : memref<128xi32, #tpu.memory_space<vmem>>) semaphore(%arg12 : memref<!tpu.dma_semaphore, #tpu.memory_space<semaphore_mem>>)
    %dma_start3A_465 = arith.constant 2 : i32
    %dma_start3A_466 = arith.constant 2 : i32
    %dma_start3A_467 = arith.constant 0 : i32
    %dma_start3A_468 = arith.constant 0 : i32
    %dma_start3A_469 = tpu.memref_slice %arg9[%dma_start3A_466, %dma_start3A_467, %dma_start3A_468] : memref<4x128x64xbf16, #tpu.memory_space<vmem>> -> memref<1x128x64xbf16, #tpu.memory_space<vmem>>
    %dma_start3A_470 = tpu.memref_squeeze %dma_start3A_469 : memref<1x128x64xbf16, #tpu.memory_space<vmem>> -> memref<128x64xbf16, #tpu.memory_space<vmem>>
    %dma_start3A_471 = arith.constant 0 : i32
    %dma_start3A_472 = tpu.memref_slice %arg7[%dma_start3A_465, %dma_start3A_471] : memref<124x128xi32, #tpu.memory_space<vmem>> -> memref<1x128xi32, #tpu.memory_space<vmem>>
    %dma_start3A_473 = tpu.memref_squeeze %dma_start3A_472 : memref<1x128xi32, #tpu.memory_space<vmem>> -> memref<128xi32, #tpu.memory_space<vmem>>
    %dma_start3A_474 = arith.constant 0 : i32
    %dma_start3A_475 = arith.constant 0 : i32
    %dma_start3A_476 = tpu.memref_slice %arg4[%arg0, %dma_start3A_474, %dma_start3A_475] : memref<2x31744x64xbf16, #tpu.memory_space<hbm>> -> memref<1x31744x64xbf16, #tpu.memory_space<hbm>>
    %dma_start3A_477 = tpu.memref_squeeze %dma_start3A_476 : memref<1x31744x64xbf16, #tpu.memory_space<hbm>> -> memref<31744x64xbf16, #tpu.memory_space<hbm>>
    %dma_start3A_478 = arith.constant 0 : i32
    %dma_start3A_479 = arith.constant 0 : i32
    %dma_start3A_480 = tpu.memref_slice %dma_start3A_477[%dma_start3A_478, %dma_start3A_479] : memref<31744x64xbf16, #tpu.memory_space<hbm>> -> memref<31744x64xbf16, #tpu.memory_space<hbm>>
    tpu.enqueue_indirect_dma source(%dma_start3A_480 : memref<31744x64xbf16, #tpu.memory_space<hbm>>) target(%dma_start3A_470 : memref<128x64xbf16, #tpu.memory_space<vmem>>) offsets(%dma_start3A_473 : memref<128xi32, #tpu.memory_space<vmem>>) semaphore(%arg12 : memref<!tpu.dma_semaphore, #tpu.memory_space<semaphore_mem>>)
    %dma_start3A_481 = arith.constant 3 : i32
    %dma_start3A_482 = arith.constant 3 : i32
    %dma_start3A_483 = arith.constant 0 : i32
    %dma_start3A_484 = arith.constant 0 : i32
    %dma_start3A_485 = tpu.memref_slice %arg9[%dma_start3A_482, %dma_start3A_483, %dma_start3A_484] : memref<4x128x64xbf16, #tpu.memory_space<vmem>> -> memref<1x128x64xbf16, #tpu.memory_space<vmem>>
    %dma_start3A_486 = tpu.memref_squeeze %dma_start3A_485 : memref<1x128x64xbf16, #tpu.memory_space<vmem>> -> memref<128x64xbf16, #tpu.memory_space<vmem>>
    %dma_start3A_487 = arith.constant 0 : i32
    %dma_start3A_488 = tpu.memref_slice %arg7[%dma_start3A_481, %dma_start3A_487] : memref<124x128xi32, #tpu.memory_space<vmem>> -> memref<1x128xi32, #tpu.memory_space<vmem>>
    %dma_start3A_489 = tpu.memref_squeeze %dma_start3A_488 : memref<1x128xi32, #tpu.memory_space<vmem>> -> memref<128xi32, #tpu.memory_space<vmem>>
    %dma_start3A_490 = arith.constant 0 : i32
    %dma_start3A_491 = arith.constant 0 : i32
    %dma_start3A_492 = tpu.memref_slice %arg4[%arg0, %dma_start3A_490, %dma_start3A_491] : memref<2x31744x64xbf16, #tpu.memory_space<hbm>> -> memref<1x31744x64xbf16, #tpu.memory_space<hbm>>
    %dma_start3A_493 = tpu.memref_squeeze %dma_start3A_492 : memref<1x31744x64xbf16, #tpu.memory_space<hbm>> -> memref<31744x64xbf16, #tpu.memory_space<hbm>>
    %dma_start3A_494 = arith.constant 0 : i32
    %dma_start3A_495 = arith.constant 0 : i32
    %dma_start3A_496 = tpu.memref_slice %dma_start3A_493[%dma_start3A_494, %dma_start3A_495] : memref<31744x64xbf16, #tpu.memory_space<hbm>> -> memref<31744x64xbf16, #tpu.memory_space<hbm>>
    tpu.enqueue_indirect_dma source(%dma_start3A_496 : memref<31744x64xbf16, #tpu.memory_space<hbm>>) target(%dma_start3A_486 : memref<128x64xbf16, #tpu.memory_space<vmem>>) offsets(%dma_start3A_489 : memref<128xi32, #tpu.memory_space<vmem>>) semaphore(%arg12 : memref<!tpu.dma_semaphore, #tpu.memory_space<semaphore_mem>>)
    %dma_start3A_497 = arith.constant 4 : i32
    %dma_start3A_498 = arith.constant 0 : i32
    %dma_start3A_499 = arith.constant 0 : i32
    %dma_start3A_500 = arith.constant 0 : i32
    %dma_start3A_501 = tpu.memref_slice %arg10[%dma_start3A_498, %dma_start3A_499, %dma_start3A_500] : memref<4x128x64xbf16, #tpu.memory_space<vmem>> -> memref<1x128x64xbf16, #tpu.memory_space<vmem>>
    %dma_start3A_502 = tpu.memref_squeeze %dma_start3A_501 : memref<1x128x64xbf16, #tpu.memory_space<vmem>> -> memref<128x64xbf16, #tpu.memory_space<vmem>>
    %dma_start3A_503 = arith.constant 0 : i32
    %dma_start3A_504 = tpu.memref_slice %arg7[%dma_start3A_497, %dma_start3A_503] : memref<124x128xi32, #tpu.memory_space<vmem>> -> memref<1x128xi32, #tpu.memory_space<vmem>>
    %dma_start3A_505 = tpu.memref_squeeze %dma_start3A_504 : memref<1x128xi32, #tpu.memory_space<vmem>> -> memref<128xi32, #tpu.memory_space<vmem>>
    %dma_start3A_506 = arith.constant 0 : i32
    %dma_start3A_507 = arith.constant 0 : i32
    %dma_start3A_508 = tpu.memref_slice %arg4[%arg0, %dma_start3A_506, %dma_start3A_507] : memref<2x31744x64xbf16, #tpu.memory_space<hbm>> -> memref<1x31744x64xbf16, #tpu.memory_space<hbm>>
    %dma_start3A_509 = tpu.memref_squeeze %dma_start3A_508 : memref<1x31744x64xbf16, #tpu.memory_space<hbm>> -> memref<31744x64xbf16, #tpu.memory_space<hbm>>
    %dma_start3A_510 = arith.constant 0 : i32
    %dma_start3A_511 = arith.constant 0 : i32
    %dma_start3A_512 = tpu.memref_slice %dma_start3A_509[%dma_start3A_510, %dma_start3A_511] : memref<31744x64xbf16, #tpu.memory_space<hbm>> -> memref<31744x64xbf16, #tpu.memory_space<hbm>>
    tpu.enqueue_indirect_dma source(%dma_start3A_512 : memref<31744x64xbf16, #tpu.memory_space<hbm>>) target(%dma_start3A_502 : memref<128x64xbf16, #tpu.memory_space<vmem>>) offsets(%dma_start3A_505 : memref<128xi32, #tpu.memory_space<vmem>>) semaphore(%arg13 : memref<!tpu.dma_semaphore, #tpu.memory_space<semaphore_mem>>)
    %dma_start3A_513 = arith.constant 5 : i32
    %dma_start3A_514 = arith.constant 1 : i32
    %dma_start3A_515 = arith.constant 0 : i32
    %dma_start3A_516 = arith.constant 0 : i32
    %dma_start3A_517 = tpu.memref_slice %arg10[%dma_start3A_514, %dma_start3A_515, %dma_start3A_516] : memref<4x128x64xbf16, #tpu.memory_space<vmem>> -> memref<1x128x64xbf16, #tpu.memory_space<vmem>>
    %dma_start3A_518 = tpu.memref_squeeze %dma_start3A_517 : memref<1x128x64xbf16, #tpu.memory_space<vmem>> -> memref<128x64xbf16, #tpu.memory_space<vmem>>
    %dma_start3A_519 = arith.constant 0 : i32
    %dma_start3A_520 = tpu.memref_slice %arg7[%dma_start3A_513, %dma_start3A_519] : memref<124x128xi32, #tpu.memory_space<vmem>> -> memref<1x128xi32, #tpu.memory_space<vmem>>
    %dma_start3A_521 = tpu.memref_squeeze %dma_start3A_520 : memref<1x128xi32, #tpu.memory_space<vmem>> -> memref<128xi32, #tpu.memory_space<vmem>>
    %dma_start3A_522 = arith.constant 0 : i32
    %dma_start3A_523 = arith.constant 0 : i32
    %dma_start3A_524 = tpu.memref_slice %arg4[%arg0, %dma_start3A_522, %dma_start3A_523] : memref<2x31744x64xbf16, #tpu.memory_space<hbm>> -> memref<1x31744x64xbf16, #tpu.memory_space<hbm>>
    %dma_start3A_525 = tpu.memref_squeeze %dma_start3A_524 : memref<1x31744x64xbf16, #tpu.memory_space<hbm>> -> memref<31744x64xbf16, #tpu.memory_space<hbm>>
    %dma_start3A_526 = arith.constant 0 : i32
    %dma_start3A_527 = arith.constant 0 : i32
    %dma_start3A_528 = tpu.memref_slice %dma_start3A_525[%dma_start3A_526, %dma_start3A_527] : memref<31744x64xbf16, #tpu.memory_space<hbm>> -> memref<31744x64xbf16, #tpu.memory_space<hbm>>
    tpu.enqueue_indirect_dma source(%dma_start3A_528 : memref<31744x64xbf16, #tpu.memory_space<hbm>>) target(%dma_start3A_518 : memref<128x64xbf16, #tpu.memory_space<vmem>>) offsets(%dma_start3A_521 : memref<128xi32, #tpu.memory_space<vmem>>) semaphore(%arg13 : memref<!tpu.dma_semaphore, #tpu.memory_space<semaphore_mem>>)
    %dma_start3A_529 = arith.constant 6 : i32
    %dma_start3A_530 = arith.constant 2 : i32
    %dma_start3A_531 = arith.constant 0 : i32
    %dma_start3A_532 = arith.constant 0 : i32
    %dma_start3A_533 = tpu.memref_slice %arg10[%dma_start3A_530, %dma_start3A_531, %dma_start3A_532] : memref<4x128x64xbf16, #tpu.memory_space<vmem>> -> memref<1x128x64xbf16, #tpu.memory_space<vmem>>
    %dma_start3A_534 = tpu.memref_squeeze %dma_start3A_533 : memref<1x128x64xbf16, #tpu.memory_space<vmem>> -> memref<128x64xbf16, #tpu.memory_space<vmem>>
    %dma_start3A_535 = arith.constant 0 : i32
    %dma_start3A_536 = tpu.memref_slice %arg7[%dma_start3A_529, %dma_start3A_535] : memref<124x128xi32, #tpu.memory_space<vmem>> -> memref<1x128xi32, #tpu.memory_space<vmem>>
    %dma_start3A_537 = tpu.memref_squeeze %dma_start3A_536 : memref<1x128xi32, #tpu.memory_space<vmem>> -> memref<128xi32, #tpu.memory_space<vmem>>
    %dma_start3A_538 = arith.constant 0 : i32
    %dma_start3A_539 = arith.constant 0 : i32
    %dma_start3A_540 = tpu.memref_slice %arg4[%arg0, %dma_start3A_538, %dma_start3A_539] : memref<2x31744x64xbf16, #tpu.memory_space<hbm>> -> memref<1x31744x64xbf16, #tpu.memory_space<hbm>>
    %dma_start3A_541 = tpu.memref_squeeze %dma_start3A_540 : memref<1x31744x64xbf16, #tpu.memory_space<hbm>> -> memref<31744x64xbf16, #tpu.memory_space<hbm>>
    %dma_start3A_542 = arith.constant 0 : i32
    %dma_start3A_543 = arith.constant 0 : i32
    %dma_start3A_544 = tpu.memref_slice %dma_start3A_541[%dma_start3A_542, %dma_start3A_543] : memref<31744x64xbf16, #tpu.memory_space<hbm>> -> memref<31744x64xbf16, #tpu.memory_space<hbm>>
    tpu.enqueue_indirect_dma source(%dma_start3A_544 : memref<31744x64xbf16, #tpu.memory_space<hbm>>) target(%dma_start3A_534 : memref<128x64xbf16, #tpu.memory_space<vmem>>) offsets(%dma_start3A_537 : memref<128xi32, #tpu.memory_space<vmem>>) semaphore(%arg13 : memref<!tpu.dma_semaphore, #tpu.memory_space<semaphore_mem>>)
    %dma_start3A_545 = arith.constant 7 : i32
    %dma_start3A_546 = arith.constant 3 : i32
    %dma_start3A_547 = arith.constant 0 : i32
    %dma_start3A_548 = arith.constant 0 : i32
    %dma_start3A_549 = tpu.memref_slice %arg10[%dma_start3A_546, %dma_start3A_547, %dma_start3A_548] : memref<4x128x64xbf16, #tpu.memory_space<vmem>> -> memref<1x128x64xbf16, #tpu.memory_space<vmem>>
    %dma_start3A_550 = tpu.memref_squeeze %dma_start3A_549 : memref<1x128x64xbf16, #tpu.memory_space<vmem>> -> memref<128x64xbf16, #tpu.memory_space<vmem>>
    %dma_start3A_551 = arith.constant 0 : i32
    %dma_start3A_552 = tpu.memref_slice %arg7[%dma_start3A_545, %dma_start3A_551] : memref<124x128xi32, #tpu.memory_space<vmem>> -> memref<1x128xi32, #tpu.memory_space<vmem>>
    %dma_start3A_553 = tpu.memref_squeeze %dma_start3A_552 : memref<1x128xi32, #tpu.memory_space<vmem>> -> memref<128xi32, #tpu.memory_space<vmem>>
    %dma_start3A_554 = arith.constant 0 : i32
    %dma_start3A_555 = arith.constant 0 : i32
    %dma_start3A_556 = tpu.memref_slice %arg4[%arg0, %dma_start3A_554, %dma_start3A_555] : memref<2x31744x64xbf16, #tpu.memory_space<hbm>> -> memref<1x31744x64xbf16, #tpu.memory_space<hbm>>
    %dma_start3A_557 = tpu.memref_squeeze %dma_start3A_556 : memref<1x31744x64xbf16, #tpu.memory_space<hbm>> -> memref<31744x64xbf16, #tpu.memory_space<hbm>>
    %dma_start3A_558 = arith.constant 0 : i32
    %dma_start3A_559 = arith.constant 0 : i32
    %dma_start3A_560 = tpu.memref_slice %dma_start3A_557[%dma_start3A_558, %dma_start3A_559] : memref<31744x64xbf16, #tpu.memory_space<hbm>> -> memref<31744x64xbf16, #tpu.memory_space<hbm>>
    tpu.enqueue_indirect_dma source(%dma_start3A_560 : memref<31744x64xbf16, #tpu.memory_space<hbm>>) target(%dma_start3A_550 : memref<128x64xbf16, #tpu.memory_space<vmem>>) offsets(%dma_start3A_553 : memref<128xi32, #tpu.memory_space<vmem>>) semaphore(%arg13 : memref<!tpu.dma_semaphore, #tpu.memory_space<semaphore_mem>>)
    %scan3A_561 = arith.constant 0 : i32
    %scan3A_562 = arith.constant 0 : i32
    %scan3A_563 = arith.constant 1 : i32
    %scan3A_564 = arith.constant 1 : i32
    %scan3A_565 = arith.constant 2 : i32
    %scan3A_566 = arith.constant 2 : i32
    %scan3A_567 = arith.constant 3 : i32
    %scan3A_568 = arith.constant 3 : i32
    %scan3A_569 = arith.constant 4 : i32
    %scan3A_570 = arith.constant 0 : i32
    %scan3A_571 = arith.constant 5 : i32
    %scan3A_572 = arith.constant 1 : i32
    %scan3A_573 = arith.constant 6 : i32
    %scan3A_574 = arith.constant 2 : i32
    %scan3A_575 = arith.constant 7 : i32
    %scan3A_576 = arith.constant 3 : i32
    %scan3A_577 = arith.constant 0 : i32
    %scan3A_578 = arith.constant 0 : i32
    %scan3A_579 = arith.constant 14 : i32
    %scan3A_580 = arith.addi %scan3A_578, %scan3A_579 : i32
    %scan3A_581 = arith.constant 1 : i32
    %scan3A_582 = scf.for %scan3A_869 = %scan3A_578 to %scan3A_580 step %scan3A_581 iter_args(%scan3A_870 = %scan3A_577) -> (i32)  : i32 {
      %mul3A_871 = arith.constant 2 : i32
      %mul3A_872 = arith.muli %mul3A_871, %scan3A_869 : i32
      %mul3A_873 = arith.constant 4 : i32
      %mul3A_874 = arith.muli %mul3A_872, %mul3A_873 : i32
      %dma_wait3A_875 = arith.constant 0 : i32
      %dma_wait3A_876 = arith.constant 0 : i32
      %dma_wait3A_877 = tpu.memref_slice %arg9[%scan3A_562, %dma_wait3A_875, %dma_wait3A_876] : memref<4x128x64xbf16, #tpu.memory_space<vmem>> -> memref<1x128x64xbf16, #tpu.memory_space<vmem>>
      %dma_wait3A_878 = tpu.memref_squeeze %dma_wait3A_877 : memref<1x128x64xbf16, #tpu.memory_space<vmem>> -> memref<128x64xbf16, #tpu.memory_space<vmem>>
      %dma_wait3A_879 = arith.constant 0 : i32
      %dma_wait3A_880 = tpu.memref_slice %arg7[%scan3A_561, %dma_wait3A_879] : memref<124x128xi32, #tpu.memory_space<vmem>> -> memref<1x128xi32, #tpu.memory_space<vmem>>
      %dma_wait3A_881 = tpu.memref_squeeze %dma_wait3A_880 : memref<1x128xi32, #tpu.memory_space<vmem>> -> memref<128xi32, #tpu.memory_space<vmem>>
      %dma_wait3A_882 = arith.constant 0 : i32
      %dma_wait3A_883 = arith.constant 0 : i32
      %dma_wait3A_884 = tpu.memref_slice %arg4[%arg0, %dma_wait3A_882, %dma_wait3A_883] : memref<2x31744x64xbf16, #tpu.memory_space<hbm>> -> memref<1x31744x64xbf16, #tpu.memory_space<hbm>>
      %dma_wait3A_885 = tpu.memref_squeeze %dma_wait3A_884 : memref<1x31744x64xbf16, #tpu.memory_space<hbm>> -> memref<31744x64xbf16, #tpu.memory_space<hbm>>
      %dma_wait3A_886 = arith.constant 0 : i32
      %dma_wait3A_887 = arith.constant 0 : i32
      %dma_wait3A_888 = tpu.memref_slice %dma_wait3A_885[%dma_wait3A_886, %dma_wait3A_887] : memref<31744x64xbf16, #tpu.memory_space<hbm>> -> memref<31744x64xbf16, #tpu.memory_space<hbm>>
      tpu.wait_indirect_dma semaphore(%arg12 : memref<!tpu.dma_semaphore, #tpu.memory_space<semaphore_mem>>) src(%dma_wait3A_888 : memref<31744x64xbf16, #tpu.memory_space<hbm>>) dst(%dma_wait3A_878 : memref<128x64xbf16, #tpu.memory_space<vmem>>)
      %dma_wait3A_889 = arith.constant 0 : i32
      %dma_wait3A_890 = arith.constant 0 : i32
      %dma_wait3A_891 = tpu.memref_slice %arg9[%scan3A_564, %dma_wait3A_889, %dma_wait3A_890] : memref<4x128x64xbf16, #tpu.memory_space<vmem>> -> memref<1x128x64xbf16, #tpu.memory_space<vmem>>
      %dma_wait3A_892 = tpu.memref_squeeze %dma_wait3A_891 : memref<1x128x64xbf16, #tpu.memory_space<vmem>> -> memref<128x64xbf16, #tpu.memory_space<vmem>>
      %dma_wait3A_893 = arith.constant 0 : i32
      %dma_wait3A_894 = tpu.memref_slice %arg7[%scan3A_563, %dma_wait3A_893] : memref<124x128xi32, #tpu.memory_space<vmem>> -> memref<1x128xi32, #tpu.memory_space<vmem>>
      %dma_wait3A_895 = tpu.memref_squeeze %dma_wait3A_894 : memref<1x128xi32, #tpu.memory_space<vmem>> -> memref<128xi32, #tpu.memory_space<vmem>>
      %dma_wait3A_896 = arith.constant 0 : i32
      %dma_wait3A_897 = arith.constant 0 : i32
      %dma_wait3A_898 = tpu.memref_slice %arg4[%arg0, %dma_wait3A_896, %dma_wait3A_897] : memref<2x31744x64xbf16, #tpu.memory_space<hbm>> -> memref<1x31744x64xbf16, #tpu.memory_space<hbm>>
      %dma_wait3A_899 = tpu.memref_squeeze %dma_wait3A_898 : memref<1x31744x64xbf16, #tpu.memory_space<hbm>> -> memref<31744x64xbf16, #tpu.memory_space<hbm>>
      %dma_wait3A_900 = arith.constant 0 : i32
      %dma_wait3A_901 = arith.constant 0 : i32
      %dma_wait3A_902 = tpu.memref_slice %dma_wait3A_899[%dma_wait3A_900, %dma_wait3A_901] : memref<31744x64xbf16, #tpu.memory_space<hbm>> -> memref<31744x64xbf16, #tpu.memory_space<hbm>>
      tpu.wait_indirect_dma semaphore(%arg12 : memref<!tpu.dma_semaphore, #tpu.memory_space<semaphore_mem>>) src(%dma_wait3A_902 : memref<31744x64xbf16, #tpu.memory_space<hbm>>) dst(%dma_wait3A_892 : memref<128x64xbf16, #tpu.memory_space<vmem>>)
      %dma_wait3A_903 = arith.constant 0 : i32
      %dma_wait3A_904 = arith.constant 0 : i32
      %dma_wait3A_905 = tpu.memref_slice %arg9[%scan3A_566, %dma_wait3A_903, %dma_wait3A_904] : memref<4x128x64xbf16, #tpu.memory_space<vmem>> -> memref<1x128x64xbf16, #tpu.memory_space<vmem>>
      %dma_wait3A_906 = tpu.memref_squeeze %dma_wait3A_905 : memref<1x128x64xbf16, #tpu.memory_space<vmem>> -> memref<128x64xbf16, #tpu.memory_space<vmem>>
      %dma_wait3A_907 = arith.constant 0 : i32
      %dma_wait3A_908 = tpu.memref_slice %arg7[%scan3A_565, %dma_wait3A_907] : memref<124x128xi32, #tpu.memory_space<vmem>> -> memref<1x128xi32, #tpu.memory_space<vmem>>
      %dma_wait3A_909 = tpu.memref_squeeze %dma_wait3A_908 : memref<1x128xi32, #tpu.memory_space<vmem>> -> memref<128xi32, #tpu.memory_space<vmem>>
      %dma_wait3A_910 = arith.constant 0 : i32
      %dma_wait3A_911 = arith.constant 0 : i32
      %dma_wait3A_912 = tpu.memref_slice %arg4[%arg0, %dma_wait3A_910, %dma_wait3A_911] : memref<2x31744x64xbf16, #tpu.memory_space<hbm>> -> memref<1x31744x64xbf16, #tpu.memory_space<hbm>>
      %dma_wait3A_913 = tpu.memref_squeeze %dma_wait3A_912 : memref<1x31744x64xbf16, #tpu.memory_space<hbm>> -> memref<31744x64xbf16, #tpu.memory_space<hbm>>
      %dma_wait3A_914 = arith.constant 0 : i32
      %dma_wait3A_915 = arith.constant 0 : i32
      %dma_wait3A_916 = tpu.memref_slice %dma_wait3A_913[%dma_wait3A_914, %dma_wait3A_915] : memref<31744x64xbf16, #tpu.memory_space<hbm>> -> memref<31744x64xbf16, #tpu.memory_space<hbm>>
      tpu.wait_indirect_dma semaphore(%arg12 : memref<!tpu.dma_semaphore, #tpu.memory_space<semaphore_mem>>) src(%dma_wait3A_916 : memref<31744x64xbf16, #tpu.memory_space<hbm>>) dst(%dma_wait3A_906 : memref<128x64xbf16, #tpu.memory_space<vmem>>)
      %dma_wait3A_917 = arith.constant 0 : i32
      %dma_wait3A_918 = arith.constant 0 : i32
      %dma_wait3A_919 = tpu.memref_slice %arg9[%scan3A_568, %dma_wait3A_917, %dma_wait3A_918] : memref<4x128x64xbf16, #tpu.memory_space<vmem>> -> memref<1x128x64xbf16, #tpu.memory_space<vmem>>
      %dma_wait3A_920 = tpu.memref_squeeze %dma_wait3A_919 : memref<1x128x64xbf16, #tpu.memory_space<vmem>> -> memref<128x64xbf16, #tpu.memory_space<vmem>>
      %dma_wait3A_921 = arith.constant 0 : i32
      %dma_wait3A_922 = tpu.memref_slice %arg7[%scan3A_567, %dma_wait3A_921] : memref<124x128xi32, #tpu.memory_space<vmem>> -> memref<1x128xi32, #tpu.memory_space<vmem>>
      %dma_wait3A_923 = tpu.memref_squeeze %dma_wait3A_922 : memref<1x128xi32, #tpu.memory_space<vmem>> -> memref<128xi32, #tpu.memory_space<vmem>>
      %dma_wait3A_924 = arith.constant 0 : i32
      %dma_wait3A_925 = arith.constant 0 : i32
      %dma_wait3A_926 = tpu.memref_slice %arg4[%arg0, %dma_wait3A_924, %dma_wait3A_925] : memref<2x31744x64xbf16, #tpu.memory_space<hbm>> -> memref<1x31744x64xbf16, #tpu.memory_space<hbm>>
      %dma_wait3A_927 = tpu.memref_squeeze %dma_wait3A_926 : memref<1x31744x64xbf16, #tpu.memory_space<hbm>> -> memref<31744x64xbf16, #tpu.memory_space<hbm>>
      %dma_wait3A_928 = arith.constant 0 : i32
      %dma_wait3A_929 = arith.constant 0 : i32
      %dma_wait3A_930 = tpu.memref_slice %dma_wait3A_927[%dma_wait3A_928, %dma_wait3A_929] : memref<31744x64xbf16, #tpu.memory_space<hbm>> -> memref<31744x64xbf16, #tpu.memory_space<hbm>>
      tpu.wait_indirect_dma semaphore(%arg12 : memref<!tpu.dma_semaphore, #tpu.memory_space<semaphore_mem>>) src(%dma_wait3A_930 : memref<31744x64xbf16, #tpu.memory_space<hbm>>) dst(%dma_wait3A_920 : memref<128x64xbf16, #tpu.memory_space<vmem>>)
      %add3A_931 = arith.constant 0 : i32
      %add3A_932 = arith.addi %mul3A_874, %add3A_931 : i32
      %run_scoped3A_933 = arith.constant 0 : i32
      "tpu.region"() ({
        %run_scoped3A_1154 = tpu.sem_alloc : memref<!tpu.dma_semaphore, #tpu.memory_space<semaphore_mem>>
        %dma_start3A_1155 = arith.constant 0 : i32
        %dma_start3A_1156 = arith.constant 0 : i32
        %dma_start3A_1157 = tpu.memref_slice %arg9[%run_scoped3A_933, %dma_start3A_1155, %dma_start3A_1156] : memref<4x128x64xbf16, #tpu.memory_space<vmem>> -> memref<1x128x64xbf16, #tpu.memory_space<vmem>>
        %dma_start3A_1158 = tpu.memref_squeeze %dma_start3A_1157 : memref<1x128x64xbf16, #tpu.memory_space<vmem>> -> memref<128x64xbf16, #tpu.memory_space<vmem>>
        %dma_start3A_1159 = arith.constant 0 : i32
        %dma_start3A_1160 = tpu.memref_slice %arg8[%add3A_932, %dma_start3A_1159] : memref<124x128xi32, #tpu.memory_space<vmem>> -> memref<1x128xi32, #tpu.memory_space<vmem>>
        %dma_start3A_1161 = tpu.memref_squeeze %dma_start3A_1160 : memref<1x128xi32, #tpu.memory_space<vmem>> -> memref<128xi32, #tpu.memory_space<vmem>>
        %dma_start3A_1162 = arith.constant 0 : i32
        %dma_start3A_1163 = arith.constant 0 : i32
        %dma_start3A_1164 = tpu.memref_slice %arg11[%dma_start3A_1162, %dma_start3A_1163] : memref<31744x64xbf16, #tpu.memory_space<vmem_shared>> -> memref<31744x64xbf16, #tpu.memory_space<vmem_shared>>
        tpu.enqueue_indirect_dma source(%dma_start3A_1158 : memref<128x64xbf16, #tpu.memory_space<vmem>>) target(%dma_start3A_1164 : memref<31744x64xbf16, #tpu.memory_space<vmem_shared>>) offsets(%dma_start3A_1161 : memref<128xi32, #tpu.memory_space<vmem>>) semaphore(%run_scoped3A_1154 : memref<!tpu.dma_semaphore, #tpu.memory_space<semaphore_mem>>) {add = true}
        %dma_wait3A_1165 = arith.constant 0 : i32
        %dma_wait3A_1166 = arith.constant 0 : i32
        %dma_wait3A_1167 = tpu.memref_slice %arg9[%run_scoped3A_933, %dma_wait3A_1165, %dma_wait3A_1166] : memref<4x128x64xbf16, #tpu.memory_space<vmem>> -> memref<1x128x64xbf16, #tpu.memory_space<vmem>>
        %dma_wait3A_1168 = tpu.memref_squeeze %dma_wait3A_1167 : memref<1x128x64xbf16, #tpu.memory_space<vmem>> -> memref<128x64xbf16, #tpu.memory_space<vmem>>
        %dma_wait3A_1169 = arith.constant 0 : i32
        %dma_wait3A_1170 = tpu.memref_slice %arg8[%add3A_932, %dma_wait3A_1169] : memref<124x128xi32, #tpu.memory_space<vmem>> -> memref<1x128xi32, #tpu.memory_space<vmem>>
        %dma_wait3A_1171 = tpu.memref_squeeze %dma_wait3A_1170 : memref<1x128xi32, #tpu.memory_space<vmem>> -> memref<128xi32, #tpu.memory_space<vmem>>
        %dma_wait3A_1172 = arith.constant 0 : i32
        %dma_wait3A_1173 = arith.constant 0 : i32
        %dma_wait3A_1174 = tpu.memref_slice %arg11[%dma_wait3A_1172, %dma_wait3A_1173] : memref<31744x64xbf16, #tpu.memory_space<vmem_shared>> -> memref<31744x64xbf16, #tpu.memory_space<vmem_shared>>
        tpu.wait_indirect_dma semaphore(%run_scoped3A_1154 : memref<!tpu.dma_semaphore, #tpu.memory_space<semaphore_mem>>) src(%dma_wait3A_1168 : memref<128x64xbf16, #tpu.memory_space<vmem>>) dst(%dma_wait3A_1174 : memref<31744x64xbf16, #tpu.memory_space<vmem_shared>>)
        tpu.yield
      }) : () -> ()
      %add3A_934 = arith.constant 1 : i32
      %add3A_935 = arith.addi %mul3A_874, %add3A_934 : i32
      %run_scoped3A_936 = arith.constant 1 : i32
      "tpu.region"() ({
        %run_scoped3A_1154 = tpu.sem_alloc : memref<!tpu.dma_semaphore, #tpu.memory_space<semaphore_mem>>
        %dma_start3A_1155 = arith.constant 0 : i32
        %dma_start3A_1156 = arith.constant 0 : i32
        %dma_start3A_1157 = tpu.memref_slice %arg9[%run_scoped3A_936, %dma_start3A_1155, %dma_start3A_1156] : memref<4x128x64xbf16, #tpu.memory_space<vmem>> -> memref<1x128x64xbf16, #tpu.memory_space<vmem>>
        %dma_start3A_1158 = tpu.memref_squeeze %dma_start3A_1157 : memref<1x128x64xbf16, #tpu.memory_space<vmem>> -> memref<128x64xbf16, #tpu.memory_space<vmem>>
        %dma_start3A_1159 = arith.constant 0 : i32
        %dma_start3A_1160 = tpu.memref_slice %arg8[%add3A_935, %dma_start3A_1159] : memref<124x128xi32, #tpu.memory_space<vmem>> -> memref<1x128xi32, #tpu.memory_space<vmem>>
        %dma_start3A_1161 = tpu.memref_squeeze %dma_start3A_1160 : memref<1x128xi32, #tpu.memory_space<vmem>> -> memref<128xi32, #tpu.memory_space<vmem>>
        %dma_start3A_1162 = arith.constant 0 : i32
        %dma_start3A_1163 = arith.constant 0 : i32
        %dma_start3A_1164 = tpu.memref_slice %arg11[%dma_start3A_1162, %dma_start3A_1163] : memref<31744x64xbf16, #tpu.memory_space<vmem_shared>> -> memref<31744x64xbf16, #tpu.memory_space<vmem_shared>>
        tpu.enqueue_indirect_dma source(%dma_start3A_1158 : memref<128x64xbf16, #tpu.memory_space<vmem>>) target(%dma_start3A_1164 : memref<31744x64xbf16, #tpu.memory_space<vmem_shared>>) offsets(%dma_start3A_1161 : memref<128xi32, #tpu.memory_space<vmem>>) semaphore(%run_scoped3A_1154 : memref<!tpu.dma_semaphore, #tpu.memory_space<semaphore_mem>>) {add = true}
        %dma_wait3A_1165 = arith.constant 0 : i32
        %dma_wait3A_1166 = arith.constant 0 : i32
        %dma_wait3A_1167 = tpu.memref_slice %arg9[%run_scoped3A_936, %dma_wait3A_1165, %dma_wait3A_1166] : memref<4x128x64xbf16, #tpu.memory_space<vmem>> -> memref<1x128x64xbf16, #tpu.memory_space<vmem>>
        %dma_wait3A_1168 = tpu.memref_squeeze %dma_wait3A_1167 : memref<1x128x64xbf16, #tpu.memory_space<vmem>> -> memref<128x64xbf16, #tpu.memory_space<vmem>>
        %dma_wait3A_1169 = arith.constant 0 : i32
        %dma_wait3A_1170 = tpu.memref_slice %arg8[%add3A_935, %dma_wait3A_1169] : memref<124x128xi32, #tpu.memory_space<vmem>> -> memref<1x128xi32, #tpu.memory_space<vmem>>
        %dma_wait3A_1171 = tpu.memref_squeeze %dma_wait3A_1170 : memref<1x128xi32, #tpu.memory_space<vmem>> -> memref<128xi32, #tpu.memory_space<vmem>>
        %dma_wait3A_1172 = arith.constant 0 : i32
        %dma_wait3A_1173 = arith.constant 0 : i32
        %dma_wait3A_1174 = tpu.memref_slice %arg11[%dma_wait3A_1172, %dma_wait3A_1173] : memref<31744x64xbf16, #tpu.memory_space<vmem_shared>> -> memref<31744x64xbf16, #tpu.memory_space<vmem_shared>>
        tpu.wait_indirect_dma semaphore(%run_scoped3A_1154 : memref<!tpu.dma_semaphore, #tpu.memory_space<semaphore_mem>>) src(%dma_wait3A_1168 : memref<128x64xbf16, #tpu.memory_space<vmem>>) dst(%dma_wait3A_1174 : memref<31744x64xbf16, #tpu.memory_space<vmem_shared>>)
        tpu.yield
      }) : () -> ()
      %add3A_937 = arith.constant 2 : i32
      %add3A_938 = arith.addi %mul3A_874, %add3A_937 : i32
      %run_scoped3A_939 = arith.constant 2 : i32
      "tpu.region"() ({
        %run_scoped3A_1154 = tpu.sem_alloc : memref<!tpu.dma_semaphore, #tpu.memory_space<semaphore_mem>>
        %dma_start3A_1155 = arith.constant 0 : i32
        %dma_start3A_1156 = arith.constant 0 : i32
        %dma_start3A_1157 = tpu.memref_slice %arg9[%run_scoped3A_939, %dma_start3A_1155, %dma_start3A_1156] : memref<4x128x64xbf16, #tpu.memory_space<vmem>> -> memref<1x128x64xbf16, #tpu.memory_space<vmem>>
        %dma_start3A_1158 = tpu.memref_squeeze %dma_start3A_1157 : memref<1x128x64xbf16, #tpu.memory_space<vmem>> -> memref<128x64xbf16, #tpu.memory_space<vmem>>
        %dma_start3A_1159 = arith.constant 0 : i32
        %dma_start3A_1160 = tpu.memref_slice %arg8[%add3A_938, %dma_start3A_1159] : memref<124x128xi32, #tpu.memory_space<vmem>> -> memref<1x128xi32, #tpu.memory_space<vmem>>
        %dma_start3A_1161 = tpu.memref_squeeze %dma_start3A_1160 : memref<1x128xi32, #tpu.memory_space<vmem>> -> memref<128xi32, #tpu.memory_space<vmem>>
        %dma_start3A_1162 = arith.constant 0 : i32
        %dma_start3A_1163 = arith.constant 0 : i32
        %dma_start3A_1164 = tpu.memref_slice %arg11[%dma_start3A_1162, %dma_start3A_1163] : memref<31744x64xbf16, #tpu.memory_space<vmem_shared>> -> memref<31744x64xbf16, #tpu.memory_space<vmem_shared>>
        tpu.enqueue_indirect_dma source(%dma_start3A_1158 : memref<128x64xbf16, #tpu.memory_space<vmem>>) target(%dma_start3A_1164 : memref<31744x64xbf16, #tpu.memory_space<vmem_shared>>) offsets(%dma_start3A_1161 : memref<128xi32, #tpu.memory_space<vmem>>) semaphore(%run_scoped3A_1154 : memref<!tpu.dma_semaphore, #tpu.memory_space<semaphore_mem>>) {add = true}
        %dma_wait3A_1165 = arith.constant 0 : i32
        %dma_wait3A_1166 = arith.constant 0 : i32
        %dma_wait3A_1167 = tpu.memref_slice %arg9[%run_scoped3A_939, %dma_wait3A_1165, %dma_wait3A_1166] : memref<4x128x64xbf16, #tpu.memory_space<vmem>> -> memref<1x128x64xbf16, #tpu.memory_space<vmem>>
        %dma_wait3A_1168 = tpu.memref_squeeze %dma_wait3A_1167 : memref<1x128x64xbf16, #tpu.memory_space<vmem>> -> memref<128x64xbf16, #tpu.memory_space<vmem>>
        %dma_wait3A_1169 = arith.constant 0 : i32
        %dma_wait3A_1170 = tpu.memref_slice %arg8[%add3A_938, %dma_wait3A_1169] : memref<124x128xi32, #tpu.memory_space<vmem>> -> memref<1x128xi32, #tpu.memory_space<vmem>>
        %dma_wait3A_1171 = tpu.memref_squeeze %dma_wait3A_1170 : memref<1x128xi32, #tpu.memory_space<vmem>> -> memref<128xi32, #tpu.memory_space<vmem>>
        %dma_wait3A_1172 = arith.constant 0 : i32
        %dma_wait3A_1173 = arith.constant 0 : i32
        %dma_wait3A_1174 = tpu.memref_slice %arg11[%dma_wait3A_1172, %dma_wait3A_1173] : memref<31744x64xbf16, #tpu.memory_space<vmem_shared>> -> memref<31744x64xbf16, #tpu.memory_space<vmem_shared>>
        tpu.wait_indirect_dma semaphore(%run_scoped3A_1154 : memref<!tpu.dma_semaphore, #tpu.memory_space<semaphore_mem>>) src(%dma_wait3A_1168 : memref<128x64xbf16, #tpu.memory_space<vmem>>) dst(%dma_wait3A_1174 : memref<31744x64xbf16, #tpu.memory_space<vmem_shared>>)
        tpu.yield
      }) : () -> ()
      %add3A_940 = arith.constant 3 : i32
      %add3A_941 = arith.addi %mul3A_874, %add3A_940 : i32
      %run_scoped3A_942 = arith.constant 3 : i32
      "tpu.region"() ({
        %run_scoped3A_1154 = tpu.sem_alloc : memref<!tpu.dma_semaphore, #tpu.memory_space<semaphore_mem>>
        %dma_start3A_1155 = arith.constant 0 : i32
        %dma_start3A_1156 = arith.constant 0 : i32
        %dma_start3A_1157 = tpu.memref_slice %arg9[%run_scoped3A_942, %dma_start3A_1155, %dma_start3A_1156] : memref<4x128x64xbf16, #tpu.memory_space<vmem>> -> memref<1x128x64xbf16, #tpu.memory_space<vmem>>
        %dma_start3A_1158 = tpu.memref_squeeze %dma_start3A_1157 : memref<1x128x64xbf16, #tpu.memory_space<vmem>> -> memref<128x64xbf16, #tpu.memory_space<vmem>>
        %dma_start3A_1159 = arith.constant 0 : i32
        %dma_start3A_1160 = tpu.memref_slice %arg8[%add3A_941, %dma_start3A_1159] : memref<124x128xi32, #tpu.memory_space<vmem>> -> memref<1x128xi32, #tpu.memory_space<vmem>>
        %dma_start3A_1161 = tpu.memref_squeeze %dma_start3A_1160 : memref<1x128xi32, #tpu.memory_space<vmem>> -> memref<128xi32, #tpu.memory_space<vmem>>
        %dma_start3A_1162 = arith.constant 0 : i32
        %dma_start3A_1163 = arith.constant 0 : i32
        %dma_start3A_1164 = tpu.memref_slice %arg11[%dma_start3A_1162, %dma_start3A_1163] : memref<31744x64xbf16, #tpu.memory_space<vmem_shared>> -> memref<31744x64xbf16, #tpu.memory_space<vmem_shared>>
        tpu.enqueue_indirect_dma source(%dma_start3A_1158 : memref<128x64xbf16, #tpu.memory_space<vmem>>) target(%dma_start3A_1164 : memref<31744x64xbf16, #tpu.memory_space<vmem_shared>>) offsets(%dma_start3A_1161 : memref<128xi32, #tpu.memory_space<vmem>>) semaphore(%run_scoped3A_1154 : memref<!tpu.dma_semaphore, #tpu.memory_space<semaphore_mem>>) {add = true}
        %dma_wait3A_1165 = arith.constant 0 : i32
        %dma_wait3A_1166 = arith.constant 0 : i32
        %dma_wait3A_1167 = tpu.memref_slice %arg9[%run_scoped3A_942, %dma_wait3A_1165, %dma_wait3A_1166] : memref<4x128x64xbf16, #tpu.memory_space<vmem>> -> memref<1x128x64xbf16, #tpu.memory_space<vmem>>
        %dma_wait3A_1168 = tpu.memref_squeeze %dma_wait3A_1167 : memref<1x128x64xbf16, #tpu.memory_space<vmem>> -> memref<128x64xbf16, #tpu.memory_space<vmem>>
        %dma_wait3A_1169 = arith.constant 0 : i32
        %dma_wait3A_1170 = tpu.memref_slice %arg8[%add3A_941, %dma_wait3A_1169] : memref<124x128xi32, #tpu.memory_space<vmem>> -> memref<1x128xi32, #tpu.memory_space<vmem>>
        %dma_wait3A_1171 = tpu.memref_squeeze %dma_wait3A_1170 : memref<1x128xi32, #tpu.memory_space<vmem>> -> memref<128xi32, #tpu.memory_space<vmem>>
        %dma_wait3A_1172 = arith.constant 0 : i32
        %dma_wait3A_1173 = arith.constant 0 : i32
        %dma_wait3A_1174 = tpu.memref_slice %arg11[%dma_wait3A_1172, %dma_wait3A_1173] : memref<31744x64xbf16, #tpu.memory_space<vmem_shared>> -> memref<31744x64xbf16, #tpu.memory_space<vmem_shared>>
        tpu.wait_indirect_dma semaphore(%run_scoped3A_1154 : memref<!tpu.dma_semaphore, #tpu.memory_space<semaphore_mem>>) src(%dma_wait3A_1168 : memref<128x64xbf16, #tpu.memory_space<vmem>>) dst(%dma_wait3A_1174 : memref<31744x64xbf16, #tpu.memory_space<vmem_shared>>)
        tpu.yield
      }) : () -> ()
      %add3A_943 = arith.constant 8 : i32
      %add3A_944 = arith.addi %mul3A_874, %add3A_943 : i32
      %add3A_945 = arith.constant 0 : i32
      %add3A_946 = arith.addi %add3A_944, %add3A_945 : i32
      %dma_start3A_947 = arith.constant 0 : i32
      %dma_start3A_948 = arith.constant 0 : i32
      %dma_start3A_949 = arith.constant 0 : i32
      %dma_start3A_950 = tpu.memref_slice %arg9[%dma_start3A_947, %dma_start3A_948, %dma_start3A_949] : memref<4x128x64xbf16, #tpu.memory_space<vmem>> -> memref<1x128x64xbf16, #tpu.memory_space<vmem>>
      %dma_start3A_951 = tpu.memref_squeeze %dma_start3A_950 : memref<1x128x64xbf16, #tpu.memory_space<vmem>> -> memref<128x64xbf16, #tpu.memory_space<vmem>>
      %dma_start3A_952 = arith.constant 0 : i32
      %dma_start3A_953 = tpu.memref_slice %arg7[%add3A_946, %dma_start3A_952] : memref<124x128xi32, #tpu.memory_space<vmem>> -> memref<1x128xi32, #tpu.memory_space<vmem>>
      %dma_start3A_954 = tpu.memref_squeeze %dma_start3A_953 : memref<1x128xi32, #tpu.memory_space<vmem>> -> memref<128xi32, #tpu.memory_space<vmem>>
      %dma_start3A_955 = arith.constant 0 : i32
      %dma_start3A_956 = arith.constant 0 : i32
      %dma_start3A_957 = tpu.memref_slice %arg4[%arg0, %dma_start3A_955, %dma_start3A_956] : memref<2x31744x64xbf16, #tpu.memory_space<hbm>> -> memref<1x31744x64xbf16, #tpu.memory_space<hbm>>
      %dma_start3A_958 = tpu.memref_squeeze %dma_start3A_957 : memref<1x31744x64xbf16, #tpu.memory_space<hbm>> -> memref<31744x64xbf16, #tpu.memory_space<hbm>>
      %dma_start3A_959 = arith.constant 0 : i32
      %dma_start3A_960 = arith.constant 0 : i32
      %dma_start3A_961 = tpu.memref_slice %dma_start3A_958[%dma_start3A_959, %dma_start3A_960] : memref<31744x64xbf16, #tpu.memory_space<hbm>> -> memref<31744x64xbf16, #tpu.memory_space<hbm>>
      tpu.enqueue_indirect_dma source(%dma_start3A_961 : memref<31744x64xbf16, #tpu.memory_space<hbm>>) target(%dma_start3A_951 : memref<128x64xbf16, #tpu.memory_space<vmem>>) offsets(%dma_start3A_954 : memref<128xi32, #tpu.memory_space<vmem>>) semaphore(%arg12 : memref<!tpu.dma_semaphore, #tpu.memory_space<semaphore_mem>>)
      %add3A_962 = arith.constant 1 : i32
      %add3A_963 = arith.addi %add3A_944, %add3A_962 : i32
      %dma_start3A_964 = arith.constant 1 : i32
      %dma_start3A_965 = arith.constant 0 : i32
      %dma_start3A_966 = arith.constant 0 : i32
      %dma_start3A_967 = tpu.memref_slice %arg9[%dma_start3A_964, %dma_start3A_965, %dma_start3A_966] : memref<4x128x64xbf16, #tpu.memory_space<vmem>> -> memref<1x128x64xbf16, #tpu.memory_space<vmem>>
      %dma_start3A_968 = tpu.memref_squeeze %dma_start3A_967 : memref<1x128x64xbf16, #tpu.memory_space<vmem>> -> memref<128x64xbf16, #tpu.memory_space<vmem>>
      %dma_start3A_969 = arith.constant 0 : i32
      %dma_start3A_970 = tpu.memref_slice %arg7[%add3A_963, %dma_start3A_969] : memref<124x128xi32, #tpu.memory_space<vmem>> -> memref<1x128xi32, #tpu.memory_space<vmem>>
      %dma_start3A_971 = tpu.memref_squeeze %dma_start3A_970 : memref<1x128xi32, #tpu.memory_space<vmem>> -> memref<128xi32, #tpu.memory_space<vmem>>
      %dma_start3A_972 = arith.constant 0 : i32
      %dma_start3A_973 = arith.constant 0 : i32
      %dma_start3A_974 = tpu.memref_slice %arg4[%arg0, %dma_start3A_972, %dma_start3A_973] : memref<2x31744x64xbf16, #tpu.memory_space<hbm>> -> memref<1x31744x64xbf16, #tpu.memory_space<hbm>>
      %dma_start3A_975 = tpu.memref_squeeze %dma_start3A_974 : memref<1x31744x64xbf16, #tpu.memory_space<hbm>> -> memref<31744x64xbf16, #tpu.memory_space<hbm>>
      %dma_start3A_976 = arith.constant 0 : i32
      %dma_start3A_977 = arith.constant 0 : i32
      %dma_start3A_978 = tpu.memref_slice %dma_start3A_975[%dma_start3A_976, %dma_start3A_977] : memref<31744x64xbf16, #tpu.memory_space<hbm>> -> memref<31744x64xbf16, #tpu.memory_space<hbm>>
      tpu.enqueue_indirect_dma source(%dma_start3A_978 : memref<31744x64xbf16, #tpu.memory_space<hbm>>) target(%dma_start3A_968 : memref<128x64xbf16, #tpu.memory_space<vmem>>) offsets(%dma_start3A_971 : memref<128xi32, #tpu.memory_space<vmem>>) semaphore(%arg12 : memref<!tpu.dma_semaphore, #tpu.memory_space<semaphore_mem>>)
      %add3A_979 = arith.constant 2 : i32
      %add3A_980 = arith.addi %add3A_944, %add3A_979 : i32
      %dma_start3A_981 = arith.constant 2 : i32
      %dma_start3A_982 = arith.constant 0 : i32
      %dma_start3A_983 = arith.constant 0 : i32
      %dma_start3A_984 = tpu.memref_slice %arg9[%dma_start3A_981, %dma_start3A_982, %dma_start3A_983] : memref<4x128x64xbf16, #tpu.memory_space<vmem>> -> memref<1x128x64xbf16, #tpu.memory_space<vmem>>
      %dma_start3A_985 = tpu.memref_squeeze %dma_start3A_984 : memref<1x128x64xbf16, #tpu.memory_space<vmem>> -> memref<128x64xbf16, #tpu.memory_space<vmem>>
      %dma_start3A_986 = arith.constant 0 : i32
      %dma_start3A_987 = tpu.memref_slice %arg7[%add3A_980, %dma_start3A_986] : memref<124x128xi32, #tpu.memory_space<vmem>> -> memref<1x128xi32, #tpu.memory_space<vmem>>
      %dma_start3A_988 = tpu.memref_squeeze %dma_start3A_987 : memref<1x128xi32, #tpu.memory_space<vmem>> -> memref<128xi32, #tpu.memory_space<vmem>>
      %dma_start3A_989 = arith.constant 0 : i32
      %dma_start3A_990 = arith.constant 0 : i32
      %dma_start3A_991 = tpu.memref_slice %arg4[%arg0, %dma_start3A_989, %dma_start3A_990] : memref<2x31744x64xbf16, #tpu.memory_space<hbm>> -> memref<1x31744x64xbf16, #tpu.memory_space<hbm>>
      %dma_start3A_992 = tpu.memref_squeeze %dma_start3A_991 : memref<1x31744x64xbf16, #tpu.memory_space<hbm>> -> memref<31744x64xbf16, #tpu.memory_space<hbm>>
      %dma_start3A_993 = arith.constant 0 : i32
      %dma_start3A_994 = arith.constant 0 : i32
      %dma_start3A_995 = tpu.memref_slice %dma_start3A_992[%dma_start3A_993, %dma_start3A_994] : memref<31744x64xbf16, #tpu.memory_space<hbm>> -> memref<31744x64xbf16, #tpu.memory_space<hbm>>
      tpu.enqueue_indirect_dma source(%dma_start3A_995 : memref<31744x64xbf16, #tpu.memory_space<hbm>>) target(%dma_start3A_985 : memref<128x64xbf16, #tpu.memory_space<vmem>>) offsets(%dma_start3A_988 : memref<128xi32, #tpu.memory_space<vmem>>) semaphore(%arg12 : memref<!tpu.dma_semaphore, #tpu.memory_space<semaphore_mem>>)
      %add3A_996 = arith.constant 3 : i32
      %add3A_997 = arith.addi %add3A_944, %add3A_996 : i32
      %dma_start3A_998 = arith.constant 3 : i32
      %dma_start3A_999 = arith.constant 0 : i32
      %dma_start3A_1000 = arith.constant 0 : i32
      %dma_start3A_1001 = tpu.memref_slice %arg9[%dma_start3A_998, %dma_start3A_999, %dma_start3A_1000] : memref<4x128x64xbf16, #tpu.memory_space<vmem>> -> memref<1x128x64xbf16, #tpu.memory_space<vmem>>
      %dma_start3A_1002 = tpu.memref_squeeze %dma_start3A_1001 : memref<1x128x64xbf16, #tpu.memory_space<vmem>> -> memref<128x64xbf16, #tpu.memory_space<vmem>>
      %dma_start3A_1003 = arith.constant 0 : i32
      %dma_start3A_1004 = tpu.memref_slice %arg7[%add3A_997, %dma_start3A_1003] : memref<124x128xi32, #tpu.memory_space<vmem>> -> memref<1x128xi32, #tpu.memory_space<vmem>>
      %dma_start3A_1005 = tpu.memref_squeeze %dma_start3A_1004 : memref<1x128xi32, #tpu.memory_space<vmem>> -> memref<128xi32, #tpu.memory_space<vmem>>
      %dma_start3A_1006 = arith.constant 0 : i32
      %dma_start3A_1007 = arith.constant 0 : i32
      %dma_start3A_1008 = tpu.memref_slice %arg4[%arg0, %dma_start3A_1006, %dma_start3A_1007] : memref<2x31744x64xbf16, #tpu.memory_space<hbm>> -> memref<1x31744x64xbf16, #tpu.memory_space<hbm>>
      %dma_start3A_1009 = tpu.memref_squeeze %dma_start3A_1008 : memref<1x31744x64xbf16, #tpu.memory_space<hbm>> -> memref<31744x64xbf16, #tpu.memory_space<hbm>>
      %dma_start3A_1010 = arith.constant 0 : i32
      %dma_start3A_1011 = arith.constant 0 : i32
      %dma_start3A_1012 = tpu.memref_slice %dma_start3A_1009[%dma_start3A_1010, %dma_start3A_1011] : memref<31744x64xbf16, #tpu.memory_space<hbm>> -> memref<31744x64xbf16, #tpu.memory_space<hbm>>
      tpu.enqueue_indirect_dma source(%dma_start3A_1012 : memref<31744x64xbf16, #tpu.memory_space<hbm>>) target(%dma_start3A_1002 : memref<128x64xbf16, #tpu.memory_space<vmem>>) offsets(%dma_start3A_1005 : memref<128xi32, #tpu.memory_space<vmem>>) semaphore(%arg12 : memref<!tpu.dma_semaphore, #tpu.memory_space<semaphore_mem>>)
      %dma_wait3A_1013 = arith.constant 0 : i32
      %dma_wait3A_1014 = arith.constant 0 : i32
      %dma_wait3A_1015 = tpu.memref_slice %arg10[%scan3A_570, %dma_wait3A_1013, %dma_wait3A_1014] : memref<4x128x64xbf16, #tpu.memory_space<vmem>> -> memref<1x128x64xbf16, #tpu.memory_space<vmem>>
      %dma_wait3A_1016 = tpu.memref_squeeze %dma_wait3A_1015 : memref<1x128x64xbf16, #tpu.memory_space<vmem>> -> memref<128x64xbf16, #tpu.memory_space<vmem>>
      %dma_wait3A_1017 = arith.constant 0 : i32
      %dma_wait3A_1018 = tpu.memref_slice %arg7[%scan3A_569, %dma_wait3A_1017] : memref<124x128xi32, #tpu.memory_space<vmem>> -> memref<1x128xi32, #tpu.memory_space<vmem>>
      %dma_wait3A_1019 = tpu.memref_squeeze %dma_wait3A_1018 : memref<1x128xi32, #tpu.memory_space<vmem>> -> memref<128xi32, #tpu.memory_space<vmem>>
      %dma_wait3A_1020 = arith.constant 0 : i32
      %dma_wait3A_1021 = arith.constant 0 : i32
      %dma_wait3A_1022 = tpu.memref_slice %arg4[%arg0, %dma_wait3A_1020, %dma_wait3A_1021] : memref<2x31744x64xbf16, #tpu.memory_space<hbm>> -> memref<1x31744x64xbf16, #tpu.memory_space<hbm>>
      %dma_wait3A_1023 = tpu.memref_squeeze %dma_wait3A_1022 : memref<1x31744x64xbf16, #tpu.memory_space<hbm>> -> memref<31744x64xbf16, #tpu.memory_space<hbm>>
      %dma_wait3A_1024 = arith.constant 0 : i32
      %dma_wait3A_1025 = arith.constant 0 : i32
      %dma_wait3A_1026 = tpu.memref_slice %dma_wait3A_1023[%dma_wait3A_1024, %dma_wait3A_1025] : memref<31744x64xbf16, #tpu.memory_space<hbm>> -> memref<31744x64xbf16, #tpu.memory_space<hbm>>
      tpu.wait_indirect_dma semaphore(%arg13 : memref<!tpu.dma_semaphore, #tpu.memory_space<semaphore_mem>>) src(%dma_wait3A_1026 : memref<31744x64xbf16, #tpu.memory_space<hbm>>) dst(%dma_wait3A_1016 : memref<128x64xbf16, #tpu.memory_space<vmem>>)
      %dma_wait3A_1027 = arith.constant 0 : i32
      %dma_wait3A_1028 = arith.constant 0 : i32
      %dma_wait3A_1029 = tpu.memref_slice %arg10[%scan3A_572, %dma_wait3A_1027, %dma_wait3A_1028] : memref<4x128x64xbf16, #tpu.memory_space<vmem>> -> memref<1x128x64xbf16, #tpu.memory_space<vmem>>
      %dma_wait3A_1030 = tpu.memref_squeeze %dma_wait3A_1029 : memref<1x128x64xbf16, #tpu.memory_space<vmem>> -> memref<128x64xbf16, #tpu.memory_space<vmem>>
      %dma_wait3A_1031 = arith.constant 0 : i32
      %dma_wait3A_1032 = tpu.memref_slice %arg7[%scan3A_571, %dma_wait3A_1031] : memref<124x128xi32, #tpu.memory_space<vmem>> -> memref<1x128xi32, #tpu.memory_space<vmem>>
      %dma_wait3A_1033 = tpu.memref_squeeze %dma_wait3A_1032 : memref<1x128xi32, #tpu.memory_space<vmem>> -> memref<128xi32, #tpu.memory_space<vmem>>
      %dma_wait3A_1034 = arith.constant 0 : i32
      %dma_wait3A_1035 = arith.constant 0 : i32
      %dma_wait3A_1036 = tpu.memref_slice %arg4[%arg0, %dma_wait3A_1034, %dma_wait3A_1035] : memref<2x31744x64xbf16, #tpu.memory_space<hbm>> -> memref<1x31744x64xbf16, #tpu.memory_space<hbm>>
      %dma_wait3A_1037 = tpu.memref_squeeze %dma_wait3A_1036 : memref<1x31744x64xbf16, #tpu.memory_space<hbm>> -> memref<31744x64xbf16, #tpu.memory_space<hbm>>
      %dma_wait3A_1038 = arith.constant 0 : i32
      %dma_wait3A_1039 = arith.constant 0 : i32
      %dma_wait3A_1040 = tpu.memref_slice %dma_wait3A_1037[%dma_wait3A_1038, %dma_wait3A_1039] : memref<31744x64xbf16, #tpu.memory_space<hbm>> -> memref<31744x64xbf16, #tpu.memory_space<hbm>>
      tpu.wait_indirect_dma semaphore(%arg13 : memref<!tpu.dma_semaphore, #tpu.memory_space<semaphore_mem>>) src(%dma_wait3A_1040 : memref<31744x64xbf16, #tpu.memory_space<hbm>>) dst(%dma_wait3A_1030 : memref<128x64xbf16, #tpu.memory_space<vmem>>)
      %dma_wait3A_1041 = arith.constant 0 : i32
      %dma_wait3A_1042 = arith.constant 0 : i32
      %dma_wait3A_1043 = tpu.memref_slice %arg10[%scan3A_574, %dma_wait3A_1041, %dma_wait3A_1042] : memref<4x128x64xbf16, #tpu.memory_space<vmem>> -> memref<1x128x64xbf16, #tpu.memory_space<vmem>>
      %dma_wait3A_1044 = tpu.memref_squeeze %dma_wait3A_1043 : memref<1x128x64xbf16, #tpu.memory_space<vmem>> -> memref<128x64xbf16, #tpu.memory_space<vmem>>
      %dma_wait3A_1045 = arith.constant 0 : i32
      %dma_wait3A_1046 = tpu.memref_slice %arg7[%scan3A_573, %dma_wait3A_1045] : memref<124x128xi32, #tpu.memory_space<vmem>> -> memref<1x128xi32, #tpu.memory_space<vmem>>
      %dma_wait3A_1047 = tpu.memref_squeeze %dma_wait3A_1046 : memref<1x128xi32, #tpu.memory_space<vmem>> -> memref<128xi32, #tpu.memory_space<vmem>>
      %dma_wait3A_1048 = arith.constant 0 : i32
      %dma_wait3A_1049 = arith.constant 0 : i32
      %dma_wait3A_1050 = tpu.memref_slice %arg4[%arg0, %dma_wait3A_1048, %dma_wait3A_1049] : memref<2x31744x64xbf16, #tpu.memory_space<hbm>> -> memref<1x31744x64xbf16, #tpu.memory_space<hbm>>
      %dma_wait3A_1051 = tpu.memref_squeeze %dma_wait3A_1050 : memref<1x31744x64xbf16, #tpu.memory_space<hbm>> -> memref<31744x64xbf16, #tpu.memory_space<hbm>>
      %dma_wait3A_1052 = arith.constant 0 : i32
      %dma_wait3A_1053 = arith.constant 0 : i32
      %dma_wait3A_1054 = tpu.memref_slice %dma_wait3A_1051[%dma_wait3A_1052, %dma_wait3A_1053] : memref<31744x64xbf16, #tpu.memory_space<hbm>> -> memref<31744x64xbf16, #tpu.memory_space<hbm>>
      tpu.wait_indirect_dma semaphore(%arg13 : memref<!tpu.dma_semaphore, #tpu.memory_space<semaphore_mem>>) src(%dma_wait3A_1054 : memref<31744x64xbf16, #tpu.memory_space<hbm>>) dst(%dma_wait3A_1044 : memref<128x64xbf16, #tpu.memory_space<vmem>>)
      %dma_wait3A_1055 = arith.constant 0 : i32
      %dma_wait3A_1056 = arith.constant 0 : i32
      %dma_wait3A_1057 = tpu.memref_slice %arg10[%scan3A_576, %dma_wait3A_1055, %dma_wait3A_1056] : memref<4x128x64xbf16, #tpu.memory_space<vmem>> -> memref<1x128x64xbf16, #tpu.memory_space<vmem>>
      %dma_wait3A_1058 = tpu.memref_squeeze %dma_wait3A_1057 : memref<1x128x64xbf16, #tpu.memory_space<vmem>> -> memref<128x64xbf16, #tpu.memory_space<vmem>>
      %dma_wait3A_1059 = arith.constant 0 : i32
      %dma_wait3A_1060 = tpu.memref_slice %arg7[%scan3A_575, %dma_wait3A_1059] : memref<124x128xi32, #tpu.memory_space<vmem>> -> memref<1x128xi32, #tpu.memory_space<vmem>>
      %dma_wait3A_1061 = tpu.memref_squeeze %dma_wait3A_1060 : memref<1x128xi32, #tpu.memory_space<vmem>> -> memref<128xi32, #tpu.memory_space<vmem>>
      %dma_wait3A_1062 = arith.constant 0 : i32
      %dma_wait3A_1063 = arith.constant 0 : i32
      %dma_wait3A_1064 = tpu.memref_slice %arg4[%arg0, %dma_wait3A_1062, %dma_wait3A_1063] : memref<2x31744x64xbf16, #tpu.memory_space<hbm>> -> memref<1x31744x64xbf16, #tpu.memory_space<hbm>>
      %dma_wait3A_1065 = tpu.memref_squeeze %dma_wait3A_1064 : memref<1x31744x64xbf16, #tpu.memory_space<hbm>> -> memref<31744x64xbf16, #tpu.memory_space<hbm>>
      %dma_wait3A_1066 = arith.constant 0 : i32
      %dma_wait3A_1067 = arith.constant 0 : i32
      %dma_wait3A_1068 = tpu.memref_slice %dma_wait3A_1065[%dma_wait3A_1066, %dma_wait3A_1067] : memref<31744x64xbf16, #tpu.memory_space<hbm>> -> memref<31744x64xbf16, #tpu.memory_space<hbm>>
      tpu.wait_indirect_dma semaphore(%arg13 : memref<!tpu.dma_semaphore, #tpu.memory_space<semaphore_mem>>) src(%dma_wait3A_1068 : memref<31744x64xbf16, #tpu.memory_space<hbm>>) dst(%dma_wait3A_1058 : memref<128x64xbf16, #tpu.memory_space<vmem>>)
      %add3A_1069 = arith.constant 4 : i32
      %add3A_1070 = arith.addi %mul3A_874, %add3A_1069 : i32
      %add3A_1071 = arith.constant 0 : i32
      %add3A_1072 = arith.addi %add3A_1070, %add3A_1071 : i32
      %run_scoped3A_1073 = arith.constant 0 : i32
      "tpu.region"() ({
        %run_scoped3A_1154 = tpu.sem_alloc : memref<!tpu.dma_semaphore, #tpu.memory_space<semaphore_mem>>
        %dma_start3A_1155 = arith.constant 0 : i32
        %dma_start3A_1156 = arith.constant 0 : i32
        %dma_start3A_1157 = tpu.memref_slice %arg10[%run_scoped3A_1073, %dma_start3A_1155, %dma_start3A_1156] : memref<4x128x64xbf16, #tpu.memory_space<vmem>> -> memref<1x128x64xbf16, #tpu.memory_space<vmem>>
        %dma_start3A_1158 = tpu.memref_squeeze %dma_start3A_1157 : memref<1x128x64xbf16, #tpu.memory_space<vmem>> -> memref<128x64xbf16, #tpu.memory_space<vmem>>
        %dma_start3A_1159 = arith.constant 0 : i32
        %dma_start3A_1160 = tpu.memref_slice %arg8[%add3A_1072, %dma_start3A_1159] : memref<124x128xi32, #tpu.memory_space<vmem>> -> memref<1x128xi32, #tpu.memory_space<vmem>>
        %dma_start3A_1161 = tpu.memref_squeeze %dma_start3A_1160 : memref<1x128xi32, #tpu.memory_space<vmem>> -> memref<128xi32, #tpu.memory_space<vmem>>
        %dma_start3A_1162 = arith.constant 0 : i32
        %dma_start3A_1163 = arith.constant 0 : i32
        %dma_start3A_1164 = tpu.memref_slice %arg11[%dma_start3A_1162, %dma_start3A_1163] : memref<31744x64xbf16, #tpu.memory_space<vmem_shared>> -> memref<31744x64xbf16, #tpu.memory_space<vmem_shared>>
        tpu.enqueue_indirect_dma source(%dma_start3A_1158 : memref<128x64xbf16, #tpu.memory_space<vmem>>) target(%dma_start3A_1164 : memref<31744x64xbf16, #tpu.memory_space<vmem_shared>>) offsets(%dma_start3A_1161 : memref<128xi32, #tpu.memory_space<vmem>>) semaphore(%run_scoped3A_1154 : memref<!tpu.dma_semaphore, #tpu.memory_space<semaphore_mem>>) {add = true}
        %dma_wait3A_1165 = arith.constant 0 : i32
        %dma_wait3A_1166 = arith.constant 0 : i32
        %dma_wait3A_1167 = tpu.memref_slice %arg10[%run_scoped3A_1073, %dma_wait3A_1165, %dma_wait3A_1166] : memref<4x128x64xbf16, #tpu.memory_space<vmem>> -> memref<1x128x64xbf16, #tpu.memory_space<vmem>>
        %dma_wait3A_1168 = tpu.memref_squeeze %dma_wait3A_1167 : memref<1x128x64xbf16, #tpu.memory_space<vmem>> -> memref<128x64xbf16, #tpu.memory_space<vmem>>
        %dma_wait3A_1169 = arith.constant 0 : i32
        %dma_wait3A_1170 = tpu.memref_slice %arg8[%add3A_1072, %dma_wait3A_1169] : memref<124x128xi32, #tpu.memory_space<vmem>> -> memref<1x128xi32, #tpu.memory_space<vmem>>
        %dma_wait3A_1171 = tpu.memref_squeeze %dma_wait3A_1170 : memref<1x128xi32, #tpu.memory_space<vmem>> -> memref<128xi32, #tpu.memory_space<vmem>>
        %dma_wait3A_1172 = arith.constant 0 : i32
        %dma_wait3A_1173 = arith.constant 0 : i32
        %dma_wait3A_1174 = tpu.memref_slice %arg11[%dma_wait3A_1172, %dma_wait3A_1173] : memref<31744x64xbf16, #tpu.memory_space<vmem_shared>> -> memref<31744x64xbf16, #tpu.memory_space<vmem_shared>>
        tpu.wait_indirect_dma semaphore(%run_scoped3A_1154 : memref<!tpu.dma_semaphore, #tpu.memory_space<semaphore_mem>>) src(%dma_wait3A_1168 : memref<128x64xbf16, #tpu.memory_space<vmem>>) dst(%dma_wait3A_1174 : memref<31744x64xbf16, #tpu.memory_space<vmem_shared>>)
        tpu.yield
      }) : () -> ()
      %add3A_1074 = arith.constant 1 : i32
      %add3A_1075 = arith.addi %add3A_1070, %add3A_1074 : i32
      %run_scoped3A_1076 = arith.constant 1 : i32
      "tpu.region"() ({
        %run_scoped3A_1154 = tpu.sem_alloc : memref<!tpu.dma_semaphore, #tpu.memory_space<semaphore_mem>>
        %dma_start3A_1155 = arith.constant 0 : i32
        %dma_start3A_1156 = arith.constant 0 : i32
        %dma_start3A_1157 = tpu.memref_slice %arg10[%run_scoped3A_1076, %dma_start3A_1155, %dma_start3A_1156] : memref<4x128x64xbf16, #tpu.memory_space<vmem>> -> memref<1x128x64xbf16, #tpu.memory_space<vmem>>
        %dma_start3A_1158 = tpu.memref_squeeze %dma_start3A_1157 : memref<1x128x64xbf16, #tpu.memory_space<vmem>> -> memref<128x64xbf16, #tpu.memory_space<vmem>>
        %dma_start3A_1159 = arith.constant 0 : i32
        %dma_start3A_1160 = tpu.memref_slice %arg8[%add3A_1075, %dma_start3A_1159] : memref<124x128xi32, #tpu.memory_space<vmem>> -> memref<1x128xi32, #tpu.memory_space<vmem>>
        %dma_start3A_1161 = tpu.memref_squeeze %dma_start3A_1160 : memref<1x128xi32, #tpu.memory_space<vmem>> -> memref<128xi32, #tpu.memory_space<vmem>>
        %dma_start3A_1162 = arith.constant 0 : i32
        %dma_start3A_1163 = arith.constant 0 : i32
        %dma_start3A_1164 = tpu.memref_slice %arg11[%dma_start3A_1162, %dma_start3A_1163] : memref<31744x64xbf16, #tpu.memory_space<vmem_shared>> -> memref<31744x64xbf16, #tpu.memory_space<vmem_shared>>
        tpu.enqueue_indirect_dma source(%dma_start3A_1158 : memref<128x64xbf16, #tpu.memory_space<vmem>>) target(%dma_start3A_1164 : memref<31744x64xbf16, #tpu.memory_space<vmem_shared>>) offsets(%dma_start3A_1161 : memref<128xi32, #tpu.memory_space<vmem>>) semaphore(%run_scoped3A_1154 : memref<!tpu.dma_semaphore, #tpu.memory_space<semaphore_mem>>) {add = true}
        %dma_wait3A_1165 = arith.constant 0 : i32
        %dma_wait3A_1166 = arith.constant 0 : i32
        %dma_wait3A_1167 = tpu.memref_slice %arg10[%run_scoped3A_1076, %dma_wait3A_1165, %dma_wait3A_1166] : memref<4x128x64xbf16, #tpu.memory_space<vmem>> -> memref<1x128x64xbf16, #tpu.memory_space<vmem>>
        %dma_wait3A_1168 = tpu.memref_squeeze %dma_wait3A_1167 : memref<1x128x64xbf16, #tpu.memory_space<vmem>> -> memref<128x64xbf16, #tpu.memory_space<vmem>>
        %dma_wait3A_1169 = arith.constant 0 : i32
        %dma_wait3A_1170 = tpu.memref_slice %arg8[%add3A_1075, %dma_wait3A_1169] : memref<124x128xi32, #tpu.memory_space<vmem>> -> memref<1x128xi32, #tpu.memory_space<vmem>>
        %dma_wait3A_1171 = tpu.memref_squeeze %dma_wait3A_1170 : memref<1x128xi32, #tpu.memory_space<vmem>> -> memref<128xi32, #tpu.memory_space<vmem>>
        %dma_wait3A_1172 = arith.constant 0 : i32
        %dma_wait3A_1173 = arith.constant 0 : i32
        %dma_wait3A_1174 = tpu.memref_slice %arg11[%dma_wait3A_1172, %dma_wait3A_1173] : memref<31744x64xbf16, #tpu.memory_space<vmem_shared>> -> memref<31744x64xbf16, #tpu.memory_space<vmem_shared>>
        tpu.wait_indirect_dma semaphore(%run_scoped3A_1154 : memref<!tpu.dma_semaphore, #tpu.memory_space<semaphore_mem>>) src(%dma_wait3A_1168 : memref<128x64xbf16, #tpu.memory_space<vmem>>) dst(%dma_wait3A_1174 : memref<31744x64xbf16, #tpu.memory_space<vmem_shared>>)
        tpu.yield
      }) : () -> ()
      %add3A_1077 = arith.constant 2 : i32
      %add3A_1078 = arith.addi %add3A_1070, %add3A_1077 : i32
      %run_scoped3A_1079 = arith.constant 2 : i32
      "tpu.region"() ({
        %run_scoped3A_1154 = tpu.sem_alloc : memref<!tpu.dma_semaphore, #tpu.memory_space<semaphore_mem>>
        %dma_start3A_1155 = arith.constant 0 : i32
        %dma_start3A_1156 = arith.constant 0 : i32
        %dma_start3A_1157 = tpu.memref_slice %arg10[%run_scoped3A_1079, %dma_start3A_1155, %dma_start3A_1156] : memref<4x128x64xbf16, #tpu.memory_space<vmem>> -> memref<1x128x64xbf16, #tpu.memory_space<vmem>>
        %dma_start3A_1158 = tpu.memref_squeeze %dma_start3A_1157 : memref<1x128x64xbf16, #tpu.memory_space<vmem>> -> memref<128x64xbf16, #tpu.memory_space<vmem>>
        %dma_start3A_1159 = arith.constant 0 : i32
        %dma_start3A_1160 = tpu.memref_slice %arg8[%add3A_1078, %dma_start3A_1159] : memref<124x128xi32, #tpu.memory_space<vmem>> -> memref<1x128xi32, #tpu.memory_space<vmem>>
        %dma_start3A_1161 = tpu.memref_squeeze %dma_start3A_1160 : memref<1x128xi32, #tpu.memory_space<vmem>> -> memref<128xi32, #tpu.memory_space<vmem>>
        %dma_start3A_1162 = arith.constant 0 : i32
        %dma_start3A_1163 = arith.constant 0 : i32
        %dma_start3A_1164 = tpu.memref_slice %arg11[%dma_start3A_1162, %dma_start3A_1163] : memref<31744x64xbf16, #tpu.memory_space<vmem_shared>> -> memref<31744x64xbf16, #tpu.memory_space<vmem_shared>>
        tpu.enqueue_indirect_dma source(%dma_start3A_1158 : memref<128x64xbf16, #tpu.memory_space<vmem>>) target(%dma_start3A_1164 : memref<31744x64xbf16, #tpu.memory_space<vmem_shared>>) offsets(%dma_start3A_1161 : memref<128xi32, #tpu.memory_space<vmem>>) semaphore(%run_scoped3A_1154 : memref<!tpu.dma_semaphore, #tpu.memory_space<semaphore_mem>>) {add = true}
        %dma_wait3A_1165 = arith.constant 0 : i32
        %dma_wait3A_1166 = arith.constant 0 : i32
        %dma_wait3A_1167 = tpu.memref_slice %arg10[%run_scoped3A_1079, %dma_wait3A_1165, %dma_wait3A_1166] : memref<4x128x64xbf16, #tpu.memory_space<vmem>> -> memref<1x128x64xbf16, #tpu.memory_space<vmem>>
        %dma_wait3A_1168 = tpu.memref_squeeze %dma_wait3A_1167 : memref<1x128x64xbf16, #tpu.memory_space<vmem>> -> memref<128x64xbf16, #tpu.memory_space<vmem>>
        %dma_wait3A_1169 = arith.constant 0 : i32
        %dma_wait3A_1170 = tpu.memref_slice %arg8[%add3A_1078, %dma_wait3A_1169] : memref<124x128xi32, #tpu.memory_space<vmem>> -> memref<1x128xi32, #tpu.memory_space<vmem>>
        %dma_wait3A_1171 = tpu.memref_squeeze %dma_wait3A_1170 : memref<1x128xi32, #tpu.memory_space<vmem>> -> memref<128xi32, #tpu.memory_space<vmem>>
        %dma_wait3A_1172 = arith.constant 0 : i32
        %dma_wait3A_1173 = arith.constant 0 : i32
        %dma_wait3A_1174 = tpu.memref_slice %arg11[%dma_wait3A_1172, %dma_wait3A_1173] : memref<31744x64xbf16, #tpu.memory_space<vmem_shared>> -> memref<31744x64xbf16, #tpu.memory_space<vmem_shared>>
        tpu.wait_indirect_dma semaphore(%run_scoped3A_1154 : memref<!tpu.dma_semaphore, #tpu.memory_space<semaphore_mem>>) src(%dma_wait3A_1168 : memref<128x64xbf16, #tpu.memory_space<vmem>>) dst(%dma_wait3A_1174 : memref<31744x64xbf16, #tpu.memory_space<vmem_shared>>)
        tpu.yield
      }) : () -> ()
      %add3A_1080 = arith.constant 3 : i32
      %add3A_1081 = arith.addi %add3A_1070, %add3A_1080 : i32
      %run_scoped3A_1082 = arith.constant 3 : i32
      "tpu.region"() ({
        %run_scoped3A_1154 = tpu.sem_alloc : memref<!tpu.dma_semaphore, #tpu.memory_space<semaphore_mem>>
        %dma_start3A_1155 = arith.constant 0 : i32
        %dma_start3A_1156 = arith.constant 0 : i32
        %dma_start3A_1157 = tpu.memref_slice %arg10[%run_scoped3A_1082, %dma_start3A_1155, %dma_start3A_1156] : memref<4x128x64xbf16, #tpu.memory_space<vmem>> -> memref<1x128x64xbf16, #tpu.memory_space<vmem>>
        %dma_start3A_1158 = tpu.memref_squeeze %dma_start3A_1157 : memref<1x128x64xbf16, #tpu.memory_space<vmem>> -> memref<128x64xbf16, #tpu.memory_space<vmem>>
        %dma_start3A_1159 = arith.constant 0 : i32
        %dma_start3A_1160 = tpu.memref_slice %arg8[%add3A_1081, %dma_start3A_1159] : memref<124x128xi32, #tpu.memory_space<vmem>> -> memref<1x128xi32, #tpu.memory_space<vmem>>
        %dma_start3A_1161 = tpu.memref_squeeze %dma_start3A_1160 : memref<1x128xi32, #tpu.memory_space<vmem>> -> memref<128xi32, #tpu.memory_space<vmem>>
        %dma_start3A_1162 = arith.constant 0 : i32
        %dma_start3A_1163 = arith.constant 0 : i32
        %dma_start3A_1164 = tpu.memref_slice %arg11[%dma_start3A_1162, %dma_start3A_1163] : memref<31744x64xbf16, #tpu.memory_space<vmem_shared>> -> memref<31744x64xbf16, #tpu.memory_space<vmem_shared>>
        tpu.enqueue_indirect_dma source(%dma_start3A_1158 : memref<128x64xbf16, #tpu.memory_space<vmem>>) target(%dma_start3A_1164 : memref<31744x64xbf16, #tpu.memory_space<vmem_shared>>) offsets(%dma_start3A_1161 : memref<128xi32, #tpu.memory_space<vmem>>) semaphore(%run_scoped3A_1154 : memref<!tpu.dma_semaphore, #tpu.memory_space<semaphore_mem>>) {add = true}
        %dma_wait3A_1165 = arith.constant 0 : i32
        %dma_wait3A_1166 = arith.constant 0 : i32
        %dma_wait3A_1167 = tpu.memref_slice %arg10[%run_scoped3A_1082, %dma_wait3A_1165, %dma_wait3A_1166] : memref<4x128x64xbf16, #tpu.memory_space<vmem>> -> memref<1x128x64xbf16, #tpu.memory_space<vmem>>
        %dma_wait3A_1168 = tpu.memref_squeeze %dma_wait3A_1167 : memref<1x128x64xbf16, #tpu.memory_space<vmem>> -> memref<128x64xbf16, #tpu.memory_space<vmem>>
        %dma_wait3A_1169 = arith.constant 0 : i32
        %dma_wait3A_1170 = tpu.memref_slice %arg8[%add3A_1081, %dma_wait3A_1169] : memref<124x128xi32, #tpu.memory_space<vmem>> -> memref<1x128xi32, #tpu.memory_space<vmem>>
        %dma_wait3A_1171 = tpu.memref_squeeze %dma_wait3A_1170 : memref<1x128xi32, #tpu.memory_space<vmem>> -> memref<128xi32, #tpu.memory_space<vmem>>
        %dma_wait3A_1172 = arith.constant 0 : i32
        %dma_wait3A_1173 = arith.constant 0 : i32
        %dma_wait3A_1174 = tpu.memref_slice %arg11[%dma_wait3A_1172, %dma_wait3A_1173] : memref<31744x64xbf16, #tpu.memory_space<vmem_shared>> -> memref<31744x64xbf16, #tpu.memory_space<vmem_shared>>
        tpu.wait_indirect_dma semaphore(%run_scoped3A_1154 : memref<!tpu.dma_semaphore, #tpu.memory_space<semaphore_mem>>) src(%dma_wait3A_1168 : memref<128x64xbf16, #tpu.memory_space<vmem>>) dst(%dma_wait3A_1174 : memref<31744x64xbf16, #tpu.memory_space<vmem_shared>>)
        tpu.yield
      }) : () -> ()
      %add3A_1083 = arith.constant 12 : i32
      %add3A_1084 = arith.addi %mul3A_874, %add3A_1083 : i32
      %add3A_1085 = arith.constant 0 : i32
      %add3A_1086 = arith.addi %add3A_1084, %add3A_1085 : i32
      %dma_start3A_1087 = arith.constant 0 : i32
      %dma_start3A_1088 = arith.constant 0 : i32
      %dma_start3A_1089 = arith.constant 0 : i32
      %dma_start3A_1090 = tpu.memref_slice %arg10[%dma_start3A_1087, %dma_start3A_1088, %dma_start3A_1089] : memref<4x128x64xbf16, #tpu.memory_space<vmem>> -> memref<1x128x64xbf16, #tpu.memory_space<vmem>>
      %dma_start3A_1091 = tpu.memref_squeeze %dma_start3A_1090 : memref<1x128x64xbf16, #tpu.memory_space<vmem>> -> memref<128x64xbf16, #tpu.memory_space<vmem>>
      %dma_start3A_1092 = arith.constant 0 : i32
      %dma_start3A_1093 = tpu.memref_slice %arg7[%add3A_1086, %dma_start3A_1092] : memref<124x128xi32, #tpu.memory_space<vmem>> -> memref<1x128xi32, #tpu.memory_space<vmem>>
      %dma_start3A_1094 = tpu.memref_squeeze %dma_start3A_1093 : memref<1x128xi32, #tpu.memory_space<vmem>> -> memref<128xi32, #tpu.memory_space<vmem>>
      %dma_start3A_1095 = arith.constant 0 : i32
      %dma_start3A_1096 = arith.constant 0 : i32
      %dma_start3A_1097 = tpu.memref_slice %arg4[%arg0, %dma_start3A_1095, %dma_start3A_1096] : memref<2x31744x64xbf16, #tpu.memory_space<hbm>> -> memref<1x31744x64xbf16, #tpu.memory_space<hbm>>
      %dma_start3A_1098 = tpu.memref_squeeze %dma_start3A_1097 : memref<1x31744x64xbf16, #tpu.memory_space<hbm>> -> memref<31744x64xbf16, #tpu.memory_space<hbm>>
      %dma_start3A_1099 = arith.constant 0 : i32
      %dma_start3A_1100 = arith.constant 0 : i32
      %dma_start3A_1101 = tpu.memref_slice %dma_start3A_1098[%dma_start3A_1099, %dma_start3A_1100] : memref<31744x64xbf16, #tpu.memory_space<hbm>> -> memref<31744x64xbf16, #tpu.memory_space<hbm>>
      tpu.enqueue_indirect_dma source(%dma_start3A_1101 : memref<31744x64xbf16, #tpu.memory_space<hbm>>) target(%dma_start3A_1091 : memref<128x64xbf16, #tpu.memory_space<vmem>>) offsets(%dma_start3A_1094 : memref<128xi32, #tpu.memory_space<vmem>>) semaphore(%arg13 : memref<!tpu.dma_semaphore, #tpu.memory_space<semaphore_mem>>)
      %add3A_1102 = arith.constant 1 : i32
      %add3A_1103 = arith.addi %add3A_1084, %add3A_1102 : i32
      %dma_start3A_1104 = arith.constant 1 : i32
      %dma_start3A_1105 = arith.constant 0 : i32
      %dma_start3A_1106 = arith.constant 0 : i32
      %dma_start3A_1107 = tpu.memref_slice %arg10[%dma_start3A_1104, %dma_start3A_1105, %dma_start3A_1106] : memref<4x128x64xbf16, #tpu.memory_space<vmem>> -> memref<1x128x64xbf16, #tpu.memory_space<vmem>>
      %dma_start3A_1108 = tpu.memref_squeeze %dma_start3A_1107 : memref<1x128x64xbf16, #tpu.memory_space<vmem>> -> memref<128x64xbf16, #tpu.memory_space<vmem>>
      %dma_start3A_1109 = arith.constant 0 : i32
      %dma_start3A_1110 = tpu.memref_slice %arg7[%add3A_1103, %dma_start3A_1109] : memref<124x128xi32, #tpu.memory_space<vmem>> -> memref<1x128xi32, #tpu.memory_space<vmem>>
      %dma_start3A_1111 = tpu.memref_squeeze %dma_start3A_1110 : memref<1x128xi32, #tpu.memory_space<vmem>> -> memref<128xi32, #tpu.memory_space<vmem>>
      %dma_start3A_1112 = arith.constant 0 : i32
      %dma_start3A_1113 = arith.constant 0 : i32
      %dma_start3A_1114 = tpu.memref_slice %arg4[%arg0, %dma_start3A_1112, %dma_start3A_1113] : memref<2x31744x64xbf16, #tpu.memory_space<hbm>> -> memref<1x31744x64xbf16, #tpu.memory_space<hbm>>
      %dma_start3A_1115 = tpu.memref_squeeze %dma_start3A_1114 : memref<1x31744x64xbf16, #tpu.memory_space<hbm>> -> memref<31744x64xbf16, #tpu.memory_space<hbm>>
      %dma_start3A_1116 = arith.constant 0 : i32
      %dma_start3A_1117 = arith.constant 0 : i32
      %dma_start3A_1118 = tpu.memref_slice %dma_start3A_1115[%dma_start3A_1116, %dma_start3A_1117] : memref<31744x64xbf16, #tpu.memory_space<hbm>> -> memref<31744x64xbf16, #tpu.memory_space<hbm>>
      tpu.enqueue_indirect_dma source(%dma_start3A_1118 : memref<31744x64xbf16, #tpu.memory_space<hbm>>) target(%dma_start3A_1108 : memref<128x64xbf16, #tpu.memory_space<vmem>>) offsets(%dma_start3A_1111 : memref<128xi32, #tpu.memory_space<vmem>>) semaphore(%arg13 : memref<!tpu.dma_semaphore, #tpu.memory_space<semaphore_mem>>)
      %add3A_1119 = arith.constant 2 : i32
      %add3A_1120 = arith.addi %add3A_1084, %add3A_1119 : i32
      %dma_start3A_1121 = arith.constant 2 : i32
      %dma_start3A_1122 = arith.constant 0 : i32
      %dma_start3A_1123 = arith.constant 0 : i32
      %dma_start3A_1124 = tpu.memref_slice %arg10[%dma_start3A_1121, %dma_start3A_1122, %dma_start3A_1123] : memref<4x128x64xbf16, #tpu.memory_space<vmem>> -> memref<1x128x64xbf16, #tpu.memory_space<vmem>>
      %dma_start3A_1125 = tpu.memref_squeeze %dma_start3A_1124 : memref<1x128x64xbf16, #tpu.memory_space<vmem>> -> memref<128x64xbf16, #tpu.memory_space<vmem>>
      %dma_start3A_1126 = arith.constant 0 : i32
      %dma_start3A_1127 = tpu.memref_slice %arg7[%add3A_1120, %dma_start3A_1126] : memref<124x128xi32, #tpu.memory_space<vmem>> -> memref<1x128xi32, #tpu.memory_space<vmem>>
      %dma_start3A_1128 = tpu.memref_squeeze %dma_start3A_1127 : memref<1x128xi32, #tpu.memory_space<vmem>> -> memref<128xi32, #tpu.memory_space<vmem>>
      %dma_start3A_1129 = arith.constant 0 : i32
      %dma_start3A_1130 = arith.constant 0 : i32
      %dma_start3A_1131 = tpu.memref_slice %arg4[%arg0, %dma_start3A_1129, %dma_start3A_1130] : memref<2x31744x64xbf16, #tpu.memory_space<hbm>> -> memref<1x31744x64xbf16, #tpu.memory_space<hbm>>
      %dma_start3A_1132 = tpu.memref_squeeze %dma_start3A_1131 : memref<1x31744x64xbf16, #tpu.memory_space<hbm>> -> memref<31744x64xbf16, #tpu.memory_space<hbm>>
      %dma_start3A_1133 = arith.constant 0 : i32
      %dma_start3A_1134 = arith.constant 0 : i32
      %dma_start3A_1135 = tpu.memref_slice %dma_start3A_1132[%dma_start3A_1133, %dma_start3A_1134] : memref<31744x64xbf16, #tpu.memory_space<hbm>> -> memref<31744x64xbf16, #tpu.memory_space<hbm>>
      tpu.enqueue_indirect_dma source(%dma_start3A_1135 : memref<31744x64xbf16, #tpu.memory_space<hbm>>) target(%dma_start3A_1125 : memref<128x64xbf16, #tpu.memory_space<vmem>>) offsets(%dma_start3A_1128 : memref<128xi32, #tpu.memory_space<vmem>>) semaphore(%arg13 : memref<!tpu.dma_semaphore, #tpu.memory_space<semaphore_mem>>)
      %add3A_1136 = arith.constant 3 : i32
      %add3A_1137 = arith.addi %add3A_1084, %add3A_1136 : i32
      %dma_start3A_1138 = arith.constant 3 : i32
      %dma_start3A_1139 = arith.constant 0 : i32
      %dma_start3A_1140 = arith.constant 0 : i32
      %dma_start3A_1141 = tpu.memref_slice %arg10[%dma_start3A_1138, %dma_start3A_1139, %dma_start3A_1140] : memref<4x128x64xbf16, #tpu.memory_space<vmem>> -> memref<1x128x64xbf16, #tpu.memory_space<vmem>>
      %dma_start3A_1142 = tpu.memref_squeeze %dma_start3A_1141 : memref<1x128x64xbf16, #tpu.memory_space<vmem>> -> memref<128x64xbf16, #tpu.memory_space<vmem>>
      %dma_start3A_1143 = arith.constant 0 : i32
      %dma_start3A_1144 = tpu.memref_slice %arg7[%add3A_1137, %dma_start3A_1143] : memref<124x128xi32, #tpu.memory_space<vmem>> -> memref<1x128xi32, #tpu.memory_space<vmem>>
      %dma_start3A_1145 = tpu.memref_squeeze %dma_start3A_1144 : memref<1x128xi32, #tpu.memory_space<vmem>> -> memref<128xi32, #tpu.memory_space<vmem>>
      %dma_start3A_1146 = arith.constant 0 : i32
      %dma_start3A_1147 = arith.constant 0 : i32
      %dma_start3A_1148 = tpu.memref_slice %arg4[%arg0, %dma_start3A_1146, %dma_start3A_1147] : memref<2x31744x64xbf16, #tpu.memory_space<hbm>> -> memref<1x31744x64xbf16, #tpu.memory_space<hbm>>
      %dma_start3A_1149 = tpu.memref_squeeze %dma_start3A_1148 : memref<1x31744x64xbf16, #tpu.memory_space<hbm>> -> memref<31744x64xbf16, #tpu.memory_space<hbm>>
      %dma_start3A_1150 = arith.constant 0 : i32
      %dma_start3A_1151 = arith.constant 0 : i32
      %dma_start3A_1152 = tpu.memref_slice %dma_start3A_1149[%dma_start3A_1150, %dma_start3A_1151] : memref<31744x64xbf16, #tpu.memory_space<hbm>> -> memref<31744x64xbf16, #tpu.memory_space<hbm>>
      tpu.enqueue_indirect_dma source(%dma_start3A_1152 : memref<31744x64xbf16, #tpu.memory_space<hbm>>) target(%dma_start3A_1142 : memref<128x64xbf16, #tpu.memory_space<vmem>>) offsets(%dma_start3A_1145 : memref<128xi32, #tpu.memory_space<vmem>>) semaphore(%arg13 : memref<!tpu.dma_semaphore, #tpu.memory_space<semaphore_mem>>)
      %scan3A_1153 = arith.constant 0 : i32
      scf.yield %scan3A_1153 : i32
    }
    %scan3A_583 = arith.constant 14 : i32
    %dma_wait3A_584 = arith.constant 0 : i32
    %dma_wait3A_585 = arith.constant 0 : i32
    %dma_wait3A_586 = arith.constant 0 : i32
    %dma_wait3A_587 = arith.constant 0 : i32
    %dma_wait3A_588 = tpu.memref_slice %arg9[%dma_wait3A_585, %dma_wait3A_586, %dma_wait3A_587] : memref<4x128x64xbf16, #tpu.memory_space<vmem>> -> memref<1x128x64xbf16, #tpu.memory_space<vmem>>
    %dma_wait3A_589 = tpu.memref_squeeze %dma_wait3A_588 : memref<1x128x64xbf16, #tpu.memory_space<vmem>> -> memref<128x64xbf16, #tpu.memory_space<vmem>>
    %dma_wait3A_590 = arith.constant 0 : i32
    %dma_wait3A_591 = tpu.memref_slice %arg7[%dma_wait3A_584, %dma_wait3A_590] : memref<124x128xi32, #tpu.memory_space<vmem>> -> memref<1x128xi32, #tpu.memory_space<vmem>>
    %dma_wait3A_592 = tpu.memref_squeeze %dma_wait3A_591 : memref<1x128xi32, #tpu.memory_space<vmem>> -> memref<128xi32, #tpu.memory_space<vmem>>
    %dma_wait3A_593 = arith.constant 0 : i32
    %dma_wait3A_594 = arith.constant 0 : i32
    %dma_wait3A_595 = tpu.memref_slice %arg4[%arg0, %dma_wait3A_593, %dma_wait3A_594] : memref<2x31744x64xbf16, #tpu.memory_space<hbm>> -> memref<1x31744x64xbf16, #tpu.memory_space<hbm>>
    %dma_wait3A_596 = tpu.memref_squeeze %dma_wait3A_595 : memref<1x31744x64xbf16, #tpu.memory_space<hbm>> -> memref<31744x64xbf16, #tpu.memory_space<hbm>>
    %dma_wait3A_597 = arith.constant 0 : i32
    %dma_wait3A_598 = arith.constant 0 : i32
    %dma_wait3A_599 = tpu.memref_slice %dma_wait3A_596[%dma_wait3A_597, %dma_wait3A_598] : memref<31744x64xbf16, #tpu.memory_space<hbm>> -> memref<31744x64xbf16, #tpu.memory_space<hbm>>
    tpu.wait_indirect_dma semaphore(%arg12 : memref<!tpu.dma_semaphore, #tpu.memory_space<semaphore_mem>>) src(%dma_wait3A_599 : memref<31744x64xbf16, #tpu.memory_space<hbm>>) dst(%dma_wait3A_589 : memref<128x64xbf16, #tpu.memory_space<vmem>>)
    %dma_wait3A_600 = arith.constant 1 : i32
    %dma_wait3A_601 = arith.constant 1 : i32
    %dma_wait3A_602 = arith.constant 0 : i32
    %dma_wait3A_603 = arith.constant 0 : i32
    %dma_wait3A_604 = tpu.memref_slice %arg9[%dma_wait3A_601, %dma_wait3A_602, %dma_wait3A_603] : memref<4x128x64xbf16, #tpu.memory_space<vmem>> -> memref<1x128x64xbf16, #tpu.memory_space<vmem>>
    %dma_wait3A_605 = tpu.memref_squeeze %dma_wait3A_604 : memref<1x128x64xbf16, #tpu.memory_space<vmem>> -> memref<128x64xbf16, #tpu.memory_space<vmem>>
    %dma_wait3A_606 = arith.constant 0 : i32
    %dma_wait3A_607 = tpu.memref_slice %arg7[%dma_wait3A_600, %dma_wait3A_606] : memref<124x128xi32, #tpu.memory_space<vmem>> -> memref<1x128xi32, #tpu.memory_space<vmem>>
    %dma_wait3A_608 = tpu.memref_squeeze %dma_wait3A_607 : memref<1x128xi32, #tpu.memory_space<vmem>> -> memref<128xi32, #tpu.memory_space<vmem>>
    %dma_wait3A_609 = arith.constant 0 : i32
    %dma_wait3A_610 = arith.constant 0 : i32
    %dma_wait3A_611 = tpu.memref_slice %arg4[%arg0, %dma_wait3A_609, %dma_wait3A_610] : memref<2x31744x64xbf16, #tpu.memory_space<hbm>> -> memref<1x31744x64xbf16, #tpu.memory_space<hbm>>
    %dma_wait3A_612 = tpu.memref_squeeze %dma_wait3A_611 : memref<1x31744x64xbf16, #tpu.memory_space<hbm>> -> memref<31744x64xbf16, #tpu.memory_space<hbm>>
    %dma_wait3A_613 = arith.constant 0 : i32
    %dma_wait3A_614 = arith.constant 0 : i32
    %dma_wait3A_615 = tpu.memref_slice %dma_wait3A_612[%dma_wait3A_613, %dma_wait3A_614] : memref<31744x64xbf16, #tpu.memory_space<hbm>> -> memref<31744x64xbf16, #tpu.memory_space<hbm>>
    tpu.wait_indirect_dma semaphore(%arg12 : memref<!tpu.dma_semaphore, #tpu.memory_space<semaphore_mem>>) src(%dma_wait3A_615 : memref<31744x64xbf16, #tpu.memory_space<hbm>>) dst(%dma_wait3A_605 : memref<128x64xbf16, #tpu.memory_space<vmem>>)
    %dma_wait3A_616 = arith.constant 2 : i32
    %dma_wait3A_617 = arith.constant 2 : i32
    %dma_wait3A_618 = arith.constant 0 : i32
    %dma_wait3A_619 = arith.constant 0 : i32
    %dma_wait3A_620 = tpu.memref_slice %arg9[%dma_wait3A_617, %dma_wait3A_618, %dma_wait3A_619] : memref<4x128x64xbf16, #tpu.memory_space<vmem>> -> memref<1x128x64xbf16, #tpu.memory_space<vmem>>
    %dma_wait3A_621 = tpu.memref_squeeze %dma_wait3A_620 : memref<1x128x64xbf16, #tpu.memory_space<vmem>> -> memref<128x64xbf16, #tpu.memory_space<vmem>>
    %dma_wait3A_622 = arith.constant 0 : i32
    %dma_wait3A_623 = tpu.memref_slice %arg7[%dma_wait3A_616, %dma_wait3A_622] : memref<124x128xi32, #tpu.memory_space<vmem>> -> memref<1x128xi32, #tpu.memory_space<vmem>>
    %dma_wait3A_624 = tpu.memref_squeeze %dma_wait3A_623 : memref<1x128xi32, #tpu.memory_space<vmem>> -> memref<128xi32, #tpu.memory_space<vmem>>
    %dma_wait3A_625 = arith.constant 0 : i32
    %dma_wait3A_626 = arith.constant 0 : i32
    %dma_wait3A_627 = tpu.memref_slice %arg4[%arg0, %dma_wait3A_625, %dma_wait3A_626] : memref<2x31744x64xbf16, #tpu.memory_space<hbm>> -> memref<1x31744x64xbf16, #tpu.memory_space<hbm>>
    %dma_wait3A_628 = tpu.memref_squeeze %dma_wait3A_627 : memref<1x31744x64xbf16, #tpu.memory_space<hbm>> -> memref<31744x64xbf16, #tpu.memory_space<hbm>>
    %dma_wait3A_629 = arith.constant 0 : i32
    %dma_wait3A_630 = arith.constant 0 : i32
    %dma_wait3A_631 = tpu.memref_slice %dma_wait3A_628[%dma_wait3A_629, %dma_wait3A_630] : memref<31744x64xbf16, #tpu.memory_space<hbm>> -> memref<31744x64xbf16, #tpu.memory_space<hbm>>
    tpu.wait_indirect_dma semaphore(%arg12 : memref<!tpu.dma_semaphore, #tpu.memory_space<semaphore_mem>>) src(%dma_wait3A_631 : memref<31744x64xbf16, #tpu.memory_space<hbm>>) dst(%dma_wait3A_621 : memref<128x64xbf16, #tpu.memory_space<vmem>>)
    %dma_wait3A_632 = arith.constant 3 : i32
    %dma_wait3A_633 = arith.constant 3 : i32
    %dma_wait3A_634 = arith.constant 0 : i32
    %dma_wait3A_635 = arith.constant 0 : i32
    %dma_wait3A_636 = tpu.memref_slice %arg9[%dma_wait3A_633, %dma_wait3A_634, %dma_wait3A_635] : memref<4x128x64xbf16, #tpu.memory_space<vmem>> -> memref<1x128x64xbf16, #tpu.memory_space<vmem>>
    %dma_wait3A_637 = tpu.memref_squeeze %dma_wait3A_636 : memref<1x128x64xbf16, #tpu.memory_space<vmem>> -> memref<128x64xbf16, #tpu.memory_space<vmem>>
    %dma_wait3A_638 = arith.constant 0 : i32
    %dma_wait3A_639 = tpu.memref_slice %arg7[%dma_wait3A_632, %dma_wait3A_638] : memref<124x128xi32, #tpu.memory_space<vmem>> -> memref<1x128xi32, #tpu.memory_space<vmem>>
    %dma_wait3A_640 = tpu.memref_squeeze %dma_wait3A_639 : memref<1x128xi32, #tpu.memory_space<vmem>> -> memref<128xi32, #tpu.memory_space<vmem>>
    %dma_wait3A_641 = arith.constant 0 : i32
    %dma_wait3A_642 = arith.constant 0 : i32
    %dma_wait3A_643 = tpu.memref_slice %arg4[%arg0, %dma_wait3A_641, %dma_wait3A_642] : memref<2x31744x64xbf16, #tpu.memory_space<hbm>> -> memref<1x31744x64xbf16, #tpu.memory_space<hbm>>
    %dma_wait3A_644 = tpu.memref_squeeze %dma_wait3A_643 : memref<1x31744x64xbf16, #tpu.memory_space<hbm>> -> memref<31744x64xbf16, #tpu.memory_space<hbm>>
    %dma_wait3A_645 = arith.constant 0 : i32
    %dma_wait3A_646 = arith.constant 0 : i32
    %dma_wait3A_647 = tpu.memref_slice %dma_wait3A_644[%dma_wait3A_645, %dma_wait3A_646] : memref<31744x64xbf16, #tpu.memory_space<hbm>> -> memref<31744x64xbf16, #tpu.memory_space<hbm>>
    tpu.wait_indirect_dma semaphore(%arg12 : memref<!tpu.dma_semaphore, #tpu.memory_space<semaphore_mem>>) src(%dma_wait3A_647 : memref<31744x64xbf16, #tpu.memory_space<hbm>>) dst(%dma_wait3A_637 : memref<128x64xbf16, #tpu.memory_space<vmem>>)
    %run_scoped3A_648 = arith.constant 0 : i32
    %run_scoped3A_649 = arith.constant 112 : i32
    "tpu.region"() ({
      %run_scoped3A_869 = tpu.sem_alloc : memref<!tpu.dma_semaphore, #tpu.memory_space<semaphore_mem>>
      %dma_start3A_870 = arith.constant 0 : i32
      %dma_start3A_871 = arith.constant 0 : i32
      %dma_start3A_872 = tpu.memref_slice %arg9[%run_scoped3A_648, %dma_start3A_870, %dma_start3A_871] : memref<4x128x64xbf16, #tpu.memory_space<vmem>> -> memref<1x128x64xbf16, #tpu.memory_space<vmem>>
      %dma_start3A_873 = tpu.memref_squeeze %dma_start3A_872 : memref<1x128x64xbf16, #tpu.memory_space<vmem>> -> memref<128x64xbf16, #tpu.memory_space<vmem>>
      %dma_start3A_874 = arith.constant 0 : i32
      %dma_start3A_875 = tpu.memref_slice %arg8[%run_scoped3A_649, %dma_start3A_874] : memref<124x128xi32, #tpu.memory_space<vmem>> -> memref<1x128xi32, #tpu.memory_space<vmem>>
      %dma_start3A_876 = tpu.memref_squeeze %dma_start3A_875 : memref<1x128xi32, #tpu.memory_space<vmem>> -> memref<128xi32, #tpu.memory_space<vmem>>
      %dma_start3A_877 = arith.constant 0 : i32
      %dma_start3A_878 = arith.constant 0 : i32
      %dma_start3A_879 = tpu.memref_slice %arg11[%dma_start3A_877, %dma_start3A_878] : memref<31744x64xbf16, #tpu.memory_space<vmem_shared>> -> memref<31744x64xbf16, #tpu.memory_space<vmem_shared>>
      tpu.enqueue_indirect_dma source(%dma_start3A_873 : memref<128x64xbf16, #tpu.memory_space<vmem>>) target(%dma_start3A_879 : memref<31744x64xbf16, #tpu.memory_space<vmem_shared>>) offsets(%dma_start3A_876 : memref<128xi32, #tpu.memory_space<vmem>>) semaphore(%run_scoped3A_869 : memref<!tpu.dma_semaphore, #tpu.memory_space<semaphore_mem>>) {add = true}
      %dma_wait3A_880 = arith.constant 0 : i32
      %dma_wait3A_881 = arith.constant 0 : i32
      %dma_wait3A_882 = tpu.memref_slice %arg9[%run_scoped3A_648, %dma_wait3A_880, %dma_wait3A_881] : memref<4x128x64xbf16, #tpu.memory_space<vmem>> -> memref<1x128x64xbf16, #tpu.memory_space<vmem>>
      %dma_wait3A_883 = tpu.memref_squeeze %dma_wait3A_882 : memref<1x128x64xbf16, #tpu.memory_space<vmem>> -> memref<128x64xbf16, #tpu.memory_space<vmem>>
      %dma_wait3A_884 = arith.constant 0 : i32
      %dma_wait3A_885 = tpu.memref_slice %arg8[%run_scoped3A_649, %dma_wait3A_884] : memref<124x128xi32, #tpu.memory_space<vmem>> -> memref<1x128xi32, #tpu.memory_space<vmem>>
      %dma_wait3A_886 = tpu.memref_squeeze %dma_wait3A_885 : memref<1x128xi32, #tpu.memory_space<vmem>> -> memref<128xi32, #tpu.memory_space<vmem>>
      %dma_wait3A_887 = arith.constant 0 : i32
      %dma_wait3A_888 = arith.constant 0 : i32
      %dma_wait3A_889 = tpu.memref_slice %arg11[%dma_wait3A_887, %dma_wait3A_888] : memref<31744x64xbf16, #tpu.memory_space<vmem_shared>> -> memref<31744x64xbf16, #tpu.memory_space<vmem_shared>>
      tpu.wait_indirect_dma semaphore(%run_scoped3A_869 : memref<!tpu.dma_semaphore, #tpu.memory_space<semaphore_mem>>) src(%dma_wait3A_883 : memref<128x64xbf16, #tpu.memory_space<vmem>>) dst(%dma_wait3A_889 : memref<31744x64xbf16, #tpu.memory_space<vmem_shared>>)
      tpu.yield
    }) : () -> ()
    %run_scoped3A_650 = arith.constant 1 : i32
    %run_scoped3A_651 = arith.constant 113 : i32
    "tpu.region"() ({
      %run_scoped3A_869 = tpu.sem_alloc : memref<!tpu.dma_semaphore, #tpu.memory_space<semaphore_mem>>
      %dma_start3A_870 = arith.constant 0 : i32
      %dma_start3A_871 = arith.constant 0 : i32
      %dma_start3A_872 = tpu.memref_slice %arg9[%run_scoped3A_650, %dma_start3A_870, %dma_start3A_871] : memref<4x128x64xbf16, #tpu.memory_space<vmem>> -> memref<1x128x64xbf16, #tpu.memory_space<vmem>>
      %dma_start3A_873 = tpu.memref_squeeze %dma_start3A_872 : memref<1x128x64xbf16, #tpu.memory_space<vmem>> -> memref<128x64xbf16, #tpu.memory_space<vmem>>
      %dma_start3A_874 = arith.constant 0 : i32
      %dma_start3A_875 = tpu.memref_slice %arg8[%run_scoped3A_651, %dma_start3A_874] : memref<124x128xi32, #tpu.memory_space<vmem>> -> memref<1x128xi32, #tpu.memory_space<vmem>>
      %dma_start3A_876 = tpu.memref_squeeze %dma_start3A_875 : memref<1x128xi32, #tpu.memory_space<vmem>> -> memref<128xi32, #tpu.memory_space<vmem>>
      %dma_start3A_877 = arith.constant 0 : i32
      %dma_start3A_878 = arith.constant 0 : i32
      %dma_start3A_879 = tpu.memref_slice %arg11[%dma_start3A_877, %dma_start3A_878] : memref<31744x64xbf16, #tpu.memory_space<vmem_shared>> -> memref<31744x64xbf16, #tpu.memory_space<vmem_shared>>
      tpu.enqueue_indirect_dma source(%dma_start3A_873 : memref<128x64xbf16, #tpu.memory_space<vmem>>) target(%dma_start3A_879 : memref<31744x64xbf16, #tpu.memory_space<vmem_shared>>) offsets(%dma_start3A_876 : memref<128xi32, #tpu.memory_space<vmem>>) semaphore(%run_scoped3A_869 : memref<!tpu.dma_semaphore, #tpu.memory_space<semaphore_mem>>) {add = true}
      %dma_wait3A_880 = arith.constant 0 : i32
      %dma_wait3A_881 = arith.constant 0 : i32
      %dma_wait3A_882 = tpu.memref_slice %arg9[%run_scoped3A_650, %dma_wait3A_880, %dma_wait3A_881] : memref<4x128x64xbf16, #tpu.memory_space<vmem>> -> memref<1x128x64xbf16, #tpu.memory_space<vmem>>
      %dma_wait3A_883 = tpu.memref_squeeze %dma_wait3A_882 : memref<1x128x64xbf16, #tpu.memory_space<vmem>> -> memref<128x64xbf16, #tpu.memory_space<vmem>>
      %dma_wait3A_884 = arith.constant 0 : i32
      %dma_wait3A_885 = tpu.memref_slice %arg8[%run_scoped3A_651, %dma_wait3A_884] : memref<124x128xi32, #tpu.memory_space<vmem>> -> memref<1x128xi32, #tpu.memory_space<vmem>>
      %dma_wait3A_886 = tpu.memref_squeeze %dma_wait3A_885 : memref<1x128xi32, #tpu.memory_space<vmem>> -> memref<128xi32, #tpu.memory_space<vmem>>
      %dma_wait3A_887 = arith.constant 0 : i32
      %dma_wait3A_888 = arith.constant 0 : i32
      %dma_wait3A_889 = tpu.memref_slice %arg11[%dma_wait3A_887, %dma_wait3A_888] : memref<31744x64xbf16, #tpu.memory_space<vmem_shared>> -> memref<31744x64xbf16, #tpu.memory_space<vmem_shared>>
      tpu.wait_indirect_dma semaphore(%run_scoped3A_869 : memref<!tpu.dma_semaphore, #tpu.memory_space<semaphore_mem>>) src(%dma_wait3A_883 : memref<128x64xbf16, #tpu.memory_space<vmem>>) dst(%dma_wait3A_889 : memref<31744x64xbf16, #tpu.memory_space<vmem_shared>>)
      tpu.yield
    }) : () -> ()
    %run_scoped3A_652 = arith.constant 2 : i32
    %run_scoped3A_653 = arith.constant 114 : i32
    "tpu.region"() ({
      %run_scoped3A_869 = tpu.sem_alloc : memref<!tpu.dma_semaphore, #tpu.memory_space<semaphore_mem>>
      %dma_start3A_870 = arith.constant 0 : i32
      %dma_start3A_871 = arith.constant 0 : i32
      %dma_start3A_872 = tpu.memref_slice %arg9[%run_scoped3A_652, %dma_start3A_870, %dma_start3A_871] : memref<4x128x64xbf16, #tpu.memory_space<vmem>> -> memref<1x128x64xbf16, #tpu.memory_space<vmem>>
      %dma_start3A_873 = tpu.memref_squeeze %dma_start3A_872 : memref<1x128x64xbf16, #tpu.memory_space<vmem>> -> memref<128x64xbf16, #tpu.memory_space<vmem>>
      %dma_start3A_874 = arith.constant 0 : i32
      %dma_start3A_875 = tpu.memref_slice %arg8[%run_scoped3A_653, %dma_start3A_874] : memref<124x128xi32, #tpu.memory_space<vmem>> -> memref<1x128xi32, #tpu.memory_space<vmem>>
      %dma_start3A_876 = tpu.memref_squeeze %dma_start3A_875 : memref<1x128xi32, #tpu.memory_space<vmem>> -> memref<128xi32, #tpu.memory_space<vmem>>
      %dma_start3A_877 = arith.constant 0 : i32
      %dma_start3A_878 = arith.constant 0 : i32
      %dma_start3A_879 = tpu.memref_slice %arg11[%dma_start3A_877, %dma_start3A_878] : memref<31744x64xbf16, #tpu.memory_space<vmem_shared>> -> memref<31744x64xbf16, #tpu.memory_space<vmem_shared>>
      tpu.enqueue_indirect_dma source(%dma_start3A_873 : memref<128x64xbf16, #tpu.memory_space<vmem>>) target(%dma_start3A_879 : memref<31744x64xbf16, #tpu.memory_space<vmem_shared>>) offsets(%dma_start3A_876 : memref<128xi32, #tpu.memory_space<vmem>>) semaphore(%run_scoped3A_869 : memref<!tpu.dma_semaphore, #tpu.memory_space<semaphore_mem>>) {add = true}
      %dma_wait3A_880 = arith.constant 0 : i32
      %dma_wait3A_881 = arith.constant 0 : i32
      %dma_wait3A_882 = tpu.memref_slice %arg9[%run_scoped3A_652, %dma_wait3A_880, %dma_wait3A_881] : memref<4x128x64xbf16, #tpu.memory_space<vmem>> -> memref<1x128x64xbf16, #tpu.memory_space<vmem>>
      %dma_wait3A_883 = tpu.memref_squeeze %dma_wait3A_882 : memref<1x128x64xbf16, #tpu.memory_space<vmem>> -> memref<128x64xbf16, #tpu.memory_space<vmem>>
      %dma_wait3A_884 = arith.constant 0 : i32
      %dma_wait3A_885 = tpu.memref_slice %arg8[%run_scoped3A_653, %dma_wait3A_884] : memref<124x128xi32, #tpu.memory_space<vmem>> -> memref<1x128xi32, #tpu.memory_space<vmem>>
      %dma_wait3A_886 = tpu.memref_squeeze %dma_wait3A_885 : memref<1x128xi32, #tpu.memory_space<vmem>> -> memref<128xi32, #tpu.memory_space<vmem>>
      %dma_wait3A_887 = arith.constant 0 : i32
      %dma_wait3A_888 = arith.constant 0 : i32
      %dma_wait3A_889 = tpu.memref_slice %arg11[%dma_wait3A_887, %dma_wait3A_888] : memref<31744x64xbf16, #tpu.memory_space<vmem_shared>> -> memref<31744x64xbf16, #tpu.memory_space<vmem_shared>>
      tpu.wait_indirect_dma semaphore(%run_scoped3A_869 : memref<!tpu.dma_semaphore, #tpu.memory_space<semaphore_mem>>) src(%dma_wait3A_883 : memref<128x64xbf16, #tpu.memory_space<vmem>>) dst(%dma_wait3A_889 : memref<31744x64xbf16, #tpu.memory_space<vmem_shared>>)
      tpu.yield
    }) : () -> ()
    %run_scoped3A_654 = arith.constant 3 : i32
    %run_scoped3A_655 = arith.constant 115 : i32
    "tpu.region"() ({
      %run_scoped3A_869 = tpu.sem_alloc : memref<!tpu.dma_semaphore, #tpu.memory_space<semaphore_mem>>
      %dma_start3A_870 = arith.constant 0 : i32
      %dma_start3A_871 = arith.constant 0 : i32
      %dma_start3A_872 = tpu.memref_slice %arg9[%run_scoped3A_654, %dma_start3A_870, %dma_start3A_871] : memref<4x128x64xbf16, #tpu.memory_space<vmem>> -> memref<1x128x64xbf16, #tpu.memory_space<vmem>>
      %dma_start3A_873 = tpu.memref_squeeze %dma_start3A_872 : memref<1x128x64xbf16, #tpu.memory_space<vmem>> -> memref<128x64xbf16, #tpu.memory_space<vmem>>
      %dma_start3A_874 = arith.constant 0 : i32
      %dma_start3A_875 = tpu.memref_slice %arg8[%run_scoped3A_655, %dma_start3A_874] : memref<124x128xi32, #tpu.memory_space<vmem>> -> memref<1x128xi32, #tpu.memory_space<vmem>>
      %dma_start3A_876 = tpu.memref_squeeze %dma_start3A_875 : memref<1x128xi32, #tpu.memory_space<vmem>> -> memref<128xi32, #tpu.memory_space<vmem>>
      %dma_start3A_877 = arith.constant 0 : i32
      %dma_start3A_878 = arith.constant 0 : i32
      %dma_start3A_879 = tpu.memref_slice %arg11[%dma_start3A_877, %dma_start3A_878] : memref<31744x64xbf16, #tpu.memory_space<vmem_shared>> -> memref<31744x64xbf16, #tpu.memory_space<vmem_shared>>
      tpu.enqueue_indirect_dma source(%dma_start3A_873 : memref<128x64xbf16, #tpu.memory_space<vmem>>) target(%dma_start3A_879 : memref<31744x64xbf16, #tpu.memory_space<vmem_shared>>) offsets(%dma_start3A_876 : memref<128xi32, #tpu.memory_space<vmem>>) semaphore(%run_scoped3A_869 : memref<!tpu.dma_semaphore, #tpu.memory_space<semaphore_mem>>) {add = true}
      %dma_wait3A_880 = arith.constant 0 : i32
      %dma_wait3A_881 = arith.constant 0 : i32
      %dma_wait3A_882 = tpu.memref_slice %arg9[%run_scoped3A_654, %dma_wait3A_880, %dma_wait3A_881] : memref<4x128x64xbf16, #tpu.memory_space<vmem>> -> memref<1x128x64xbf16, #tpu.memory_space<vmem>>
      %dma_wait3A_883 = tpu.memref_squeeze %dma_wait3A_882 : memref<1x128x64xbf16, #tpu.memory_space<vmem>> -> memref<128x64xbf16, #tpu.memory_space<vmem>>
      %dma_wait3A_884 = arith.constant 0 : i32
      %dma_wait3A_885 = tpu.memref_slice %arg8[%run_scoped3A_655, %dma_wait3A_884] : memref<124x128xi32, #tpu.memory_space<vmem>> -> memref<1x128xi32, #tpu.memory_space<vmem>>
      %dma_wait3A_886 = tpu.memref_squeeze %dma_wait3A_885 : memref<1x128xi32, #tpu.memory_space<vmem>> -> memref<128xi32, #tpu.memory_space<vmem>>
      %dma_wait3A_887 = arith.constant 0 : i32
      %dma_wait3A_888 = arith.constant 0 : i32
      %dma_wait3A_889 = tpu.memref_slice %arg11[%dma_wait3A_887, %dma_wait3A_888] : memref<31744x64xbf16, #tpu.memory_space<vmem_shared>> -> memref<31744x64xbf16, #tpu.memory_space<vmem_shared>>
      tpu.wait_indirect_dma semaphore(%run_scoped3A_869 : memref<!tpu.dma_semaphore, #tpu.memory_space<semaphore_mem>>) src(%dma_wait3A_883 : memref<128x64xbf16, #tpu.memory_space<vmem>>) dst(%dma_wait3A_889 : memref<31744x64xbf16, #tpu.memory_space<vmem_shared>>)
      tpu.yield
    }) : () -> ()
    %dma_start3A_656 = arith.constant 120 : i32
    %dma_start3A_657 = arith.constant 0 : i32
    %dma_start3A_658 = arith.constant 0 : i32
    %dma_start3A_659 = arith.constant 0 : i32
    %dma_start3A_660 = tpu.memref_slice %arg9[%dma_start3A_657, %dma_start3A_658, %dma_start3A_659] : memref<4x128x64xbf16, #tpu.memory_space<vmem>> -> memref<1x128x64xbf16, #tpu.memory_space<vmem>>
    %dma_start3A_661 = tpu.memref_squeeze %dma_start3A_660 : memref<1x128x64xbf16, #tpu.memory_space<vmem>> -> memref<128x64xbf16, #tpu.memory_space<vmem>>
    %dma_start3A_662 = arith.constant 0 : i32
    %dma_start3A_663 = tpu.memref_slice %arg7[%dma_start3A_656, %dma_start3A_662] : memref<124x128xi32, #tpu.memory_space<vmem>> -> memref<1x128xi32, #tpu.memory_space<vmem>>
    %dma_start3A_664 = tpu.memref_squeeze %dma_start3A_663 : memref<1x128xi32, #tpu.memory_space<vmem>> -> memref<128xi32, #tpu.memory_space<vmem>>
    %dma_start3A_665 = arith.constant 0 : i32
    %dma_start3A_666 = arith.constant 0 : i32
    %dma_start3A_667 = tpu.memref_slice %arg4[%arg0, %dma_start3A_665, %dma_start3A_666] : memref<2x31744x64xbf16, #tpu.memory_space<hbm>> -> memref<1x31744x64xbf16, #tpu.memory_space<hbm>>
    %dma_start3A_668 = tpu.memref_squeeze %dma_start3A_667 : memref<1x31744x64xbf16, #tpu.memory_space<hbm>> -> memref<31744x64xbf16, #tpu.memory_space<hbm>>
    %dma_start3A_669 = arith.constant 0 : i32
    %dma_start3A_670 = arith.constant 0 : i32
    %dma_start3A_671 = tpu.memref_slice %dma_start3A_668[%dma_start3A_669, %dma_start3A_670] : memref<31744x64xbf16, #tpu.memory_space<hbm>> -> memref<31744x64xbf16, #tpu.memory_space<hbm>>
    tpu.enqueue_indirect_dma source(%dma_start3A_671 : memref<31744x64xbf16, #tpu.memory_space<hbm>>) target(%dma_start3A_661 : memref<128x64xbf16, #tpu.memory_space<vmem>>) offsets(%dma_start3A_664 : memref<128xi32, #tpu.memory_space<vmem>>) semaphore(%arg12 : memref<!tpu.dma_semaphore, #tpu.memory_space<semaphore_mem>>)
    %dma_start3A_672 = arith.constant 121 : i32
    %dma_start3A_673 = arith.constant 1 : i32
    %dma_start3A_674 = arith.constant 0 : i32
    %dma_start3A_675 = arith.constant 0 : i32
    %dma_start3A_676 = tpu.memref_slice %arg9[%dma_start3A_673, %dma_start3A_674, %dma_start3A_675] : memref<4x128x64xbf16, #tpu.memory_space<vmem>> -> memref<1x128x64xbf16, #tpu.memory_space<vmem>>
    %dma_start3A_677 = tpu.memref_squeeze %dma_start3A_676 : memref<1x128x64xbf16, #tpu.memory_space<vmem>> -> memref<128x64xbf16, #tpu.memory_space<vmem>>
    %dma_start3A_678 = arith.constant 0 : i32
    %dma_start3A_679 = tpu.memref_slice %arg7[%dma_start3A_672, %dma_start3A_678] : memref<124x128xi32, #tpu.memory_space<vmem>> -> memref<1x128xi32, #tpu.memory_space<vmem>>
    %dma_start3A_680 = tpu.memref_squeeze %dma_start3A_679 : memref<1x128xi32, #tpu.memory_space<vmem>> -> memref<128xi32, #tpu.memory_space<vmem>>
    %dma_start3A_681 = arith.constant 0 : i32
    %dma_start3A_682 = arith.constant 0 : i32
    %dma_start3A_683 = tpu.memref_slice %arg4[%arg0, %dma_start3A_681, %dma_start3A_682] : memref<2x31744x64xbf16, #tpu.memory_space<hbm>> -> memref<1x31744x64xbf16, #tpu.memory_space<hbm>>
    %dma_start3A_684 = tpu.memref_squeeze %dma_start3A_683 : memref<1x31744x64xbf16, #tpu.memory_space<hbm>> -> memref<31744x64xbf16, #tpu.memory_space<hbm>>
    %dma_start3A_685 = arith.constant 0 : i32
    %dma_start3A_686 = arith.constant 0 : i32
    %dma_start3A_687 = tpu.memref_slice %dma_start3A_684[%dma_start3A_685, %dma_start3A_686] : memref<31744x64xbf16, #tpu.memory_space<hbm>> -> memref<31744x64xbf16, #tpu.memory_space<hbm>>
    tpu.enqueue_indirect_dma source(%dma_start3A_687 : memref<31744x64xbf16, #tpu.memory_space<hbm>>) target(%dma_start3A_677 : memref<128x64xbf16, #tpu.memory_space<vmem>>) offsets(%dma_start3A_680 : memref<128xi32, #tpu.memory_space<vmem>>) semaphore(%arg12 : memref<!tpu.dma_semaphore, #tpu.memory_space<semaphore_mem>>)
    %dma_start3A_688 = arith.constant 122 : i32
    %dma_start3A_689 = arith.constant 2 : i32
    %dma_start3A_690 = arith.constant 0 : i32
    %dma_start3A_691 = arith.constant 0 : i32
    %dma_start3A_692 = tpu.memref_slice %arg9[%dma_start3A_689, %dma_start3A_690, %dma_start3A_691] : memref<4x128x64xbf16, #tpu.memory_space<vmem>> -> memref<1x128x64xbf16, #tpu.memory_space<vmem>>
    %dma_start3A_693 = tpu.memref_squeeze %dma_start3A_692 : memref<1x128x64xbf16, #tpu.memory_space<vmem>> -> memref<128x64xbf16, #tpu.memory_space<vmem>>
    %dma_start3A_694 = arith.constant 0 : i32
    %dma_start3A_695 = tpu.memref_slice %arg7[%dma_start3A_688, %dma_start3A_694] : memref<124x128xi32, #tpu.memory_space<vmem>> -> memref<1x128xi32, #tpu.memory_space<vmem>>
    %dma_start3A_696 = tpu.memref_squeeze %dma_start3A_695 : memref<1x128xi32, #tpu.memory_space<vmem>> -> memref<128xi32, #tpu.memory_space<vmem>>
    %dma_start3A_697 = arith.constant 0 : i32
    %dma_start3A_698 = arith.constant 0 : i32
    %dma_start3A_699 = tpu.memref_slice %arg4[%arg0, %dma_start3A_697, %dma_start3A_698] : memref<2x31744x64xbf16, #tpu.memory_space<hbm>> -> memref<1x31744x64xbf16, #tpu.memory_space<hbm>>
    %dma_start3A_700 = tpu.memref_squeeze %dma_start3A_699 : memref<1x31744x64xbf16, #tpu.memory_space<hbm>> -> memref<31744x64xbf16, #tpu.memory_space<hbm>>
    %dma_start3A_701 = arith.constant 0 : i32
    %dma_start3A_702 = arith.constant 0 : i32
    %dma_start3A_703 = tpu.memref_slice %dma_start3A_700[%dma_start3A_701, %dma_start3A_702] : memref<31744x64xbf16, #tpu.memory_space<hbm>> -> memref<31744x64xbf16, #tpu.memory_space<hbm>>
    tpu.enqueue_indirect_dma source(%dma_start3A_703 : memref<31744x64xbf16, #tpu.memory_space<hbm>>) target(%dma_start3A_693 : memref<128x64xbf16, #tpu.memory_space<vmem>>) offsets(%dma_start3A_696 : memref<128xi32, #tpu.memory_space<vmem>>) semaphore(%arg12 : memref<!tpu.dma_semaphore, #tpu.memory_space<semaphore_mem>>)
    %dma_start3A_704 = arith.constant 123 : i32
    %dma_start3A_705 = arith.constant 3 : i32
    %dma_start3A_706 = arith.constant 0 : i32
    %dma_start3A_707 = arith.constant 0 : i32
    %dma_start3A_708 = tpu.memref_slice %arg9[%dma_start3A_705, %dma_start3A_706, %dma_start3A_707] : memref<4x128x64xbf16, #tpu.memory_space<vmem>> -> memref<1x128x64xbf16, #tpu.memory_space<vmem>>
    %dma_start3A_709 = tpu.memref_squeeze %dma_start3A_708 : memref<1x128x64xbf16, #tpu.memory_space<vmem>> -> memref<128x64xbf16, #tpu.memory_space<vmem>>
    %dma_start3A_710 = arith.constant 0 : i32
    %dma_start3A_711 = tpu.memref_slice %arg7[%dma_start3A_704, %dma_start3A_710] : memref<124x128xi32, #tpu.memory_space<vmem>> -> memref<1x128xi32, #tpu.memory_space<vmem>>
    %dma_start3A_712 = tpu.memref_squeeze %dma_start3A_711 : memref<1x128xi32, #tpu.memory_space<vmem>> -> memref<128xi32, #tpu.memory_space<vmem>>
    %dma_start3A_713 = arith.constant 0 : i32
    %dma_start3A_714 = arith.constant 0 : i32
    %dma_start3A_715 = tpu.memref_slice %arg4[%arg0, %dma_start3A_713, %dma_start3A_714] : memref<2x31744x64xbf16, #tpu.memory_space<hbm>> -> memref<1x31744x64xbf16, #tpu.memory_space<hbm>>
    %dma_start3A_716 = tpu.memref_squeeze %dma_start3A_715 : memref<1x31744x64xbf16, #tpu.memory_space<hbm>> -> memref<31744x64xbf16, #tpu.memory_space<hbm>>
    %dma_start3A_717 = arith.constant 0 : i32
    %dma_start3A_718 = arith.constant 0 : i32
    %dma_start3A_719 = tpu.memref_slice %dma_start3A_716[%dma_start3A_717, %dma_start3A_718] : memref<31744x64xbf16, #tpu.memory_space<hbm>> -> memref<31744x64xbf16, #tpu.memory_space<hbm>>
    tpu.enqueue_indirect_dma source(%dma_start3A_719 : memref<31744x64xbf16, #tpu.memory_space<hbm>>) target(%dma_start3A_709 : memref<128x64xbf16, #tpu.memory_space<vmem>>) offsets(%dma_start3A_712 : memref<128xi32, #tpu.memory_space<vmem>>) semaphore(%arg12 : memref<!tpu.dma_semaphore, #tpu.memory_space<semaphore_mem>>)
    %dma_wait3A_720 = arith.constant 4 : i32
    %dma_wait3A_721 = arith.constant 0 : i32
    %dma_wait3A_722 = arith.constant 0 : i32
    %dma_wait3A_723 = arith.constant 0 : i32
    %dma_wait3A_724 = tpu.memref_slice %arg10[%dma_wait3A_721, %dma_wait3A_722, %dma_wait3A_723] : memref<4x128x64xbf16, #tpu.memory_space<vmem>> -> memref<1x128x64xbf16, #tpu.memory_space<vmem>>
    %dma_wait3A_725 = tpu.memref_squeeze %dma_wait3A_724 : memref<1x128x64xbf16, #tpu.memory_space<vmem>> -> memref<128x64xbf16, #tpu.memory_space<vmem>>
    %dma_wait3A_726 = arith.constant 0 : i32
    %dma_wait3A_727 = tpu.memref_slice %arg7[%dma_wait3A_720, %dma_wait3A_726] : memref<124x128xi32, #tpu.memory_space<vmem>> -> memref<1x128xi32, #tpu.memory_space<vmem>>
    %dma_wait3A_728 = tpu.memref_squeeze %dma_wait3A_727 : memref<1x128xi32, #tpu.memory_space<vmem>> -> memref<128xi32, #tpu.memory_space<vmem>>
    %dma_wait3A_729 = arith.constant 0 : i32
    %dma_wait3A_730 = arith.constant 0 : i32
    %dma_wait3A_731 = tpu.memref_slice %arg4[%arg0, %dma_wait3A_729, %dma_wait3A_730] : memref<2x31744x64xbf16, #tpu.memory_space<hbm>> -> memref<1x31744x64xbf16, #tpu.memory_space<hbm>>
    %dma_wait3A_732 = tpu.memref_squeeze %dma_wait3A_731 : memref<1x31744x64xbf16, #tpu.memory_space<hbm>> -> memref<31744x64xbf16, #tpu.memory_space<hbm>>
    %dma_wait3A_733 = arith.constant 0 : i32
    %dma_wait3A_734 = arith.constant 0 : i32
    %dma_wait3A_735 = tpu.memref_slice %dma_wait3A_732[%dma_wait3A_733, %dma_wait3A_734] : memref<31744x64xbf16, #tpu.memory_space<hbm>> -> memref<31744x64xbf16, #tpu.memory_space<hbm>>
    tpu.wait_indirect_dma semaphore(%arg13 : memref<!tpu.dma_semaphore, #tpu.memory_space<semaphore_mem>>) src(%dma_wait3A_735 : memref<31744x64xbf16, #tpu.memory_space<hbm>>) dst(%dma_wait3A_725 : memref<128x64xbf16, #tpu.memory_space<vmem>>)
    %dma_wait3A_736 = arith.constant 5 : i32
    %dma_wait3A_737 = arith.constant 1 : i32
    %dma_wait3A_738 = arith.constant 0 : i32
    %dma_wait3A_739 = arith.constant 0 : i32
    %dma_wait3A_740 = tpu.memref_slice %arg10[%dma_wait3A_737, %dma_wait3A_738, %dma_wait3A_739] : memref<4x128x64xbf16, #tpu.memory_space<vmem>> -> memref<1x128x64xbf16, #tpu.memory_space<vmem>>
    %dma_wait3A_741 = tpu.memref_squeeze %dma_wait3A_740 : memref<1x128x64xbf16, #tpu.memory_space<vmem>> -> memref<128x64xbf16, #tpu.memory_space<vmem>>
    %dma_wait3A_742 = arith.constant 0 : i32
    %dma_wait3A_743 = tpu.memref_slice %arg7[%dma_wait3A_736, %dma_wait3A_742] : memref<124x128xi32, #tpu.memory_space<vmem>> -> memref<1x128xi32, #tpu.memory_space<vmem>>
    %dma_wait3A_744 = tpu.memref_squeeze %dma_wait3A_743 : memref<1x128xi32, #tpu.memory_space<vmem>> -> memref<128xi32, #tpu.memory_space<vmem>>
    %dma_wait3A_745 = arith.constant 0 : i32
    %dma_wait3A_746 = arith.constant 0 : i32
    %dma_wait3A_747 = tpu.memref_slice %arg4[%arg0, %dma_wait3A_745, %dma_wait3A_746] : memref<2x31744x64xbf16, #tpu.memory_space<hbm>> -> memref<1x31744x64xbf16, #tpu.memory_space<hbm>>
    %dma_wait3A_748 = tpu.memref_squeeze %dma_wait3A_747 : memref<1x31744x64xbf16, #tpu.memory_space<hbm>> -> memref<31744x64xbf16, #tpu.memory_space<hbm>>
    %dma_wait3A_749 = arith.constant 0 : i32
    %dma_wait3A_750 = arith.constant 0 : i32
    %dma_wait3A_751 = tpu.memref_slice %dma_wait3A_748[%dma_wait3A_749, %dma_wait3A_750] : memref<31744x64xbf16, #tpu.memory_space<hbm>> -> memref<31744x64xbf16, #tpu.memory_space<hbm>>
    tpu.wait_indirect_dma semaphore(%arg13 : memref<!tpu.dma_semaphore, #tpu.memory_space<semaphore_mem>>) src(%dma_wait3A_751 : memref<31744x64xbf16, #tpu.memory_space<hbm>>) dst(%dma_wait3A_741 : memref<128x64xbf16, #tpu.memory_space<vmem>>)
    %dma_wait3A_752 = arith.constant 6 : i32
    %dma_wait3A_753 = arith.constant 2 : i32
    %dma_wait3A_754 = arith.constant 0 : i32
    %dma_wait3A_755 = arith.constant 0 : i32
    %dma_wait3A_756 = tpu.memref_slice %arg10[%dma_wait3A_753, %dma_wait3A_754, %dma_wait3A_755] : memref<4x128x64xbf16, #tpu.memory_space<vmem>> -> memref<1x128x64xbf16, #tpu.memory_space<vmem>>
    %dma_wait3A_757 = tpu.memref_squeeze %dma_wait3A_756 : memref<1x128x64xbf16, #tpu.memory_space<vmem>> -> memref<128x64xbf16, #tpu.memory_space<vmem>>
    %dma_wait3A_758 = arith.constant 0 : i32
    %dma_wait3A_759 = tpu.memref_slice %arg7[%dma_wait3A_752, %dma_wait3A_758] : memref<124x128xi32, #tpu.memory_space<vmem>> -> memref<1x128xi32, #tpu.memory_space<vmem>>
    %dma_wait3A_760 = tpu.memref_squeeze %dma_wait3A_759 : memref<1x128xi32, #tpu.memory_space<vmem>> -> memref<128xi32, #tpu.memory_space<vmem>>
    %dma_wait3A_761 = arith.constant 0 : i32
    %dma_wait3A_762 = arith.constant 0 : i32
    %dma_wait3A_763 = tpu.memref_slice %arg4[%arg0, %dma_wait3A_761, %dma_wait3A_762] : memref<2x31744x64xbf16, #tpu.memory_space<hbm>> -> memref<1x31744x64xbf16, #tpu.memory_space<hbm>>
    %dma_wait3A_764 = tpu.memref_squeeze %dma_wait3A_763 : memref<1x31744x64xbf16, #tpu.memory_space<hbm>> -> memref<31744x64xbf16, #tpu.memory_space<hbm>>
    %dma_wait3A_765 = arith.constant 0 : i32
    %dma_wait3A_766 = arith.constant 0 : i32
    %dma_wait3A_767 = tpu.memref_slice %dma_wait3A_764[%dma_wait3A_765, %dma_wait3A_766] : memref<31744x64xbf16, #tpu.memory_space<hbm>> -> memref<31744x64xbf16, #tpu.memory_space<hbm>>
    tpu.wait_indirect_dma semaphore(%arg13 : memref<!tpu.dma_semaphore, #tpu.memory_space<semaphore_mem>>) src(%dma_wait3A_767 : memref<31744x64xbf16, #tpu.memory_space<hbm>>) dst(%dma_wait3A_757 : memref<128x64xbf16, #tpu.memory_space<vmem>>)
    %dma_wait3A_768 = arith.constant 7 : i32
    %dma_wait3A_769 = arith.constant 3 : i32
    %dma_wait3A_770 = arith.constant 0 : i32
    %dma_wait3A_771 = arith.constant 0 : i32
    %dma_wait3A_772 = tpu.memref_slice %arg10[%dma_wait3A_769, %dma_wait3A_770, %dma_wait3A_771] : memref<4x128x64xbf16, #tpu.memory_space<vmem>> -> memref<1x128x64xbf16, #tpu.memory_space<vmem>>
    %dma_wait3A_773 = tpu.memref_squeeze %dma_wait3A_772 : memref<1x128x64xbf16, #tpu.memory_space<vmem>> -> memref<128x64xbf16, #tpu.memory_space<vmem>>
    %dma_wait3A_774 = arith.constant 0 : i32
    %dma_wait3A_775 = tpu.memref_slice %arg7[%dma_wait3A_768, %dma_wait3A_774] : memref<124x128xi32, #tpu.memory_space<vmem>> -> memref<1x128xi32, #tpu.memory_space<vmem>>
    %dma_wait3A_776 = tpu.memref_squeeze %dma_wait3A_775 : memref<1x128xi32, #tpu.memory_space<vmem>> -> memref<128xi32, #tpu.memory_space<vmem>>
    %dma_wait3A_777 = arith.constant 0 : i32
    %dma_wait3A_778 = arith.constant 0 : i32
    %dma_wait3A_779 = tpu.memref_slice %arg4[%arg0, %dma_wait3A_777, %dma_wait3A_778] : memref<2x31744x64xbf16, #tpu.memory_space<hbm>> -> memref<1x31744x64xbf16, #tpu.memory_space<hbm>>
    %dma_wait3A_780 = tpu.memref_squeeze %dma_wait3A_779 : memref<1x31744x64xbf16, #tpu.memory_space<hbm>> -> memref<31744x64xbf16, #tpu.memory_space<hbm>>
    %dma_wait3A_781 = arith.constant 0 : i32
    %dma_wait3A_782 = arith.constant 0 : i32
    %dma_wait3A_783 = tpu.memref_slice %dma_wait3A_780[%dma_wait3A_781, %dma_wait3A_782] : memref<31744x64xbf16, #tpu.memory_space<hbm>> -> memref<31744x64xbf16, #tpu.memory_space<hbm>>
    tpu.wait_indirect_dma semaphore(%arg13 : memref<!tpu.dma_semaphore, #tpu.memory_space<semaphore_mem>>) src(%dma_wait3A_783 : memref<31744x64xbf16, #tpu.memory_space<hbm>>) dst(%dma_wait3A_773 : memref<128x64xbf16, #tpu.memory_space<vmem>>)
    %run_scoped3A_784 = arith.constant 0 : i32
    %run_scoped3A_785 = arith.constant 116 : i32
    "tpu.region"() ({
      %run_scoped3A_869 = tpu.sem_alloc : memref<!tpu.dma_semaphore, #tpu.memory_space<semaphore_mem>>
      %dma_start3A_870 = arith.constant 0 : i32
      %dma_start3A_871 = arith.constant 0 : i32
      %dma_start3A_872 = tpu.memref_slice %arg10[%run_scoped3A_784, %dma_start3A_870, %dma_start3A_871] : memref<4x128x64xbf16, #tpu.memory_space<vmem>> -> memref<1x128x64xbf16, #tpu.memory_space<vmem>>
      %dma_start3A_873 = tpu.memref_squeeze %dma_start3A_872 : memref<1x128x64xbf16, #tpu.memory_space<vmem>> -> memref<128x64xbf16, #tpu.memory_space<vmem>>
      %dma_start3A_874 = arith.constant 0 : i32
      %dma_start3A_875 = tpu.memref_slice %arg8[%run_scoped3A_785, %dma_start3A_874] : memref<124x128xi32, #tpu.memory_space<vmem>> -> memref<1x128xi32, #tpu.memory_space<vmem>>
      %dma_start3A_876 = tpu.memref_squeeze %dma_start3A_875 : memref<1x128xi32, #tpu.memory_space<vmem>> -> memref<128xi32, #tpu.memory_space<vmem>>
      %dma_start3A_877 = arith.constant 0 : i32
      %dma_start3A_878 = arith.constant 0 : i32
      %dma_start3A_879 = tpu.memref_slice %arg11[%dma_start3A_877, %dma_start3A_878] : memref<31744x64xbf16, #tpu.memory_space<vmem_shared>> -> memref<31744x64xbf16, #tpu.memory_space<vmem_shared>>
      tpu.enqueue_indirect_dma source(%dma_start3A_873 : memref<128x64xbf16, #tpu.memory_space<vmem>>) target(%dma_start3A_879 : memref<31744x64xbf16, #tpu.memory_space<vmem_shared>>) offsets(%dma_start3A_876 : memref<128xi32, #tpu.memory_space<vmem>>) semaphore(%run_scoped3A_869 : memref<!tpu.dma_semaphore, #tpu.memory_space<semaphore_mem>>) {add = true}
      %dma_wait3A_880 = arith.constant 0 : i32
      %dma_wait3A_881 = arith.constant 0 : i32
      %dma_wait3A_882 = tpu.memref_slice %arg10[%run_scoped3A_784, %dma_wait3A_880, %dma_wait3A_881] : memref<4x128x64xbf16, #tpu.memory_space<vmem>> -> memref<1x128x64xbf16, #tpu.memory_space<vmem>>
      %dma_wait3A_883 = tpu.memref_squeeze %dma_wait3A_882 : memref<1x128x64xbf16, #tpu.memory_space<vmem>> -> memref<128x64xbf16, #tpu.memory_space<vmem>>
      %dma_wait3A_884 = arith.constant 0 : i32
      %dma_wait3A_885 = tpu.memref_slice %arg8[%run_scoped3A_785, %dma_wait3A_884] : memref<124x128xi32, #tpu.memory_space<vmem>> -> memref<1x128xi32, #tpu.memory_space<vmem>>
      %dma_wait3A_886 = tpu.memref_squeeze %dma_wait3A_885 : memref<1x128xi32, #tpu.memory_space<vmem>> -> memref<128xi32, #tpu.memory_space<vmem>>
      %dma_wait3A_887 = arith.constant 0 : i32
      %dma_wait3A_888 = arith.constant 0 : i32
      %dma_wait3A_889 = tpu.memref_slice %arg11[%dma_wait3A_887, %dma_wait3A_888] : memref<31744x64xbf16, #tpu.memory_space<vmem_shared>> -> memref<31744x64xbf16, #tpu.memory_space<vmem_shared>>
      tpu.wait_indirect_dma semaphore(%run_scoped3A_869 : memref<!tpu.dma_semaphore, #tpu.memory_space<semaphore_mem>>) src(%dma_wait3A_883 : memref<128x64xbf16, #tpu.memory_space<vmem>>) dst(%dma_wait3A_889 : memref<31744x64xbf16, #tpu.memory_space<vmem_shared>>)
      tpu.yield
    }) : () -> ()
    %run_scoped3A_786 = arith.constant 1 : i32
    %run_scoped3A_787 = arith.constant 117 : i32
    "tpu.region"() ({
      %run_scoped3A_869 = tpu.sem_alloc : memref<!tpu.dma_semaphore, #tpu.memory_space<semaphore_mem>>
      %dma_start3A_870 = arith.constant 0 : i32
      %dma_start3A_871 = arith.constant 0 : i32
      %dma_start3A_872 = tpu.memref_slice %arg10[%run_scoped3A_786, %dma_start3A_870, %dma_start3A_871] : memref<4x128x64xbf16, #tpu.memory_space<vmem>> -> memref<1x128x64xbf16, #tpu.memory_space<vmem>>
      %dma_start3A_873 = tpu.memref_squeeze %dma_start3A_872 : memref<1x128x64xbf16, #tpu.memory_space<vmem>> -> memref<128x64xbf16, #tpu.memory_space<vmem>>
      %dma_start3A_874 = arith.constant 0 : i32
      %dma_start3A_875 = tpu.memref_slice %arg8[%run_scoped3A_787, %dma_start3A_874] : memref<124x128xi32, #tpu.memory_space<vmem>> -> memref<1x128xi32, #tpu.memory_space<vmem>>
      %dma_start3A_876 = tpu.memref_squeeze %dma_start3A_875 : memref<1x128xi32, #tpu.memory_space<vmem>> -> memref<128xi32, #tpu.memory_space<vmem>>
      %dma_start3A_877 = arith.constant 0 : i32
      %dma_start3A_878 = arith.constant 0 : i32
      %dma_start3A_879 = tpu.memref_slice %arg11[%dma_start3A_877, %dma_start3A_878] : memref<31744x64xbf16, #tpu.memory_space<vmem_shared>> -> memref<31744x64xbf16, #tpu.memory_space<vmem_shared>>
      tpu.enqueue_indirect_dma source(%dma_start3A_873 : memref<128x64xbf16, #tpu.memory_space<vmem>>) target(%dma_start3A_879 : memref<31744x64xbf16, #tpu.memory_space<vmem_shared>>) offsets(%dma_start3A_876 : memref<128xi32, #tpu.memory_space<vmem>>) semaphore(%run_scoped3A_869 : memref<!tpu.dma_semaphore, #tpu.memory_space<semaphore_mem>>) {add = true}
      %dma_wait3A_880 = arith.constant 0 : i32
      %dma_wait3A_881 = arith.constant 0 : i32
      %dma_wait3A_882 = tpu.memref_slice %arg10[%run_scoped3A_786, %dma_wait3A_880, %dma_wait3A_881] : memref<4x128x64xbf16, #tpu.memory_space<vmem>> -> memref<1x128x64xbf16, #tpu.memory_space<vmem>>
      %dma_wait3A_883 = tpu.memref_squeeze %dma_wait3A_882 : memref<1x128x64xbf16, #tpu.memory_space<vmem>> -> memref<128x64xbf16, #tpu.memory_space<vmem>>
      %dma_wait3A_884 = arith.constant 0 : i32
      %dma_wait3A_885 = tpu.memref_slice %arg8[%run_scoped3A_787, %dma_wait3A_884] : memref<124x128xi32, #tpu.memory_space<vmem>> -> memref<1x128xi32, #tpu.memory_space<vmem>>
      %dma_wait3A_886 = tpu.memref_squeeze %dma_wait3A_885 : memref<1x128xi32, #tpu.memory_space<vmem>> -> memref<128xi32, #tpu.memory_space<vmem>>
      %dma_wait3A_887 = arith.constant 0 : i32
      %dma_wait3A_888 = arith.constant 0 : i32
      %dma_wait3A_889 = tpu.memref_slice %arg11[%dma_wait3A_887, %dma_wait3A_888] : memref<31744x64xbf16, #tpu.memory_space<vmem_shared>> -> memref<31744x64xbf16, #tpu.memory_space<vmem_shared>>
      tpu.wait_indirect_dma semaphore(%run_scoped3A_869 : memref<!tpu.dma_semaphore, #tpu.memory_space<semaphore_mem>>) src(%dma_wait3A_883 : memref<128x64xbf16, #tpu.memory_space<vmem>>) dst(%dma_wait3A_889 : memref<31744x64xbf16, #tpu.memory_space<vmem_shared>>)
      tpu.yield
    }) : () -> ()
    %run_scoped3A_788 = arith.constant 2 : i32
    %run_scoped3A_789 = arith.constant 118 : i32
    "tpu.region"() ({
      %run_scoped3A_869 = tpu.sem_alloc : memref<!tpu.dma_semaphore, #tpu.memory_space<semaphore_mem>>
      %dma_start3A_870 = arith.constant 0 : i32
      %dma_start3A_871 = arith.constant 0 : i32
      %dma_start3A_872 = tpu.memref_slice %arg10[%run_scoped3A_788, %dma_start3A_870, %dma_start3A_871] : memref<4x128x64xbf16, #tpu.memory_space<vmem>> -> memref<1x128x64xbf16, #tpu.memory_space<vmem>>
      %dma_start3A_873 = tpu.memref_squeeze %dma_start3A_872 : memref<1x128x64xbf16, #tpu.memory_space<vmem>> -> memref<128x64xbf16, #tpu.memory_space<vmem>>
      %dma_start3A_874 = arith.constant 0 : i32
      %dma_start3A_875 = tpu.memref_slice %arg8[%run_scoped3A_789, %dma_start3A_874] : memref<124x128xi32, #tpu.memory_space<vmem>> -> memref<1x128xi32, #tpu.memory_space<vmem>>
      %dma_start3A_876 = tpu.memref_squeeze %dma_start3A_875 : memref<1x128xi32, #tpu.memory_space<vmem>> -> memref<128xi32, #tpu.memory_space<vmem>>
      %dma_start3A_877 = arith.constant 0 : i32
      %dma_start3A_878 = arith.constant 0 : i32
      %dma_start3A_879 = tpu.memref_slice %arg11[%dma_start3A_877, %dma_start3A_878] : memref<31744x64xbf16, #tpu.memory_space<vmem_shared>> -> memref<31744x64xbf16, #tpu.memory_space<vmem_shared>>
      tpu.enqueue_indirect_dma source(%dma_start3A_873 : memref<128x64xbf16, #tpu.memory_space<vmem>>) target(%dma_start3A_879 : memref<31744x64xbf16, #tpu.memory_space<vmem_shared>>) offsets(%dma_start3A_876 : memref<128xi32, #tpu.memory_space<vmem>>) semaphore(%run_scoped3A_869 : memref<!tpu.dma_semaphore, #tpu.memory_space<semaphore_mem>>) {add = true}
      %dma_wait3A_880 = arith.constant 0 : i32
      %dma_wait3A_881 = arith.constant 0 : i32
      %dma_wait3A_882 = tpu.memref_slice %arg10[%run_scoped3A_788, %dma_wait3A_880, %dma_wait3A_881] : memref<4x128x64xbf16, #tpu.memory_space<vmem>> -> memref<1x128x64xbf16, #tpu.memory_space<vmem>>
      %dma_wait3A_883 = tpu.memref_squeeze %dma_wait3A_882 : memref<1x128x64xbf16, #tpu.memory_space<vmem>> -> memref<128x64xbf16, #tpu.memory_space<vmem>>
      %dma_wait3A_884 = arith.constant 0 : i32
      %dma_wait3A_885 = tpu.memref_slice %arg8[%run_scoped3A_789, %dma_wait3A_884] : memref<124x128xi32, #tpu.memory_space<vmem>> -> memref<1x128xi32, #tpu.memory_space<vmem>>
      %dma_wait3A_886 = tpu.memref_squeeze %dma_wait3A_885 : memref<1x128xi32, #tpu.memory_space<vmem>> -> memref<128xi32, #tpu.memory_space<vmem>>
      %dma_wait3A_887 = arith.constant 0 : i32
      %dma_wait3A_888 = arith.constant 0 : i32
      %dma_wait3A_889 = tpu.memref_slice %arg11[%dma_wait3A_887, %dma_wait3A_888] : memref<31744x64xbf16, #tpu.memory_space<vmem_shared>> -> memref<31744x64xbf16, #tpu.memory_space<vmem_shared>>
      tpu.wait_indirect_dma semaphore(%run_scoped3A_869 : memref<!tpu.dma_semaphore, #tpu.memory_space<semaphore_mem>>) src(%dma_wait3A_883 : memref<128x64xbf16, #tpu.memory_space<vmem>>) dst(%dma_wait3A_889 : memref<31744x64xbf16, #tpu.memory_space<vmem_shared>>)
      tpu.yield
    }) : () -> ()
    %run_scoped3A_790 = arith.constant 3 : i32
    %run_scoped3A_791 = arith.constant 119 : i32
    "tpu.region"() ({
      %run_scoped3A_869 = tpu.sem_alloc : memref<!tpu.dma_semaphore, #tpu.memory_space<semaphore_mem>>
      %dma_start3A_870 = arith.constant 0 : i32
      %dma_start3A_871 = arith.constant 0 : i32
      %dma_start3A_872 = tpu.memref_slice %arg10[%run_scoped3A_790, %dma_start3A_870, %dma_start3A_871] : memref<4x128x64xbf16, #tpu.memory_space<vmem>> -> memref<1x128x64xbf16, #tpu.memory_space<vmem>>
      %dma_start3A_873 = tpu.memref_squeeze %dma_start3A_872 : memref<1x128x64xbf16, #tpu.memory_space<vmem>> -> memref<128x64xbf16, #tpu.memory_space<vmem>>
      %dma_start3A_874 = arith.constant 0 : i32
      %dma_start3A_875 = tpu.memref_slice %arg8[%run_scoped3A_791, %dma_start3A_874] : memref<124x128xi32, #tpu.memory_space<vmem>> -> memref<1x128xi32, #tpu.memory_space<vmem>>
      %dma_start3A_876 = tpu.memref_squeeze %dma_start3A_875 : memref<1x128xi32, #tpu.memory_space<vmem>> -> memref<128xi32, #tpu.memory_space<vmem>>
      %dma_start3A_877 = arith.constant 0 : i32
      %dma_start3A_878 = arith.constant 0 : i32
      %dma_start3A_879 = tpu.memref_slice %arg11[%dma_start3A_877, %dma_start3A_878] : memref<31744x64xbf16, #tpu.memory_space<vmem_shared>> -> memref<31744x64xbf16, #tpu.memory_space<vmem_shared>>
      tpu.enqueue_indirect_dma source(%dma_start3A_873 : memref<128x64xbf16, #tpu.memory_space<vmem>>) target(%dma_start3A_879 : memref<31744x64xbf16, #tpu.memory_space<vmem_shared>>) offsets(%dma_start3A_876 : memref<128xi32, #tpu.memory_space<vmem>>) semaphore(%run_scoped3A_869 : memref<!tpu.dma_semaphore, #tpu.memory_space<semaphore_mem>>) {add = true}
      %dma_wait3A_880 = arith.constant 0 : i32
      %dma_wait3A_881 = arith.constant 0 : i32
      %dma_wait3A_882 = tpu.memref_slice %arg10[%run_scoped3A_790, %dma_wait3A_880, %dma_wait3A_881] : memref<4x128x64xbf16, #tpu.memory_space<vmem>> -> memref<1x128x64xbf16, #tpu.memory_space<vmem>>
      %dma_wait3A_883 = tpu.memref_squeeze %dma_wait3A_882 : memref<1x128x64xbf16, #tpu.memory_space<vmem>> -> memref<128x64xbf16, #tpu.memory_space<vmem>>
      %dma_wait3A_884 = arith.constant 0 : i32
      %dma_wait3A_885 = tpu.memref_slice %arg8[%run_scoped3A_791, %dma_wait3A_884] : memref<124x128xi32, #tpu.memory_space<vmem>> -> memref<1x128xi32, #tpu.memory_space<vmem>>
      %dma_wait3A_886 = tpu.memref_squeeze %dma_wait3A_885 : memref<1x128xi32, #tpu.memory_space<vmem>> -> memref<128xi32, #tpu.memory_space<vmem>>
      %dma_wait3A_887 = arith.constant 0 : i32
      %dma_wait3A_888 = arith.constant 0 : i32
      %dma_wait3A_889 = tpu.memref_slice %arg11[%dma_wait3A_887, %dma_wait3A_888] : memref<31744x64xbf16, #tpu.memory_space<vmem_shared>> -> memref<31744x64xbf16, #tpu.memory_space<vmem_shared>>
      tpu.wait_indirect_dma semaphore(%run_scoped3A_869 : memref<!tpu.dma_semaphore, #tpu.memory_space<semaphore_mem>>) src(%dma_wait3A_883 : memref<128x64xbf16, #tpu.memory_space<vmem>>) dst(%dma_wait3A_889 : memref<31744x64xbf16, #tpu.memory_space<vmem_shared>>)
      tpu.yield
    }) : () -> ()
    %dma_wait3A_792 = arith.constant 0 : i32
    %dma_wait3A_793 = arith.constant 0 : i32
    %dma_wait3A_794 = arith.constant 0 : i32
    %dma_wait3A_795 = arith.constant 0 : i32
    %dma_wait3A_796 = tpu.memref_slice %arg9[%dma_wait3A_793, %dma_wait3A_794, %dma_wait3A_795] : memref<4x128x64xbf16, #tpu.memory_space<vmem>> -> memref<1x128x64xbf16, #tpu.memory_space<vmem>>
    %dma_wait3A_797 = tpu.memref_squeeze %dma_wait3A_796 : memref<1x128x64xbf16, #tpu.memory_space<vmem>> -> memref<128x64xbf16, #tpu.memory_space<vmem>>
    %dma_wait3A_798 = arith.constant 0 : i32
    %dma_wait3A_799 = tpu.memref_slice %arg7[%dma_wait3A_792, %dma_wait3A_798] : memref<124x128xi32, #tpu.memory_space<vmem>> -> memref<1x128xi32, #tpu.memory_space<vmem>>
    %dma_wait3A_800 = tpu.memref_squeeze %dma_wait3A_799 : memref<1x128xi32, #tpu.memory_space<vmem>> -> memref<128xi32, #tpu.memory_space<vmem>>
    %dma_wait3A_801 = arith.constant 0 : i32
    %dma_wait3A_802 = arith.constant 0 : i32
    %dma_wait3A_803 = tpu.memref_slice %arg4[%arg0, %dma_wait3A_801, %dma_wait3A_802] : memref<2x31744x64xbf16, #tpu.memory_space<hbm>> -> memref<1x31744x64xbf16, #tpu.memory_space<hbm>>
    %dma_wait3A_804 = tpu.memref_squeeze %dma_wait3A_803 : memref<1x31744x64xbf16, #tpu.memory_space<hbm>> -> memref<31744x64xbf16, #tpu.memory_space<hbm>>
    %dma_wait3A_805 = arith.constant 0 : i32
    %dma_wait3A_806 = arith.constant 0 : i32
    %dma_wait3A_807 = tpu.memref_slice %dma_wait3A_804[%dma_wait3A_805, %dma_wait3A_806] : memref<31744x64xbf16, #tpu.memory_space<hbm>> -> memref<31744x64xbf16, #tpu.memory_space<hbm>>
    tpu.wait_indirect_dma semaphore(%arg12 : memref<!tpu.dma_semaphore, #tpu.memory_space<semaphore_mem>>) src(%dma_wait3A_807 : memref<31744x64xbf16, #tpu.memory_space<hbm>>) dst(%dma_wait3A_797 : memref<128x64xbf16, #tpu.memory_space<vmem>>)
    %dma_wait3A_808 = arith.constant 1 : i32
    %dma_wait3A_809 = arith.constant 1 : i32
    %dma_wait3A_810 = arith.constant 0 : i32
    %dma_wait3A_811 = arith.constant 0 : i32
    %dma_wait3A_812 = tpu.memref_slice %arg9[%dma_wait3A_809, %dma_wait3A_810, %dma_wait3A_811] : memref<4x128x64xbf16, #tpu.memory_space<vmem>> -> memref<1x128x64xbf16, #tpu.memory_space<vmem>>
    %dma_wait3A_813 = tpu.memref_squeeze %dma_wait3A_812 : memref<1x128x64xbf16, #tpu.memory_space<vmem>> -> memref<128x64xbf16, #tpu.memory_space<vmem>>
    %dma_wait3A_814 = arith.constant 0 : i32
    %dma_wait3A_815 = tpu.memref_slice %arg7[%dma_wait3A_808, %dma_wait3A_814] : memref<124x128xi32, #tpu.memory_space<vmem>> -> memref<1x128xi32, #tpu.memory_space<vmem>>
    %dma_wait3A_816 = tpu.memref_squeeze %dma_wait3A_815 : memref<1x128xi32, #tpu.memory_space<vmem>> -> memref<128xi32, #tpu.memory_space<vmem>>
    %dma_wait3A_817 = arith.constant 0 : i32
    %dma_wait3A_818 = arith.constant 0 : i32
    %dma_wait3A_819 = tpu.memref_slice %arg4[%arg0, %dma_wait3A_817, %dma_wait3A_818] : memref<2x31744x64xbf16, #tpu.memory_space<hbm>> -> memref<1x31744x64xbf16, #tpu.memory_space<hbm>>
    %dma_wait3A_820 = tpu.memref_squeeze %dma_wait3A_819 : memref<1x31744x64xbf16, #tpu.memory_space<hbm>> -> memref<31744x64xbf16, #tpu.memory_space<hbm>>
    %dma_wait3A_821 = arith.constant 0 : i32
    %dma_wait3A_822 = arith.constant 0 : i32
    %dma_wait3A_823 = tpu.memref_slice %dma_wait3A_820[%dma_wait3A_821, %dma_wait3A_822] : memref<31744x64xbf16, #tpu.memory_space<hbm>> -> memref<31744x64xbf16, #tpu.memory_space<hbm>>
    tpu.wait_indirect_dma semaphore(%arg12 : memref<!tpu.dma_semaphore, #tpu.memory_space<semaphore_mem>>) src(%dma_wait3A_823 : memref<31744x64xbf16, #tpu.memory_space<hbm>>) dst(%dma_wait3A_813 : memref<128x64xbf16, #tpu.memory_space<vmem>>)
    %dma_wait3A_824 = arith.constant 2 : i32
    %dma_wait3A_825 = arith.constant 2 : i32
    %dma_wait3A_826 = arith.constant 0 : i32
    %dma_wait3A_827 = arith.constant 0 : i32
    %dma_wait3A_828 = tpu.memref_slice %arg9[%dma_wait3A_825, %dma_wait3A_826, %dma_wait3A_827] : memref<4x128x64xbf16, #tpu.memory_space<vmem>> -> memref<1x128x64xbf16, #tpu.memory_space<vmem>>
    %dma_wait3A_829 = tpu.memref_squeeze %dma_wait3A_828 : memref<1x128x64xbf16, #tpu.memory_space<vmem>> -> memref<128x64xbf16, #tpu.memory_space<vmem>>
    %dma_wait3A_830 = arith.constant 0 : i32
    %dma_wait3A_831 = tpu.memref_slice %arg7[%dma_wait3A_824, %dma_wait3A_830] : memref<124x128xi32, #tpu.memory_space<vmem>> -> memref<1x128xi32, #tpu.memory_space<vmem>>
    %dma_wait3A_832 = tpu.memref_squeeze %dma_wait3A_831 : memref<1x128xi32, #tpu.memory_space<vmem>> -> memref<128xi32, #tpu.memory_space<vmem>>
    %dma_wait3A_833 = arith.constant 0 : i32
    %dma_wait3A_834 = arith.constant 0 : i32
    %dma_wait3A_835 = tpu.memref_slice %arg4[%arg0, %dma_wait3A_833, %dma_wait3A_834] : memref<2x31744x64xbf16, #tpu.memory_space<hbm>> -> memref<1x31744x64xbf16, #tpu.memory_space<hbm>>
    %dma_wait3A_836 = tpu.memref_squeeze %dma_wait3A_835 : memref<1x31744x64xbf16, #tpu.memory_space<hbm>> -> memref<31744x64xbf16, #tpu.memory_space<hbm>>
    %dma_wait3A_837 = arith.constant 0 : i32
    %dma_wait3A_838 = arith.constant 0 : i32
    %dma_wait3A_839 = tpu.memref_slice %dma_wait3A_836[%dma_wait3A_837, %dma_wait3A_838] : memref<31744x64xbf16, #tpu.memory_space<hbm>> -> memref<31744x64xbf16, #tpu.memory_space<hbm>>
    tpu.wait_indirect_dma semaphore(%arg12 : memref<!tpu.dma_semaphore, #tpu.memory_space<semaphore_mem>>) src(%dma_wait3A_839 : memref<31744x64xbf16, #tpu.memory_space<hbm>>) dst(%dma_wait3A_829 : memref<128x64xbf16, #tpu.memory_space<vmem>>)
    %dma_wait3A_840 = arith.constant 3 : i32
    %dma_wait3A_841 = arith.constant 3 : i32
    %dma_wait3A_842 = arith.constant 0 : i32
    %dma_wait3A_843 = arith.constant 0 : i32
    %dma_wait3A_844 = tpu.memref_slice %arg9[%dma_wait3A_841, %dma_wait3A_842, %dma_wait3A_843] : memref<4x128x64xbf16, #tpu.memory_space<vmem>> -> memref<1x128x64xbf16, #tpu.memory_space<vmem>>
    %dma_wait3A_845 = tpu.memref_squeeze %dma_wait3A_844 : memref<1x128x64xbf16, #tpu.memory_space<vmem>> -> memref<128x64xbf16, #tpu.memory_space<vmem>>
    %dma_wait3A_846 = arith.constant 0 : i32
    %dma_wait3A_847 = tpu.memref_slice %arg7[%dma_wait3A_840, %dma_wait3A_846] : memref<124x128xi32, #tpu.memory_space<vmem>> -> memref<1x128xi32, #tpu.memory_space<vmem>>
    %dma_wait3A_848 = tpu.memref_squeeze %dma_wait3A_847 : memref<1x128xi32, #tpu.memory_space<vmem>> -> memref<128xi32, #tpu.memory_space<vmem>>
    %dma_wait3A_849 = arith.constant 0 : i32
    %dma_wait3A_850 = arith.constant 0 : i32
    %dma_wait3A_851 = tpu.memref_slice %arg4[%arg0, %dma_wait3A_849, %dma_wait3A_850] : memref<2x31744x64xbf16, #tpu.memory_space<hbm>> -> memref<1x31744x64xbf16, #tpu.memory_space<hbm>>
    %dma_wait3A_852 = tpu.memref_squeeze %dma_wait3A_851 : memref<1x31744x64xbf16, #tpu.memory_space<hbm>> -> memref<31744x64xbf16, #tpu.memory_space<hbm>>
    %dma_wait3A_853 = arith.constant 0 : i32
    %dma_wait3A_854 = arith.constant 0 : i32
    %dma_wait3A_855 = tpu.memref_slice %dma_wait3A_852[%dma_wait3A_853, %dma_wait3A_854] : memref<31744x64xbf16, #tpu.memory_space<hbm>> -> memref<31744x64xbf16, #tpu.memory_space<hbm>>
    tpu.wait_indirect_dma semaphore(%arg12 : memref<!tpu.dma_semaphore, #tpu.memory_space<semaphore_mem>>) src(%dma_wait3A_855 : memref<31744x64xbf16, #tpu.memory_space<hbm>>) dst(%dma_wait3A_845 : memref<128x64xbf16, #tpu.memory_space<vmem>>)
    %run_scoped3A_856 = arith.constant 0 : i32
    %run_scoped3A_857 = arith.constant 120 : i32
    "tpu.region"() ({
      %run_scoped3A_869 = tpu.sem_alloc : memref<!tpu.dma_semaphore, #tpu.memory_space<semaphore_mem>>
      %dma_start3A_870 = arith.constant 0 : i32
      %dma_start3A_871 = arith.constant 0 : i32
      %dma_start3A_872 = tpu.memref_slice %arg9[%run_scoped3A_856, %dma_start3A_870, %dma_start3A_871] : memref<4x128x64xbf16, #tpu.memory_space<vmem>> -> memref<1x128x64xbf16, #tpu.memory_space<vmem>>
      %dma_start3A_873 = tpu.memref_squeeze %dma_start3A_872 : memref<1x128x64xbf16, #tpu.memory_space<vmem>> -> memref<128x64xbf16, #tpu.memory_space<vmem>>
      %dma_start3A_874 = arith.constant 0 : i32
      %dma_start3A_875 = tpu.memref_slice %arg8[%run_scoped3A_857, %dma_start3A_874] : memref<124x128xi32, #tpu.memory_space<vmem>> -> memref<1x128xi32, #tpu.memory_space<vmem>>
      %dma_start3A_876 = tpu.memref_squeeze %dma_start3A_875 : memref<1x128xi32, #tpu.memory_space<vmem>> -> memref<128xi32, #tpu.memory_space<vmem>>
      %dma_start3A_877 = arith.constant 0 : i32
      %dma_start3A_878 = arith.constant 0 : i32
      %dma_start3A_879 = tpu.memref_slice %arg11[%dma_start3A_877, %dma_start3A_878] : memref<31744x64xbf16, #tpu.memory_space<vmem_shared>> -> memref<31744x64xbf16, #tpu.memory_space<vmem_shared>>
      tpu.enqueue_indirect_dma source(%dma_start3A_873 : memref<128x64xbf16, #tpu.memory_space<vmem>>) target(%dma_start3A_879 : memref<31744x64xbf16, #tpu.memory_space<vmem_shared>>) offsets(%dma_start3A_876 : memref<128xi32, #tpu.memory_space<vmem>>) semaphore(%run_scoped3A_869 : memref<!tpu.dma_semaphore, #tpu.memory_space<semaphore_mem>>) {add = true}
      %dma_wait3A_880 = arith.constant 0 : i32
      %dma_wait3A_881 = arith.constant 0 : i32
      %dma_wait3A_882 = tpu.memref_slice %arg9[%run_scoped3A_856, %dma_wait3A_880, %dma_wait3A_881] : memref<4x128x64xbf16, #tpu.memory_space<vmem>> -> memref<1x128x64xbf16, #tpu.memory_space<vmem>>
      %dma_wait3A_883 = tpu.memref_squeeze %dma_wait3A_882 : memref<1x128x64xbf16, #tpu.memory_space<vmem>> -> memref<128x64xbf16, #tpu.memory_space<vmem>>
      %dma_wait3A_884 = arith.constant 0 : i32
      %dma_wait3A_885 = tpu.memref_slice %arg8[%run_scoped3A_857, %dma_wait3A_884] : memref<124x128xi32, #tpu.memory_space<vmem>> -> memref<1x128xi32, #tpu.memory_space<vmem>>
      %dma_wait3A_886 = tpu.memref_squeeze %dma_wait3A_885 : memref<1x128xi32, #tpu.memory_space<vmem>> -> memref<128xi32, #tpu.memory_space<vmem>>
      %dma_wait3A_887 = arith.constant 0 : i32
      %dma_wait3A_888 = arith.constant 0 : i32
      %dma_wait3A_889 = tpu.memref_slice %arg11[%dma_wait3A_887, %dma_wait3A_888] : memref<31744x64xbf16, #tpu.memory_space<vmem_shared>> -> memref<31744x64xbf16, #tpu.memory_space<vmem_shared>>
      tpu.wait_indirect_dma semaphore(%run_scoped3A_869 : memref<!tpu.dma_semaphore, #tpu.memory_space<semaphore_mem>>) src(%dma_wait3A_883 : memref<128x64xbf16, #tpu.memory_space<vmem>>) dst(%dma_wait3A_889 : memref<31744x64xbf16, #tpu.memory_space<vmem_shared>>)
      tpu.yield
    }) : () -> ()
    %run_scoped3A_858 = arith.constant 1 : i32
    %run_scoped3A_859 = arith.constant 121 : i32
    "tpu.region"() ({
      %run_scoped3A_869 = tpu.sem_alloc : memref<!tpu.dma_semaphore, #tpu.memory_space<semaphore_mem>>
      %dma_start3A_870 = arith.constant 0 : i32
      %dma_start3A_871 = arith.constant 0 : i32
      %dma_start3A_872 = tpu.memref_slice %arg9[%run_scoped3A_858, %dma_start3A_870, %dma_start3A_871] : memref<4x128x64xbf16, #tpu.memory_space<vmem>> -> memref<1x128x64xbf16, #tpu.memory_space<vmem>>
      %dma_start3A_873 = tpu.memref_squeeze %dma_start3A_872 : memref<1x128x64xbf16, #tpu.memory_space<vmem>> -> memref<128x64xbf16, #tpu.memory_space<vmem>>
      %dma_start3A_874 = arith.constant 0 : i32
      %dma_start3A_875 = tpu.memref_slice %arg8[%run_scoped3A_859, %dma_start3A_874] : memref<124x128xi32, #tpu.memory_space<vmem>> -> memref<1x128xi32, #tpu.memory_space<vmem>>
      %dma_start3A_876 = tpu.memref_squeeze %dma_start3A_875 : memref<1x128xi32, #tpu.memory_space<vmem>> -> memref<128xi32, #tpu.memory_space<vmem>>
      %dma_start3A_877 = arith.constant 0 : i32
      %dma_start3A_878 = arith.constant 0 : i32
      %dma_start3A_879 = tpu.memref_slice %arg11[%dma_start3A_877, %dma_start3A_878] : memref<31744x64xbf16, #tpu.memory_space<vmem_shared>> -> memref<31744x64xbf16, #tpu.memory_space<vmem_shared>>
      tpu.enqueue_indirect_dma source(%dma_start3A_873 : memref<128x64xbf16, #tpu.memory_space<vmem>>) target(%dma_start3A_879 : memref<31744x64xbf16, #tpu.memory_space<vmem_shared>>) offsets(%dma_start3A_876 : memref<128xi32, #tpu.memory_space<vmem>>) semaphore(%run_scoped3A_869 : memref<!tpu.dma_semaphore, #tpu.memory_space<semaphore_mem>>) {add = true}
      %dma_wait3A_880 = arith.constant 0 : i32
      %dma_wait3A_881 = arith.constant 0 : i32
      %dma_wait3A_882 = tpu.memref_slice %arg9[%run_scoped3A_858, %dma_wait3A_880, %dma_wait3A_881] : memref<4x128x64xbf16, #tpu.memory_space<vmem>> -> memref<1x128x64xbf16, #tpu.memory_space<vmem>>
      %dma_wait3A_883 = tpu.memref_squeeze %dma_wait3A_882 : memref<1x128x64xbf16, #tpu.memory_space<vmem>> -> memref<128x64xbf16, #tpu.memory_space<vmem>>
      %dma_wait3A_884 = arith.constant 0 : i32
      %dma_wait3A_885 = tpu.memref_slice %arg8[%run_scoped3A_859, %dma_wait3A_884] : memref<124x128xi32, #tpu.memory_space<vmem>> -> memref<1x128xi32, #tpu.memory_space<vmem>>
      %dma_wait3A_886 = tpu.memref_squeeze %dma_wait3A_885 : memref<1x128xi32, #tpu.memory_space<vmem>> -> memref<128xi32, #tpu.memory_space<vmem>>
      %dma_wait3A_887 = arith.constant 0 : i32
      %dma_wait3A_888 = arith.constant 0 : i32
      %dma_wait3A_889 = tpu.memref_slice %arg11[%dma_wait3A_887, %dma_wait3A_888] : memref<31744x64xbf16, #tpu.memory_space<vmem_shared>> -> memref<31744x64xbf16, #tpu.memory_space<vmem_shared>>
      tpu.wait_indirect_dma semaphore(%run_scoped3A_869 : memref<!tpu.dma_semaphore, #tpu.memory_space<semaphore_mem>>) src(%dma_wait3A_883 : memref<128x64xbf16, #tpu.memory_space<vmem>>) dst(%dma_wait3A_889 : memref<31744x64xbf16, #tpu.memory_space<vmem_shared>>)
      tpu.yield
    }) : () -> ()
    %run_scoped3A_860 = arith.constant 2 : i32
    %run_scoped3A_861 = arith.constant 122 : i32
    "tpu.region"() ({
      %run_scoped3A_869 = tpu.sem_alloc : memref<!tpu.dma_semaphore, #tpu.memory_space<semaphore_mem>>
      %dma_start3A_870 = arith.constant 0 : i32
      %dma_start3A_871 = arith.constant 0 : i32
      %dma_start3A_872 = tpu.memref_slice %arg9[%run_scoped3A_860, %dma_start3A_870, %dma_start3A_871] : memref<4x128x64xbf16, #tpu.memory_space<vmem>> -> memref<1x128x64xbf16, #tpu.memory_space<vmem>>
      %dma_start3A_873 = tpu.memref_squeeze %dma_start3A_872 : memref<1x128x64xbf16, #tpu.memory_space<vmem>> -> memref<128x64xbf16, #tpu.memory_space<vmem>>
      %dma_start3A_874 = arith.constant 0 : i32
      %dma_start3A_875 = tpu.memref_slice %arg8[%run_scoped3A_861, %dma_start3A_874] : memref<124x128xi32, #tpu.memory_space<vmem>> -> memref<1x128xi32, #tpu.memory_space<vmem>>
      %dma_start3A_876 = tpu.memref_squeeze %dma_start3A_875 : memref<1x128xi32, #tpu.memory_space<vmem>> -> memref<128xi32, #tpu.memory_space<vmem>>
      %dma_start3A_877 = arith.constant 0 : i32
      %dma_start3A_878 = arith.constant 0 : i32
      %dma_start3A_879 = tpu.memref_slice %arg11[%dma_start3A_877, %dma_start3A_878] : memref<31744x64xbf16, #tpu.memory_space<vmem_shared>> -> memref<31744x64xbf16, #tpu.memory_space<vmem_shared>>
      tpu.enqueue_indirect_dma source(%dma_start3A_873 : memref<128x64xbf16, #tpu.memory_space<vmem>>) target(%dma_start3A_879 : memref<31744x64xbf16, #tpu.memory_space<vmem_shared>>) offsets(%dma_start3A_876 : memref<128xi32, #tpu.memory_space<vmem>>) semaphore(%run_scoped3A_869 : memref<!tpu.dma_semaphore, #tpu.memory_space<semaphore_mem>>) {add = true}
      %dma_wait3A_880 = arith.constant 0 : i32
      %dma_wait3A_881 = arith.constant 0 : i32
      %dma_wait3A_882 = tpu.memref_slice %arg9[%run_scoped3A_860, %dma_wait3A_880, %dma_wait3A_881] : memref<4x128x64xbf16, #tpu.memory_space<vmem>> -> memref<1x128x64xbf16, #tpu.memory_space<vmem>>
      %dma_wait3A_883 = tpu.memref_squeeze %dma_wait3A_882 : memref<1x128x64xbf16, #tpu.memory_space<vmem>> -> memref<128x64xbf16, #tpu.memory_space<vmem>>
      %dma_wait3A_884 = arith.constant 0 : i32
      %dma_wait3A_885 = tpu.memref_slice %arg8[%run_scoped3A_861, %dma_wait3A_884] : memref<124x128xi32, #tpu.memory_space<vmem>> -> memref<1x128xi32, #tpu.memory_space<vmem>>
      %dma_wait3A_886 = tpu.memref_squeeze %dma_wait3A_885 : memref<1x128xi32, #tpu.memory_space<vmem>> -> memref<128xi32, #tpu.memory_space<vmem>>
      %dma_wait3A_887 = arith.constant 0 : i32
      %dma_wait3A_888 = arith.constant 0 : i32
      %dma_wait3A_889 = tpu.memref_slice %arg11[%dma_wait3A_887, %dma_wait3A_888] : memref<31744x64xbf16, #tpu.memory_space<vmem_shared>> -> memref<31744x64xbf16, #tpu.memory_space<vmem_shared>>
      tpu.wait_indirect_dma semaphore(%run_scoped3A_869 : memref<!tpu.dma_semaphore, #tpu.memory_space<semaphore_mem>>) src(%dma_wait3A_883 : memref<128x64xbf16, #tpu.memory_space<vmem>>) dst(%dma_wait3A_889 : memref<31744x64xbf16, #tpu.memory_space<vmem_shared>>)
      tpu.yield
    }) : () -> ()
    %run_scoped3A_862 = arith.constant 3 : i32
    %run_scoped3A_863 = arith.constant 123 : i32
    "tpu.region"() ({
      %run_scoped3A_869 = tpu.sem_alloc : memref<!tpu.dma_semaphore, #tpu.memory_space<semaphore_mem>>
      %dma_start3A_870 = arith.constant 0 : i32
      %dma_start3A_871 = arith.constant 0 : i32
      %dma_start3A_872 = tpu.memref_slice %arg9[%run_scoped3A_862, %dma_start3A_870, %dma_start3A_871] : memref<4x128x64xbf16, #tpu.memory_space<vmem>> -> memref<1x128x64xbf16, #tpu.memory_space<vmem>>
      %dma_start3A_873 = tpu.memref_squeeze %dma_start3A_872 : memref<1x128x64xbf16, #tpu.memory_space<vmem>> -> memref<128x64xbf16, #tpu.memory_space<vmem>>
      %dma_start3A_874 = arith.constant 0 : i32
      %dma_start3A_875 = tpu.memref_slice %arg8[%run_scoped3A_863, %dma_start3A_874] : memref<124x128xi32, #tpu.memory_space<vmem>> -> memref<1x128xi32, #tpu.memory_space<vmem>>
      %dma_start3A_876 = tpu.memref_squeeze %dma_start3A_875 : memref<1x128xi32, #tpu.memory_space<vmem>> -> memref<128xi32, #tpu.memory_space<vmem>>
      %dma_start3A_877 = arith.constant 0 : i32
      %dma_start3A_878 = arith.constant 0 : i32
      %dma_start3A_879 = tpu.memref_slice %arg11[%dma_start3A_877, %dma_start3A_878] : memref<31744x64xbf16, #tpu.memory_space<vmem_shared>> -> memref<31744x64xbf16, #tpu.memory_space<vmem_shared>>
      tpu.enqueue_indirect_dma source(%dma_start3A_873 : memref<128x64xbf16, #tpu.memory_space<vmem>>) target(%dma_start3A_879 : memref<31744x64xbf16, #tpu.memory_space<vmem_shared>>) offsets(%dma_start3A_876 : memref<128xi32, #tpu.memory_space<vmem>>) semaphore(%run_scoped3A_869 : memref<!tpu.dma_semaphore, #tpu.memory_space<semaphore_mem>>) {add = true}
      %dma_wait3A_880 = arith.constant 0 : i32
      %dma_wait3A_881 = arith.constant 0 : i32
      %dma_wait3A_882 = tpu.memref_slice %arg9[%run_scoped3A_862, %dma_wait3A_880, %dma_wait3A_881] : memref<4x128x64xbf16, #tpu.memory_space<vmem>> -> memref<1x128x64xbf16, #tpu.memory_space<vmem>>
      %dma_wait3A_883 = tpu.memref_squeeze %dma_wait3A_882 : memref<1x128x64xbf16, #tpu.memory_space<vmem>> -> memref<128x64xbf16, #tpu.memory_space<vmem>>
      %dma_wait3A_884 = arith.constant 0 : i32
      %dma_wait3A_885 = tpu.memref_slice %arg8[%run_scoped3A_863, %dma_wait3A_884] : memref<124x128xi32, #tpu.memory_space<vmem>> -> memref<1x128xi32, #tpu.memory_space<vmem>>
      %dma_wait3A_886 = tpu.memref_squeeze %dma_wait3A_885 : memref<1x128xi32, #tpu.memory_space<vmem>> -> memref<128xi32, #tpu.memory_space<vmem>>
      %dma_wait3A_887 = arith.constant 0 : i32
      %dma_wait3A_888 = arith.constant 0 : i32
      %dma_wait3A_889 = tpu.memref_slice %arg11[%dma_wait3A_887, %dma_wait3A_888] : memref<31744x64xbf16, #tpu.memory_space<vmem_shared>> -> memref<31744x64xbf16, #tpu.memory_space<vmem_shared>>
      tpu.wait_indirect_dma semaphore(%run_scoped3A_869 : memref<!tpu.dma_semaphore, #tpu.memory_space<semaphore_mem>>) src(%dma_wait3A_883 : memref<128x64xbf16, #tpu.memory_space<vmem>>) dst(%dma_wait3A_889 : memref<31744x64xbf16, #tpu.memory_space<vmem_shared>>)
      tpu.yield
    }) : () -> ()
    %barrier3A_864 = arith.constant 0 : index
    tpu.barrier barrier_id(%barrier3A_864)
    %mul3A_865 = arith.constant 1984 : i32
    %mul3A_866 = arith.muli %arg1, %mul3A_865 : i32
    %mul3A_867 = arith.constant 1984 : i32
    %mul3A_868 = arith.muli %arg1, %mul3A_867 : i32
    "tpu.region"() ({
      %run_scoped3A_869 = tpu.sem_alloc : memref<!tpu.dma_semaphore, #tpu.memory_space<semaphore_mem>>
      %dma_start3A_870 = arith.constant 0 : i32
      %dma_start3A_871 = arith.constant 0 : i32
      %dma_start3A_872 = tpu.memref_slice %arg6[%arg0, %dma_start3A_870, %dma_start3A_871] : memref<2x31744x64xbf16, #tpu.memory_space<hbm>> -> memref<1x31744x64xbf16, #tpu.memory_space<hbm>>
      %dma_start3A_873 = tpu.memref_squeeze %dma_start3A_872 : memref<1x31744x64xbf16, #tpu.memory_space<hbm>> -> memref<31744x64xbf16, #tpu.memory_space<hbm>>
      %dma_start3A_874 = arith.constant 0 : i32
      %dma_start3A_875 = tpu.memref_slice %dma_start3A_873[%mul3A_868, %dma_start3A_874] : memref<31744x64xbf16, #tpu.memory_space<hbm>> -> memref<1984x64xbf16, #tpu.memory_space<hbm>>
      %dma_start3A_876 = arith.constant 0 : i32
      %dma_start3A_877 = tpu.memref_slice %arg11[%mul3A_866, %dma_start3A_876] : memref<31744x64xbf16, #tpu.memory_space<vmem_shared>> -> memref<1984x64xbf16, #tpu.memory_space<vmem_shared>>
      tpu.enqueue_dma source(%dma_start3A_877 : memref<1984x64xbf16, #tpu.memory_space<vmem_shared>>) target(%dma_start3A_875 : memref<1984x64xbf16, #tpu.memory_space<hbm>>) target_semaphore(%run_scoped3A_869 : memref<!tpu.dma_semaphore, #tpu.memory_space<semaphore_mem>>)
      %dma_wait3A_878 = arith.constant 0 : i32
      %dma_wait3A_879 = arith.constant 0 : i32
      %dma_wait3A_880 = tpu.memref_slice %arg6[%arg0, %dma_wait3A_878, %dma_wait3A_879] : memref<2x31744x64xbf16, #tpu.memory_space<hbm>> -> memref<1x31744x64xbf16, #tpu.memory_space<hbm>>
      %dma_wait3A_881 = tpu.memref_squeeze %dma_wait3A_880 : memref<1x31744x64xbf16, #tpu.memory_space<hbm>> -> memref<31744x64xbf16, #tpu.memory_space<hbm>>
      %dma_wait3A_882 = arith.constant 0 : i32
      %dma_wait3A_883 = tpu.memref_slice %dma_wait3A_881[%mul3A_868, %dma_wait3A_882] : memref<31744x64xbf16, #tpu.memory_space<hbm>> -> memref<1984x64xbf16, #tpu.memory_space<hbm>>
      %dma_wait3A_884 = arith.constant 0 : i32
      %dma_wait3A_885 = tpu.memref_slice %arg11[%mul3A_866, %dma_wait3A_884] : memref<31744x64xbf16, #tpu.memory_space<vmem_shared>> -> memref<1984x64xbf16, #tpu.memory_space<vmem_shared>>
      tpu.wait_dma2 semaphore(%run_scoped3A_869 : memref<!tpu.dma_semaphore, #tpu.memory_space<semaphore_mem>>) src(%dma_wait3A_885 : memref<1984x64xbf16, #tpu.memory_space<vmem_shared>>) dst(%dma_wait3A_883 : memref<1984x64xbf16, #tpu.memory_space<hbm>>)
      tpu.yield
    }) : () -> ()
    return
  }
}

module attributes {stable_mosaic.version = 14 : i64} {
  func.func @_z_body(%arg0: i32, %arg1: memref<1984x128xf32, #tpu.memory_space<vmem>>, %arg2: memref<1984x1xf32, #tpu.memory_space<vmem>>, %arg3: memref<1984x1xf32, #tpu.memory_space<vmem>>, %arg4: memref<128x128xf32, #tpu.memory_space<vmem>>, %arg5: memref<2x1984x64xbf16, #tpu.memory_space<vmem>>) attributes {dimension_semantics = [#tpu.dimension_semantics<arbitrary>], iteration_bounds = array<i64: 16>, scalar_prefetch = 0 : i64, scratch_operands = 0 : i64, tpu.core_type = #tpu.core_type<tc>, window_params = [{transform_indices = @transform_0, window_bounds = array<i64: 1984, 128>}, {transform_indices = @transform_1, window_bounds = array<i64: 1984, 1>}, {transform_indices = @transform_2, window_bounds = array<i64: 1984, 1>}, {pipeline_mode = #tpu.pipeline_mode<synchronous>, transform_indices = @transform_3, window_bounds = array<i64: 128, 128>}, {transform_indices = @transform_4, window_bounds = array<i64: 2, 1984, 64>}]} {
    %get3A = arith.constant 0 : index
    %get3A_0 = arith.constant 0 : index
    %get3A_1 = vector.load %arg2[%get3A, %get3A_0] : memref<1984x1xf32, #tpu.memory_space<vmem>>, vector<1984x1xf32>
    %get3A_2 = arith.constant 0 : index
    %get3A_3 = arith.constant 0 : index
    %get3A_4 = vector.load %arg3[%get3A_2, %get3A_3] : memref<1984x1xf32, #tpu.memory_space<vmem>>, vector<1984x1xf32>
    %add3A = arith.addf %get3A_1, %get3A_4 : vector<1984x1xf32>
    %gt3A = arith.constant 0.000000e+00 : f32
    %gt3A_5 = vector.broadcast %gt3A : f32 to vector<1984x1xf32>
    %gt3A_6 = arith.cmpf ogt, %add3A, %gt3A_5 : vector<1984x1xf32>
    %max3A = arith.constant 9.99999996E-13 : f32
    %max3A_7 = vector.broadcast %max3A : f32 to vector<1984x1xf32>
    %max3A_8 = arith.maximumf %add3A, %max3A_7 : vector<1984x1xf32>
    %rsqrt3A = math.rsqrt %max3A_8 : vector<1984x1xf32>
    %jit3A = arith.constant 0.000000e+00 : f32
    %broadcast_in_dim3A = vector.broadcast %jit3A : f32 to vector<1984x1xf32>
    %select_n3A = arith.select %gt3A_6, %rsqrt3A, %broadcast_in_dim3A : vector<1984x1xi1>, vector<1984x1xf32>
    %get3A_9 = arith.constant 0 : index
    %get3A_10 = arith.constant 0 : index
    %get3A_11 = vector.load %arg1[%get3A_9, %get3A_10] : memref<1984x128xf32, #tpu.memory_space<vmem>>, vector<1984x128xf32>
    %mul3A = vector.broadcast %select_n3A : vector<1984x1xf32> to vector<1984x128xf32>
    %mul3A_12 = arith.mulf %get3A_11, %mul3A : vector<1984x128xf32>
    %get3A_13 = arith.constant 0 : index
    %get3A_14 = arith.constant 0 : index
    %get3A_15 = vector.load %arg4[%get3A_13, %get3A_14] : memref<128x128xf32, #tpu.memory_space<vmem>>, vector<128x128xf32>
    %dot_general3A = arith.constant dense<0.000000e+00> : vector<1984x128xf32>
    %dot_general3A_16 = tpu.matmul %mul3A_12, %get3A_15, %dot_general3A {dimension_numbers = #tpu.dot_dimension_numbers<[1], [1], [0], [0], [0, 0, 1, 0], [], []>, transpose_lhs_hint = false} : vector<1984x128xf32>, vector<128x128xf32>, vector<1984x128xf32> -> vector<1984x128xf32>
    %convert_element_type3A = arith.truncf %dot_general3A_16 : vector<1984x128xf32> to vector<1984x128xbf16>
    %slice3A = vector.extract_strided_slice %convert_element_type3A {offsets = [0, 0], sizes = [1984, 64], strides = [1, 1]} : vector<1984x128xbf16> to vector<1984x64xbf16>
    %swap3A = arith.constant 0 : index
    %swap3A_17 = arith.constant 0 : index
    %swap3A_18 = arith.constant 0 : index
    %swap3A_19 = vector.load %arg5[%swap3A, %swap3A_17, %swap3A_18] : memref<2x1984x64xbf16, #tpu.memory_space<vmem>>, vector<1x1984x64xbf16>
    %swap3A_20 = vector.shape_cast %swap3A_19 : vector<1x1984x64xbf16> to vector<1984x64xbf16>
    %swap3A_21 = vector.shape_cast %slice3A : vector<1984x64xbf16> to vector<1x1984x64xbf16>
    tpu.vector_store %arg5[%swap3A, %swap3A_17, %swap3A_18], %swap3A_21 {strides = array<i32>} : memref<2x1984x64xbf16, #tpu.memory_space<vmem>>, vector<1x1984x64xbf16>,
    %slice3A_22 = vector.extract_strided_slice %convert_element_type3A {offsets = [0, 64], sizes = [1984, 64], strides = [1, 1]} : vector<1984x128xbf16> to vector<1984x64xbf16>
    %swap3A_23 = arith.constant 1 : index
    %swap3A_24 = arith.constant 0 : index
    %swap3A_25 = arith.constant 0 : index
    %swap3A_26 = vector.load %arg5[%swap3A_23, %swap3A_24, %swap3A_25] : memref<2x1984x64xbf16, #tpu.memory_space<vmem>>, vector<1x1984x64xbf16>
    %swap3A_27 = vector.shape_cast %swap3A_26 : vector<1x1984x64xbf16> to vector<1984x64xbf16>
    %swap3A_28 = vector.shape_cast %slice3A_22 : vector<1984x64xbf16> to vector<1x1984x64xbf16>
    tpu.vector_store %arg5[%swap3A_23, %swap3A_24, %swap3A_25], %swap3A_28 {strides = array<i32>} : memref<2x1984x64xbf16, #tpu.memory_space<vmem>>, vector<1x1984x64xbf16>,
    return
  }
  func.func @transform_0(%arg0: i32) -> (i32, i32) {
    %c0_i32 = arith.constant 0 : i32
    %c0_i32_0 = arith.constant 0 : i32
    return %arg0, %c0_i32 : i32, i32
  }
  func.func @transform_1(%arg0: i32) -> (i32, i32) {
    %c0_i32 = arith.constant 0 : i32
    %c0_i32_0 = arith.constant 0 : i32
    return %arg0, %c0_i32 : i32, i32
  }
  func.func @transform_2(%arg0: i32) -> (i32, i32) {
    %c0_i32 = arith.constant 0 : i32
    %c0_i32_0 = arith.constant 0 : i32
    return %arg0, %c0_i32 : i32, i32
  }
  func.func @transform_3(%arg0: i32) -> (i32, i32) {
    %c0_i32 = arith.constant 0 : i32
    %c0_i32_0 = arith.constant 0 : i32
    %c0_i32_1 = arith.constant 0 : i32
    return %c0_i32, %c0_i32_0 : i32, i32
  }
  func.func @transform_4(%arg0: i32) -> (i32, i32, i32) {
    %c0_i32 = arith.constant 0 : i32
    %c0_i32_0 = arith.constant 0 : i32
    %c0_i32_1 = arith.constant 0 : i32
    return %c0_i32, %arg0, %c0_i32_0 : i32, i32, i32
  }
}

module attributes {stable_mosaic.version = 14 : i64} {
  func.func @_hc_body(%arg0: i32, %arg1: memref<1984x128xf32, #tpu.memory_space<vmem>>, %arg2: memref<1984x1xf32, #tpu.memory_space<vmem>>, %arg3: memref<1984x1xf32, #tpu.memory_space<vmem>>, %arg4: memref<2x1984x64xbf16, #tpu.memory_space<vmem>>, %arg5: memref<128x128xf32, #tpu.memory_space<vmem>>, %arg6: memref<1x128xf32, #tpu.memory_space<vmem>>, %arg7: memref<3x1984x128xf32, #tpu.memory_space<vmem>>, %arg8: memref<1x3xf32, #tpu.memory_space<vmem>>, %arg9: memref<32x3xf32, #tpu.memory_space<vmem>>) attributes {dimension_semantics = [#tpu.dimension_semantics<arbitrary>], iteration_bounds = array<i64: 16>, scalar_prefetch = 0 : i64, scratch_operands = 0 : i64, tpu.core_type = #tpu.core_type<tc>, window_params = [{transform_indices = @transform_0, window_bounds = array<i64: 1984, 128>}, {transform_indices = @transform_1, window_bounds = array<i64: 1984, 1>}, {transform_indices = @transform_2, window_bounds = array<i64: 1984, 1>}, {transform_indices = @transform_3, window_bounds = array<i64: 2, 1984, 64>}, {pipeline_mode = #tpu.pipeline_mode<synchronous>, transform_indices = @transform_4, window_bounds = array<i64: 128, 128>}, {pipeline_mode = #tpu.pipeline_mode<synchronous>, transform_indices = @transform_5, window_bounds = array<i64: 1, 128>}, {pipeline_mode = #tpu.pipeline_mode<synchronous>, transform_indices = @transform_6, window_bounds = array<i64: 3, 1984, 128>}, {pipeline_mode = #tpu.pipeline_mode<synchronous>, transform_indices = @transform_7, window_bounds = array<i64: 1, 3>}, {transform_indices = @transform_8, window_bounds = array<i64: 32, 3>}]} {
    %get3A = arith.constant 0 : index
    %get3A_0 = arith.constant 0 : index
    %get3A_1 = vector.load %arg2[%get3A, %get3A_0] : memref<1984x1xf32, #tpu.memory_space<vmem>>, vector<1984x1xf32>
    %get3A_2 = arith.constant 0 : index
    %get3A_3 = arith.constant 0 : index
    %get3A_4 = vector.load %arg3[%get3A_2, %get3A_3] : memref<1984x1xf32, #tpu.memory_space<vmem>>, vector<1984x1xf32>
    %add3A = arith.addf %get3A_1, %get3A_4 : vector<1984x1xf32>
    %gt3A = arith.constant 0.000000e+00 : f32
    %gt3A_5 = vector.broadcast %gt3A : f32 to vector<1984x1xf32>
    %gt3A_6 = arith.cmpf ogt, %add3A, %gt3A_5 : vector<1984x1xf32>
    %max3A = arith.constant 9.99999996E-13 : f32
    %max3A_7 = vector.broadcast %max3A : f32 to vector<1984x1xf32>
    %max3A_8 = arith.maximumf %add3A, %max3A_7 : vector<1984x1xf32>
    %rsqrt3A = math.rsqrt %max3A_8 : vector<1984x1xf32>
    %jit3A = arith.constant 0.000000e+00 : f32
    %broadcast_in_dim3A = vector.broadcast %jit3A : f32 to vector<1984x1xf32>
    %select_n3A = arith.select %gt3A_6, %rsqrt3A, %broadcast_in_dim3A : vector<1984x1xi1>, vector<1984x1xf32>
    %get3A_9 = arith.constant 0 : index
    %get3A_10 = arith.constant 0 : index
    %get3A_11 = arith.constant 0 : index
    %get3A_12 = vector.load %arg4[%get3A_9, %get3A_10, %get3A_11] : memref<2x1984x64xbf16, #tpu.memory_space<vmem>>, vector<1x1984x64xbf16>
    %get3A_13 = vector.shape_cast %get3A_12 : vector<1x1984x64xbf16> to vector<1984x64xbf16>
    %get3A_14 = arith.constant 1 : index
    %get3A_15 = arith.constant 0 : index
    %get3A_16 = arith.constant 0 : index
    %get3A_17 = vector.load %arg4[%get3A_14, %get3A_15, %get3A_16] : memref<2x1984x64xbf16, #tpu.memory_space<vmem>>, vector<1x1984x64xbf16>
    %get3A_18 = vector.shape_cast %get3A_17 : vector<1x1984x64xbf16> to vector<1984x64xbf16>
    %concatenate3A = tpu.concatenate %get3A_13, %get3A_18 in 1 : vector<1984x64xbf16>, vector<1984x64xbf16> -> vector<1984x128xbf16>
    %convert_element_type3A = arith.extf %concatenate3A : vector<1984x128xbf16> to vector<1984x128xf32>
    %get3A_19 = arith.constant 0 : index
    %get3A_20 = arith.constant 0 : index
    %get3A_21 = vector.load %arg1[%get3A_19, %get3A_20] : memref<1984x128xf32, #tpu.memory_space<vmem>>, vector<1984x128xf32>
    %get3A_22 = arith.constant 0 : index
    %get3A_23 = arith.constant 0 : index
    %get3A_24 = vector.load %arg5[%get3A_22, %get3A_23] : memref<128x128xf32, #tpu.memory_space<vmem>>, vector<128x128xf32>
    %dot_general3A = arith.constant dense<0.000000e+00> : vector<1984x128xf32>
    %dot_general3A_25 = tpu.matmul %get3A_21, %get3A_24, %dot_general3A {dimension_numbers = #tpu.dot_dimension_numbers<[1], [1], [0], [0], [0, 0, 1, 0], [], []>, transpose_lhs_hint = false} : vector<1984x128xf32>, vector<128x128xf32>, vector<1984x128xf32> -> vector<1984x128xf32>
    %mul3A = vector.broadcast %select_n3A : vector<1984x1xf32> to vector<1984x128xf32>
    %mul3A_26 = arith.mulf %mul3A, %convert_element_type3A : vector<1984x128xf32>
    %sub3A = arith.subf %dot_general3A_25, %mul3A_26 : vector<1984x128xf32>
    %get3A_27 = arith.constant 0 : index
    %get3A_28 = arith.constant 0 : index
    %get3A_29 = vector.load %arg6[%get3A_27, %get3A_28] : memref<1x128xf32, #tpu.memory_space<vmem>>, vector<1x128xf32>
    %add3A_30 = vector.broadcast %get3A_29 : vector<1x128xf32> to vector<1984x128xf32>
    %add3A_31 = arith.addf %sub3A, %add3A_30 : vector<1984x128xf32>
    %max3A_32 = arith.constant 0.000000e+00 : f32
    %max3A_33 = vector.broadcast %max3A_32 : f32 to vector<1984x128xf32>
    %max3A_34 = arith.maximumf %add3A_31, %max3A_33 : vector<1984x128xf32>
    %get3A_35 = arith.constant 0 : index
    %get3A_36 = arith.constant 0 : index
    %get3A_37 = arith.constant 0 : index
    %get3A_38 = vector.load %arg7[%get3A_35, %get3A_36, %get3A_37] : memref<3x1984x128xf32, #tpu.memory_space<vmem>>, vector<1x1984x128xf32>
    %get3A_39 = vector.shape_cast %get3A_38 : vector<1x1984x128xf32> to vector<1984x128xf32>
    %mul3A_40 = arith.mulf %max3A_34, %get3A_39 : vector<1984x128xf32>
    %reduce_sum3A = arith.constant dense<0.000000e+00> : vector<1984xf32>
    %reduce_sum3A_41 = vector.multi_reduction <add>, %mul3A_40, %reduce_sum3A [1] : vector<1984x128xf32> to vector<1984xf32>
    %broadcast_in_dim3A_42 = vector.shape_cast %reduce_sum3A_41 : vector<1984xf32> to vector<1984x1xf32>
    %get3A_43 = arith.constant 1 : index
    %get3A_44 = arith.constant 0 : index
    %get3A_45 = arith.constant 0 : index
    %get3A_46 = vector.load %arg7[%get3A_43, %get3A_44, %get3A_45] : memref<3x1984x128xf32, #tpu.memory_space<vmem>>, vector<1x1984x128xf32>
    %get3A_47 = vector.shape_cast %get3A_46 : vector<1x1984x128xf32> to vector<1984x128xf32>
    %mul3A_48 = arith.mulf %max3A_34, %get3A_47 : vector<1984x128xf32>
    %reduce_sum3A_49 = arith.constant dense<0.000000e+00> : vector<1984xf32>
    %reduce_sum3A_50 = vector.multi_reduction <add>, %mul3A_48, %reduce_sum3A_49 [1] : vector<1984x128xf32> to vector<1984xf32>
    %broadcast_in_dim3A_51 = vector.shape_cast %reduce_sum3A_50 : vector<1984xf32> to vector<1984x1xf32>
    %get3A_52 = arith.constant 2 : index
    %get3A_53 = arith.constant 0 : index
    %get3A_54 = arith.constant 0 : index
    %get3A_55 = vector.load %arg7[%get3A_52, %get3A_53, %get3A_54] : memref<3x1984x128xf32, #tpu.memory_space<vmem>>, vector<1x1984x128xf32>
    %get3A_56 = vector.shape_cast %get3A_55 : vector<1x1984x128xf32> to vector<1984x128xf32>
    %mul3A_57 = arith.mulf %max3A_34, %get3A_56 : vector<1984x128xf32>
    %reduce_sum3A_58 = arith.constant dense<0.000000e+00> : vector<1984xf32>
    %reduce_sum3A_59 = vector.multi_reduction <add>, %mul3A_57, %reduce_sum3A_58 [1] : vector<1984x128xf32> to vector<1984xf32>
    %broadcast_in_dim3A_60 = vector.shape_cast %reduce_sum3A_59 : vector<1984xf32> to vector<1984x1xf32>
    %concatenate3A_61 = tpu.concatenate %broadcast_in_dim3A_42, %broadcast_in_dim3A_51, %broadcast_in_dim3A_60 in 1 : vector<1984x1xf32>, vector<1984x1xf32>, vector<1984x1xf32> -> vector<1984x3xf32>
    %iota3A = tpu.iota {dimensions = array<i32: 1>} : vector<32x1984xi32>
    %iota3A_62 = tpu.iota {dimensions = array<i32: 0>} : vector<32x1984xi32>
    %jit3A_63 = arith.constant 62 : i32
    %div3A = vector.broadcast %jit3A_63 : i32 to vector<32x1984xi32>
    %div3A_64 = arith.divsi %iota3A, %div3A : vector<32x1984xi32>
    %sign3A = arith.constant 0 : i32
    %sign3A_65 = vector.broadcast %sign3A : i32 to vector<32x1984xi32>
    %sign3A_66 = arith.cmpi sgt, %iota3A, %sign3A_65 : vector<32x1984xi32>
    %sign3A_67 = arith.extui %sign3A_66 : vector<32x1984xi1> to vector<32x1984xi32>
    %sign3A_68 = arith.constant 0 : i32
    %sign3A_69 = vector.broadcast %sign3A_68 : i32 to vector<32x1984xi32>
    %sign3A_70 = arith.cmpi slt, %iota3A, %sign3A_69 : vector<32x1984xi32>
    %sign3A_71 = arith.extui %sign3A_70 : vector<32x1984xi1> to vector<32x1984xi32>
    %sign3A_72 = arith.subi %sign3A_67, %sign3A_71 : vector<32x1984xi32>
    %sign3A_73 = arith.constant 0 : i32
    %sign3A_74 = arith.cmpi sgt, %jit3A_63, %sign3A_73 : i32
    %sign3A_75 = arith.extui %sign3A_74 : i1 to i32
    %sign3A_76 = arith.constant 0 : i32
    %sign3A_77 = arith.cmpi slt, %jit3A_63, %sign3A_76 : i32
    %sign3A_78 = arith.extui %sign3A_77 : i1 to i32
    %sign3A_79 = arith.subi %sign3A_75, %sign3A_78 : i32
    %ne3A = vector.broadcast %sign3A_79 : i32 to vector<32x1984xi32>
    %ne3A_80 = arith.cmpi ne, %sign3A_72, %ne3A : vector<32x1984xi32>
    %rem3A = vector.broadcast %jit3A_63 : i32 to vector<32x1984xi32>
    %rem3A_81 = arith.remsi %iota3A, %rem3A : vector<32x1984xi32>
    %ne3A_82 = arith.constant 0 : i32
    %ne3A_83 = vector.broadcast %ne3A_82 : i32 to vector<32x1984xi32>
    %ne3A_84 = arith.cmpi ne, %rem3A_81, %ne3A_83 : vector<32x1984xi32>
    %and3A = arith.andi %ne3A_80, %ne3A_84 : vector<32x1984xi1>
    %sub3A_85 = arith.constant 1 : i32
    %sub3A_86 = vector.broadcast %sub3A_85 : i32 to vector<32x1984xi32>
    %sub3A_87 = arith.subi %div3A_64, %sub3A_86 : vector<32x1984xi32>
    %select_n3A_88 = arith.select %and3A, %sub3A_87, %div3A_64 : vector<32x1984xi1>, vector<32x1984xi32>
    %eq3A = arith.cmpi eq, %select_n3A_88, %iota3A_62 : vector<32x1984xi32>
    %jit3A_89 = arith.constant 1.000000e+00 : f32
    %jit3A_90 = arith.constant 0.000000e+00 : f32
    %broadcast_in_dim3A_91 = vector.broadcast %jit3A_89 : f32 to vector<32x1984xf32>
    %broadcast_in_dim3A_92 = vector.broadcast %jit3A_90 : f32 to vector<32x1984xf32>
    %select_n3A_93 = arith.select %eq3A, %broadcast_in_dim3A_91, %broadcast_in_dim3A_92 : vector<32x1984xi1>, vector<32x1984xf32>
    %dot_general3A_94 = arith.constant dense<0.000000e+00> : vector<32x3xf32>
    %dot_general3A_95 = tpu.matmul %select_n3A_93, %concatenate3A_61, %dot_general3A_94 {dimension_numbers = #tpu.dot_dimension_numbers<[1], [0], [0], [1], [0, 0, 1, 1], [], []>, transpose_lhs_hint = false} : vector<32x1984xf32>, vector<1984x3xf32>, vector<32x3xf32> -> vector<32x3xf32>
    %get3A_96 = arith.constant 0 : index
    %get3A_97 = arith.constant 0 : index
    %get3A_98 = vector.load %arg8[%get3A_96, %get3A_97] : memref<1x3xf32, #tpu.memory_space<vmem>>, vector<1x3xf32>
    %add3A_99 = vector.broadcast %get3A_98 : vector<1x3xf32> to vector<32x3xf32>
    %add3A_100 = arith.addf %dot_general3A_95, %add3A_99 : vector<32x3xf32>
    %reduce_max3A = arith.constant dense<0xFF800000> : vector<32xf32>
    %reduce_max3A_101 = vector.multi_reduction <maximumf>, %add3A_100, %reduce_max3A [1] : vector<32x3xf32> to vector<32xf32>
    %broadcast_in_dim3A_102 = vector.shape_cast %reduce_max3A_101 : vector<32xf32> to vector<32x1xf32>
    %sub3A_103 = vector.broadcast %broadcast_in_dim3A_102 : vector<32x1xf32> to vector<32x3xf32>
    %sub3A_104 = arith.subf %add3A_100, %sub3A_103 : vector<32x3xf32>
    %exp3A = math.exp %sub3A_104 : vector<32x3xf32>
    %reduce_sum3A_105 = arith.constant dense<0.000000e+00> : vector<32xf32>
    %reduce_sum3A_106 = vector.multi_reduction <add>, %exp3A, %reduce_sum3A_105 [1] : vector<32x3xf32> to vector<32xf32>
    %broadcast_in_dim3A_107 = vector.shape_cast %reduce_sum3A_106 : vector<32xf32> to vector<32x1xf32>
    %div3A_108 = vector.broadcast %broadcast_in_dim3A_107 : vector<32x1xf32> to vector<32x3xf32>
    %div3A_109 = arith.divf %exp3A, %div3A_108 : vector<32x3xf32>
    %swap3A = arith.constant 0 : index
    %swap3A_110 = arith.constant 0 : index
    %swap3A_111 = vector.load %arg9[%swap3A, %swap3A_110] : memref<32x3xf32, #tpu.memory_space<vmem>>, vector<32x3xf32>
    tpu.vector_store %arg9[%swap3A, %swap3A_110], %div3A_109 {strides = array<i32>} : memref<32x3xf32, #tpu.memory_space<vmem>>, vector<32x3xf32>,
    return
  }
  func.func @transform_0(%arg0: i32) -> (i32, i32) {
    %c0_i32 = arith.constant 0 : i32
    %c0_i32_0 = arith.constant 0 : i32
    return %arg0, %c0_i32 : i32, i32
  }
  func.func @transform_1(%arg0: i32) -> (i32, i32) {
    %c0_i32 = arith.constant 0 : i32
    %c0_i32_0 = arith.constant 0 : i32
    return %arg0, %c0_i32 : i32, i32
  }
  func.func @transform_2(%arg0: i32) -> (i32, i32) {
    %c0_i32 = arith.constant 0 : i32
    %c0_i32_0 = arith.constant 0 : i32
    return %arg0, %c0_i32 : i32, i32
  }
  func.func @transform_3(%arg0: i32) -> (i32, i32, i32) {
    %c0_i32 = arith.constant 0 : i32
    %c0_i32_0 = arith.constant 0 : i32
    %c0_i32_1 = arith.constant 0 : i32
    return %c0_i32, %arg0, %c0_i32_0 : i32, i32, i32
  }
  func.func @transform_4(%arg0: i32) -> (i32, i32) {
    %c0_i32 = arith.constant 0 : i32
    %c0_i32_0 = arith.constant 0 : i32
    %c0_i32_1 = arith.constant 0 : i32
    return %c0_i32, %c0_i32_0 : i32, i32
  }
  func.func @transform_5(%arg0: i32) -> (i32, i32) {
    %c0_i32 = arith.constant 0 : i32
    %c0_i32_0 = arith.constant 0 : i32
    %c0_i32_1 = arith.constant 0 : i32
    return %c0_i32, %c0_i32_0 : i32, i32
  }
  func.func @transform_6(%arg0: i32) -> (i32, i32, i32) {
    %c0_i32 = arith.constant 0 : i32
    %c0_i32_0 = arith.constant 0 : i32
    %c0_i32_1 = arith.constant 0 : i32
    %c0_i32_2 = arith.constant 0 : i32
    return %c0_i32, %c0_i32_0, %c0_i32_1 : i32, i32, i32
  }
  func.func @transform_7(%arg0: i32) -> (i32, i32) {
    %c0_i32 = arith.constant 0 : i32
    %c0_i32_0 = arith.constant 0 : i32
    %c0_i32_1 = arith.constant 0 : i32
    return %c0_i32, %c0_i32_0 : i32, i32
  }
  func.func @transform_8(%arg0: i32) -> (i32, i32) {
    %c0_i32 = arith.constant 0 : i32
    %c0_i32_0 = arith.constant 0 : i32
    return %arg0, %c0_i32 : i32, i32
  }
}

</mosaic_0001>

<sc_bundles>
// kernel: kernel.6.cloned.1.call-start
scs
__scs_entry_jumppad:
0x0: {  	(pc) =	sbr.rel $0x88, $3  }
0x1: {  	(tag) =	ssettag $0x0;
	lr =	simm.s32 $0x1  }
0x2: {  	[smem:$0x3F9A] =	sst lr;
	_ =	strace $0xD0000000  }
0x3: {  	_ = 	snop  }
0x4: {  	_ = 	snop  }
0x5: {  	_ = 	snop  }
0x6: {  	_ = 	snop  }
0x7: {  	_ = 	snop  }
__scs_overlays_trampoline_lowered:
0x8: {  	[smem:$0x3FA9] =	sst s0  }
0x9: {  	[smem:$0x3FAA] =	sst s1  }
0xa: {  	[smem:$0x3FAB] =	sst s2  }
0xb: {  	[smem:$0x3FAC] =	sst s3  }
0xc: {  	[smem:$0x3FAD] =	sst s4  }
0xd: {  	[smem:$0x3FAE] =	sst s5  }
0xe: {  	[smem:$0x3FAF] =	sst s6  }
0xf: {  	[smem:$0x3FB0] =	sst s7  }
0x10: {  	[smem:$0x3FB1] =	sst s8  }
0x11: {  	[smem:$0x3FB2] =	sst s9;
	s0 =	simm.s32 @!p0 $0x0  }
0x12: {  	s1 =	sld [smem:$0x3F98];
	s0 =	simm.s32 @p0 $0x1  }
0x13: {  	[smem:$0x3FB3] =	sst s0;
	s0 =	simm.s32 @!p1 $0x0  }
0x14: {  	s2 =	sld [smem:$0x3F97];
	s0 =	simm.s32 @p1 $0x1  }
0x15: {  	[smem:$0x3FB4] =	sst s0;
	s0 =	simm.s32 @!p2 $0x0  }
0x16: {  	s3 =	sld [smem:$0x3FDB];
	s0 =	simm.s32 @p2 $0x1  }
0x17: {  	s4 =	simm.s32 $0x1BF5;
	[smem:$0x3FB6] =	sst s0  }
0x18: {  	s0 =	sld [smem:$0x3F99];
	_ =	swait.ge [sflag:s4], $0x0  }
0x19: {  	s7 =	sld [smem:$0x3F9A]  }
0x1a: {  	s8 =	sadd.s32 $0xFFFFE003, lr  }
0x1b: {  	s9 =	sadd.s32 $0xFFFFFEF7, lr;
	s5 =	simm.s32 $0xFFFFFFFF;
	p2 =	slt.u32 s8, $0xFFFFF086  }
0x1c: {  	p1 =	slt.u32 s9, $0xF7A;
	s5 =	simm.s32 @!p2 $0x0  }
0x1d: {  	s5 =	simm.s32 @p1 $0x1;
	p0 =	seq.s32 s7, s2  }
0x1e: {  	s7 =	smul.u32 @!p0 $0xF7A, s2;
	p2 =	seq.s32 @!p0 s5, $0x0  }
0x1f: {  	s9 =	smul.u32 $0xF7A, s1;
	s8 =	simm.s32 @!p0 $0x1BF5;
	p2 =	por !p2, p0  }
0x20: {  	[sflag:s8] =	ssyncset.s32 @!p0 $0xFFFFF086;
	s6 =	sadd.s32 @!p0 s3, s7;
	s7 =	simm.s32 @!p0 $0x108  }
0x21: {  	s3 =	sadd.s32 s3, s9;
	s6 =	sadd.s32 @!p0 $0x88, s6;
	s7 =	simm.s32 @p2 $0x1082  }
0x22: {  	[simem:s7], [sflag:s8] =	dma.local @!p0 [hbm:s6], $0xF7A  }
0x23: {  	s9 =	sor.u32 $0xD0000000, s2;
	s6 =	simm.s32 $0x108;
	_ =	swait.ge @!p0 [sflag:s8], $0x0  }
0x24: {  	s3 =	sadd.s32 $0x88, s3;
	s6 =	simm.s32 @!p1 $0x1082;
	[sflag:s4] =	ssyncset.s32 $0xFFFFF086  }
0x25: {  	[simem:s6], [sflag:s4] =	dma.local [hbm:s3], $0xF7A  }
0x26: {  	[smem:$0x3F9A] =	sst s1;
	(tag) =	ssettag s2;
	_ =	strace s9  }
0x27: {  	s1 =	sld [smem:$0x3FAA]  }
0x28: {  	s2 =	sld [smem:$0x3FAB]  }
0x29: {  	s4 =	sld [smem:$0x3FAD]  }
0x2a: {  	p0 =	seq.s32 s5, $0x0;
	s5 =	sld [smem:$0x3FAE]  }
0x2b: {  	s6 =	sld [smem:$0x3FAF]  }
0x2c: {  	s7 =	sld [smem:$0x3FB0]  }
0x2d: {  	s3 =	simm.s32 $0x108;
	s8 =	sld [smem:$0x3FB1]  }
0x2e: {  	s3 =	simm.s32 @!p0 $0x1082;
	s9 =	sld [smem:$0x3FB2]  }
0x2f: {  	lr =	sadd.s32 s0, s3;
	s0 =	sld [smem:$0x3FA9]  }
0x30: {  	s3 =	sld [smem:$0x3FAC]  }
0x31: {  	[smem:$0x3FB5] =	sst s10  }
0x32: {  	s10 =	sld [smem:$0x3FB3];
	_ =	sdelay $0x3  }
0x33: {  	p0 =	seq.s32 s10, $0x1;
	s10 =	sld [smem:$0x3FB5];
	_ =	sdelay $0x3  }
0x34: {  	[smem:$0x3FB5] =	sst s10  }
0x35: {  	s10 =	sld [smem:$0x3FB4];
	_ =	sdelay $0x3  }
0x36: {  	p1 =	seq.s32 s10, $0x1;
	s10 =	sld [smem:$0x3FB5];
	_ =	sdelay $0x3  }
0x37: {  	[smem:$0x3FB5] =	sst s10  }
0x38: {  	s10 =	sld [smem:$0x3FB6]  }
0x39: {  	_ = 	snop;
	(pc) =	sbr.ind lr, $3  }
0x3a: {  	_ = 	snop  }
0x3b: {  	_ = 	snop  }
0x3c: {  	p2 =	seq.s32 s10, $0x1;
	s10 =	sld [smem:$0x3FB5]  }
0x3d: {  	_ =	shalt  }
0x3e: {  	_ =	shalt  }
0x3f: {  	_ =	shalt  }
0x40: {  	_ =	shalt  }
0x41: {  	_ =	shalt  }
0x42: {  	_ =	shalt  }
0x43: {  	_ =	shalt  }
0x44: {  	_ =	shalt  }
0x45: {  	_ =	shalt  }
0x46: {  	_ =	shalt  }
0x47: {  	_ =	shalt  }
0x48: {  	_ =	shalt  }
0x49: {  	_ =	shalt  }
0x4a: {  	_ =	shalt  }
0x4b: {  	_ =	shalt  }
0x4c: {  	_ =	shalt  }
0x4d: {  	_ =	shalt  }
0x4e: {  	_ =	shalt  }
0x4f: {  	_ =	shalt  }
0x50: {  	_ =	shalt  }
0x51: {  	_ =	shalt  }
0x52: {  	_ =	shalt  }
0x53: {  	_ =	shalt  }
0x54: {  	_ =	shalt  }
0x55: {  	_ =	shalt  }
0x56: {  	_ =	shalt  }
0x57: {  	_ =	shalt  }
0x58: {  	_ =	shalt  }
0x59: {  	_ =	shalt  }
0x5a: {  	_ =	shalt  }
0x5b: {  	_ =	shalt  }
0x5c: {  	_ =	shalt  }
0x5d: {  	_ =	shalt  }
0x5e: {  	_ =	shalt  }
0x5f: {  	_ =	shalt  }
0x60: {  	_ =	shalt  }
0x61: {  	_ =	shalt  }
0x62: {  	_ =	shalt  }
0x63: {  	_ =	shalt  }
0x64: {  	_ =	shalt  }
0x65: {  	_ =	shalt  }
0x66: {  	_ =	shalt  }
0x67: {  	_ =	shalt  }
0x68: {  	_ =	shalt  }
0x69: {  	_ =	shalt  }
0x6a: {  	_ =	shalt  }
0x6b: {  	_ =	shalt  }
0x6c: {  	_ =	shalt  }
0x6d: {  	_ =	shalt  }
0x6e: {  	_ =	shalt  }
0x6f: {  	_ =	shalt  }
0x70: {  	_ =	shalt  }
0x71: {  	_ =	shalt  }
0x72: {  	_ =	shalt  }
0x73: {  	_ =	shalt  }
0x74: {  	_ =	shalt  }
0x75: {  	_ =	shalt  }
0x76: {  	_ =	shalt  }
0x77: {  	_ =	shalt  }
0x78: {  	_ =	shalt  }
0x79: {  	_ =	shalt  }
0x7a: {  	_ =	shalt  }
0x7b: {  	_ =	shalt  }
0x7c: {  	_ =	shalt  }
0x7d: {  	_ =	shalt  }
0x7e: {  	_ =	shalt  }
0x7f: {  	_ =	shalt  }
0x80: {  	_ =	shalt  }
0x81: {  	_ =	shalt  }
0x82: {  	_ =	shalt  }
0x83: {  	_ =	shalt  }
0x84: {  	_ =	shalt  }
0x85: {  	_ =	shalt  }
0x86: {  	_ =	shalt  }
0x87: {  	_ =	shalt  }
.Lfunc_end0:
.L_simem_size_0:
called_computation_lowered:
.L_overlay_start_0:
0x88: {  	s2 =	sld [smem:$0x3FD9]  }
0x89: {  	s3 =	sld [smem:$0x3FFE];
	_ =	sdelay $0x1  }
0x8a: {  	s1 =	srdreg.scid  }
0x8b: {  	s0 =	sand.u32 $0x1, s1  }
0x8c: {  	s17 =	sshll.u32 s0, $0xA;
	s2 =	sadd.s32 s3, s2  }
0x8d: {  	s2 =	sadd.s32 s2, s17  }
0x8e: {  	[smem:$0x3FC1] =	sst s2  }
0x8f: {  	_ = 	snop  }
0x90: {  	s2 =	sld [smem:$0x3FD0];
	(tm) =	ssettm $0x1  }
0x91: {  	s18 =	sld [smem:$0x3FFB];
	_ =	sdelay $0x3  }
0x92: {  	_ =	strace s18  }
0x93: {  	s3 =	sld [smem:$0x3FFC];
	_ =	sdelay $0x3  }
0x94: {  	_ =	strace s3  }
0x95: {  	s3 =	sld [smem:$0x3FFD];
	_ =	sdelay $0x3  }
0x96: {  	_ =	strace s3  }
0x97: {  	_ =	strace $0x8FFFFFFF  }
0x98: {  	s19 =	sld [smem:$0x3FDB];
	_ =	sdelay $0x1  }
0x99: {  	s4 =	simm.s32 $_scs_section_size  }
0x9a: {  	s5 =	simm.s32 $_size__tile_overlayer_lowered;
	s6 =	simm.s32 $_tile_overlayer_lowered  }
0x9b: {  	s22 =	simm.s32 $0x1BFF;
	s21 =	sshll.u32 s6, $0x1;
	s3 =	sadd.s32 s4, s19  }
0x9c: {  	s7 =	simm.s32 $0x0;
	s20 =	sshll.u32 s5, $0x1;
	s5 =	sadd.s32 s21, s3  }
0x9d: {  	[timem:s7], [sflag:s22] =	dma.local [hbm:s5], s20  }
0x9e: {  	_ =	swait.ge [sflag:s22], s20  }
0x9f: {  	s4 =	ssub.s32 $0x0, s20;
	[sflag:s22] =	ssyncset.done $0x0  }
0xa0: {  	[sflag:s22] =	ssyncadd.s32 s4;
	_ =	sdelay $0x1  }
0xa1: {  	s23 =	simm.s32 $0x1B8B  }
0xa2: {  	_ =	swait.ge [sflag:s23], $0x1  }
0xa3: {  	[sflag:s23] =	ssyncset.done $0x0  }
0xa4: {  	s25 =	simm.s32 $0x1B8E;
	s24 =	sld [smem:$0x3FFE];
	[sflag:s23] =	ssyncadd.s32 $0xFFFFFFFF  }
0xa5: {  	s26 =	simm.s32 $execute0_lowered;
	[smem:$0x3FD2] =	sst s25  }
0xa6: {  	s5 =	sshll.u32 s26, $0x1;
	_ =	strace $0x80000046;
	[dreg:$0x1] =	wrdreg $0xFFFFFFFF  }
0xa7: {  	s28 =	simm.s32 $_size_execute0_lowered;
	s3 =	sadd.s32 s3, s5;
	[dreg:$0x0] =	wrdreg $0x0  }
0xa8: {  	s5 =	sshll.u32 s28, $0x1;
	[dreg:$0x2] =	wrdreg s3  }
0xa9: {  	[dreg:$0x3] =	wrdreg s5  }
0xaa: {  	[dreg:$0x4] =	wrdreg $0xC0  }
0xab: {  	_ =	task [dreg:s7], $0x5FFFF  }
0xac: {  	[dreg:$0x1] =	wrdreg $0xFFFFFFFF  }
0xad: {  	[dreg:$0x0] =	wrdreg $0x60  }
0xae: {  	[dreg:$0x2] =	wrdreg s24  }
0xaf: {  	[dreg:$0x3] =	wrdreg s2  }
0xb0: {  	[dreg:$0x4] =	wrdreg $0x3E800  }
0xb1: {  	[dreg:$0x5] =	wrdreg $0x9  }
0xb2: {  	_ =	task.clear_ibuf [dreg:s7], $0x6FFFF;
	_ =	strace $0x90000046  }
0xb3: {  	s29 =	simm.s32 $0x9;
	_ =	strace $0x80000048  }
0xb4: {  	_ =	swait.ge [sflag:s29], $0x1  }
0xb5: {  	[sflag:s29] =	ssyncadd.s32 $0xFFFFFFFF  }
0xb6: {  	_ =	strace $0x90000048  }
0xb7: {  	_ =	sfence  }
0xb8: {  	s30 =	sld [smem:$0x0];
	_ =	sdelay $0x2  }
0xb9: {  	s31 =	sshll.u32 s1, $0xD;
	s1 =	sshrl.u32 s1, $0x2  }
0xba: {  	s3 =	sand.u32 $0x4000, s31;
	s1 =	sadd.s32 s1, s30  }
0xbb: {  	s0 =	sor.u32 s3, s0;
	s1 =	sshll.u32 s1, $0x11  }
0xbc: {  	s0 =	sor.u32 s1, s0  }
0xbd: {  	s0 =	sadd.s32 $0x8F2B, s0  }
0xbe: {  	[sflag:s0] =	ssyncadd.remote.s32 $0x1  }
0xbf: {  	_ =	sfence.sel $0xFFFF  }
0xc0: {  	[dreg:$0x0] =	wrdreg $0xFFFFFFFF;
	(pc) =	sbr.abs _section_cstart, $3  }
0xc1: {  	[dreg:$0x1] =	wrdreg $0xFFFFFFFF  }
0xc2: {  	_ =	task.clear_ibuf [dreg:s7], $0x2FFFF;
	_ =	strace $0x9FFFFFFF  }
0xc3: {  	(tm) =	ssettm $0x7FFFFFFF  }
tec
execute0_lowered:
.L_overlay_start_1:
0x0: {  	(tag) =	ssettag $0x1  }
0x1: {  	s5 =	rddreg [dreg:$0x0]  }
0x2: {  	s0 =	rddreg [dreg:$0x1];
	s1 =	srdreg.scid  }
0x3: {  	s8 =	stileid.u32;
	s2 =	rddreg [dreg:$0x2];
	s3 =	simm.s32 $0x0  }
0x4: {  	s11 =	simm.s32 $0x80;
	s12 =	simm.s32 $0x1;
	s13 =	simm.s32 $0x0  }
0x5: {  	s4 =	sand.u32 $0x1, s1;
	s6 =	sshll.u32 s8, $0x1;
	s1 =	rddreg [dreg:$0x3]  }
0x6: {  	[smem:$0x7FF] =	sst s3;
	s6 =	sor.u32 s4, s6;
	s7 =	smul.u32 $0xF80, s4  }
0x7: {  	p0 =	sne.s32 s8, $0x0;
	_ =	strace $0x80000047;
	s6 =	smul.u32 $0x7C0, s6  }
0x8: {  	s9 =	ssub.s32 $0x2, s4;
	s4 =	sadd.s32 $0x21600, s5;
	s8 =	sshrl.u32 @!p0 s2, $0x3  }
0x9: {  	s10 =	sshrl.u32 s9, $0x1;
	s7 =	sadd.s32 s7, s5;
	s6 =	sadd.s32 s6, s5  }
0xa: {  	s9 =	ssub.s32 s9, s10;
	s10 =	simm.s32 $0x2;
	s5 =	sadd.s32 $0x11E00, s6  }
0xb: {  	s6 =	sadd.s32 $0x22600, s7;
	s7 =	smax.u32 s9, $0x1;
	s9 =	simm.s32 $0x3E00  }
.LBB2_1:
0xc: {  	s14 =	simm.s32 @!p0 $0x1C02  }
0xd: {  	[spmem:s8], [sflag:s14] =	dma.local @!p0 [hbm:s4], $0xF80  }
0xe: {  	s14 =	simm.s32 @!p0 $0x2  }
0xf: {  	_ =	swait.ge @!p0 [sflag:s14], $0xF80  }
0x10: {  	[sflag:s14] =	ssyncset.done @!p0 $0x0  }
0x11: {  	[sflag:s14] =	ssyncadd.s32 @!p0 $0xFFFFF080  }
0x12: {  	[tilespmem:s9], [sflag:$0x2] =	stream.linear.gather [hbm4b:s0+s3], $0x80, $0x38;
	[tilespmem:$0x4640] =	vst v63  }
0x13: {  	_ =	swait.ge [sflag:s10], $0x80  }
0x14: {  	[sflag:s10] =	ssyncset.done $0x0  }
0x15: {  	[sflag:s10] =	ssyncadd.s32 $0xFFFFFF80  }
0x16: {  	[tilespmem:s3], [sflag:$0x2] =	stream.linear.gather [hbm4b:s5+s3], $0x3E00, $0x38;
	[tilespmem:$0x4640] =	vst v63  }
0x17: {  	_ =	swait.ge [sflag:s10], $0x3E00  }
0x18: {  	[sflag:s10] =	ssyncset.done $0x0  }
0x19: {  	[sflag:s10] =	ssyncadd.s32 $0xFFFFC200  }
0x1a: {  	s29 =	simm.s32 $0x0;
	[bflag:$0x0] =	sbarrier.arrive $0xFFFF  }
0x1b: {  	[spmem:s2] =	stream.indirect.scatter.add.f32 [tilespmem:s9], [sflag:$0x1], $0x1, s29, s11, $0xb8;
	[tilespmem:$0x4640] =	vst v63  }
0x1c: {  	s30 =	simm.s32 $0x80  }
0x1d: {  	[spmem:s2] =	stream.indirect.scatter.add.f32 [tilespmem:s9], [sflag:$0x1], $0x1, s30, s11, $0xb8;
	[tilespmem:$0x4640] =	vst v63  }
0x1e: {  	s31 =	simm.s32 $0x100;
	s15 =	simm.s32 $0x180;
	s14 =	simm.s32 $0x800  }
0x1f: {  	[spmem:s2] =	stream.indirect.scatter.add.f32 [tilespmem:s9], [sflag:$0x1], $0x1, s31, s11, $0xb8;
	[tilespmem:$0x4640] =	vst v63  }
.LBB2_2:
0x20: {  	[spmem:s2] =	stream.indirect.scatter.add.f32 [tilespmem:s9], [sflag:$0x1], $0x1, s15, s11, $0xb8;
	[tilespmem:$0x4640] =	vst v63  }
0x21: {  	s15 =	sshra.s32 s14, $0x2;
	p1 =	sne.s32 s14, $0xF000;
	s14 =	sadd.s32 $0x800, s14  }
0x22: {  	[spmem:s2] =	stream.indirect.scatter.add.f32 [tilespmem:s9], [sflag:$0x1], $0x1, s15, s11, $0xb8;
	[tilespmem:$0x4640] =	vst v63  }
.Ltmp0:
0x23: {  	s16 =	sadd.s32 $0x80, s15;
	(pc) =	sbr.rel @p1 .LBB2_2-.Ltmp0, $4  }
0x24: {  	[spmem:s2] =	stream.indirect.scatter.add.f32 [tilespmem:s9], [sflag:$0x1], $0x1, s16, s11, $0xb8;
	[tilespmem:$0x4640] =	vst v63  }
0x25: {  	s16 =	sadd.s32 $0x100, s15  }
0x26: {  	[spmem:s2] =	stream.indirect.scatter.add.f32 [tilespmem:s9], [sflag:$0x1], $0x1, s16, s11, $0xb8;
	[tilespmem:$0x4640] =	vst v63  }
0x27: {  	s15 =	sadd.s32 $0x180, s15  }
0x28: {  	[spmem:s2] =	stream.indirect.scatter.add.f32 [tilespmem:s9], [sflag:$0x1], $0x1, s15, s11, $0xb8;
	[tilespmem:$0x4640] =	vst v63  }
0x29: {  	_ =	swait.ge [sflag:s12], $0x80  }
0x2a: {  	s14 =	simm.s32 $0x7B;
	[sflag:s12] =	ssyncset.done $0x0  }
.LBB2_4:
0x2b: {  	p1 =	sne.s32 s14, $0x1;
	s14 =	sadd.s32 $0xFFFFFFFF, s14;
	[sflag:s12] =	ssyncadd.s32 $0xFFFFFF80  }
.Ltmp1:
0x2c: {  	(pc) =	sbr.rel @p1 .LBB2_4-.Ltmp1, $3  }
0x2d: {  	_ =	sdelay $0x1  }
0x2e: {  	_ =	swait.ge [sflag:s12], $0x80  }
0x2f: {  	[sflag:s12] =	ssyncset.done $0x0  }
0x30: {  	[sflag:s12] =	ssyncadd.s32 $0xFFFFFF80;
	s13 =	sadd.s32 $0x1, s13  }
0x31: {  	s14 =	simm.s32 @!p0 $0x1C02;
	[bflag:$0x0] =	sbarrier.arrive $0xFFFF;
	p1 =	sne.s32 s13, s7  }
0x32: {  	[hbm:s6], [sflag:s14] =	dma.local @!p0 [spmem:s8], $0xF80  }
.Ltmp2:
0x33: {  	_ = 	snop;
	(pc) =	sbr.rel @p1 .LBB2_1-.Ltmp2, $4  }
0x34: {  	s14 =	simm.s32 @!p0 $0x2  }
0x35: {  	_ =	swait.ge @!p0 [sflag:s14], $0xF80  }
0x36: {  	[sflag:s14] =	ssyncset.done @!p0 $0x0  }
0x37: {  	[sflag:s14] =	ssyncadd.s32 @!p0 $0xFFFFF080  }
0x38: {  	_ =	sfence.sel $0x180000  }
0x39: {  	[bflag:$0x0] =	sbarrier.arrive $0xFFFF  }
0x3a: {  	_ =	strace $0x90000047  }
0x3b: {  	s0 =	sadd.s32 @!p0 $0x100000, s1;
	[bflag:$0x2] =	sbarrier.arrive $0xFFFF  }
0x3c: {  	[sflag:s0] =	ssyncadd.tile.s32 @!p0 $0x1;
	_ =	shalt  }
.Lfunc_end2:
_tile_overlayer_lowered:
.L_overlay_start_2:
0x3d: {  	(tag) =	ssettag $0x2  }
0x3e: {  	s0 =	rddreg [dreg:$0x0];
	s2 =	stileid.u32  }
0x3f: {  	s1 =	rddreg [dreg:$0x1];
	p0 =	sne.s32 s2, $0x0  }
0x40: {  	s3 =	rddreg [dreg:$0x2];
	[bflag:$0x3] =	sbarrier.arrive $0xFFFF;
	s2 =	simm.s32 @!p0 $0x1C02  }
0x41: {  	[timem:s3], [sflag:s2] =	dma.local @!p0 [hbm:s0], s1  }
0x42: {  	s0 =	simm.s32 @!p0 $0x2  }
0x43: {  	_ =	swait.ge @!p0 [sflag:s0], s1  }
0x44: {  	s1 =	ssub.s32 @!p0 $0x0, s1;
	[sflag:s0] =	ssyncset.done @!p0 $0x0  }
0x45: {  	[sflag:s0] =	ssyncadd.s32 @!p0 s1  }
0x46: {  	[bflag:$0x3] =	sbarrier.arrive $0xFFFF  }
0x47: {  	_ =	shalt  }

// kernel: kernel.9.cloned.1.call-start
scs
__scs_entry_jumppad:
0x0: {  	(pc) =	sbr.rel $0x88, $3  }
0x1: {  	(tag) =	ssettag $0x0;
	lr =	simm.s32 $0x1  }
0x2: {  	[smem:$0x3F9A] =	sst lr;
	_ =	strace $0xD0000000  }
0x3: {  	_ = 	snop  }
0x4: {  	_ = 	snop  }
0x5: {  	_ = 	snop  }
0x6: {  	_ = 	snop  }
0x7: {  	_ = 	snop  }
__scs_overlays_trampoline_lowered:
0x8: {  	[smem:$0x3FA9] =	sst s0  }
0x9: {  	[smem:$0x3FAA] =	sst s1  }
0xa: {  	[smem:$0x3FAB] =	sst s2  }
0xb: {  	[smem:$0x3FAC] =	sst s3  }
0xc: {  	[smem:$0x3FAD] =	sst s4  }
0xd: {  	[smem:$0x3FAE] =	sst s5  }
0xe: {  	[smem:$0x3FAF] =	sst s6  }
0xf: {  	[smem:$0x3FB0] =	sst s7  }
0x10: {  	[smem:$0x3FB1] =	sst s8  }
0x11: {  	[smem:$0x3FB2] =	sst s9;
	s0 =	simm.s32 @!p0 $0x0  }
0x12: {  	s1 =	sld [smem:$0x3F98];
	s0 =	simm.s32 @p0 $0x1  }
0x13: {  	[smem:$0x3FB3] =	sst s0;
	s0 =	simm.s32 @!p1 $0x0  }
0x14: {  	s2 =	sld [smem:$0x3F97];
	s0 =	simm.s32 @p1 $0x1  }
0x15: {  	[smem:$0x3FB4] =	sst s0;
	s0 =	simm.s32 @!p2 $0x0  }
0x16: {  	s3 =	sld [smem:$0x3FDB];
	s0 =	simm.s32 @p2 $0x1  }
0x17: {  	s4 =	simm.s32 $0x1BF5;
	[smem:$0x3FB6] =	sst s0  }
0x18: {  	s0 =	sld [smem:$0x3F99];
	_ =	swait.ge [sflag:s4], $0x0  }
0x19: {  	s7 =	sld [smem:$0x3F9A]  }
0x1a: {  	s8 =	sadd.s32 $0xFFFFE003, lr  }
0x1b: {  	s9 =	sadd.s32 $0xFFFFFEF7, lr;
	s5 =	simm.s32 $0xFFFFFFFF;
	p2 =	slt.u32 s8, $0xFFFFF086  }
0x1c: {  	p1 =	slt.u32 s9, $0xF7A;
	s5 =	simm.s32 @!p2 $0x0  }
0x1d: {  	s5 =	simm.s32 @p1 $0x1;
	p0 =	seq.s32 s7, s2  }
0x1e: {  	s7 =	smul.u32 @!p0 $0xF7A, s2;
	p2 =	seq.s32 @!p0 s5, $0x0  }
0x1f: {  	s9 =	smul.u32 $0xF7A, s1;
	s8 =	simm.s32 @!p0 $0x1BF5;
	p2 =	por !p2, p0  }
0x20: {  	[sflag:s8] =	ssyncset.s32 @!p0 $0xFFFFF086;
	s6 =	sadd.s32 @!p0 s3, s7;
	s7 =	simm.s32 @!p0 $0x108  }
0x21: {  	s3 =	sadd.s32 s3, s9;
	s6 =	sadd.s32 @!p0 $0x88, s6;
	s7 =	simm.s32 @p2 $0x1082  }
0x22: {  	[simem:s7], [sflag:s8] =	dma.local @!p0 [hbm:s6], $0xF7A  }
0x23: {  	s9 =	sor.u32 $0xD0000000, s2;
	s6 =	simm.s32 $0x108;
	_ =	swait.ge @!p0 [sflag:s8], $0x0  }
0x24: {  	s3 =	sadd.s32 $0x88, s3;
	s6 =	simm.s32 @!p1 $0x1082;
	[sflag:s4] =	ssyncset.s32 $0xFFFFF086  }
0x25: {  	[simem:s6], [sflag:s4] =	dma.local [hbm:s3], $0xF7A  }
0x26: {  	[smem:$0x3F9A] =	sst s1;
	(tag) =	ssettag s2;
	_ =	strace s9  }
0x27: {  	s1 =	sld [smem:$0x3FAA]  }
0x28: {  	s2 =	sld [smem:$0x3FAB]  }
0x29: {  	s4 =	sld [smem:$0x3FAD]  }
0x2a: {  	p0 =	seq.s32 s5, $0x0;
	s5 =	sld [smem:$0x3FAE]  }
0x2b: {  	s6 =	sld [smem:$0x3FAF]  }
0x2c: {  	s7 =	sld [smem:$0x3FB0]  }
0x2d: {  	s3 =	simm.s32 $0x108;
	s8 =	sld [smem:$0x3FB1]  }
0x2e: {  	s3 =	simm.s32 @!p0 $0x1082;
	s9 =	sld [smem:$0x3FB2]  }
0x2f: {  	lr =	sadd.s32 s0, s3;
	s0 =	sld [smem:$0x3FA9]  }
0x30: {  	s3 =	sld [smem:$0x3FAC]  }
0x31: {  	[smem:$0x3FB5] =	sst s10  }
0x32: {  	s10 =	sld [smem:$0x3FB3];
	_ =	sdelay $0x3  }
0x33: {  	p0 =	seq.s32 s10, $0x1;
	s10 =	sld [smem:$0x3FB5];
	_ =	sdelay $0x3  }
0x34: {  	[smem:$0x3FB5] =	sst s10  }
0x35: {  	s10 =	sld [smem:$0x3FB4];
	_ =	sdelay $0x3  }
0x36: {  	p1 =	seq.s32 s10, $0x1;
	s10 =	sld [smem:$0x3FB5];
	_ =	sdelay $0x3  }
0x37: {  	[smem:$0x3FB5] =	sst s10  }
0x38: {  	s10 =	sld [smem:$0x3FB6]  }
0x39: {  	_ = 	snop;
	(pc) =	sbr.ind lr, $3  }
0x3a: {  	_ = 	snop  }
0x3b: {  	_ = 	snop  }
0x3c: {  	p2 =	seq.s32 s10, $0x1;
	s10 =	sld [smem:$0x3FB5]  }
0x3d: {  	_ =	shalt  }
0x3e: {  	_ =	shalt  }
0x3f: {  	_ =	shalt  }
0x40: {  	_ =	shalt  }
0x41: {  	_ =	shalt  }
0x42: {  	_ =	shalt  }
0x43: {  	_ =	shalt  }
0x44: {  	_ =	shalt  }
0x45: {  	_ =	shalt  }
0x46: {  	_ =	shalt  }
0x47: {  	_ =	shalt  }
0x48: {  	_ =	shalt  }
0x49: {  	_ =	shalt  }
0x4a: {  	_ =	shalt  }
0x4b: {  	_ =	shalt  }
0x4c: {  	_ =	shalt  }
0x4d: {  	_ =	shalt  }
0x4e: {  	_ =	shalt  }
0x4f: {  	_ =	shalt  }
0x50: {  	_ =	shalt  }
0x51: {  	_ =	shalt  }
0x52: {  	_ =	shalt  }
0x53: {  	_ =	shalt  }
0x54: {  	_ =	shalt  }
0x55: {  	_ =	shalt  }
0x56: {  	_ =	shalt  }
0x57: {  	_ =	shalt  }
0x58: {  	_ =	shalt  }
0x59: {  	_ =	shalt  }
0x5a: {  	_ =	shalt  }
0x5b: {  	_ =	shalt  }
0x5c: {  	_ =	shalt  }
0x5d: {  	_ =	shalt  }
0x5e: {  	_ =	shalt  }
0x5f: {  	_ =	shalt  }
0x60: {  	_ =	shalt  }
0x61: {  	_ =	shalt  }
0x62: {  	_ =	shalt  }
0x63: {  	_ =	shalt  }
0x64: {  	_ =	shalt  }
0x65: {  	_ =	shalt  }
0x66: {  	_ =	shalt  }
0x67: {  	_ =	shalt  }
0x68: {  	_ =	shalt  }
0x69: {  	_ =	shalt  }
0x6a: {  	_ =	shalt  }
0x6b: {  	_ =	shalt  }
0x6c: {  	_ =	shalt  }
0x6d: {  	_ =	shalt  }
0x6e: {  	_ =	shalt  }
0x6f: {  	_ =	shalt  }
0x70: {  	_ =	shalt  }
0x71: {  	_ =	shalt  }
0x72: {  	_ =	shalt  }
0x73: {  	_ =	shalt  }
0x74: {  	_ =	shalt  }
0x75: {  	_ =	shalt  }
0x76: {  	_ =	shalt  }
0x77: {  	_ =	shalt  }
0x78: {  	_ =	shalt  }
0x79: {  	_ =	shalt  }
0x7a: {  	_ =	shalt  }
0x7b: {  	_ =	shalt  }
0x7c: {  	_ =	shalt  }
0x7d: {  	_ =	shalt  }
0x7e: {  	_ =	shalt  }
0x7f: {  	_ =	shalt  }
0x80: {  	_ =	shalt  }
0x81: {  	_ =	shalt  }
0x82: {  	_ =	shalt  }
0x83: {  	_ =	shalt  }
0x84: {  	_ =	shalt  }
0x85: {  	_ =	shalt  }
0x86: {  	_ =	shalt  }
0x87: {  	_ =	shalt  }
.Lfunc_end0:
.L_simem_size_0:
called_computation.1_lowered:
.L_overlay_start_0:
0x88: {  	s2 =	sld [smem:$0x3FD9]  }
0x89: {  	s3 =	sld [smem:$0x3FFE];
	_ =	sdelay $0x1  }
0x8a: {  	s1 =	srdreg.scid  }
0x8b: {  	s0 =	sand.u32 $0x1, s1  }
0x8c: {  	s16 =	sshll.u32 s0, $0xA;
	s2 =	sadd.s32 s3, s2  }
0x8d: {  	s2 =	sadd.s32 s2, s16  }
0x8e: {  	[smem:$0x3FC1] =	sst s2  }
0x8f: {  	_ = 	snop  }
0x90: {  	(tm) =	ssettm $0x1  }
0x91: {  	s17 =	sld [smem:$0x3FFB];
	_ =	sdelay $0x3  }
0x92: {  	_ =	strace s17  }
0x93: {  	s2 =	sld [smem:$0x3FFC];
	_ =	sdelay $0x3  }
0x94: {  	_ =	strace s2  }
0x95: {  	s2 =	sld [smem:$0x3FFD];
	_ =	sdelay $0x3  }
0x96: {  	_ =	strace s2  }
0x97: {  	_ =	strace $0x8FFFFFFF  }
0x98: {  	s18 =	sld [smem:$0x3FDB];
	_ =	sdelay $0x1  }
0x99: {  	s19 =	simm.s32 $_scs_section_size  }
0x9a: {  	s4 =	simm.s32 $_size__tile_overlayer_lowered;
	s5 =	simm.s32 $_tile_overlayer_lowered  }
0x9b: {  	s22 =	simm.s32 $0x1BFF;
	s21 =	sshll.u32 s5, $0x1;
	s2 =	sadd.s32 s19, s18  }
0x9c: {  	s6 =	simm.s32 $0x0;
	s20 =	sshll.u32 s4, $0x1;
	s4 =	sadd.s32 s21, s2  }
0x9d: {  	[timem:s6], [sflag:s22] =	dma.local [hbm:s4], s20  }
0x9e: {  	_ =	swait.ge [sflag:s22], s20  }
0x9f: {  	s3 =	ssub.s32 $0x0, s20;
	[sflag:s22] =	ssyncset.done $0x0  }
0xa0: {  	[sflag:s22] =	ssyncadd.s32 s3;
	_ =	sdelay $0x1  }
0xa1: {  	s23 =	simm.s32 $0x1B8B  }
0xa2: {  	_ =	swait.ge [sflag:s23], $0x1  }
0xa3: {  	[sflag:s23] =	ssyncset.done $0x0  }
0xa4: {  	s25 =	simm.s32 $0x1B8E;
	s24 =	sld [smem:$0x3FFE];
	[sflag:s23] =	ssyncadd.s32 $0xFFFFFFFF  }
0xa5: {  	s26 =	simm.s32 $execute0_lowered;
	[smem:$0x3FD2] =	sst s25  }
0xa6: {  	s4 =	sshll.u32 s26, $0x1;
	_ =	strace $0x80000049;
	[dreg:$0x1] =	wrdreg $0xFFFFFFFF  }
0xa7: {  	s28 =	simm.s32 $_size_execute0_lowered;
	s2 =	sadd.s32 s2, s4;
	[dreg:$0x0] =	wrdreg $0x0  }
0xa8: {  	s4 =	sshll.u32 s28, $0x1;
	[dreg:$0x2] =	wrdreg s2  }
0xa9: {  	[dreg:$0x3] =	wrdreg s4  }
0xaa: {  	[dreg:$0x4] =	wrdreg $0xC0  }
0xab: {  	_ =	task [dreg:s6], $0x5FFFF  }
0xac: {  	[dreg:$0x1] =	wrdreg $0xFFFFFFFF  }
0xad: {  	[dreg:$0x0] =	wrdreg $0x60  }
0xae: {  	[dreg:$0x2] =	wrdreg s24  }
0xaf: {  	[dreg:$0x3] =	wrdreg $0xFC000  }
0xb0: {  	[dreg:$0x4] =	wrdreg $0x9  }
0xb1: {  	_ =	task.clear_ibuf [dreg:s6], $0x5FFFF;
	_ =	strace $0x90000049  }
0xb2: {  	s29 =	simm.s32 $0x9;
	_ =	strace $0x8000004B  }
0xb3: {  	_ =	swait.ge [sflag:s29], $0x1  }
0xb4: {  	[sflag:s29] =	ssyncadd.s32 $0xFFFFFFFF  }
0xb5: {  	_ =	strace $0x9000004B  }
0xb6: {  	_ =	sfence  }
0xb7: {  	s30 =	sld [smem:$0x0];
	_ =	sdelay $0x2  }
0xb8: {  	s31 =	sshll.u32 s1, $0xD;
	s1 =	sshrl.u32 s1, $0x2  }
0xb9: {  	s3 =	sand.u32 $0x4000, s31;
	s1 =	sadd.s32 s1, s30  }
0xba: {  	s0 =	sor.u32 s3, s0;
	s1 =	sshll.u32 s1, $0x11  }
0xbb: {  	s0 =	sor.u32 s1, s0  }
0xbc: {  	s0 =	sadd.s32 $0x8F2B, s0  }
0xbd: {  	[sflag:s0] =	ssyncadd.remote.s32 $0x1  }
0xbe: {  	_ =	sfence.sel $0xFFFF  }
0xbf: {  	[dreg:$0x0] =	wrdreg $0xFFFFFFFF;
	(pc) =	sbr.abs _section_cstart, $3  }
0xc0: {  	[dreg:$0x1] =	wrdreg $0xFFFFFFFF  }
0xc1: {  	_ =	task.clear_ibuf [dreg:s6], $0x2FFFF;
	_ =	strace $0x9FFFFFFF  }
0xc2: {  	(tm) =	ssettm $0x7FFFFFFF  }
0xc3: {  	_ =	shalt  }
tec
execute0_lowered:
.L_overlay_start_1:
0x0: {  	(tag) =	ssettag $0x1  }
0x1: {  	s0 =	rddreg [dreg:$0x0]  }
0x2: {  	s1 =	rddreg [dreg:$0x1]  }
0x3: {  	s2 =	simm.s32 $0x0;
	s3 =	srdreg.scid;
	s11 =	stileid.u32  }
0x4: {  	s13 =	simm.s32 $0x3;
	s15 =	simm.s32 $0x80;
	s16 =	simm.s32 $0x7C00  }
0x5: {  	s17 =	simm.s32 $0x8C00;
	s29 =	simm.s32 $0xDC00;
	s31 =	simm.s32 $0xEC00  }
0x6: {  	s28 =	simm.s32 $0x7980;
	s30 =	simm.s32 $0x7A00;
	s14 =	simm.s32 $0x7B00  }
0x7: {  	[smem:$0x7FF] =	sst s2;
	s4 =	sadd.s32 $0x11E00, s0;
	s18 =	smul.u32 $0x1F000, s11  }
0x8: {  	s3 =	sand.u32 $0x1, s3;
	s6 =	sadd.s32 $0x2600, s0;
	s8 =	smul.u32 $0x7C00, s11  }
0x9: {  	s7 =	sadd.s32 $0x24600, s0;
	s9 =	smul.u32 $0xF80, s11;
	s21 =	sshll.u32 s11, $0x6  }
0xa: {  	s11 =	simm.s32 $0x7880;
	s5 =	smul.u32 $0x1F000, s3;
	s3 =	ssub.s32 $0x2, s3  }
0xb: {  	_ =	strace $0x8000004A;
	[dreg:$0x3] =	wrdreg s7;
	s19 =	sshrl.u32 s3, $0x1  }
0xc: {  	s20 =	sshrl.u32 s18, $0x1;
	s8 =	sshrl.u32 s8, $0x3;
	s22 =	sadd.s32 s4, s9  }
0xd: {  	s24 =	sadd.s32 s6, s9;
	s26 =	sshrl.u32 s18, $0x4;
	s0 =	sadd.s32 s5, s0  }
0xe: {  	s3 =	ssub.s32 s3, s19;
	s10 =	sadd.s32 s20, s1;
	[dreg:$0x4] =	wrdreg s22  }
0xf: {  	s5 =	sor.u32 $0x1C03, s21;
	s23 =	sadd.s32 $0x7C0, s8;
	[dreg:$0x5] =	wrdreg s24  }
0x10: {  	s19 =	simm.s32 $0x9C00;
	s21 =	simm.s32 $0xAC00;
	s20 =	simm.s32 $0x3D80  }
0x11: {  	s22 =	simm.s32 $0x7800;
	s24 =	simm.s32 $0x0;
	s8 =	sadd.s32 $0x11E600, s0  }
0x12: {  	s4 =	sadd.s32 s4, s23;
	s25 =	sadd.s32 s6, s23;
	s0 =	sadd.s32 $0x15C600, s0  }
0x13: {  	s3 =	smax.u32 s3, $0x1;
	s12 =	sshrl.u32 s10, $0x3;
	[dreg:$0x6] =	wrdreg s4  }
0x14: {  	s23 =	simm.s32 $0xBC00;
	s10 =	simm.s32 $0x3D00;
	[dreg:$0x7] =	wrdreg s25  }
0x15: {  	s6 =	simm.s32 $0x7B80;
	[dreg:$0x8] =	wrdreg s3;
	s0 =	sadd.s32 s26, s0  }
0x16: {  	s26 =	simm.s32 $0xCC00;
	s3 =	simm.s32 $0x2;
	s25 =	simm.s32 $0x7900  }
0x17: {  	s4 =	simm.s32 $0x7A80;
	[dreg:$0x9] =	wrdreg s0;
	s0 =	simm.s32 $0x1  }
.LBB2_1:
0x18: {  	s7 =	rddreg [dreg:$0x3]  }
0x19: {  	[spmem:s12], [sflag:s5] =	dma.local [hbm:s7], $0x1F00  }
0x1a: {  	_ =	swait.ge [sflag:s13], $0x1F00  }
0x1b: {  	[sflag:s13] =	ssyncset.done $0x0  }
0x1c: {  	[sflag:s13] =	ssyncadd.s32 $0xFFFFE100  }
0x1d: {  	[bflag:$0x0] =	sbarrier.arrive $0xFFFF  }
0x1e: {  	s9 =	rddreg [dreg:$0x4]  }
0x1f: {  	[tilespmem:s2], [sflag:$0x3] =	stream.linear.gather [hbm4b:s9+s2], $0x3E00, $0x38;
	[tilespmem:$0x1F400] =	vst v63  }
0x20: {  	_ =	swait.ge [sflag:s13], $0x3E00  }
0x21: {  	[sflag:s13] =	ssyncset.done $0x0  }
0x22: {  	s9 =	simm.s32 $0x3E00;
	s18 =	rddreg [dreg:$0x5];
	[sflag:s13] =	ssyncadd.s32 $0xFFFFC200  }
0x23: {  	[tilespmem:s9], [sflag:$0x3] =	stream.linear.gather [hbm4b:s18+s2], $0x3E00, $0x38;
	[tilespmem:$0x1F400] =	vst v63  }
0x24: {  	_ =	swait.ge [sflag:s13], $0x3E00  }
0x25: {  	[sflag:s13] =	ssyncset.done $0x0  }
0x26: {  	[sflag:s13] =	ssyncadd.s32 $0xFFFFC200  }
0x27: {  	[tilespmem:s16], [sflag:$0x1] =	stream.indirect.gather [hbm4b:s8+s15], $0x20, s2, s15, $0xb8;
	[tilespmem:$0x1F400] =	vst v63  }
0x28: {  	_ = 	snop  }
0x29: {  	[tilespmem:s17], [sflag:$0x1] =	stream.indirect.gather [hbm4b:s8+s15], $0x20, s15, s15, $0xb8;
	[tilespmem:$0x1F400] =	vst v63  }
0x2a: {  	s18 =	simm.s32 $0x100  }
0x2b: {  	[tilespmem:s19], [sflag:$0x1] =	stream.indirect.gather [hbm4b:s8+s15], $0x20, s18, s15, $0xb8;
	[tilespmem:$0x1F400] =	vst v63  }
0x2c: {  	s9 =	simm.s32 $0x180  }
0x2d: {  	[tilespmem:s21], [sflag:$0x1] =	stream.indirect.gather [hbm4b:s8+s15], $0x20, s9, s15, $0xb8;
	[tilespmem:$0x1F400] =	vst v63  }
0x2e: {  	s18 =	simm.s32 $0x200  }
0x2f: {  	[tilespmem:s23], [sflag:$0x2] =	stream.indirect.gather [hbm4b:s8+s15], $0x20, s18, s15, $0xb8;
	[tilespmem:$0x1F400] =	vst v63  }
0x30: {  	s9 =	simm.s32 $0x280  }
0x31: {  	[tilespmem:s26], [sflag:$0x2] =	stream.indirect.gather [hbm4b:s8+s15], $0x20, s9, s15, $0xb8;
	[tilespmem:$0x1F400] =	vst v63  }
0x32: {  	s18 =	simm.s32 $0x300  }
0x33: {  	[tilespmem:s29], [sflag:$0x2] =	stream.indirect.gather [hbm4b:s8+s15], $0x20, s18, s15, $0xb8;
	[tilespmem:$0x1F400] =	vst v63  }
0x34: {  	s9 =	simm.s32 $0x380  }
0x35: {  	[tilespmem:s31], [sflag:$0x2] =	stream.indirect.gather [hbm4b:s8+s15], $0x20, s9, s15, $0xb8;
	[tilespmem:$0x1F400] =	vst v63  }
0x36: {  	_ =	swait.ge [sflag:s0], $0x1000  }
0x37: {  	[sflag:s0] =	ssyncset.done $0x0  }
0x38: {  	[sflag:s0] =	ssyncadd.s32 $0xFFFFF000  }
0x39: {  	_ =	swait.ge [sflag:s0], $0x1000  }
0x3a: {  	[sflag:s0] =	ssyncset.done $0x0  }
0x3b: {  	[sflag:s0] =	ssyncadd.s32 $0xFFFFF000  }
0x3c: {  	_ =	swait.ge [sflag:s0], $0x1000  }
0x3d: {  	[sflag:s0] =	ssyncset.done $0x0  }
0x3e: {  	[sflag:s0] =	ssyncadd.s32 $0xFFFFF000  }
0x3f: {  	_ =	swait.ge [sflag:s0], $0x1000  }
0x40: {  	[sflag:s0] =	ssyncset.done $0x0  }
0x41: {  	s18 =	simm.s32 $0x3E00;
	[sflag:s0] =	ssyncadd.s32 $0xFFFFF000  }
0x42: {  	[spmem:s1] =	stream.indirect.scatter.add.bf16 [tilespmem:s16], [sflag:$0x3], $0x20, s18, s15, $0xb8;
	[tilespmem:$0x1F400] =	vst v63  }
0x43: {  	_ =	swait.ge [sflag:s13], $0x1000  }
0x44: {  	[sflag:s13] =	ssyncset.done $0x0  }
0x45: {  	s9 =	simm.s32 $0x3E80;
	[sflag:s13] =	ssyncadd.s32 $0xFFFFF000  }
0x46: {  	[spmem:s1] =	stream.indirect.scatter.add.bf16 [tilespmem:s17], [sflag:$0x3], $0x20, s9, s15, $0xb8;
	[tilespmem:$0x1F400] =	vst v63  }
0x47: {  	_ =	swait.ge [sflag:s13], $0x1000  }
0x48: {  	[sflag:s13] =	ssyncset.done $0x0  }
0x49: {  	s18 =	simm.s32 $0x3F00;
	[sflag:s13] =	ssyncadd.s32 $0xFFFFF000  }
0x4a: {  	[spmem:s1] =	stream.indirect.scatter.add.bf16 [tilespmem:s19], [sflag:$0x3], $0x20, s18, s15, $0xb8;
	[tilespmem:$0x1F400] =	vst v63  }
0x4b: {  	_ =	swait.ge [sflag:s13], $0x1000  }
0x4c: {  	[sflag:s13] =	ssyncset.done $0x0  }
0x4d: {  	s9 =	simm.s32 $0x3F80;
	[sflag:s13] =	ssyncadd.s32 $0xFFFFF000  }
0x4e: {  	[spmem:s1] =	stream.indirect.scatter.add.bf16 [tilespmem:s21], [sflag:$0x3], $0x20, s9, s15, $0xb8;
	[tilespmem:$0x1F400] =	vst v63  }
0x4f: {  	_ =	swait.ge [sflag:s13], $0x1000  }
0x50: {  	[sflag:s13] =	ssyncset.done $0x0  }
0x51: {  	s18 =	simm.s32 $0x400;
	[sflag:s13] =	ssyncadd.s32 $0xFFFFF000  }
0x52: {  	[tilespmem:s16], [sflag:$0x1] =	stream.indirect.gather [hbm4b:s8+s15], $0x20, s18, s15, $0xb8;
	[tilespmem:$0x1F400] =	vst v63  }
0x53: {  	s9 =	simm.s32 $0x480  }
0x54: {  	[tilespmem:s17], [sflag:$0x1] =	stream.indirect.gather [hbm4b:s8+s15], $0x20, s9, s15, $0xb8;
	[tilespmem:$0x1F400] =	vst v63  }
0x55: {  	s18 =	simm.s32 $0x500  }
0x56: {  	[tilespmem:s19], [sflag:$0x1] =	stream.indirect.gather [hbm4b:s8+s15], $0x20, s18, s15, $0xb8;
	[tilespmem:$0x1F400] =	vst v63  }
0x57: {  	s9 =	simm.s32 $0x580  }
0x58: {  	[tilespmem:s21], [sflag:$0x1] =	stream.indirect.gather [hbm4b:s8+s15], $0x20, s9, s15, $0xb8;
	[tilespmem:$0x1F400] =	vst v63  }
0x59: {  	_ =	swait.ge [sflag:s3], $0x1000  }
0x5a: {  	[sflag:s3] =	ssyncset.done $0x0  }
0x5b: {  	[sflag:s3] =	ssyncadd.s32 $0xFFFFF000  }
0x5c: {  	_ =	swait.ge [sflag:s3], $0x1000  }
0x5d: {  	[sflag:s3] =	ssyncset.done $0x0  }
0x5e: {  	[sflag:s3] =	ssyncadd.s32 $0xFFFFF000  }
0x5f: {  	_ =	swait.ge [sflag:s3], $0x1000  }
0x60: {  	[sflag:s3] =	ssyncset.done $0x0  }
0x61: {  	[sflag:s3] =	ssyncadd.s32 $0xFFFFF000  }
0x62: {  	_ =	swait.ge [sflag:s3], $0x1000  }
0x63: {  	[sflag:s3] =	ssyncset.done $0x0  }
0x64: {  	s18 =	simm.s32 $0x4000;
	[sflag:s3] =	ssyncadd.s32 $0xFFFFF000  }
0x65: {  	[spmem:s1] =	stream.indirect.scatter.add.bf16 [tilespmem:s23], [sflag:$0x3], $0x20, s18, s15, $0xb8;
	[tilespmem:$0x1F400] =	vst v63  }
0x66: {  	_ =	swait.ge [sflag:s13], $0x1000  }
0x67: {  	[sflag:s13] =	ssyncset.done $0x0  }
0x68: {  	s9 =	simm.s32 $0x4080;
	[sflag:s13] =	ssyncadd.s32 $0xFFFFF000  }
0x69: {  	[spmem:s1] =	stream.indirect.scatter.add.bf16 [tilespmem:s26], [sflag:$0x3], $0x20, s9, s15, $0xb8;
	[tilespmem:$0x1F400] =	vst v63  }
0x6a: {  	_ =	swait.ge [sflag:s13], $0x1000  }
0x6b: {  	[sflag:s13] =	ssyncset.done $0x0  }
0x6c: {  	s18 =	simm.s32 $0x4100;
	[sflag:s13] =	ssyncadd.s32 $0xFFFFF000  }
0x6d: {  	[spmem:s1] =	stream.indirect.scatter.add.bf16 [tilespmem:s29], [sflag:$0x3], $0x20, s18, s15, $0xb8;
	[tilespmem:$0x1F400] =	vst v63  }
0x6e: {  	_ =	swait.ge [sflag:s13], $0x1000  }
0x6f: {  	[sflag:s13] =	ssyncset.done $0x0  }
0x70: {  	s9 =	simm.s32 $0x4180;
	[sflag:s13] =	ssyncadd.s32 $0xFFFFF000  }
0x71: {  	[spmem:s1] =	stream.indirect.scatter.add.bf16 [tilespmem:s31], [sflag:$0x3], $0x20, s9, s15, $0xb8;
	[tilespmem:$0x1F400] =	vst v63  }
0x72: {  	_ =	swait.ge [sflag:s13], $0x1000  }
0x73: {  	[sflag:s13] =	ssyncset.done $0x0  }
0x74: {  	s18 =	simm.s32 $0x600;
	[sflag:s13] =	ssyncadd.s32 $0xFFFFF000  }
0x75: {  	[tilespmem:s23], [sflag:$0x2] =	stream.indirect.gather [hbm4b:s8+s15], $0x20, s18, s15, $0xb8;
	[tilespmem:$0x1F400] =	vst v63  }
0x76: {  	s9 =	simm.s32 $0x680  }
0x77: {  	[tilespmem:s26], [sflag:$0x2] =	stream.indirect.gather [hbm4b:s8+s15], $0x20, s9, s15, $0xb8;
	[tilespmem:$0x1F400] =	vst v63  }
0x78: {  	s18 =	simm.s32 $0x700  }
0x79: {  	[tilespmem:s29], [sflag:$0x2] =	stream.indirect.gather [hbm4b:s8+s15], $0x20, s18, s15, $0xb8;
	[tilespmem:$0x1F400] =	vst v63  }
0x7a: {  	s7 =	simm.s32 $0x1000;
	s18 =	simm.s32 $0x780  }
.LBB2_2:
0x7b: {  	[tilespmem:s31], [sflag:$0x2] =	stream.indirect.gather [hbm4b:s8+s15], $0x20, s18, s15, $0xb8;
	[tilespmem:$0x1F400] =	vst v63  }
0x7c: {  	s18 =	smov.u32 s7  }
0x7d: {  	p0 =	sne.s32 s7, $0xD000;
	s7 =	sadd.s32 $0x1000, s7;
	_ =	swait.ge [sflag:s0], $0x1000  }
0x7e: {  	[sflag:s0] =	ssyncset.done $0x0  }
0x7f: {  	[sflag:s0] =	ssyncadd.s32 $0xFFFFF000  }
0x80: {  	_ =	swait.ge [sflag:s0], $0x1000  }
0x81: {  	[sflag:s0] =	ssyncset.done $0x0  }
0x82: {  	[sflag:s0] =	ssyncadd.s32 $0xFFFFF000  }
0x83: {  	_ =	swait.ge [sflag:s0], $0x1000  }
0x84: {  	[sflag:s0] =	ssyncset.done $0x0  }
0x85: {  	[sflag:s0] =	ssyncadd.s32 $0xFFFFF000  }
0x86: {  	_ =	swait.ge [sflag:s0], $0x1000  }
0x87: {  	s18 =	sshra.s32 s18, $0x2;
	[sflag:s0] =	ssyncset.done $0x0  }
0x88: {  	s9 =	sadd.s32 $0x3E00, s18;
	[sflag:s0] =	ssyncadd.s32 $0xFFFFF000  }
0x89: {  	[spmem:s1] =	stream.indirect.scatter.add.bf16 [tilespmem:s16], [sflag:$0x3], $0x20, s9, s15, $0xb8;
	[tilespmem:$0x1F400] =	vst v63  }
0x8a: {  	_ =	swait.ge [sflag:s13], $0x1000  }
0x8b: {  	[sflag:s13] =	ssyncset.done $0x0  }
0x8c: {  	s9 =	sadd.s32 $0x3E80, s18;
	[sflag:s13] =	ssyncadd.s32 $0xFFFFF000  }
0x8d: {  	[spmem:s1] =	stream.indirect.scatter.add.bf16 [tilespmem:s17], [sflag:$0x3], $0x20, s9, s15, $0xb8;
	[tilespmem:$0x1F400] =	vst v63  }
0x8e: {  	_ =	swait.ge [sflag:s13], $0x1000  }
0x8f: {  	[sflag:s13] =	ssyncset.done $0x0  }
0x90: {  	s9 =	sadd.s32 $0x3F00, s18;
	[sflag:s13] =	ssyncadd.s32 $0xFFFFF000  }
0x91: {  	[spmem:s1] =	stream.indirect.scatter.add.bf16 [tilespmem:s19], [sflag:$0x3], $0x20, s9, s15, $0xb8;
	[tilespmem:$0x1F400] =	vst v63  }
0x92: {  	_ =	swait.ge [sflag:s13], $0x1000  }
0x93: {  	[sflag:s13] =	ssyncset.done $0x0  }
0x94: {  	s9 =	sadd.s32 $0x3F80, s18;
	[sflag:s13] =	ssyncadd.s32 $0xFFFFF000  }
0x95: {  	[spmem:s1] =	stream.indirect.scatter.add.bf16 [tilespmem:s21], [sflag:$0x3], $0x20, s9, s15, $0xb8;
	[tilespmem:$0x1F400] =	vst v63  }
0x96: {  	_ =	swait.ge [sflag:s13], $0x1000  }
0x97: {  	[sflag:s13] =	ssyncset.done $0x0  }
0x98: {  	s9 =	sadd.s32 $0x400, s18;
	[sflag:s13] =	ssyncadd.s32 $0xFFFFF000  }
0x99: {  	[tilespmem:s16], [sflag:$0x1] =	stream.indirect.gather [hbm4b:s8+s15], $0x20, s9, s15, $0xb8;
	[tilespmem:$0x1F400] =	vst v63  }
0x9a: {  	s9 =	sadd.s32 $0x480, s18  }
0x9b: {  	[tilespmem:s17], [sflag:$0x1] =	stream.indirect.gather [hbm4b:s8+s15], $0x20, s9, s15, $0xb8;
	[tilespmem:$0x1F400] =	vst v63  }
0x9c: {  	s9 =	sadd.s32 $0x500, s18  }
0x9d: {  	[tilespmem:s19], [sflag:$0x1] =	stream.indirect.gather [hbm4b:s8+s15], $0x20, s9, s15, $0xb8;
	[tilespmem:$0x1F400] =	vst v63  }
0x9e: {  	s9 =	sadd.s32 $0x580, s18  }
0x9f: {  	[tilespmem:s21], [sflag:$0x1] =	stream.indirect.gather [hbm4b:s8+s15], $0x20, s9, s15, $0xb8;
	[tilespmem:$0x1F400] =	vst v63  }
0xa0: {  	_ =	swait.ge [sflag:s3], $0x1000  }
0xa1: {  	[sflag:s3] =	ssyncset.done $0x0  }
0xa2: {  	[sflag:s3] =	ssyncadd.s32 $0xFFFFF000  }
0xa3: {  	_ =	swait.ge [sflag:s3], $0x1000  }
0xa4: {  	[sflag:s3] =	ssyncset.done $0x0  }
0xa5: {  	[sflag:s3] =	ssyncadd.s32 $0xFFFFF000  }
0xa6: {  	_ =	swait.ge [sflag:s3], $0x1000  }
0xa7: {  	[sflag:s3] =	ssyncset.done $0x0  }
0xa8: {  	[sflag:s3] =	ssyncadd.s32 $0xFFFFF000  }
0xa9: {  	_ =	swait.ge [sflag:s3], $0x1000  }
0xaa: {  	[sflag:s3] =	ssyncset.done $0x0  }
0xab: {  	s9 =	sadd.s32 $0x4000, s18;
	[sflag:s3] =	ssyncadd.s32 $0xFFFFF000  }
0xac: {  	[spmem:s1] =	stream.indirect.scatter.add.bf16 [tilespmem:s23], [sflag:$0x3], $0x20, s9, s15, $0xb8;
	[tilespmem:$0x1F400] =	vst v63  }
0xad: {  	_ =	swait.ge [sflag:s13], $0x1000  }
0xae: {  	[sflag:s13] =	ssyncset.done $0x0  }
0xaf: {  	s9 =	sadd.s32 $0x4080, s18;
	[sflag:s13] =	ssyncadd.s32 $0xFFFFF000  }
0xb0: {  	[spmem:s1] =	stream.indirect.scatter.add.bf16 [tilespmem:s26], [sflag:$0x3], $0x20, s9, s15, $0xb8;
	[tilespmem:$0x1F400] =	vst v63  }
0xb1: {  	_ =	swait.ge [sflag:s13], $0x1000  }
0xb2: {  	[sflag:s13] =	ssyncset.done $0x0  }
0xb3: {  	s9 =	sadd.s32 $0x4100, s18;
	[sflag:s13] =	ssyncadd.s32 $0xFFFFF000  }
0xb4: {  	[spmem:s1] =	stream.indirect.scatter.add.bf16 [tilespmem:s29], [sflag:$0x3], $0x20, s9, s15, $0xb8;
	[tilespmem:$0x1F400] =	vst v63  }
0xb5: {  	_ =	swait.ge [sflag:s13], $0x1000  }
0xb6: {  	[sflag:s13] =	ssyncset.done $0x0  }
0xb7: {  	s9 =	sadd.s32 $0x4180, s18;
	[sflag:s13] =	ssyncadd.s32 $0xFFFFF000  }
0xb8: {  	[spmem:s1] =	stream.indirect.scatter.add.bf16 [tilespmem:s31], [sflag:$0x3], $0x20, s9, s15, $0xb8;
	[tilespmem:$0x1F400] =	vst v63  }
0xb9: {  	_ =	swait.ge [sflag:s13], $0x1000  }
0xba: {  	[sflag:s13] =	ssyncset.done $0x0  }
0xbb: {  	s9 =	sadd.s32 $0x600, s18;
	[sflag:s13] =	ssyncadd.s32 $0xFFFFF000  }
0xbc: {  	[tilespmem:s23], [sflag:$0x2] =	stream.indirect.gather [hbm4b:s8+s15], $0x20, s9, s15, $0xb8;
	[tilespmem:$0x1F400] =	vst v63  }
.Ltmp0:
0xbd: {  	s9 =	sadd.s32 $0x680, s18;
	(pc) =	sbr.rel @p0 .LBB2_2-.Ltmp0, $4  }
0xbe: {  	[tilespmem:s26], [sflag:$0x2] =	stream.indirect.gather [hbm4b:s8+s15], $0x20, s9, s15, $0xb8;
	[tilespmem:$0x1F400] =	vst v63  }
0xbf: {  	s9 =	sadd.s32 $0x700, s18  }
0xc0: {  	[tilespmem:s29], [sflag:$0x2] =	stream.indirect.gather [hbm4b:s8+s15], $0x20, s9, s15, $0xb8;
	[tilespmem:$0x1F400] =	vst v63  }
0xc1: {  	s18 =	sadd.s32 $0x780, s18  }
0xc2: {  	[tilespmem:s31], [sflag:$0x2] =	stream.indirect.gather [hbm4b:s8+s15], $0x20, s18, s15, $0xb8;
	[tilespmem:$0x1F400] =	vst v63  }
0xc3: {  	_ =	swait.ge [sflag:s0], $0x1000  }
0xc4: {  	[sflag:s0] =	ssyncset.done $0x0  }
0xc5: {  	[sflag:s0] =	ssyncadd.s32 $0xFFFFF000  }
0xc6: {  	_ =	swait.ge [sflag:s0], $0x1000  }
0xc7: {  	[sflag:s0] =	ssyncset.done $0x0  }
0xc8: {  	[sflag:s0] =	ssyncadd.s32 $0xFFFFF000  }
0xc9: {  	_ =	swait.ge [sflag:s0], $0x1000  }
0xca: {  	[sflag:s0] =	ssyncset.done $0x0  }
0xcb: {  	[sflag:s0] =	ssyncadd.s32 $0xFFFFF000  }
0xcc: {  	_ =	swait.ge [sflag:s0], $0x1000  }
0xcd: {  	[sflag:s0] =	ssyncset.done $0x0  }
0xce: {  	s7 =	simm.s32 $0x7600;
	[sflag:s0] =	ssyncadd.s32 $0xFFFFF000  }
0xcf: {  	[spmem:s1] =	stream.indirect.scatter.add.bf16 [tilespmem:s16], [sflag:$0x3], $0x20, s7, s15, $0xb8;
	[tilespmem:$0x1F400] =	vst v63  }
0xd0: {  	_ =	swait.ge [sflag:s13], $0x1000  }
0xd1: {  	[sflag:s13] =	ssyncset.done $0x0  }
0xd2: {  	s9 =	simm.s32 $0x7680;
	[sflag:s13] =	ssyncadd.s32 $0xFFFFF000  }
0xd3: {  	[spmem:s1] =	stream.indirect.scatter.add.bf16 [tilespmem:s17], [sflag:$0x3], $0x20, s9, s15, $0xb8;
	[tilespmem:$0x1F400] =	vst v63  }
0xd4: {  	_ =	swait.ge [sflag:s13], $0x1000  }
0xd5: {  	[sflag:s13] =	ssyncset.done $0x0  }
0xd6: {  	s18 =	simm.s32 $0x7700;
	[sflag:s13] =	ssyncadd.s32 $0xFFFFF000  }
0xd7: {  	[spmem:s1] =	stream.indirect.scatter.add.bf16 [tilespmem:s19], [sflag:$0x3], $0x20, s18, s15, $0xb8;
	[tilespmem:$0x1F400] =	vst v63  }
0xd8: {  	_ =	swait.ge [sflag:s13], $0x1000  }
0xd9: {  	[sflag:s13] =	ssyncset.done $0x0  }
0xda: {  	s9 =	simm.s32 $0x7780;
	[sflag:s13] =	ssyncadd.s32 $0xFFFFF000  }
0xdb: {  	[spmem:s1] =	stream.indirect.scatter.add.bf16 [tilespmem:s21], [sflag:$0x3], $0x20, s9, s15, $0xb8;
	[tilespmem:$0x1F400] =	vst v63  }
0xdc: {  	_ =	swait.ge [sflag:s13], $0x1000  }
0xdd: {  	[sflag:s13] =	ssyncset.done $0x0  }
0xde: {  	s18 =	simm.s32 $0x3C00;
	[sflag:s13] =	ssyncadd.s32 $0xFFFFF000  }
0xdf: {  	[tilespmem:s16], [sflag:$0x1] =	stream.indirect.gather [hbm4b:s8+s15], $0x20, s18, s15, $0xb8;
	[tilespmem:$0x1F400] =	vst v63  }
0xe0: {  	s9 =	simm.s32 $0x3C80  }
0xe1: {  	[tilespmem:s17], [sflag:$0x1] =	stream.indirect.gather [hbm4b:s8+s15], $0x20, s9, s15, $0xb8;
	[tilespmem:$0x1F400] =	vst v63  }
0xe2: {  	_ = 	snop  }
0xe3: {  	[tilespmem:s19], [sflag:$0x1] =	stream.indirect.gather [hbm4b:s8+s15], $0x20, s10, s15, $0xb8;
	[tilespmem:$0x1F400] =	vst v63  }
0xe4: {  	_ = 	snop  }
0xe5: {  	[tilespmem:s21], [sflag:$0x1] =	stream.indirect.gather [hbm4b:s8+s15], $0x20, s20, s15, $0xb8;
	[tilespmem:$0x1F400] =	vst v63  }
0xe6: {  	_ =	swait.ge [sflag:s3], $0x1000  }
0xe7: {  	[sflag:s3] =	ssyncset.done $0x0  }
0xe8: {  	[sflag:s3] =	ssyncadd.s32 $0xFFFFF000  }
0xe9: {  	_ =	swait.ge [sflag:s3], $0x1000  }
0xea: {  	[sflag:s3] =	ssyncset.done $0x0  }
0xeb: {  	[sflag:s3] =	ssyncadd.s32 $0xFFFFF000  }
0xec: {  	_ =	swait.ge [sflag:s3], $0x1000  }
0xed: {  	[sflag:s3] =	ssyncset.done $0x0  }
0xee: {  	[sflag:s3] =	ssyncadd.s32 $0xFFFFF000  }
0xef: {  	_ =	swait.ge [sflag:s3], $0x1000  }
0xf0: {  	[sflag:s3] =	ssyncset.done $0x0  }
0xf1: {  	[sflag:s3] =	ssyncadd.s32 $0xFFFFF000  }
0xf2: {  	[spmem:s1] =	stream.indirect.scatter.add.bf16 [tilespmem:s23], [sflag:$0x3], $0x20, s22, s15, $0xb8;
	[tilespmem:$0x1F400] =	vst v63  }
0xf3: {  	_ =	swait.ge [sflag:s13], $0x1000  }
0xf4: {  	[sflag:s13] =	ssyncset.done $0x0  }
0xf5: {  	[sflag:s13] =	ssyncadd.s32 $0xFFFFF000  }
0xf6: {  	[spmem:s1] =	stream.indirect.scatter.add.bf16 [tilespmem:s26], [sflag:$0x3], $0x20, s11, s15, $0xb8;
	[tilespmem:$0x1F400] =	vst v63  }
0xf7: {  	_ =	swait.ge [sflag:s13], $0x1000  }
0xf8: {  	[sflag:s13] =	ssyncset.done $0x0  }
0xf9: {  	[sflag:s13] =	ssyncadd.s32 $0xFFFFF000  }
0xfa: {  	[spmem:s1] =	stream.indirect.scatter.add.bf16 [tilespmem:s29], [sflag:$0x3], $0x20, s25, s15, $0xb8;
	[tilespmem:$0x1F400] =	vst v63  }
0xfb: {  	_ =	swait.ge [sflag:s13], $0x1000  }
0xfc: {  	[sflag:s13] =	ssyncset.done $0x0  }
0xfd: {  	[sflag:s13] =	ssyncadd.s32 $0xFFFFF000  }
0xfe: {  	[spmem:s1] =	stream.indirect.scatter.add.bf16 [tilespmem:s31], [sflag:$0x3], $0x20, s28, s15, $0xb8;
	[tilespmem:$0x1F400] =	vst v63  }
0xff: {  	_ =	swait.ge [sflag:s13], $0x1000  }
0x100: {  	[sflag:s13] =	ssyncset.done $0x0  }
0x101: {  	[sflag:s13] =	ssyncadd.s32 $0xFFFFF000  }
0x102: {  	_ =	swait.ge [sflag:s0], $0x1000  }
0x103: {  	[sflag:s0] =	ssyncset.done $0x0  }
0x104: {  	[sflag:s0] =	ssyncadd.s32 $0xFFFFF000  }
0x105: {  	_ =	swait.ge [sflag:s0], $0x1000  }
0x106: {  	[sflag:s0] =	ssyncset.done $0x0  }
0x107: {  	[sflag:s0] =	ssyncadd.s32 $0xFFFFF000  }
0x108: {  	_ =	swait.ge [sflag:s0], $0x1000  }
0x109: {  	[sflag:s0] =	ssyncset.done $0x0  }
0x10a: {  	[sflag:s0] =	ssyncadd.s32 $0xFFFFF000  }
0x10b: {  	_ =	swait.ge [sflag:s0], $0x1000  }
0x10c: {  	[sflag:s0] =	ssyncset.done $0x0  }
0x10d: {  	[sflag:s0] =	ssyncadd.s32 $0xFFFFF000  }
0x10e: {  	[spmem:s1] =	stream.indirect.scatter.add.bf16 [tilespmem:s16], [sflag:$0x3], $0x20, s30, s15, $0xb8;
	[tilespmem:$0x1F400] =	vst v63  }
0x10f: {  	_ =	swait.ge [sflag:s13], $0x1000  }
0x110: {  	[sflag:s13] =	ssyncset.done $0x0  }
0x111: {  	[sflag:s13] =	ssyncadd.s32 $0xFFFFF000  }
0x112: {  	[spmem:s1] =	stream.indirect.scatter.add.bf16 [tilespmem:s17], [sflag:$0x3], $0x20, s4, s15, $0xb8;
	[tilespmem:$0x1F400] =	vst v63  }
0x113: {  	_ =	swait.ge [sflag:s13], $0x1000  }
0x114: {  	[sflag:s13] =	ssyncset.done $0x0  }
0x115: {  	[sflag:s13] =	ssyncadd.s32 $0xFFFFF000  }
0x116: {  	[spmem:s1] =	stream.indirect.scatter.add.bf16 [tilespmem:s19], [sflag:$0x3], $0x20, s14, s15, $0xb8;
	[tilespmem:$0x1F400] =	vst v63  }
0x117: {  	_ =	swait.ge [sflag:s13], $0x1000  }
0x118: {  	[sflag:s13] =	ssyncset.done $0x0  }
0x119: {  	[sflag:s13] =	ssyncadd.s32 $0xFFFFF000  }
0x11a: {  	[spmem:s1] =	stream.indirect.scatter.add.bf16 [tilespmem:s21], [sflag:$0x3], $0x20, s6, s15, $0xb8;
	[tilespmem:$0x1F400] =	vst v63  }
0x11b: {  	_ =	swait.ge [sflag:s13], $0x1000  }
0x11c: {  	[sflag:s13] =	ssyncset.done $0x0  }
0x11d: {  	s7 =	simm.s32 $0x0;
	s9 =	rddreg [dreg:$0x6];
	[sflag:s13] =	ssyncadd.s32 $0xFFFFF000  }
0x11e: {  	[tilespmem:s7], [sflag:$0x3] =	stream.linear.gather [hbm4b:s9+s7], $0x3E00, $0x38;
	[tilespmem:$0x1F400] =	vst v63  }
0x11f: {  	_ =	swait.ge [sflag:s13], $0x3E00  }
0x120: {  	[sflag:s13] =	ssyncset.done $0x0  }
0x121: {  	s18 =	simm.s32 $0x3E00;
	s9 =	rddreg [dreg:$0x7];
	[sflag:s13] =	ssyncadd.s32 $0xFFFFC200  }
0x122: {  	[tilespmem:s18], [sflag:$0x3] =	stream.linear.gather [hbm4b:s9+s7], $0x3E00, $0x38;
	[tilespmem:$0x1F400] =	vst v63  }
0x123: {  	_ =	swait.ge [sflag:s13], $0x3E00  }
0x124: {  	[sflag:s13] =	ssyncset.done $0x0  }
0x125: {  	[sflag:s13] =	ssyncadd.s32 $0xFFFFC200  }
0x126: {  	[tilespmem:s16], [sflag:$0x1] =	stream.indirect.gather [hbm4b:s8+s15], $0x20, s7, s15, $0xb8;
	[tilespmem:$0x1F400] =	vst v63  }
0x127: {  	_ = 	snop  }
0x128: {  	[tilespmem:s17], [sflag:$0x1] =	stream.indirect.gather [hbm4b:s8+s15], $0x20, s15, s15, $0xb8;
	[tilespmem:$0x1F400] =	vst v63  }
0x129: {  	s18 =	simm.s32 $0x100  }
0x12a: {  	[tilespmem:s19], [sflag:$0x1] =	stream.indirect.gather [hbm4b:s8+s15], $0x20, s18, s15, $0xb8;
	[tilespmem:$0x1F400] =	vst v63  }
0x12b: {  	s9 =	simm.s32 $0x180  }
0x12c: {  	[tilespmem:s21], [sflag:$0x1] =	stream.indirect.gather [hbm4b:s8+s15], $0x20, s9, s15, $0xb8;
	[tilespmem:$0x1F400] =	vst v63  }
0x12d: {  	s18 =	simm.s32 $0x200  }
0x12e: {  	[tilespmem:s23], [sflag:$0x2] =	stream.indirect.gather [hbm4b:s8+s15], $0x20, s18, s15, $0xb8;
	[tilespmem:$0x1F400] =	vst v63  }
0x12f: {  	s9 =	simm.s32 $0x280  }
0x130: {  	[tilespmem:s26], [sflag:$0x2] =	stream.indirect.gather [hbm4b:s8+s15], $0x20, s9, s15, $0xb8;
	[tilespmem:$0x1F400] =	vst v63  }
0x131: {  	s18 =	simm.s32 $0x300  }
0x132: {  	[tilespmem:s29], [sflag:$0x2] =	stream.indirect.gather [hbm4b:s8+s15], $0x20, s18, s15, $0xb8;
	[tilespmem:$0x1F400] =	vst v63  }
0x133: {  	s9 =	simm.s32 $0x380  }
0x134: {  	[tilespmem:s31], [sflag:$0x2] =	stream.indirect.gather [hbm4b:s8+s15], $0x20, s9, s15, $0xb8;
	[tilespmem:$0x1F400] =	vst v63  }
0x135: {  	_ =	swait.ge [sflag:s0], $0x1000  }
0x136: {  	[sflag:s0] =	ssyncset.done $0x0  }
0x137: {  	[sflag:s0] =	ssyncadd.s32 $0xFFFFF000  }
0x138: {  	_ =	swait.ge [sflag:s0], $0x1000  }
0x139: {  	[sflag:s0] =	ssyncset.done $0x0  }
0x13a: {  	[sflag:s0] =	ssyncadd.s32 $0xFFFFF000  }
0x13b: {  	_ =	swait.ge [sflag:s0], $0x1000  }
0x13c: {  	[sflag:s0] =	ssyncset.done $0x0  }
0x13d: {  	[sflag:s0] =	ssyncadd.s32 $0xFFFFF000  }
0x13e: {  	_ =	swait.ge [sflag:s0], $0x1000  }
0x13f: {  	[sflag:s0] =	ssyncset.done $0x0  }
0x140: {  	s18 =	simm.s32 $0x3E00;
	[sflag:s0] =	ssyncadd.s32 $0xFFFFF000  }
0x141: {  	[spmem:s1] =	stream.indirect.scatter.add.bf16 [tilespmem:s16], [sflag:$0x3], $0x20, s18, s15, $0xb8;
	[tilespmem:$0x1F400] =	vst v63  }
0x142: {  	_ =	swait.ge [sflag:s13], $0x1000  }
0x143: {  	[sflag:s13] =	ssyncset.done $0x0  }
0x144: {  	s9 =	simm.s32 $0x3E80;
	[sflag:s13] =	ssyncadd.s32 $0xFFFFF000  }
0x145: {  	[spmem:s1] =	stream.indirect.scatter.add.bf16 [tilespmem:s17], [sflag:$0x3], $0x20, s9, s15, $0xb8;
	[tilespmem:$0x1F400] =	vst v63  }
0x146: {  	_ =	swait.ge [sflag:s13], $0x1000  }
0x147: {  	[sflag:s13] =	ssyncset.done $0x0  }
0x148: {  	s18 =	simm.s32 $0x3F00;
	[sflag:s13] =	ssyncadd.s32 $0xFFFFF000  }
0x149: {  	[spmem:s1] =	stream.indirect.scatter.add.bf16 [tilespmem:s19], [sflag:$0x3], $0x20, s18, s15, $0xb8;
	[tilespmem:$0x1F400] =	vst v63  }
0x14a: {  	_ =	swait.ge [sflag:s13], $0x1000  }
0x14b: {  	[sflag:s13] =	ssyncset.done $0x0  }
0x14c: {  	s9 =	simm.s32 $0x3F80;
	[sflag:s13] =	ssyncadd.s32 $0xFFFFF000  }
0x14d: {  	[spmem:s1] =	stream.indirect.scatter.add.bf16 [tilespmem:s21], [sflag:$0x3], $0x20, s9, s15, $0xb8;
	[tilespmem:$0x1F400] =	vst v63  }
0x14e: {  	_ =	swait.ge [sflag:s13], $0x1000  }
0x14f: {  	[sflag:s13] =	ssyncset.done $0x0  }
0x150: {  	s18 =	simm.s32 $0x400;
	[sflag:s13] =	ssyncadd.s32 $0xFFFFF000  }
0x151: {  	[tilespmem:s16], [sflag:$0x1] =	stream.indirect.gather [hbm4b:s8+s15], $0x20, s18, s15, $0xb8;
	[tilespmem:$0x1F400] =	vst v63  }
0x152: {  	s9 =	simm.s32 $0x480  }
0x153: {  	[tilespmem:s17], [sflag:$0x1] =	stream.indirect.gather [hbm4b:s8+s15], $0x20, s9, s15, $0xb8;
	[tilespmem:$0x1F400] =	vst v63  }
0x154: {  	s18 =	simm.s32 $0x500  }
0x155: {  	[tilespmem:s19], [sflag:$0x1] =	stream.indirect.gather [hbm4b:s8+s15], $0x20, s18, s15, $0xb8;
	[tilespmem:$0x1F400] =	vst v63  }
0x156: {  	s9 =	simm.s32 $0x580  }
0x157: {  	[tilespmem:s21], [sflag:$0x1] =	stream.indirect.gather [hbm4b:s8+s15], $0x20, s9, s15, $0xb8;
	[tilespmem:$0x1F400] =	vst v63  }
0x158: {  	_ =	swait.ge [sflag:s3], $0x1000  }
0x159: {  	[sflag:s3] =	ssyncset.done $0x0  }
0x15a: {  	[sflag:s3] =	ssyncadd.s32 $0xFFFFF000  }
0x15b: {  	_ =	swait.ge [sflag:s3], $0x1000  }
0x15c: {  	[sflag:s3] =	ssyncset.done $0x0  }
0x15d: {  	[sflag:s3] =	ssyncadd.s32 $0xFFFFF000  }
0x15e: {  	_ =	swait.ge [sflag:s3], $0x1000  }
0x15f: {  	[sflag:s3] =	ssyncset.done $0x0  }
0x160: {  	[sflag:s3] =	ssyncadd.s32 $0xFFFFF000  }
0x161: {  	_ =	swait.ge [sflag:s3], $0x1000  }
0x162: {  	[sflag:s3] =	ssyncset.done $0x0  }
0x163: {  	s18 =	simm.s32 $0x4000;
	[sflag:s3] =	ssyncadd.s32 $0xFFFFF000  }
0x164: {  	[spmem:s1] =	stream.indirect.scatter.add.bf16 [tilespmem:s23], [sflag:$0x3], $0x20, s18, s15, $0xb8;
	[tilespmem:$0x1F400] =	vst v63  }
0x165: {  	_ =	swait.ge [sflag:s13], $0x1000  }
0x166: {  	[sflag:s13] =	ssyncset.done $0x0  }
0x167: {  	s9 =	simm.s32 $0x4080;
	[sflag:s13] =	ssyncadd.s32 $0xFFFFF000  }
0x168: {  	[spmem:s1] =	stream.indirect.scatter.add.bf16 [tilespmem:s26], [sflag:$0x3], $0x20, s9, s15, $0xb8;
	[tilespmem:$0x1F400] =	vst v63  }
0x169: {  	_ =	swait.ge [sflag:s13], $0x1000  }
0x16a: {  	[sflag:s13] =	ssyncset.done $0x0  }
0x16b: {  	s18 =	simm.s32 $0x4100;
	[sflag:s13] =	ssyncadd.s32 $0xFFFFF000  }
0x16c: {  	[spmem:s1] =	stream.indirect.scatter.add.bf16 [tilespmem:s29], [sflag:$0x3], $0x20, s18, s15, $0xb8;
	[tilespmem:$0x1F400] =	vst v63  }
0x16d: {  	_ =	swait.ge [sflag:s13], $0x1000  }
0x16e: {  	[sflag:s13] =	ssyncset.done $0x0  }
0x16f: {  	s9 =	simm.s32 $0x4180;
	[sflag:s13] =	ssyncadd.s32 $0xFFFFF000  }
0x170: {  	[spmem:s1] =	stream.indirect.scatter.add.bf16 [tilespmem:s31], [sflag:$0x3], $0x20, s9, s15, $0xb8;
	[tilespmem:$0x1F400] =	vst v63  }
0x171: {  	_ =	swait.ge [sflag:s13], $0x1000  }
0x172: {  	[sflag:s13] =	ssyncset.done $0x0  }
0x173: {  	s18 =	simm.s32 $0x600;
	[sflag:s13] =	ssyncadd.s32 $0xFFFFF000  }
0x174: {  	[tilespmem:s23], [sflag:$0x2] =	stream.indirect.gather [hbm4b:s8+s15], $0x20, s18, s15, $0xb8;
	[tilespmem:$0x1F400] =	vst v63  }
0x175: {  	s9 =	simm.s32 $0x680  }
0x176: {  	[tilespmem:s26], [sflag:$0x2] =	stream.indirect.gather [hbm4b:s8+s15], $0x20, s9, s15, $0xb8;
	[tilespmem:$0x1F400] =	vst v63  }
0x177: {  	s18 =	simm.s32 $0x700  }
0x178: {  	[tilespmem:s29], [sflag:$0x2] =	stream.indirect.gather [hbm4b:s8+s15], $0x20, s18, s15, $0xb8;
	[tilespmem:$0x1F400] =	vst v63  }
0x179: {  	s7 =	simm.s32 $0x1000;
	s18 =	simm.s32 $0x780  }
.LBB2_4:
0x17a: {  	[tilespmem:s31], [sflag:$0x2] =	stream.indirect.gather [hbm4b:s8+s15], $0x20, s18, s15, $0xb8;
	[tilespmem:$0x1F400] =	vst v63  }
0x17b: {  	s9 =	smov.u32 s7  }
0x17c: {  	p0 =	sne.s32 s7, $0xD000;
	s7 =	sadd.s32 $0x1000, s7;
	_ =	swait.ge [sflag:s0], $0x1000  }
0x17d: {  	[sflag:s0] =	ssyncset.done $0x0  }
0x17e: {  	[sflag:s0] =	ssyncadd.s32 $0xFFFFF000  }
0x17f: {  	_ =	swait.ge [sflag:s0], $0x1000  }
0x180: {  	[sflag:s0] =	ssyncset.done $0x0  }
0x181: {  	[sflag:s0] =	ssyncadd.s32 $0xFFFFF000  }
0x182: {  	_ =	swait.ge [sflag:s0], $0x1000  }
0x183: {  	[sflag:s0] =	ssyncset.done $0x0  }
0x184: {  	[sflag:s0] =	ssyncadd.s32 $0xFFFFF000  }
0x185: {  	_ =	swait.ge [sflag:s0], $0x1000  }
0x186: {  	s18 =	sshra.s32 s9, $0x2;
	[sflag:s0] =	ssyncset.done $0x0  }
0x187: {  	s9 =	sadd.s32 $0x3E00, s18;
	[sflag:s0] =	ssyncadd.s32 $0xFFFFF000  }
0x188: {  	[spmem:s1] =	stream.indirect.scatter.add.bf16 [tilespmem:s16], [sflag:$0x3], $0x20, s9, s15, $0xb8;
	[tilespmem:$0x1F400] =	vst v63  }
0x189: {  	_ =	swait.ge [sflag:s13], $0x1000  }
0x18a: {  	[sflag:s13] =	ssyncset.done $0x0  }
0x18b: {  	s9 =	sadd.s32 $0x3E80, s18;
	[sflag:s13] =	ssyncadd.s32 $0xFFFFF000  }
0x18c: {  	[spmem:s1] =	stream.indirect.scatter.add.bf16 [tilespmem:s17], [sflag:$0x3], $0x20, s9, s15, $0xb8;
	[tilespmem:$0x1F400] =	vst v63  }
0x18d: {  	_ =	swait.ge [sflag:s13], $0x1000  }
0x18e: {  	[sflag:s13] =	ssyncset.done $0x0  }
0x18f: {  	s9 =	sadd.s32 $0x3F00, s18;
	[sflag:s13] =	ssyncadd.s32 $0xFFFFF000  }
0x190: {  	[spmem:s1] =	stream.indirect.scatter.add.bf16 [tilespmem:s19], [sflag:$0x3], $0x20, s9, s15, $0xb8;
	[tilespmem:$0x1F400] =	vst v63  }
0x191: {  	_ =	swait.ge [sflag:s13], $0x1000  }
0x192: {  	[sflag:s13] =	ssyncset.done $0x0  }
0x193: {  	s9 =	sadd.s32 $0x3F80, s18;
	[sflag:s13] =	ssyncadd.s32 $0xFFFFF000  }
0x194: {  	[spmem:s1] =	stream.indirect.scatter.add.bf16 [tilespmem:s21], [sflag:$0x3], $0x20, s9, s15, $0xb8;
	[tilespmem:$0x1F400] =	vst v63  }
0x195: {  	_ =	swait.ge [sflag:s13], $0x1000  }
0x196: {  	[sflag:s13] =	ssyncset.done $0x0  }
0x197: {  	s9 =	sadd.s32 $0x400, s18;
	[sflag:s13] =	ssyncadd.s32 $0xFFFFF000  }
0x198: {  	[tilespmem:s16], [sflag:$0x1] =	stream.indirect.gather [hbm4b:s8+s15], $0x20, s9, s15, $0xb8;
	[tilespmem:$0x1F400] =	vst v63  }
0x199: {  	s9 =	sadd.s32 $0x480, s18  }
0x19a: {  	[tilespmem:s17], [sflag:$0x1] =	stream.indirect.gather [hbm4b:s8+s15], $0x20, s9, s15, $0xb8;
	[tilespmem:$0x1F400] =	vst v63  }
0x19b: {  	s9 =	sadd.s32 $0x500, s18  }
0x19c: {  	[tilespmem:s19], [sflag:$0x1] =	stream.indirect.gather [hbm4b:s8+s15], $0x20, s9, s15, $0xb8;
	[tilespmem:$0x1F400] =	vst v63  }
0x19d: {  	s9 =	sadd.s32 $0x580, s18  }
0x19e: {  	[tilespmem:s21], [sflag:$0x1] =	stream.indirect.gather [hbm4b:s8+s15], $0x20, s9, s15, $0xb8;
	[tilespmem:$0x1F400] =	vst v63  }
0x19f: {  	_ =	swait.ge [sflag:s3], $0x1000  }
0x1a0: {  	[sflag:s3] =	ssyncset.done $0x0  }
0x1a1: {  	[sflag:s3] =	ssyncadd.s32 $0xFFFFF000  }
0x1a2: {  	_ =	swait.ge [sflag:s3], $0x1000  }
0x1a3: {  	[sflag:s3] =	ssyncset.done $0x0  }
0x1a4: {  	[sflag:s3] =	ssyncadd.s32 $0xFFFFF000  }
0x1a5: {  	_ =	swait.ge [sflag:s3], $0x1000  }
0x1a6: {  	[sflag:s3] =	ssyncset.done $0x0  }
0x1a7: {  	[sflag:s3] =	ssyncadd.s32 $0xFFFFF000  }
0x1a8: {  	_ =	swait.ge [sflag:s3], $0x1000  }
0x1a9: {  	[sflag:s3] =	ssyncset.done $0x0  }
0x1aa: {  	s9 =	sadd.s32 $0x4000, s18;
	[sflag:s3] =	ssyncadd.s32 $0xFFFFF000  }
0x1ab: {  	[spmem:s1] =	stream.indirect.scatter.add.bf16 [tilespmem:s23], [sflag:$0x3], $0x20, s9, s15, $0xb8;
	[tilespmem:$0x1F400] =	vst v63  }
0x1ac: {  	_ =	swait.ge [sflag:s13], $0x1000  }
0x1ad: {  	[sflag:s13] =	ssyncset.done $0x0  }
0x1ae: {  	s9 =	sadd.s32 $0x4080, s18;
	[sflag:s13] =	ssyncadd.s32 $0xFFFFF000  }
0x1af: {  	[spmem:s1] =	stream.indirect.scatter.add.bf16 [tilespmem:s26], [sflag:$0x3], $0x20, s9, s15, $0xb8;
	[tilespmem:$0x1F400] =	vst v63  }
0x1b0: {  	_ =	swait.ge [sflag:s13], $0x1000  }
0x1b1: {  	[sflag:s13] =	ssyncset.done $0x0  }
0x1b2: {  	s9 =	sadd.s32 $0x4100, s18;
	[sflag:s13] =	ssyncadd.s32 $0xFFFFF000  }
0x1b3: {  	[spmem:s1] =	stream.indirect.scatter.add.bf16 [tilespmem:s29], [sflag:$0x3], $0x20, s9, s15, $0xb8;
	[tilespmem:$0x1F400] =	vst v63  }
0x1b4: {  	_ =	swait.ge [sflag:s13], $0x1000  }
0x1b5: {  	[sflag:s13] =	ssyncset.done $0x0  }
0x1b6: {  	s9 =	sadd.s32 $0x4180, s18;
	[sflag:s13] =	ssyncadd.s32 $0xFFFFF000  }
0x1b7: {  	[spmem:s1] =	stream.indirect.scatter.add.bf16 [tilespmem:s31], [sflag:$0x3], $0x20, s9, s15, $0xb8;
	[tilespmem:$0x1F400] =	vst v63  }
0x1b8: {  	_ =	swait.ge [sflag:s13], $0x1000  }
0x1b9: {  	[sflag:s13] =	ssyncset.done $0x0  }
0x1ba: {  	s9 =	sadd.s32 $0x600, s18;
	[sflag:s13] =	ssyncadd.s32 $0xFFFFF000  }
0x1bb: {  	[tilespmem:s23], [sflag:$0x2] =	stream.indirect.gather [hbm4b:s8+s15], $0x20, s9, s15, $0xb8;
	[tilespmem:$0x1F400] =	vst v63  }
.Ltmp1:
0x1bc: {  	s9 =	sadd.s32 $0x680, s18;
	(pc) =	sbr.rel @p0 .LBB2_4-.Ltmp1, $4  }
0x1bd: {  	[tilespmem:s26], [sflag:$0x2] =	stream.indirect.gather [hbm4b:s8+s15], $0x20, s9, s15, $0xb8;
	[tilespmem:$0x1F400] =	vst v63  }
0x1be: {  	s9 =	sadd.s32 $0x700, s18  }
0x1bf: {  	[tilespmem:s29], [sflag:$0x2] =	stream.indirect.gather [hbm4b:s8+s15], $0x20, s9, s15, $0xb8;
	[tilespmem:$0x1F400] =	vst v63  }
0x1c0: {  	s18 =	sadd.s32 $0x780, s18  }
0x1c1: {  	[tilespmem:s31], [sflag:$0x2] =	stream.indirect.gather [hbm4b:s8+s15], $0x20, s18, s15, $0xb8;
	[tilespmem:$0x1F400] =	vst v63  }
0x1c2: {  	_ =	swait.ge [sflag:s0], $0x1000  }
0x1c3: {  	[sflag:s0] =	ssyncset.done $0x0  }
0x1c4: {  	[sflag:s0] =	ssyncadd.s32 $0xFFFFF000  }
0x1c5: {  	_ =	swait.ge [sflag:s0], $0x1000  }
0x1c6: {  	[sflag:s0] =	ssyncset.done $0x0  }
0x1c7: {  	[sflag:s0] =	ssyncadd.s32 $0xFFFFF000  }
0x1c8: {  	_ =	swait.ge [sflag:s0], $0x1000  }
0x1c9: {  	[sflag:s0] =	ssyncset.done $0x0  }
0x1ca: {  	[sflag:s0] =	ssyncadd.s32 $0xFFFFF000  }
0x1cb: {  	_ =	swait.ge [sflag:s0], $0x1000  }
0x1cc: {  	[sflag:s0] =	ssyncset.done $0x0  }
0x1cd: {  	s7 =	simm.s32 $0x7600;
	[sflag:s0] =	ssyncadd.s32 $0xFFFFF000  }
0x1ce: {  	[spmem:s1] =	stream.indirect.scatter.add.bf16 [tilespmem:s16], [sflag:$0x3], $0x20, s7, s15, $0xb8;
	[tilespmem:$0x1F400] =	vst v63  }
0x1cf: {  	_ =	swait.ge [sflag:s13], $0x1000  }
0x1d0: {  	[sflag:s13] =	ssyncset.done $0x0  }
0x1d1: {  	s18 =	simm.s32 $0x7680;
	[sflag:s13] =	ssyncadd.s32 $0xFFFFF000  }
0x1d2: {  	[spmem:s1] =	stream.indirect.scatter.add.bf16 [tilespmem:s17], [sflag:$0x3], $0x20, s18, s15, $0xb8;
	[tilespmem:$0x1F400] =	vst v63  }
0x1d3: {  	_ =	swait.ge [sflag:s13], $0x1000  }
0x1d4: {  	[sflag:s13] =	ssyncset.done $0x0  }
0x1d5: {  	s9 =	simm.s32 $0x7700;
	[sflag:s13] =	ssyncadd.s32 $0xFFFFF000  }
0x1d6: {  	[spmem:s1] =	stream.indirect.scatter.add.bf16 [tilespmem:s19], [sflag:$0x3], $0x20, s9, s15, $0xb8;
	[tilespmem:$0x1F400] =	vst v63  }
0x1d7: {  	_ =	swait.ge [sflag:s13], $0x1000  }
0x1d8: {  	[sflag:s13] =	ssyncset.done $0x0  }
0x1d9: {  	s18 =	simm.s32 $0x7780;
	[sflag:s13] =	ssyncadd.s32 $0xFFFFF000  }
0x1da: {  	[spmem:s1] =	stream.indirect.scatter.add.bf16 [tilespmem:s21], [sflag:$0x3], $0x20, s18, s15, $0xb8;
	[tilespmem:$0x1F400] =	vst v63  }
0x1db: {  	_ =	swait.ge [sflag:s13], $0x1000  }
0x1dc: {  	[sflag:s13] =	ssyncset.done $0x0  }
0x1dd: {  	s9 =	simm.s32 $0x3C00;
	[sflag:s13] =	ssyncadd.s32 $0xFFFFF000  }
0x1de: {  	[tilespmem:s16], [sflag:$0x1] =	stream.indirect.gather [hbm4b:s8+s15], $0x20, s9, s15, $0xb8;
	[tilespmem:$0x1F400] =	vst v63  }
0x1df: {  	s18 =	simm.s32 $0x3C80  }
0x1e0: {  	[tilespmem:s17], [sflag:$0x1] =	stream.indirect.gather [hbm4b:s8+s15], $0x20, s18, s15, $0xb8;
	[tilespmem:$0x1F400] =	vst v63  }
0x1e1: {  	_ = 	snop  }
0x1e2: {  	[tilespmem:s19], [sflag:$0x1] =	stream.indirect.gather [hbm4b:s8+s15], $0x20, s10, s15, $0xb8;
	[tilespmem:$0x1F400] =	vst v63  }
0x1e3: {  	_ = 	snop  }
0x1e4: {  	[tilespmem:s21], [sflag:$0x1] =	stream.indirect.gather [hbm4b:s8+s15], $0x20, s20, s15, $0xb8;
	[tilespmem:$0x1F400] =	vst v63  }
0x1e5: {  	_ =	swait.ge [sflag:s3], $0x1000  }
0x1e6: {  	[sflag:s3] =	ssyncset.done $0x0  }
0x1e7: {  	[sflag:s3] =	ssyncadd.s32 $0xFFFFF000  }
0x1e8: {  	_ =	swait.ge [sflag:s3], $0x1000  }
0x1e9: {  	[sflag:s3] =	ssyncset.done $0x0  }
0x1ea: {  	[sflag:s3] =	ssyncadd.s32 $0xFFFFF000  }
0x1eb: {  	_ =	swait.ge [sflag:s3], $0x1000  }
0x1ec: {  	[sflag:s3] =	ssyncset.done $0x0  }
0x1ed: {  	[sflag:s3] =	ssyncadd.s32 $0xFFFFF000  }
0x1ee: {  	_ =	swait.ge [sflag:s3], $0x1000  }
0x1ef: {  	[sflag:s3] =	ssyncset.done $0x0  }
0x1f0: {  	[sflag:s3] =	ssyncadd.s32 $0xFFFFF000  }
0x1f1: {  	[spmem:s1] =	stream.indirect.scatter.add.bf16 [tilespmem:s23], [sflag:$0x3], $0x20, s22, s15, $0xb8;
	[tilespmem:$0x1F400] =	vst v63  }
0x1f2: {  	_ =	swait.ge [sflag:s13], $0x1000  }
0x1f3: {  	[sflag:s13] =	ssyncset.done $0x0  }
0x1f4: {  	[sflag:s13] =	ssyncadd.s32 $0xFFFFF000  }
0x1f5: {  	[spmem:s1] =	stream.indirect.scatter.add.bf16 [tilespmem:s26], [sflag:$0x3], $0x20, s11, s15, $0xb8;
	[tilespmem:$0x1F400] =	vst v63  }
0x1f6: {  	_ =	swait.ge [sflag:s13], $0x1000  }
0x1f7: {  	[sflag:s13] =	ssyncset.done $0x0  }
0x1f8: {  	[sflag:s13] =	ssyncadd.s32 $0xFFFFF000  }
0x1f9: {  	[spmem:s1] =	stream.indirect.scatter.add.bf16 [tilespmem:s29], [sflag:$0x3], $0x20, s25, s15, $0xb8;
	[tilespmem:$0x1F400] =	vst v63  }
0x1fa: {  	_ =	swait.ge [sflag:s13], $0x1000  }
0x1fb: {  	[sflag:s13] =	ssyncset.done $0x0  }
0x1fc: {  	[sflag:s13] =	ssyncadd.s32 $0xFFFFF000  }
0x1fd: {  	[spmem:s1] =	stream.indirect.scatter.add.bf16 [tilespmem:s31], [sflag:$0x3], $0x20, s28, s15, $0xb8;
	[tilespmem:$0x1F400] =	vst v63  }
0x1fe: {  	_ =	swait.ge [sflag:s13], $0x1000  }
0x1ff: {  	[sflag:s13] =	ssyncset.done $0x0  }
0x200: {  	[sflag:s13] =	ssyncadd.s32 $0xFFFFF000  }
0x201: {  	_ =	swait.ge [sflag:s0], $0x1000  }
0x202: {  	[sflag:s0] =	ssyncset.done $0x0  }
0x203: {  	[sflag:s0] =	ssyncadd.s32 $0xFFFFF000  }
0x204: {  	_ =	swait.ge [sflag:s0], $0x1000  }
0x205: {  	[sflag:s0] =	ssyncset.done $0x0  }
0x206: {  	[sflag:s0] =	ssyncadd.s32 $0xFFFFF000  }
0x207: {  	_ =	swait.ge [sflag:s0], $0x1000  }
0x208: {  	[sflag:s0] =	ssyncset.done $0x0  }
0x209: {  	[sflag:s0] =	ssyncadd.s32 $0xFFFFF000  }
0x20a: {  	_ =	swait.ge [sflag:s0], $0x1000  }
0x20b: {  	[sflag:s0] =	ssyncset.done $0x0  }
0x20c: {  	[sflag:s0] =	ssyncadd.s32 $0xFFFFF000  }
0x20d: {  	[spmem:s1] =	stream.indirect.scatter.add.bf16 [tilespmem:s16], [sflag:$0x3], $0x20, s30, s15, $0xb8;
	[tilespmem:$0x1F400] =	vst v63  }
0x20e: {  	_ =	swait.ge [sflag:s13], $0x1000  }
0x20f: {  	[sflag:s13] =	ssyncset.done $0x0  }
0x210: {  	[sflag:s13] =	ssyncadd.s32 $0xFFFFF000  }
0x211: {  	[spmem:s1] =	stream.indirect.scatter.add.bf16 [tilespmem:s17], [sflag:$0x3], $0x20, s4, s15, $0xb8;
	[tilespmem:$0x1F400] =	vst v63  }
0x212: {  	_ =	swait.ge [sflag:s13], $0x1000  }
0x213: {  	[sflag:s13] =	ssyncset.done $0x0  }
0x214: {  	[sflag:s13] =	ssyncadd.s32 $0xFFFFF000  }
0x215: {  	[spmem:s1] =	stream.indirect.scatter.add.bf16 [tilespmem:s19], [sflag:$0x3], $0x20, s14, s15, $0xb8;
	[tilespmem:$0x1F400] =	vst v63  }
0x216: {  	_ =	swait.ge [sflag:s13], $0x1000  }
0x217: {  	[sflag:s13] =	ssyncset.done $0x0  }
0x218: {  	[sflag:s13] =	ssyncadd.s32 $0xFFFFF000  }
0x219: {  	[spmem:s1] =	stream.indirect.scatter.add.bf16 [tilespmem:s21], [sflag:$0x3], $0x20, s6, s15, $0xb8;
	[tilespmem:$0x1F400] =	vst v63  }
0x21a: {  	_ =	swait.ge [sflag:s13], $0x1000  }
0x21b: {  	[sflag:s13] =	ssyncset.done $0x0  }
0x21c: {  	[sflag:s13] =	ssyncadd.s32 $0xFFFFF000  }
0x21d: {  	[bflag:$0x0] =	sbarrier.arrive $0xFFFF  }
0x21e: {  	s9 =	rddreg [dreg:$0x9]  }
0x21f: {  	[hbm:s9], [sflag:s5] =	dma.local [spmem:s12], $0x1F00  }
0x220: {  	_ =	swait.ge [sflag:s13], $0x1F00  }
0x221: {  	s24 =	sadd.s32 $0x1, s24;
	s18 =	rddreg [dreg:$0x8]  }
0x222: {  	p0 =	sne.s32 s24, s18  }
.Ltmp2:
0x223: {  	_ = 	snop;
	(pc) =	sbr.rel @p0 .LBB2_1-.Ltmp2, $3  }
0x224: {  	_ =	sdelay $0x1  }
0x225: {  	[sflag:s13] =	ssyncset.done $0x0  }
0x226: {  	[sflag:s13] =	ssyncadd.s32 $0xFFFFE100  }
0x227: {  	_ =	sfence.sel $0x180000  }
0x228: {  	[bflag:$0x0] =	sbarrier.arrive $0xFFFF  }
0x229: {  	_ =	strace $0x9000004A  }
0x22a: {  	s0 =	stileid.u32;
	[bflag:$0x2] =	sbarrier.arrive $0xFFFF  }
0x22b: {  	p0 =	sne.s32 s0, $0x0;
	s0 =	rddreg [dreg:$0x2]  }
0x22c: {  	s0 =	sadd.s32 @!p0 $0x100000, s0  }
0x22d: {  	[sflag:s0] =	ssyncadd.tile.s32 @!p0 $0x1;
	_ =	shalt  }
.Lfunc_end2:
_tile_overlayer_lowered:
.L_overlay_start_2:
0x22e: {  	(tag) =	ssettag $0x2  }
0x22f: {  	s0 =	rddreg [dreg:$0x0];
	s2 =	stileid.u32  }
0x230: {  	s1 =	rddreg [dreg:$0x1];
	p0 =	sne.s32 s2, $0x0  }
0x231: {  	s3 =	rddreg [dreg:$0x2];
	[bflag:$0x3] =	sbarrier.arrive $0xFFFF;
	s2 =	simm.s32 @!p0 $0x1C03  }
0x232: {  	[timem:s3], [sflag:s2] =	dma.local @!p0 [hbm:s0], s1  }
0x233: {  	s0 =	simm.s32 @!p0 $0x3  }
0x234: {  	_ =	swait.ge @!p0 [sflag:s0], s1  }
0x235: {  	s1 =	ssub.s32 @!p0 $0x0, s1;
	[sflag:s0] =	ssyncset.done @!p0 $0x0  }
0x236: {  	[sflag:s0] =	ssyncadd.s32 @!p0 s1  }
0x237: {  	[bflag:$0x3] =	sbarrier.arrive $0xFFFF  }
0x238: {  	_ =	shalt  }

</sc_bundles>
